<compile_context>
chip_gen: v7x
topology: tpu7x:2x2x1
jax: 0.10.2.dev20260603
libtpu: 0.0.44.dev20260713+nightly
codegen_flags: <defaults>
</compile_context>

<pallas_src>
import functools

import jax
import jax.numpy as jnp
from jax import lax
from jax.experimental import pallas as pl
from jax.experimental.pallas import tpu as pltpu
from jax.experimental.pallas import tpu_sc as plsc

N_NODES = 10000
N_EDGES = 160000
N_GRAPHS = 512
NPAD = 10240
DUMMY = N_NODES
NW = 32
EC = 128
E_PER_W = 5120
EPAD = NW * E_PER_W
ROWS_PER_S = NPAD // 16

_mesh = plsc.VectorSubcoreMesh(core_axis_name="c", subcore_axis_name="s")



def _sc_degree(dst_pad, zeros8, ones8):

    @functools.partial(
        pl.kernel, mesh=_mesh,
        compiler_params=pltpu.CompilerParams(use_tc_tiling_on_sc=False),
        out_type=jax.ShapeDtypeStruct((2, NPAD, 8), jnp.float32),
        scratch_types=[
            pltpu.VMEM((EC,), jnp.int32),
            pltpu.VMEM((EC, 8), jnp.float32),
            pltpu.VMEM_SHARED((NPAD, 8), jnp.float32),
            pltpu.SemaphoreType.DMA,
        ],
    )
    def k(dst_hbm, zeros_hbm, ones_hbm, out_hbm, idx_v, ones_v, acc, sem):
        c = lax.axis_index("c")
        s = lax.axis_index("s")
        wid = s * 2 + c
        pltpu.sync_copy(zeros_hbm.at[pl.ds(s * ROWS_PER_S, ROWS_PER_S)],
                        acc.at[pl.ds(s * ROWS_PER_S, ROWS_PER_S)])
        pltpu.sync_copy(ones_hbm, ones_v)
        plsc.subcore_barrier()
        base = wid * E_PER_W

        def body(i, carry):
            off = pl.multiple_of(base + i * EC, 8)
            pltpu.sync_copy(dst_hbm.at[pl.ds(off, EC)], idx_v)
            pltpu.sync_copy(ones_v, acc.at[idx_v], add=True)
            return carry

        lax.fori_loop(0, E_PER_W // EC, body, 0)
        plsc.subcore_barrier()
        pltpu.sync_copy(acc.at[pl.ds(s * ROWS_PER_S, ROWS_PER_S)],
                        out_hbm.at[c, pl.ds(s * ROWS_PER_S, ROWS_PER_S)])

    return k(dst_pad, zeros8, ones8)


def _sc_aggregate(src_pad, dst_pad, hs, zeros, d, db=True):
    nbuf = 2 if db else 1

    @functools.partial(
        pl.kernel, mesh=_mesh,
        compiler_params=pltpu.CompilerParams(use_tc_tiling_on_sc=False),
        out_type=jax.ShapeDtypeStruct((2, NPAD, d), jnp.float32),
        scratch_types=[
            pltpu.VMEM((nbuf, EC), jnp.int32),
            pltpu.VMEM((nbuf, EC), jnp.int32),
            [pltpu.VMEM((EC, d), jnp.float32) for _ in range(nbuf)],
            pltpu.VMEM_SHARED((NPAD, d), jnp.float32),
            [pltpu.SemaphoreType.DMA for _ in range(nbuf)],
        ],
    )
    def k(src_hbm, dst_hbm, hs_hbm, zeros_hbm, out_hbm,
          src_v, dst_v, rows_v, acc, sems):
        c = lax.axis_index("c")
        s = lax.axis_index("s")
        wid = s * 2 + c
        pltpu.sync_copy(zeros_hbm.at[pl.ds(s * ROWS_PER_S, ROWS_PER_S)],
                        acc.at[pl.ds(s * ROWS_PER_S, ROWS_PER_S)])
        plsc.subcore_barrier()
        base = wid * (E_PER_W // EC)

        def body(i, carry):
            r = pl.multiple_of(base + i * nbuf, 1)
            pltpu.sync_copy(src_hbm.at[pl.ds(r, nbuf)], src_v)
            pltpu.sync_copy(dst_hbm.at[pl.ds(r, nbuf)], dst_v)
            cps = [pltpu.async_copy(hs_hbm.at[src_v.at[b]], rows_v[b],
                                    sems[b]) for b in range(nbuf)]
            for b in range(nbuf):
                cps[b].wait()
                pltpu.sync_copy(rows_v[b], acc.at[dst_v.at[b]], add=True)
            return carry

        lax.fori_loop(0, E_PER_W // EC // nbuf, body, 0)
        plsc.subcore_barrier()
        pltpu.sync_copy(acc.at[pl.ds(s * ROWS_PER_S, ROWS_PER_S)],
                        out_hbm.at[c, pl.ds(s * ROWS_PER_S, ROWS_PER_S)])

    return k(src_pad, dst_pad, hs, zeros)


def _sc_rowgather(table, idx):
    b_per_w = N_GRAPHS // NW
    d = table.shape[1]

    @functools.partial(
        pl.kernel, mesh=_mesh,
        compiler_params=pltpu.CompilerParams(use_tc_tiling_on_sc=False),
        out_type=jax.ShapeDtypeStruct((N_GRAPHS, d), jnp.float32),
        scratch_types=[
            pltpu.VMEM((b_per_w,), jnp.int32),
            pltpu.VMEM((b_per_w, d), jnp.float32),
            pltpu.SemaphoreType.DMA,
        ],
    )
    def k(table_hbm, idx_hbm, out_hbm, idx_v, rows_v, sem):
        wid = lax.axis_index("s") * 2 + lax.axis_index("c")
        base = wid * b_per_w
        pltpu.sync_copy(idx_hbm.at[pl.ds(base, b_per_w)], idx_v)
        pltpu.async_copy(table_hbm.at[idx_v], rows_v, sem).wait()
        pltpu.sync_copy(rows_v, out_hbm.at[pl.ds(base, b_per_w)])

    return k(table, idx)



def _prep(degp, x_pad):
    dx = x_pad.shape[1]

    def body(degp_ref, x_ref, dinv_ref, xs_ref):
        deg = degp_ref[0] + degp_ref[1] + 1.0
        dinv = lax.rsqrt(deg)
        dinv_ref[...] = dinv
        xs_ref[...] = x_ref[...] * dinv[:, :1]

    return pl.pallas_call(
        body,
        out_shape=(jax.ShapeDtypeStruct((NPAD, 8), jnp.float32),
                   jax.ShapeDtypeStruct((NPAD, dx), jnp.float32)),
    )(degp, x_pad)


_RB = 2048


def _post(aggp, x, dinv8, wt, b8):
    din, dout = wt.shape

    def body(agg_ref, x_ref, dinv_ref, wt_ref, b_ref, h_ref, xs_ref):
        i = pl.program_id(0)
        dinv = dinv_ref[:, :1]
        y = dinv * (agg_ref[0] + agg_ref[1]) + (dinv * dinv) * x_ref[...]
        h = jnp.dot(y, wt_ref[...], preferred_element_type=jnp.float32)
        h = jnp.maximum(h + b_ref[:1, :], 0.0)
        rowid = i * _RB + lax.broadcasted_iota(jnp.int32, (_RB, 1), 0)
        h = jnp.where(rowid < N_NODES, h, 0.0)
        h_ref[...] = h
        xs_ref[...] = h * dinv

    return pl.pallas_call(
        body,
        grid=(NPAD // _RB,),
        in_specs=[
            pl.BlockSpec((2, _RB, din), lambda i: (0, i, 0)),
            pl.BlockSpec((_RB, din), lambda i: (i, 0)),
            pl.BlockSpec((_RB, 8), lambda i: (i, 0)),
            pl.BlockSpec((din, dout), lambda i: (0, 0)),
            pl.BlockSpec((8, dout), lambda i: (0, 0)),
        ],
        out_specs=(pl.BlockSpec((_RB, dout), lambda i: (i, 0)),
                   pl.BlockSpec((_RB, dout), lambda i: (i, 0))),
        out_shape=(jax.ShapeDtypeStruct((NPAD, dout), jnp.float32),
                   jax.ShapeDtypeStruct((NPAD, dout), jnp.float32)),
    )(aggp, x, dinv8, wt, b8)


def _segscan_max(h, seg8):
    d = h.shape[1]

    def body(h_ref, seg_ref, out_ref, cm_ref, cs_ref):
        i = pl.program_id(0)

        @pl.when(i == 0)
        def _():
            cs_ref[0, 0] = jnp.int32(-1)
            cm_ref[...] = jnp.zeros((8, d), jnp.float32)

        m = h_ref[...]
        seg = seg_ref[:, :1]
        k = 1
        while k < _RB:
            m_sh = jnp.concatenate(
                [jnp.zeros((k, d), jnp.float32), m[:-k, :]], axis=0)
            seg_sh = jnp.concatenate(
                [jnp.full((k, 1), -1, jnp.int32), seg[:-k, :]], axis=0)
            m = jnp.where(seg_sh == seg, jnp.maximum(m, m_sh), m)
            k *= 2
        m = jnp.where(seg == cs_ref[0, 0], jnp.maximum(m, cm_ref[:1, :]), m)
        out_ref[...] = m
        cm_ref[...] = jnp.broadcast_to(m[-1:, :], (8, d))
        cs_ref[0, 0] = seg_ref[_RB - 1, 0]

    return pl.pallas_call(
        body,
        grid=(NPAD // _RB,),
        in_specs=[
            pl.BlockSpec((_RB, d), lambda i: (i, 0)),
            pl.BlockSpec((_RB, 8), lambda i: (i, 0)),
        ],
        out_specs=pl.BlockSpec((_RB, d), lambda i: (i, 0)),
        out_shape=jax.ShapeDtypeStruct((NPAD, d), jnp.float32),
        scratch_shapes=[pltpu.VMEM((8, d), jnp.float32),
                        pltpu.SMEM((1, 1), jnp.int32)],
    )(h, seg8)


def _head(p1, p2, m1, m2, cell_pad, w):

    def body(p1_ref, p2_ref, m1_ref, m2_ref, cell_ref,
             g1wt, g1b, g2wt, g2b, r1wt, r1b, r2wt, r2b, r3wt, r3b,
             sgwt, sgb, f1wt, f1b, f2wt, f2b, owt, ob, out_ref):
        def dot(a, b):
            return jnp.dot(a, b[...], preferred_element_type=jnp.float32)

        def enc(p_ref, m_ref):
            p = p_ref[...] * m_ref[:, :1]
            g = jnp.maximum(dot(p, g1wt) + g1b[:1, :], 0.0)
            return dot(g, g2wt) + g2b[:1, :]

        d1 = enc(p1_ref, m1_ref)
        d2 = enc(p2_ref, m2_ref)
        cell = cell_ref[...]
        cn = jnp.sqrt(jnp.sum(cell * cell, axis=1, keepdims=True))
        cv = cell / jnp.maximum(cn, 1e-12)
        cv = jnp.maximum(dot(cv, r1wt) + r1b[:1, :], 0.0)
        cv = jnp.maximum(dot(cv, r2wt) + r2b[:1, :], 0.0)
        cv = dot(cv, r3wt) + r3b[:1, :]
        dd = jnp.concatenate([d1, d2], axis=1)
        gate = jax.nn.sigmoid(dot(dd, sgwt) + sgb[:1, :])
        xc = jnp.concatenate([dd, gate, cv], axis=1)
        xc = jnp.maximum(dot(xc, f1wt) + f1b[:1, :], 0.0)
        xc = jnp.maximum(dot(xc, f2wt) + f2b[:1, :], 0.0)
        out_ref[...] = dot(xc, owt) + ob[:1, :]

    return pl.pallas_call(
        body,
        out_shape=jax.ShapeDtypeStruct((N_GRAPHS, 128), jnp.float32),
    )(p1, p2, m1, m2, cell_pad, *w)



def _pad_wt(wmat, rpad, cpad):
    wt = wmat.T
    return jnp.zeros((rpad, cpad), jnp.float32).at[
        :wt.shape[0], :wt.shape[1]].set(wt)


def _pad_b(b, cpad):
    row = jnp.zeros((cpad,), jnp.float32).at[:b.shape[0]].set(b)
    return jnp.broadcast_to(row[None, :], (8, cpad))


def kernel(x1, edge_index1, batch1, x2, edge_index2, batch2, cell, params):
    p = params
    f32 = jnp.float32

    w1t = _pad_wt(p['c1w'], 80, 80)
    b1 = _pad_b(p['c1b'], 80)
    w2t = _pad_wt(p['c2w'], 80, 160)
    b2 = _pad_b(p['c2b'], 160)
    w3t = _pad_wt(p['c3w'], 160, 320)
    b3 = _pad_b(p['c3b'], 320)

    zeros8 = jnp.zeros((NPAD, 8), f32)
    ones8 = jnp.ones((EC, 8), f32)
    zeros80 = jnp.zeros((NPAD, 80), f32)
    zeros160 = jnp.zeros((NPAD, 160), f32)
    epad_fill = jnp.full((EPAD - N_EDGES,), DUMMY, jnp.int32)

    def encode(x, ei, batch):
        src = jnp.concatenate([ei[0].astype(jnp.int32), epad_fill])
        dst = jnp.concatenate([ei[1].astype(jnp.int32), epad_fill])
        x_pad = jnp.zeros((NPAD, 80), f32).at[:N_NODES, :78].set(x)

        degp = _sc_degree(dst, zeros8, ones8)
        dinv8, xs = _prep(degp, x_pad)

        src2 = src.reshape(EPAD // EC, EC)
        dst2 = dst.reshape(EPAD // EC, EC)
        agg = _sc_aggregate(src2, dst2, xs, zeros80, 80)
        h, xs = _post(agg, x_pad, dinv8, w1t, b1)
        agg = _sc_aggregate(src2, dst2, xs, zeros80, 80)
        h, xs = _post(agg, h, dinv8, w2t, b2)
        agg = _sc_aggregate(src2, dst2, xs, zeros160, 160, db=False)
        h3, _ = _post(agg, h, dinv8, w3t, b3)

        batch32 = batch.astype(jnp.int32)
        seg8 = jnp.broadcast_to(
            jnp.concatenate([batch32, jnp.full((NPAD - N_NODES,),
                                               N_GRAPHS - 1, jnp.int32)]
                            )[:, None], (NPAD, 8))
        h_scan = _segscan_max(h3, seg8)

        gids = jnp.arange(N_GRAPHS, dtype=jnp.int32)
        end = jnp.searchsorted(batch32, gids, side='right').astype(jnp.int32)
        start = jnp.searchsorted(batch32, gids, side='left').astype(jnp.int32)
        nonempty = (end > start) | (gids == N_GRAPHS - 1)
        last = jnp.where(gids == N_GRAPHS - 1, NPAD - 1, end - 1)
        last = jnp.maximum(last, 0)
        pool = _sc_rowgather(h_scan, last)
        mask = jnp.broadcast_to(
            nonempty.astype(f32)[:, None], (N_GRAPHS, 8))
        return pool, mask

    pool1, m1 = encode(x1, edge_index1, batch1)
    pool2, m2 = encode(x2, edge_index2, batch2)

    cell_pad = jnp.zeros((N_GRAPHS, 960), f32).at[:, :954].set(cell)
    w = (
        _pad_wt(p['g1w'], 320, 160), _pad_b(p['g1b'], 160),
        _pad_wt(p['g2w'], 160, 128), _pad_b(p['g2b'], 128),
        _pad_wt(p['r1w'], 960, 512), _pad_b(p['r1b'], 512),
        _pad_wt(p['r2w'], 512, 256), _pad_b(p['r2b'], 256),
        _pad_wt(p['r3w'], 256, 128), _pad_b(p['r3b'], 128),
        _pad_wt(p['sgw'], 256, 128), _pad_b(p['sgb'], 128),
        _pad_wt(p['f1w'], 512, 512), _pad_b(p['f1b'], 512),
        _pad_wt(p['f2w'], 512, 128), _pad_b(p['f2b'], 128),
        _pad_wt(p['ow'], 128, 128), _pad_b(p['ob'], 128),
    )
    out = _head(pool1, pool2, m1, m2, cell_pad, w)
    return out[:, :2]

# --- scband reference (transcript-rebuilt; emitter-appended) ---
"""Pipeline reference for scband-gcgnet-27702539059792 (READ-ONLY COPY).

The authoritative reference and input builder live on the scoring server;
editing this copy changes nothing except your own understanding.
"""

import jax, jax.numpy as jnp
import numpy as np

N_NODES = 10000
N_EDGES = 160000
N_GRAPHS = 512
D_XD = 78
D_XT = 954
OUT_DIM = 128
N_OUT = 2


def _mk_lin(key, out_f, in_f):
    k1, k2 = jax.random.split(key)
    w = jax.random.normal(k1, (out_f, in_f), dtype=jnp.float32) * (1.0 / np.sqrt(in_f))
    b = jax.random.normal(k2, (out_f,), dtype=jnp.float32) * 0.01
    return w, b


def setup_inputs(seed: int = 0) -> dict:
    key = jax.random.key(seed)
    ks = jax.random.split(key, 12)
    x1 = jax.random.normal(ks[0], (N_NODES, D_XD), dtype=jnp.float32)
    edge_index1 = jax.random.randint(ks[1], (2, N_EDGES), 0, N_NODES, dtype=jnp.int64)
    batch1 = jnp.sort(jax.random.randint(ks[2], (N_NODES,), 0, N_GRAPHS, dtype=jnp.int64))
    x2 = jax.random.normal(ks[3], (N_NODES, D_XD), dtype=jnp.float32)
    edge_index2 = jax.random.randint(ks[4], (2, N_EDGES), 0, N_NODES, dtype=jnp.int64)
    batch2 = jnp.sort(jax.random.randint(ks[5], (N_NODES,), 0, N_GRAPHS, dtype=jnp.int64))
    cell = jax.random.uniform(ks[6], (N_GRAPHS, D_XT), dtype=jnp.float32)

    pk = jax.random.split(ks[7], 12)
    params = {}
    params['c1w'], params['c1b'] = _mk_lin(pk[0], D_XD, D_XD)
    params['c2w'], params['c2b'] = _mk_lin(pk[1], D_XD * 2, D_XD)
    params['c3w'], params['c3b'] = _mk_lin(pk[2], D_XD * 4, D_XD * 2)
    params['g1w'], params['g1b'] = _mk_lin(pk[3], D_XD * 2, D_XD * 4)
    params['g2w'], params['g2b'] = _mk_lin(pk[4], OUT_DIM, D_XD * 2)
    params['r1w'], params['r1b'] = _mk_lin(pk[5], 512, D_XT)
    params['r2w'], params['r2b'] = _mk_lin(pk[6], 256, 512)
    params['r3w'], params['r3b'] = _mk_lin(pk[7], OUT_DIM, 256)
    params['sgw'], params['sgb'] = _mk_lin(pk[8], OUT_DIM, 2 * OUT_DIM)
    params['f1w'], params['f1b'] = _mk_lin(pk[9], 512, 4 * OUT_DIM)
    params['f2w'], params['f2b'] = _mk_lin(pk[10], 128, 512)
    params['ow'], params['ob'] = _mk_lin(pk[11], N_OUT, 128)

    return {'x1': x1, 'edge_index1': edge_index1, 'batch1': batch1,
            'x2': x2, 'edge_index2': edge_index2, 'batch2': batch2,
            'cell': cell, 'params': params}


def _gcn_conv(x, edge_index, w, b):
    # PyG GCNConv: add self-loops, symmetric normalization, scatter-add aggregation
    n = x.shape[0]
    loop = jnp.arange(n, dtype=edge_index.dtype)
    src = jnp.concatenate([edge_index[0], loop])
    dst = jnp.concatenate([edge_index[1], loop])
    deg = jnp.zeros((n,), x.dtype).at[dst].add(1.0)
    dinv = jnp.where(deg > 0, deg ** -0.5, 0.0)
    norm = dinv[src] * dinv[dst]
    h = x @ w.T
    msg = h[src] * norm[:, None]
    out = jnp.zeros((n, h.shape[1]), x.dtype).at[dst].add(msg)
    return out + b


def _drug_encoder(x, edge_index, batch, p):
    h = jax.nn.relu(_gcn_conv(x, edge_index, p['c1w'], p['c1b']))
    h = jax.nn.relu(_gcn_conv(h, edge_index, p['c2w'], p['c2b']))
    h = jax.nn.relu(_gcn_conv(h, edge_index, p['c3w'], p['c3b']))
    g = jax.ops.segment_max(h, batch, num_segments=N_GRAPHS)
    g = jnp.where(jnp.isfinite(g), g, 0.0)  # guard empty segments
    g = jax.nn.relu(g @ p['g1w'].T + p['g1b'])
    # dropout is identity in eval mode
    g = g @ p['g2w'].T + p['g2b']
    return g


def reference(x1, edge_index1, batch1, x2, edge_index2, batch2, cell, params):
    p = params
    d1 = _drug_encoder(x1, edge_index1, batch1, p)
    d2 = _drug_encoder(x2, edge_index2, batch2, p)
    cn = jnp.sqrt(jnp.sum(cell * cell, axis=1, keepdims=True))
    cv = cell / jnp.maximum(cn, 1e-12)
    cv = jax.nn.relu(cv @ p['r1w'].T + p['r1b'])
    cv = jax.nn.relu(cv @ p['r2w'].T + p['r2b'])
    cv = cv @ p['r3w'].T + p['r3b']
    gate = jax.nn.sigmoid(jnp.concatenate([d1, d2], axis=1) @ p['sgw'].T + p['sgb'])
    xc = jnp.concatenate([d1, d2, gate, cv], axis=1)
    xc = jax.nn.relu(xc @ p['f1w'].T + p['f1b'])
    xc = jax.nn.relu(xc @ p['f2w'].T + p['f2b'])
    out = xc @ p['ow'].T + p['ob']
    return out

if __name__ == "__main__":
    import jax
    _d = setup_inputs()
    print(jax.jit(kernel)(*tuple(_d.values())))

</pallas_src>

<mosaic_0001>
#map = affine_map<(d0, d1) -> (0, 0)>
#map1 = affine_map<(d0, d1) -> (0, 0, 0)>
module attributes {stable_mosaic.version = 14 : i64} {
  func.func @k(%arg0: i32, %arg1: i32, %arg2: memref<1280x128xi32, #tpu.memory_space<hbm>>, %arg3: memref<1280x128xi32, #tpu.memory_space<hbm>>, %arg4: memref<10240x80xf32, #tpu.memory_space<hbm>>, %arg5: memref<10240x80xf32, #tpu.memory_space<hbm>>, %arg6: memref<2x10240x80xf32, #tpu.memory_space<hbm>>, %arg7: memref<2x128xi32, #tpu.memory_space<vmem>>, %arg8: memref<2x128xi32, #tpu.memory_space<vmem>>, %arg9: memref<128x80xf32, #tpu.memory_space<vmem>>, %arg10: memref<128x80xf32, #tpu.memory_space<vmem>>, %arg11: memref<10240x80xf32, #tpu.memory_space<vmem_shared>>, %arg12: memref<!tpu.dma_semaphore, #tpu.memory_space<semaphore_mem>>, %arg13: memref<!tpu.dma_semaphore, #tpu.memory_space<semaphore_mem>>) attributes {dimension_semantics = [#tpu.dimension_semantics<core_parallel>, #tpu.dimension_semantics<subcore_parallel>], iteration_bounds = array<i64: 2, 16>, scalar_prefetch = 0 : i64, scratch_operands = 7 : i64, tpu.core_type = #tpu.core_type<sc_vector_subcore>, window_params = [{transform_indices = #map}, {transform_indices = #map}, {transform_indices = #map}, {transform_indices = #map}, {transform_indices = #map1}]} {
    %mul3A = arith.constant 2 : i32
    %mul3A_0 = arith.muli %arg1, %mul3A : i32
    %add3A = arith.addi %mul3A_0, %arg0 : i32
    %mul3A_1 = arith.constant 640 : i32
    %mul3A_2 = arith.muli %arg1, %mul3A_1 : i32
    %mul3A_3 = arith.constant 640 : i32
    %mul3A_4 = arith.muli %arg1, %mul3A_3 : i32
    "tpu.region"() ({
      %run_scoped3A = tpu.sem_alloc : memref<!tpu.dma_semaphore, #tpu.memory_space<semaphore_mem>>
      %dma_start3A = arith.constant 0 : i32
      %dma_start3A_17 = tpu.memref_slice %arg11[%mul3A_4, %dma_start3A] : memref<10240x80xf32, #tpu.memory_space<vmem_shared>> -> memref<640x80xf32, #tpu.memory_space<vmem_shared>>
      %dma_start3A_18 = arith.constant 0 : i32
      %dma_start3A_19 = tpu.memref_slice %arg5[%mul3A_2, %dma_start3A_18] : memref<10240x80xf32, #tpu.memory_space<hbm>> -> memref<640x80xf32, #tpu.memory_space<hbm>>
      tpu.enqueue_dma source(%dma_start3A_19 : memref<640x80xf32, #tpu.memory_space<hbm>>) target(%dma_start3A_17 : memref<640x80xf32, #tpu.memory_space<vmem_shared>>) target_semaphore(%run_scoped3A : memref<!tpu.dma_semaphore, #tpu.memory_space<semaphore_mem>>)
      %dma_wait3A = arith.constant 0 : i32
      %dma_wait3A_20 = tpu.memref_slice %arg11[%mul3A_4, %dma_wait3A] : memref<10240x80xf32, #tpu.memory_space<vmem_shared>> -> memref<640x80xf32, #tpu.memory_space<vmem_shared>>
      %dma_wait3A_21 = arith.constant 0 : i32
      %dma_wait3A_22 = tpu.memref_slice %arg5[%mul3A_2, %dma_wait3A_21] : memref<10240x80xf32, #tpu.memory_space<hbm>> -> memref<640x80xf32, #tpu.memory_space<hbm>>
      tpu.wait_dma2 semaphore(%run_scoped3A : memref<!tpu.dma_semaphore, #tpu.memory_space<semaphore_mem>>) src(%dma_wait3A_22 : memref<640x80xf32, #tpu.memory_space<hbm>>) dst(%dma_wait3A_20 : memref<640x80xf32, #tpu.memory_space<vmem_shared>>)
      tpu.yield
    }) : () -> ()
    %barrier3A = arith.constant 0 : index
    tpu.barrier barrier_id(%barrier3A)
    %mul3A_5 = arith.constant 40 : i32
    %mul3A_6 = arith.muli %add3A, %mul3A_5 : i32
    %scan3A = arith.constant 0 : i32
    %scan3A_7 = arith.constant 0 : i32
    %scan3A_8 = arith.constant 20 : i32
    %scan3A_9 = arith.addi %scan3A_7, %scan3A_8 : i32
    %scan3A_10 = arith.constant 1 : i32
    scf.for %scan3A_17 = %scan3A_7 to %scan3A_9 step %scan3A_10  : i32 {
      %mul3A_18 = arith.constant 2 : i32
      %mul3A_19 = arith.muli %scan3A_17, %mul3A_18 : i32
      %add3A_20 = arith.addi %mul3A_6, %mul3A_19 : i32
      %multiple_of3A = tpu.assume_multiple %add3A_20, 1 : i32
      "tpu.region"() ({
        %run_scoped3A_48 = tpu.sem_alloc : memref<!tpu.dma_semaphore, #tpu.memory_space<semaphore_mem>>
        %dma_start3A_49 = arith.constant 0 : i32
        %dma_start3A_50 = tpu.memref_slice %arg2[%multiple_of3A, %dma_start3A_49] : memref<1280x128xi32, #tpu.memory_space<hbm>> -> memref<2x128xi32, #tpu.memory_space<hbm>>
        %dma_start3A_51 = arith.constant 0 : i32
        %dma_start3A_52 = tpu.memref_slice %arg2[%multiple_of3A, %dma_start3A_51] : memref<1280x128xi32, #tpu.memory_space<hbm>> -> memref<2x128xi32, #tpu.memory_space<hbm>>
        tpu.enqueue_dma source(%dma_start3A_52 : memref<2x128xi32, #tpu.memory_space<hbm>>) target(%arg7 : memref<2x128xi32, #tpu.memory_space<vmem>>) target_semaphore(%run_scoped3A_48 : memref<!tpu.dma_semaphore, #tpu.memory_space<semaphore_mem>>)
        %dma_wait3A_53 = arith.constant 0 : i32
        %dma_wait3A_54 = tpu.memref_slice %arg2[%multiple_of3A, %dma_wait3A_53] : memref<1280x128xi32, #tpu.memory_space<hbm>> -> memref<2x128xi32, #tpu.memory_space<hbm>>
        %dma_wait3A_55 = arith.constant 0 : i32
        %dma_wait3A_56 = tpu.memref_slice %arg2[%multiple_of3A, %dma_wait3A_55] : memref<1280x128xi32, #tpu.memory_space<hbm>> -> memref<2x128xi32, #tpu.memory_space<hbm>>
        tpu.wait_dma2 semaphore(%run_scoped3A_48 : memref<!tpu.dma_semaphore, #tpu.memory_space<semaphore_mem>>) src(%dma_wait3A_56 : memref<2x128xi32, #tpu.memory_space<hbm>>) dst(%arg7 : memref<2x128xi32, #tpu.memory_space<vmem>>)
        tpu.yield
      }) : () -> ()
      "tpu.region"() ({
        %run_scoped3A_48 = tpu.sem_alloc : memref<!tpu.dma_semaphore, #tpu.memory_space<semaphore_mem>>
        %dma_start3A_49 = arith.constant 0 : i32
        %dma_start3A_50 = tpu.memref_slice %arg3[%multiple_of3A, %dma_start3A_49] : memref<1280x128xi32, #tpu.memory_space<hbm>> -> memref<2x128xi32, #tpu.memory_space<hbm>>
        %dma_start3A_51 = arith.constant 0 : i32
        %dma_start3A_52 = tpu.memref_slice %arg3[%multiple_of3A, %dma_start3A_51] : memref<1280x128xi32, #tpu.memory_space<hbm>> -> memref<2x128xi32, #tpu.memory_space<hbm>>
        tpu.enqueue_dma source(%dma_start3A_52 : memref<2x128xi32, #tpu.memory_space<hbm>>) target(%arg8 : memref<2x128xi32, #tpu.memory_space<vmem>>) target_semaphore(%run_scoped3A_48 : memref<!tpu.dma_semaphore, #tpu.memory_space<semaphore_mem>>)
        %dma_wait3A_53 = arith.constant 0 : i32
        %dma_wait3A_54 = tpu.memref_slice %arg3[%multiple_of3A, %dma_wait3A_53] : memref<1280x128xi32, #tpu.memory_space<hbm>> -> memref<2x128xi32, #tpu.memory_space<hbm>>
        %dma_wait3A_55 = arith.constant 0 : i32
        %dma_wait3A_56 = tpu.memref_slice %arg3[%multiple_of3A, %dma_wait3A_55] : memref<1280x128xi32, #tpu.memory_space<hbm>> -> memref<2x128xi32, #tpu.memory_space<hbm>>
        tpu.wait_dma2 semaphore(%run_scoped3A_48 : memref<!tpu.dma_semaphore, #tpu.memory_space<semaphore_mem>>) src(%dma_wait3A_56 : memref<2x128xi32, #tpu.memory_space<hbm>>) dst(%arg8 : memref<2x128xi32, #tpu.memory_space<vmem>>)
        tpu.yield
      }) : () -> ()
      %dma_start3A = arith.constant 0 : i32
      %dma_start3A_21 = arith.constant 0 : i32
      %dma_start3A_22 = tpu.memref_slice %arg7[%dma_start3A, %dma_start3A_21] : memref<2x128xi32, #tpu.memory_space<vmem>> -> memref<1x128xi32, #tpu.memory_space<vmem>>
      %dma_start3A_23 = tpu.memref_squeeze %dma_start3A_22 : memref<1x128xi32, #tpu.memory_space<vmem>> -> memref<128xi32, #tpu.memory_space<vmem>>
      %dma_start3A_24 = arith.constant 0 : i32
      %dma_start3A_25 = arith.constant 0 : i32
      %dma_start3A_26 = tpu.memref_slice %arg4[%dma_start3A_24, %dma_start3A_25] : memref<10240x80xf32, #tpu.memory_space<hbm>> -> memref<10240x80xf32, #tpu.memory_space<hbm>>
      tpu.enqueue_indirect_dma source(%dma_start3A_26 : memref<10240x80xf32, #tpu.memory_space<hbm>>) target(%arg9 : memref<128x80xf32, #tpu.memory_space<vmem>>) offsets(%dma_start3A_23 : memref<128xi32, #tpu.memory_space<vmem>>) semaphore(%arg12 : memref<!tpu.dma_semaphore, #tpu.memory_space<semaphore_mem>>)
      %dma_start3A_27 = arith.constant 1 : i32
      %dma_start3A_28 = arith.constant 0 : i32
      %dma_start3A_29 = tpu.memref_slice %arg7[%dma_start3A_27, %dma_start3A_28] : memref<2x128xi32, #tpu.memory_space<vmem>> -> memref<1x128xi32, #tpu.memory_space<vmem>>
      %dma_start3A_30 = tpu.memref_squeeze %dma_start3A_29 : memref<1x128xi32, #tpu.memory_space<vmem>> -> memref<128xi32, #tpu.memory_space<vmem>>
      %dma_start3A_31 = arith.constant 0 : i32
      %dma_start3A_32 = arith.constant 0 : i32
      %dma_start3A_33 = tpu.memref_slice %arg4[%dma_start3A_31, %dma_start3A_32] : memref<10240x80xf32, #tpu.memory_space<hbm>> -> memref<10240x80xf32, #tpu.memory_space<hbm>>
      tpu.enqueue_indirect_dma source(%dma_start3A_33 : memref<10240x80xf32, #tpu.memory_space<hbm>>) target(%arg10 : memref<128x80xf32, #tpu.memory_space<vmem>>) offsets(%dma_start3A_30 : memref<128xi32, #tpu.memory_space<vmem>>) semaphore(%arg13 : memref<!tpu.dma_semaphore, #tpu.memory_space<semaphore_mem>>)
      %dma_wait3A = arith.constant 0 : i32
      %dma_wait3A_34 = arith.constant 0 : i32
      %dma_wait3A_35 = tpu.memref_slice %arg7[%dma_wait3A, %dma_wait3A_34] : memref<2x128xi32, #tpu.memory_space<vmem>> -> memref<1x128xi32, #tpu.memory_space<vmem>>
      %dma_wait3A_36 = tpu.memref_squeeze %dma_wait3A_35 : memref<1x128xi32, #tpu.memory_space<vmem>> -> memref<128xi32, #tpu.memory_space<vmem>>
      %dma_wait3A_37 = arith.constant 0 : i32
      %dma_wait3A_38 = arith.constant 0 : i32
      %dma_wait3A_39 = tpu.memref_slice %arg4[%dma_wait3A_37, %dma_wait3A_38] : memref<10240x80xf32, #tpu.memory_space<hbm>> -> memref<10240x80xf32, #tpu.memory_space<hbm>>
      tpu.wait_indirect_dma semaphore(%arg12 : memref<!tpu.dma_semaphore, #tpu.memory_space<semaphore_mem>>) src(%dma_wait3A_39 : memref<10240x80xf32, #tpu.memory_space<hbm>>) dst(%arg9 : memref<128x80xf32, #tpu.memory_space<vmem>>)
      %run_scoped3A = arith.constant 0 : i32
      "tpu.region"() ({
        %run_scoped3A_48 = tpu.sem_alloc : memref<!tpu.dma_semaphore, #tpu.memory_space<semaphore_mem>>
        %dma_start3A_49 = arith.constant 0 : i32
        %dma_start3A_50 = tpu.memref_slice %arg8[%run_scoped3A, %dma_start3A_49] : memref<2x128xi32, #tpu.memory_space<vmem>> -> memref<1x128xi32, #tpu.memory_space<vmem>>
        %dma_start3A_51 = tpu.memref_squeeze %dma_start3A_50 : memref<1x128xi32, #tpu.memory_space<vmem>> -> memref<128xi32, #tpu.memory_space<vmem>>
        %dma_start3A_52 = arith.constant 0 : i32
        %dma_start3A_53 = arith.constant 0 : i32
        %dma_start3A_54 = tpu.memref_slice %arg11[%dma_start3A_52, %dma_start3A_53] : memref<10240x80xf32, #tpu.memory_space<vmem_shared>> -> memref<10240x80xf32, #tpu.memory_space<vmem_shared>>
        tpu.enqueue_indirect_dma source(%arg9 : memref<128x80xf32, #tpu.memory_space<vmem>>) target(%dma_start3A_54 : memref<10240x80xf32, #tpu.memory_space<vmem_shared>>) offsets(%dma_start3A_51 : memref<128xi32, #tpu.memory_space<vmem>>) semaphore(%run_scoped3A_48 : memref<!tpu.dma_semaphore, #tpu.memory_space<semaphore_mem>>) {add = true}
        %dma_wait3A_55 = arith.constant 0 : i32
        %dma_wait3A_56 = tpu.memref_slice %arg8[%run_scoped3A, %dma_wait3A_55] : memref<2x128xi32, #tpu.memory_space<vmem>> -> memref<1x128xi32, #tpu.memory_space<vmem>>
        %dma_wait3A_57 = tpu.memref_squeeze %dma_wait3A_56 : memref<1x128xi32, #tpu.memory_space<vmem>> -> memref<128xi32, #tpu.memory_space<vmem>>
        %dma_wait3A_58 = arith.constant 0 : i32
        %dma_wait3A_59 = arith.constant 0 : i32
        %dma_wait3A_60 = tpu.memref_slice %arg11[%dma_wait3A_58, %dma_wait3A_59] : memref<10240x80xf32, #tpu.memory_space<vmem_shared>> -> memref<10240x80xf32, #tpu.memory_space<vmem_shared>>
        tpu.wait_indirect_dma semaphore(%run_scoped3A_48 : memref<!tpu.dma_semaphore, #tpu.memory_space<semaphore_mem>>) src(%arg9 : memref<128x80xf32, #tpu.memory_space<vmem>>) dst(%dma_wait3A_60 : memref<10240x80xf32, #tpu.memory_space<vmem_shared>>)
        tpu.yield
      }) : () -> ()
      %dma_wait3A_40 = arith.constant 1 : i32
      %dma_wait3A_41 = arith.constant 0 : i32
      %dma_wait3A_42 = tpu.memref_slice %arg7[%dma_wait3A_40, %dma_wait3A_41] : memref<2x128xi32, #tpu.memory_space<vmem>> -> memref<1x128xi32, #tpu.memory_space<vmem>>
      %dma_wait3A_43 = tpu.memref_squeeze %dma_wait3A_42 : memref<1x128xi32, #tpu.memory_space<vmem>> -> memref<128xi32, #tpu.memory_space<vmem>>
      %dma_wait3A_44 = arith.constant 0 : i32
      %dma_wait3A_45 = arith.constant 0 : i32
      %dma_wait3A_46 = tpu.memref_slice %arg4[%dma_wait3A_44, %dma_wait3A_45] : memref<10240x80xf32, #tpu.memory_space<hbm>> -> memref<10240x80xf32, #tpu.memory_space<hbm>>
      tpu.wait_indirect_dma semaphore(%arg13 : memref<!tpu.dma_semaphore, #tpu.memory_space<semaphore_mem>>) src(%dma_wait3A_46 : memref<10240x80xf32, #tpu.memory_space<hbm>>) dst(%arg10 : memref<128x80xf32, #tpu.memory_space<vmem>>)
      %run_scoped3A_47 = arith.constant 1 : i32
      "tpu.region"() ({
        %run_scoped3A_48 = tpu.sem_alloc : memref<!tpu.dma_semaphore, #tpu.memory_space<semaphore_mem>>
        %dma_start3A_49 = arith.constant 0 : i32
        %dma_start3A_50 = tpu.memref_slice %arg8[%run_scoped3A_47, %dma_start3A_49] : memref<2x128xi32, #tpu.memory_space<vmem>> -> memref<1x128xi32, #tpu.memory_space<vmem>>
        %dma_start3A_51 = tpu.memref_squeeze %dma_start3A_50 : memref<1x128xi32, #tpu.memory_space<vmem>> -> memref<128xi32, #tpu.memory_space<vmem>>
        %dma_start3A_52 = arith.constant 0 : i32
        %dma_start3A_53 = arith.constant 0 : i32
        %dma_start3A_54 = tpu.memref_slice %arg11[%dma_start3A_52, %dma_start3A_53] : memref<10240x80xf32, #tpu.memory_space<vmem_shared>> -> memref<10240x80xf32, #tpu.memory_space<vmem_shared>>
        tpu.enqueue_indirect_dma source(%arg10 : memref<128x80xf32, #tpu.memory_space<vmem>>) target(%dma_start3A_54 : memref<10240x80xf32, #tpu.memory_space<vmem_shared>>) offsets(%dma_start3A_51 : memref<128xi32, #tpu.memory_space<vmem>>) semaphore(%run_scoped3A_48 : memref<!tpu.dma_semaphore, #tpu.memory_space<semaphore_mem>>) {add = true}
        %dma_wait3A_55 = arith.constant 0 : i32
        %dma_wait3A_56 = tpu.memref_slice %arg8[%run_scoped3A_47, %dma_wait3A_55] : memref<2x128xi32, #tpu.memory_space<vmem>> -> memref<1x128xi32, #tpu.memory_space<vmem>>
        %dma_wait3A_57 = tpu.memref_squeeze %dma_wait3A_56 : memref<1x128xi32, #tpu.memory_space<vmem>> -> memref<128xi32, #tpu.memory_space<vmem>>
        %dma_wait3A_58 = arith.constant 0 : i32
        %dma_wait3A_59 = arith.constant 0 : i32
        %dma_wait3A_60 = tpu.memref_slice %arg11[%dma_wait3A_58, %dma_wait3A_59] : memref<10240x80xf32, #tpu.memory_space<vmem_shared>> -> memref<10240x80xf32, #tpu.memory_space<vmem_shared>>
        tpu.wait_indirect_dma semaphore(%run_scoped3A_48 : memref<!tpu.dma_semaphore, #tpu.memory_space<semaphore_mem>>) src(%arg10 : memref<128x80xf32, #tpu.memory_space<vmem>>) dst(%dma_wait3A_60 : memref<10240x80xf32, #tpu.memory_space<vmem_shared>>)
        tpu.yield
      }) : () -> ()
    }
    %scan3A_11 = arith.constant 20 : i32
    %barrier3A_12 = arith.constant 0 : index
    tpu.barrier barrier_id(%barrier3A_12)
    %mul3A_13 = arith.constant 640 : i32
    %mul3A_14 = arith.muli %arg1, %mul3A_13 : i32
    %mul3A_15 = arith.constant 640 : i32
    %mul3A_16 = arith.muli %arg1, %mul3A_15 : i32
    "tpu.region"() ({
      %run_scoped3A = tpu.sem_alloc : memref<!tpu.dma_semaphore, #tpu.memory_space<semaphore_mem>>
      %dma_start3A = arith.constant 0 : i32
      %dma_start3A_17 = tpu.memref_slice %arg6[%arg0, %mul3A_16, %dma_start3A] : memref<2x10240x80xf32, #tpu.memory_space<hbm>> -> memref<1x640x80xf32, #tpu.memory_space<hbm>>
      %dma_start3A_18 = tpu.memref_squeeze %dma_start3A_17 : memref<1x640x80xf32, #tpu.memory_space<hbm>> -> memref<640x80xf32, #tpu.memory_space<hbm>>
      %dma_start3A_19 = arith.constant 0 : i32
      %dma_start3A_20 = tpu.memref_slice %arg11[%mul3A_14, %dma_start3A_19] : memref<10240x80xf32, #tpu.memory_space<vmem_shared>> -> memref<640x80xf32, #tpu.memory_space<vmem_shared>>
      tpu.enqueue_dma source(%dma_start3A_20 : memref<640x80xf32, #tpu.memory_space<vmem_shared>>) target(%dma_start3A_18 : memref<640x80xf32, #tpu.memory_space<hbm>>) target_semaphore(%run_scoped3A : memref<!tpu.dma_semaphore, #tpu.memory_space<semaphore_mem>>)
      %dma_wait3A = arith.constant 0 : i32
      %dma_wait3A_21 = tpu.memref_slice %arg6[%arg0, %mul3A_16, %dma_wait3A] : memref<2x10240x80xf32, #tpu.memory_space<hbm>> -> memref<1x640x80xf32, #tpu.memory_space<hbm>>
      %dma_wait3A_22 = tpu.memref_squeeze %dma_wait3A_21 : memref<1x640x80xf32, #tpu.memory_space<hbm>> -> memref<640x80xf32, #tpu.memory_space<hbm>>
      %dma_wait3A_23 = arith.constant 0 : i32
      %dma_wait3A_24 = tpu.memref_slice %arg11[%mul3A_14, %dma_wait3A_23] : memref<10240x80xf32, #tpu.memory_space<vmem_shared>> -> memref<640x80xf32, #tpu.memory_space<vmem_shared>>
      tpu.wait_dma2 semaphore(%run_scoped3A : memref<!tpu.dma_semaphore, #tpu.memory_space<semaphore_mem>>) src(%dma_wait3A_24 : memref<640x80xf32, #tpu.memory_space<vmem_shared>>) dst(%dma_wait3A_22 : memref<640x80xf32, #tpu.memory_space<hbm>>)
      tpu.yield
    }) : () -> ()
    return
  }
}

#map = affine_map<(d0, d1) -> (0)>
#map1 = affine_map<(d0, d1) -> (0, 0)>
#map2 = affine_map<(d0, d1) -> (0, 0, 0)>
module attributes {stable_mosaic.version = 14 : i64} {
  func.func @k(%arg0: i32, %arg1: i32, %arg2: memref<163840xi32, #tpu.memory_space<hbm>>, %arg3: memref<10240x8xf32, #tpu.memory_space<hbm>>, %arg4: memref<128x8xf32, #tpu.memory_space<hbm>>, %arg5: memref<2x10240x8xf32, #tpu.memory_space<hbm>>, %arg6: memref<128xi32, #tpu.memory_space<vmem>>, %arg7: memref<128x8xf32, #tpu.memory_space<vmem>>, %arg8: memref<10240x8xf32, #tpu.memory_space<vmem_shared>>, %arg9: memref<!tpu.dma_semaphore, #tpu.memory_space<semaphore_mem>>) attributes {dimension_semantics = [#tpu.dimension_semantics<core_parallel>, #tpu.dimension_semantics<subcore_parallel>], iteration_bounds = array<i64: 2, 16>, scalar_prefetch = 0 : i64, scratch_operands = 4 : i64, tpu.core_type = #tpu.core_type<sc_vector_subcore>, window_params = [{transform_indices = #map}, {transform_indices = #map1}, {transform_indices = #map1}, {transform_indices = #map2}]} {
    %mul3A = arith.constant 2 : i32
    %mul3A_0 = arith.muli %arg1, %mul3A : i32
    %add3A = arith.addi %mul3A_0, %arg0 : i32
    %mul3A_1 = arith.constant 640 : i32
    %mul3A_2 = arith.muli %arg1, %mul3A_1 : i32
    %mul3A_3 = arith.constant 640 : i32
    %mul3A_4 = arith.muli %arg1, %mul3A_3 : i32
    "tpu.region"() ({
      %run_scoped3A = tpu.sem_alloc : memref<!tpu.dma_semaphore, #tpu.memory_space<semaphore_mem>>
      %dma_start3A = arith.constant 0 : i32
      %dma_start3A_17 = tpu.memref_slice %arg8[%mul3A_4, %dma_start3A] : memref<10240x8xf32, #tpu.memory_space<vmem_shared>> -> memref<640x8xf32, #tpu.memory_space<vmem_shared>>
      %dma_start3A_18 = arith.constant 0 : i32
      %dma_start3A_19 = tpu.memref_slice %arg3[%mul3A_2, %dma_start3A_18] : memref<10240x8xf32, #tpu.memory_space<hbm>> -> memref<640x8xf32, #tpu.memory_space<hbm>>
      tpu.enqueue_dma source(%dma_start3A_19 : memref<640x8xf32, #tpu.memory_space<hbm>>) target(%dma_start3A_17 : memref<640x8xf32, #tpu.memory_space<vmem_shared>>) target_semaphore(%run_scoped3A : memref<!tpu.dma_semaphore, #tpu.memory_space<semaphore_mem>>)
      %dma_wait3A = arith.constant 0 : i32
      %dma_wait3A_20 = tpu.memref_slice %arg8[%mul3A_4, %dma_wait3A] : memref<10240x8xf32, #tpu.memory_space<vmem_shared>> -> memref<640x8xf32, #tpu.memory_space<vmem_shared>>
      %dma_wait3A_21 = arith.constant 0 : i32
      %dma_wait3A_22 = tpu.memref_slice %arg3[%mul3A_2, %dma_wait3A_21] : memref<10240x8xf32, #tpu.memory_space<hbm>> -> memref<640x8xf32, #tpu.memory_space<hbm>>
      tpu.wait_dma2 semaphore(%run_scoped3A : memref<!tpu.dma_semaphore, #tpu.memory_space<semaphore_mem>>) src(%dma_wait3A_22 : memref<640x8xf32, #tpu.memory_space<hbm>>) dst(%dma_wait3A_20 : memref<640x8xf32, #tpu.memory_space<vmem_shared>>)
      tpu.yield
    }) : () -> ()
    "tpu.region"() ({
      %run_scoped3A = tpu.sem_alloc : memref<!tpu.dma_semaphore, #tpu.memory_space<semaphore_mem>>
      tpu.enqueue_dma source(%arg4 : memref<128x8xf32, #tpu.memory_space<hbm>>) target(%arg7 : memref<128x8xf32, #tpu.memory_space<vmem>>) target_semaphore(%run_scoped3A : memref<!tpu.dma_semaphore, #tpu.memory_space<semaphore_mem>>)
      tpu.wait_dma2 semaphore(%run_scoped3A : memref<!tpu.dma_semaphore, #tpu.memory_space<semaphore_mem>>) src(%arg4 : memref<128x8xf32, #tpu.memory_space<hbm>>) dst(%arg7 : memref<128x8xf32, #tpu.memory_space<vmem>>)
      tpu.yield
    }) : () -> ()
    %barrier3A = arith.constant 0 : index
    tpu.barrier barrier_id(%barrier3A)
    %mul3A_5 = arith.constant 5120 : i32
    %mul3A_6 = arith.muli %add3A, %mul3A_5 : i32
    %scan3A = arith.constant 0 : i32
    %scan3A_7 = arith.constant 0 : i32
    %scan3A_8 = arith.constant 40 : i32
    %scan3A_9 = arith.addi %scan3A_7, %scan3A_8 : i32
    %scan3A_10 = arith.constant 1 : i32
    scf.for %scan3A_17 = %scan3A_7 to %scan3A_9 step %scan3A_10  : i32 {
      %mul3A_18 = arith.constant 128 : i32
      %mul3A_19 = arith.muli %scan3A_17, %mul3A_18 : i32
      %add3A_20 = arith.addi %mul3A_6, %mul3A_19 : i32
      %multiple_of3A = tpu.assume_multiple %add3A_20, 8 : i32
      "tpu.region"() ({
        %run_scoped3A = tpu.sem_alloc : memref<!tpu.dma_semaphore, #tpu.memory_space<semaphore_mem>>
        %dma_start3A = tpu.memref_slice %arg2[%multiple_of3A] : memref<163840xi32, #tpu.memory_space<hbm>> -> memref<128xi32, #tpu.memory_space<hbm>>
        %dma_start3A_21 = tpu.memref_slice %arg2[%multiple_of3A] : memref<163840xi32, #tpu.memory_space<hbm>> -> memref<128xi32, #tpu.memory_space<hbm>>
        tpu.enqueue_dma source(%dma_start3A_21 : memref<128xi32, #tpu.memory_space<hbm>>) target(%arg6 : memref<128xi32, #tpu.memory_space<vmem>>) target_semaphore(%run_scoped3A : memref<!tpu.dma_semaphore, #tpu.memory_space<semaphore_mem>>)
        %dma_wait3A = tpu.memref_slice %arg2[%multiple_of3A] : memref<163840xi32, #tpu.memory_space<hbm>> -> memref<128xi32, #tpu.memory_space<hbm>>
        %dma_wait3A_22 = tpu.memref_slice %arg2[%multiple_of3A] : memref<163840xi32, #tpu.memory_space<hbm>> -> memref<128xi32, #tpu.memory_space<hbm>>
        tpu.wait_dma2 semaphore(%run_scoped3A : memref<!tpu.dma_semaphore, #tpu.memory_space<semaphore_mem>>) src(%dma_wait3A_22 : memref<128xi32, #tpu.memory_space<hbm>>) dst(%arg6 : memref<128xi32, #tpu.memory_space<vmem>>)
        tpu.yield
      }) : () -> ()
      "tpu.region"() ({
        %run_scoped3A = tpu.sem_alloc : memref<!tpu.dma_semaphore, #tpu.memory_space<semaphore_mem>>
        %dma_start3A = arith.constant 0 : i32
        %dma_start3A_21 = arith.constant 0 : i32
        %dma_start3A_22 = tpu.memref_slice %arg8[%dma_start3A, %dma_start3A_21] : memref<10240x8xf32, #tpu.memory_space<vmem_shared>> -> memref<10240x8xf32, #tpu.memory_space<vmem_shared>>
        tpu.enqueue_indirect_dma source(%arg7 : memref<128x8xf32, #tpu.memory_space<vmem>>) target(%dma_start3A_22 : memref<10240x8xf32, #tpu.memory_space<vmem_shared>>) offsets(%arg6 : memref<128xi32, #tpu.memory_space<vmem>>) semaphore(%run_scoped3A : memref<!tpu.dma_semaphore, #tpu.memory_space<semaphore_mem>>) {add = true}
        %dma_wait3A = arith.constant 0 : i32
        %dma_wait3A_23 = arith.constant 0 : i32
        %dma_wait3A_24 = tpu.memref_slice %arg8[%dma_wait3A, %dma_wait3A_23] : memref<10240x8xf32, #tpu.memory_space<vmem_shared>> -> memref<10240x8xf32, #tpu.memory_space<vmem_shared>>
        tpu.wait_indirect_dma semaphore(%run_scoped3A : memref<!tpu.dma_semaphore, #tpu.memory_space<semaphore_mem>>) src(%arg7 : memref<128x8xf32, #tpu.memory_space<vmem>>) dst(%dma_wait3A_24 : memref<10240x8xf32, #tpu.memory_space<vmem_shared>>)
        tpu.yield
      }) : () -> ()
    }
    %scan3A_11 = arith.constant 40 : i32
    %barrier3A_12 = arith.constant 0 : index
    tpu.barrier barrier_id(%barrier3A_12)
    %mul3A_13 = arith.constant 640 : i32
    %mul3A_14 = arith.muli %arg1, %mul3A_13 : i32
    %mul3A_15 = arith.constant 640 : i32
    %mul3A_16 = arith.muli %arg1, %mul3A_15 : i32
    "tpu.region"() ({
      %run_scoped3A = tpu.sem_alloc : memref<!tpu.dma_semaphore, #tpu.memory_space<semaphore_mem>>
      %dma_start3A = arith.constant 0 : i32
      %dma_start3A_17 = tpu.memref_slice %arg5[%arg0, %mul3A_16, %dma_start3A] : memref<2x10240x8xf32, #tpu.memory_space<hbm>> -> memref<1x640x8xf32, #tpu.memory_space<hbm>>
      %dma_start3A_18 = tpu.memref_squeeze %dma_start3A_17 : memref<1x640x8xf32, #tpu.memory_space<hbm>> -> memref<640x8xf32, #tpu.memory_space<hbm>>
      %dma_start3A_19 = arith.constant 0 : i32
      %dma_start3A_20 = tpu.memref_slice %arg8[%mul3A_14, %dma_start3A_19] : memref<10240x8xf32, #tpu.memory_space<vmem_shared>> -> memref<640x8xf32, #tpu.memory_space<vmem_shared>>
      tpu.enqueue_dma source(%dma_start3A_20 : memref<640x8xf32, #tpu.memory_space<vmem_shared>>) target(%dma_start3A_18 : memref<640x8xf32, #tpu.memory_space<hbm>>) target_semaphore(%run_scoped3A : memref<!tpu.dma_semaphore, #tpu.memory_space<semaphore_mem>>)
      %dma_wait3A = arith.constant 0 : i32
      %dma_wait3A_21 = tpu.memref_slice %arg5[%arg0, %mul3A_16, %dma_wait3A] : memref<2x10240x8xf32, #tpu.memory_space<hbm>> -> memref<1x640x8xf32, #tpu.memory_space<hbm>>
      %dma_wait3A_22 = tpu.memref_squeeze %dma_wait3A_21 : memref<1x640x8xf32, #tpu.memory_space<hbm>> -> memref<640x8xf32, #tpu.memory_space<hbm>>
      %dma_wait3A_23 = arith.constant 0 : i32
      %dma_wait3A_24 = tpu.memref_slice %arg8[%mul3A_14, %dma_wait3A_23] : memref<10240x8xf32, #tpu.memory_space<vmem_shared>> -> memref<640x8xf32, #tpu.memory_space<vmem_shared>>
      tpu.wait_dma2 semaphore(%run_scoped3A : memref<!tpu.dma_semaphore, #tpu.memory_space<semaphore_mem>>) src(%dma_wait3A_24 : memref<640x8xf32, #tpu.memory_space<vmem_shared>>) dst(%dma_wait3A_22 : memref<640x8xf32, #tpu.memory_space<hbm>>)
      tpu.yield
    }) : () -> ()
    return
  }
}

#map = affine_map<(d0, d1) -> (0, 0)>
#map1 = affine_map<(d0, d1) -> (0, 0, 0)>
module attributes {stable_mosaic.version = 14 : i64} {
  func.func @k(%arg0: i32, %arg1: i32, %arg2: memref<1280x128xi32, #tpu.memory_space<hbm>>, %arg3: memref<1280x128xi32, #tpu.memory_space<hbm>>, %arg4: memref<10240x80xf32, #tpu.memory_space<hbm>>, %arg5: memref<10240x80xf32, #tpu.memory_space<hbm>>, %arg6: memref<2x10240x80xf32, #tpu.memory_space<hbm>>, %arg7: memref<2x128xi32, #tpu.memory_space<vmem>>, %arg8: memref<2x128xi32, #tpu.memory_space<vmem>>, %arg9: memref<128x80xf32, #tpu.memory_space<vmem>>, %arg10: memref<128x80xf32, #tpu.memory_space<vmem>>, %arg11: memref<10240x80xf32, #tpu.memory_space<vmem_shared>>, %arg12: memref<!tpu.dma_semaphore, #tpu.memory_space<semaphore_mem>>, %arg13: memref<!tpu.dma_semaphore, #tpu.memory_space<semaphore_mem>>) attributes {dimension_semantics = [#tpu.dimension_semantics<core_parallel>, #tpu.dimension_semantics<subcore_parallel>], iteration_bounds = array<i64: 2, 16>, scalar_prefetch = 0 : i64, scratch_operands = 7 : i64, tpu.core_type = #tpu.core_type<sc_vector_subcore>, window_params = [{transform_indices = #map}, {transform_indices = #map}, {transform_indices = #map}, {transform_indices = #map}, {transform_indices = #map1}]} {
    %mul3A = arith.constant 2 : i32
    %mul3A_0 = arith.muli %arg1, %mul3A : i32
    %add3A = arith.addi %mul3A_0, %arg0 : i32
    %mul3A_1 = arith.constant 640 : i32
    %mul3A_2 = arith.muli %arg1, %mul3A_1 : i32
    %mul3A_3 = arith.constant 640 : i32
    %mul3A_4 = arith.muli %arg1, %mul3A_3 : i32
    "tpu.region"() ({
      %run_scoped3A = tpu.sem_alloc : memref<!tpu.dma_semaphore, #tpu.memory_space<semaphore_mem>>
      %dma_start3A = arith.constant 0 : i32
      %dma_start3A_17 = tpu.memref_slice %arg11[%mul3A_4, %dma_start3A] : memref<10240x80xf32, #tpu.memory_space<vmem_shared>> -> memref<640x80xf32, #tpu.memory_space<vmem_shared>>
      %dma_start3A_18 = arith.constant 0 : i32
      %dma_start3A_19 = tpu.memref_slice %arg5[%mul3A_2, %dma_start3A_18] : memref<10240x80xf32, #tpu.memory_space<hbm>> -> memref<640x80xf32, #tpu.memory_space<hbm>>
      tpu.enqueue_dma source(%dma_start3A_19 : memref<640x80xf32, #tpu.memory_space<hbm>>) target(%dma_start3A_17 : memref<640x80xf32, #tpu.memory_space<vmem_shared>>) target_semaphore(%run_scoped3A : memref<!tpu.dma_semaphore, #tpu.memory_space<semaphore_mem>>)
      %dma_wait3A = arith.constant 0 : i32
      %dma_wait3A_20 = tpu.memref_slice %arg11[%mul3A_4, %dma_wait3A] : memref<10240x80xf32, #tpu.memory_space<vmem_shared>> -> memref<640x80xf32, #tpu.memory_space<vmem_shared>>
      %dma_wait3A_21 = arith.constant 0 : i32
      %dma_wait3A_22 = tpu.memref_slice %arg5[%mul3A_2, %dma_wait3A_21] : memref<10240x80xf32, #tpu.memory_space<hbm>> -> memref<640x80xf32, #tpu.memory_space<hbm>>
      tpu.wait_dma2 semaphore(%run_scoped3A : memref<!tpu.dma_semaphore, #tpu.memory_space<semaphore_mem>>) src(%dma_wait3A_22 : memref<640x80xf32, #tpu.memory_space<hbm>>) dst(%dma_wait3A_20 : memref<640x80xf32, #tpu.memory_space<vmem_shared>>)
      tpu.yield
    }) : () -> ()
    %barrier3A = arith.constant 0 : index
    tpu.barrier barrier_id(%barrier3A)
    %mul3A_5 = arith.constant 40 : i32
    %mul3A_6 = arith.muli %add3A, %mul3A_5 : i32
    %scan3A = arith.constant 0 : i32
    %scan3A_7 = arith.constant 0 : i32
    %scan3A_8 = arith.constant 20 : i32
    %scan3A_9 = arith.addi %scan3A_7, %scan3A_8 : i32
    %scan3A_10 = arith.constant 1 : i32
    scf.for %scan3A_17 = %scan3A_7 to %scan3A_9 step %scan3A_10  : i32 {
      %mul3A_18 = arith.constant 2 : i32
      %mul3A_19 = arith.muli %scan3A_17, %mul3A_18 : i32
      %add3A_20 = arith.addi %mul3A_6, %mul3A_19 : i32
      %multiple_of3A = tpu.assume_multiple %add3A_20, 1 : i32
      "tpu.region"() ({
        %run_scoped3A_48 = tpu.sem_alloc : memref<!tpu.dma_semaphore, #tpu.memory_space<semaphore_mem>>
        %dma_start3A_49 = arith.constant 0 : i32
        %dma_start3A_50 = tpu.memref_slice %arg2[%multiple_of3A, %dma_start3A_49] : memref<1280x128xi32, #tpu.memory_space<hbm>> -> memref<2x128xi32, #tpu.memory_space<hbm>>
        %dma_start3A_51 = arith.constant 0 : i32
        %dma_start3A_52 = tpu.memref_slice %arg2[%multiple_of3A, %dma_start3A_51] : memref<1280x128xi32, #tpu.memory_space<hbm>> -> memref<2x128xi32, #tpu.memory_space<hbm>>
        tpu.enqueue_dma source(%dma_start3A_52 : memref<2x128xi32, #tpu.memory_space<hbm>>) target(%arg7 : memref<2x128xi32, #tpu.memory_space<vmem>>) target_semaphore(%run_scoped3A_48 : memref<!tpu.dma_semaphore, #tpu.memory_space<semaphore_mem>>)
        %dma_wait3A_53 = arith.constant 0 : i32
        %dma_wait3A_54 = tpu.memref_slice %arg2[%multiple_of3A, %dma_wait3A_53] : memref<1280x128xi32, #tpu.memory_space<hbm>> -> memref<2x128xi32, #tpu.memory_space<hbm>>
        %dma_wait3A_55 = arith.constant 0 : i32
        %dma_wait3A_56 = tpu.memref_slice %arg2[%multiple_of3A, %dma_wait3A_55] : memref<1280x128xi32, #tpu.memory_space<hbm>> -> memref<2x128xi32, #tpu.memory_space<hbm>>
        tpu.wait_dma2 semaphore(%run_scoped3A_48 : memref<!tpu.dma_semaphore, #tpu.memory_space<semaphore_mem>>) src(%dma_wait3A_56 : memref<2x128xi32, #tpu.memory_space<hbm>>) dst(%arg7 : memref<2x128xi32, #tpu.memory_space<vmem>>)
        tpu.yield
      }) : () -> ()
      "tpu.region"() ({
        %run_scoped3A_48 = tpu.sem_alloc : memref<!tpu.dma_semaphore, #tpu.memory_space<semaphore_mem>>
        %dma_start3A_49 = arith.constant 0 : i32
        %dma_start3A_50 = tpu.memref_slice %arg3[%multiple_of3A, %dma_start3A_49] : memref<1280x128xi32, #tpu.memory_space<hbm>> -> memref<2x128xi32, #tpu.memory_space<hbm>>
        %dma_start3A_51 = arith.constant 0 : i32
        %dma_start3A_52 = tpu.memref_slice %arg3[%multiple_of3A, %dma_start3A_51] : memref<1280x128xi32, #tpu.memory_space<hbm>> -> memref<2x128xi32, #tpu.memory_space<hbm>>
        tpu.enqueue_dma source(%dma_start3A_52 : memref<2x128xi32, #tpu.memory_space<hbm>>) target(%arg8 : memref<2x128xi32, #tpu.memory_space<vmem>>) target_semaphore(%run_scoped3A_48 : memref<!tpu.dma_semaphore, #tpu.memory_space<semaphore_mem>>)
        %dma_wait3A_53 = arith.constant 0 : i32
        %dma_wait3A_54 = tpu.memref_slice %arg3[%multiple_of3A, %dma_wait3A_53] : memref<1280x128xi32, #tpu.memory_space<hbm>> -> memref<2x128xi32, #tpu.memory_space<hbm>>
        %dma_wait3A_55 = arith.constant 0 : i32
        %dma_wait3A_56 = tpu.memref_slice %arg3[%multiple_of3A, %dma_wait3A_55] : memref<1280x128xi32, #tpu.memory_space<hbm>> -> memref<2x128xi32, #tpu.memory_space<hbm>>
        tpu.wait_dma2 semaphore(%run_scoped3A_48 : memref<!tpu.dma_semaphore, #tpu.memory_space<semaphore_mem>>) src(%dma_wait3A_56 : memref<2x128xi32, #tpu.memory_space<hbm>>) dst(%arg8 : memref<2x128xi32, #tpu.memory_space<vmem>>)
        tpu.yield
      }) : () -> ()
      %dma_start3A = arith.constant 0 : i32
      %dma_start3A_21 = arith.constant 0 : i32
      %dma_start3A_22 = tpu.memref_slice %arg7[%dma_start3A, %dma_start3A_21] : memref<2x128xi32, #tpu.memory_space<vmem>> -> memref<1x128xi32, #tpu.memory_space<vmem>>
      %dma_start3A_23 = tpu.memref_squeeze %dma_start3A_22 : memref<1x128xi32, #tpu.memory_space<vmem>> -> memref<128xi32, #tpu.memory_space<vmem>>
      %dma_start3A_24 = arith.constant 0 : i32
      %dma_start3A_25 = arith.constant 0 : i32
      %dma_start3A_26 = tpu.memref_slice %arg4[%dma_start3A_24, %dma_start3A_25] : memref<10240x80xf32, #tpu.memory_space<hbm>> -> memref<10240x80xf32, #tpu.memory_space<hbm>>
      tpu.enqueue_indirect_dma source(%dma_start3A_26 : memref<10240x80xf32, #tpu.memory_space<hbm>>) target(%arg9 : memref<128x80xf32, #tpu.memory_space<vmem>>) offsets(%dma_start3A_23 : memref<128xi32, #tpu.memory_space<vmem>>) semaphore(%arg12 : memref<!tpu.dma_semaphore, #tpu.memory_space<semaphore_mem>>)
      %dma_start3A_27 = arith.constant 1 : i32
      %dma_start3A_28 = arith.constant 0 : i32
      %dma_start3A_29 = tpu.memref_slice %arg7[%dma_start3A_27, %dma_start3A_28] : memref<2x128xi32, #tpu.memory_space<vmem>> -> memref<1x128xi32, #tpu.memory_space<vmem>>
      %dma_start3A_30 = tpu.memref_squeeze %dma_start3A_29 : memref<1x128xi32, #tpu.memory_space<vmem>> -> memref<128xi32, #tpu.memory_space<vmem>>
      %dma_start3A_31 = arith.constant 0 : i32
      %dma_start3A_32 = arith.constant 0 : i32
      %dma_start3A_33 = tpu.memref_slice %arg4[%dma_start3A_31, %dma_start3A_32] : memref<10240x80xf32, #tpu.memory_space<hbm>> -> memref<10240x80xf32, #tpu.memory_space<hbm>>
      tpu.enqueue_indirect_dma source(%dma_start3A_33 : memref<10240x80xf32, #tpu.memory_space<hbm>>) target(%arg10 : memref<128x80xf32, #tpu.memory_space<vmem>>) offsets(%dma_start3A_30 : memref<128xi32, #tpu.memory_space<vmem>>) semaphore(%arg13 : memref<!tpu.dma_semaphore, #tpu.memory_space<semaphore_mem>>)
      %dma_wait3A = arith.constant 0 : i32
      %dma_wait3A_34 = arith.constant 0 : i32
      %dma_wait3A_35 = tpu.memref_slice %arg7[%dma_wait3A, %dma_wait3A_34] : memref<2x128xi32, #tpu.memory_space<vmem>> -> memref<1x128xi32, #tpu.memory_space<vmem>>
      %dma_wait3A_36 = tpu.memref_squeeze %dma_wait3A_35 : memref<1x128xi32, #tpu.memory_space<vmem>> -> memref<128xi32, #tpu.memory_space<vmem>>
      %dma_wait3A_37 = arith.constant 0 : i32
      %dma_wait3A_38 = arith.constant 0 : i32
      %dma_wait3A_39 = tpu.memref_slice %arg4[%dma_wait3A_37, %dma_wait3A_38] : memref<10240x80xf32, #tpu.memory_space<hbm>> -> memref<10240x80xf32, #tpu.memory_space<hbm>>
      tpu.wait_indirect_dma semaphore(%arg12 : memref<!tpu.dma_semaphore, #tpu.memory_space<semaphore_mem>>) src(%dma_wait3A_39 : memref<10240x80xf32, #tpu.memory_space<hbm>>) dst(%arg9 : memref<128x80xf32, #tpu.memory_space<vmem>>)
      %run_scoped3A = arith.constant 0 : i32
      "tpu.region"() ({
        %run_scoped3A_48 = tpu.sem_alloc : memref<!tpu.dma_semaphore, #tpu.memory_space<semaphore_mem>>
        %dma_start3A_49 = arith.constant 0 : i32
        %dma_start3A_50 = tpu.memref_slice %arg8[%run_scoped3A, %dma_start3A_49] : memref<2x128xi32, #tpu.memory_space<vmem>> -> memref<1x128xi32, #tpu.memory_space<vmem>>
        %dma_start3A_51 = tpu.memref_squeeze %dma_start3A_50 : memref<1x128xi32, #tpu.memory_space<vmem>> -> memref<128xi32, #tpu.memory_space<vmem>>
        %dma_start3A_52 = arith.constant 0 : i32
        %dma_start3A_53 = arith.constant 0 : i32
        %dma_start3A_54 = tpu.memref_slice %arg11[%dma_start3A_52, %dma_start3A_53] : memref<10240x80xf32, #tpu.memory_space<vmem_shared>> -> memref<10240x80xf32, #tpu.memory_space<vmem_shared>>
        tpu.enqueue_indirect_dma source(%arg9 : memref<128x80xf32, #tpu.memory_space<vmem>>) target(%dma_start3A_54 : memref<10240x80xf32, #tpu.memory_space<vmem_shared>>) offsets(%dma_start3A_51 : memref<128xi32, #tpu.memory_space<vmem>>) semaphore(%run_scoped3A_48 : memref<!tpu.dma_semaphore, #tpu.memory_space<semaphore_mem>>) {add = true}
        %dma_wait3A_55 = arith.constant 0 : i32
        %dma_wait3A_56 = tpu.memref_slice %arg8[%run_scoped3A, %dma_wait3A_55] : memref<2x128xi32, #tpu.memory_space<vmem>> -> memref<1x128xi32, #tpu.memory_space<vmem>>
        %dma_wait3A_57 = tpu.memref_squeeze %dma_wait3A_56 : memref<1x128xi32, #tpu.memory_space<vmem>> -> memref<128xi32, #tpu.memory_space<vmem>>
        %dma_wait3A_58 = arith.constant 0 : i32
        %dma_wait3A_59 = arith.constant 0 : i32
        %dma_wait3A_60 = tpu.memref_slice %arg11[%dma_wait3A_58, %dma_wait3A_59] : memref<10240x80xf32, #tpu.memory_space<vmem_shared>> -> memref<10240x80xf32, #tpu.memory_space<vmem_shared>>
        tpu.wait_indirect_dma semaphore(%run_scoped3A_48 : memref<!tpu.dma_semaphore, #tpu.memory_space<semaphore_mem>>) src(%arg9 : memref<128x80xf32, #tpu.memory_space<vmem>>) dst(%dma_wait3A_60 : memref<10240x80xf32, #tpu.memory_space<vmem_shared>>)
        tpu.yield
      }) : () -> ()
      %dma_wait3A_40 = arith.constant 1 : i32
      %dma_wait3A_41 = arith.constant 0 : i32
      %dma_wait3A_42 = tpu.memref_slice %arg7[%dma_wait3A_40, %dma_wait3A_41] : memref<2x128xi32, #tpu.memory_space<vmem>> -> memref<1x128xi32, #tpu.memory_space<vmem>>
      %dma_wait3A_43 = tpu.memref_squeeze %dma_wait3A_42 : memref<1x128xi32, #tpu.memory_space<vmem>> -> memref<128xi32, #tpu.memory_space<vmem>>
      %dma_wait3A_44 = arith.constant 0 : i32
      %dma_wait3A_45 = arith.constant 0 : i32
      %dma_wait3A_46 = tpu.memref_slice %arg4[%dma_wait3A_44, %dma_wait3A_45] : memref<10240x80xf32, #tpu.memory_space<hbm>> -> memref<10240x80xf32, #tpu.memory_space<hbm>>
      tpu.wait_indirect_dma semaphore(%arg13 : memref<!tpu.dma_semaphore, #tpu.memory_space<semaphore_mem>>) src(%dma_wait3A_46 : memref<10240x80xf32, #tpu.memory_space<hbm>>) dst(%arg10 : memref<128x80xf32, #tpu.memory_space<vmem>>)
      %run_scoped3A_47 = arith.constant 1 : i32
      "tpu.region"() ({
        %run_scoped3A_48 = tpu.sem_alloc : memref<!tpu.dma_semaphore, #tpu.memory_space<semaphore_mem>>
        %dma_start3A_49 = arith.constant 0 : i32
        %dma_start3A_50 = tpu.memref_slice %arg8[%run_scoped3A_47, %dma_start3A_49] : memref<2x128xi32, #tpu.memory_space<vmem>> -> memref<1x128xi32, #tpu.memory_space<vmem>>
        %dma_start3A_51 = tpu.memref_squeeze %dma_start3A_50 : memref<1x128xi32, #tpu.memory_space<vmem>> -> memref<128xi32, #tpu.memory_space<vmem>>
        %dma_start3A_52 = arith.constant 0 : i32
        %dma_start3A_53 = arith.constant 0 : i32
        %dma_start3A_54 = tpu.memref_slice %arg11[%dma_start3A_52, %dma_start3A_53] : memref<10240x80xf32, #tpu.memory_space<vmem_shared>> -> memref<10240x80xf32, #tpu.memory_space<vmem_shared>>
        tpu.enqueue_indirect_dma source(%arg10 : memref<128x80xf32, #tpu.memory_space<vmem>>) target(%dma_start3A_54 : memref<10240x80xf32, #tpu.memory_space<vmem_shared>>) offsets(%dma_start3A_51 : memref<128xi32, #tpu.memory_space<vmem>>) semaphore(%run_scoped3A_48 : memref<!tpu.dma_semaphore, #tpu.memory_space<semaphore_mem>>) {add = true}
        %dma_wait3A_55 = arith.constant 0 : i32
        %dma_wait3A_56 = tpu.memref_slice %arg8[%run_scoped3A_47, %dma_wait3A_55] : memref<2x128xi32, #tpu.memory_space<vmem>> -> memref<1x128xi32, #tpu.memory_space<vmem>>
        %dma_wait3A_57 = tpu.memref_squeeze %dma_wait3A_56 : memref<1x128xi32, #tpu.memory_space<vmem>> -> memref<128xi32, #tpu.memory_space<vmem>>
        %dma_wait3A_58 = arith.constant 0 : i32
        %dma_wait3A_59 = arith.constant 0 : i32
        %dma_wait3A_60 = tpu.memref_slice %arg11[%dma_wait3A_58, %dma_wait3A_59] : memref<10240x80xf32, #tpu.memory_space<vmem_shared>> -> memref<10240x80xf32, #tpu.memory_space<vmem_shared>>
        tpu.wait_indirect_dma semaphore(%run_scoped3A_48 : memref<!tpu.dma_semaphore, #tpu.memory_space<semaphore_mem>>) src(%arg10 : memref<128x80xf32, #tpu.memory_space<vmem>>) dst(%dma_wait3A_60 : memref<10240x80xf32, #tpu.memory_space<vmem_shared>>)
        tpu.yield
      }) : () -> ()
    }
    %scan3A_11 = arith.constant 20 : i32
    %barrier3A_12 = arith.constant 0 : index
    tpu.barrier barrier_id(%barrier3A_12)
    %mul3A_13 = arith.constant 640 : i32
    %mul3A_14 = arith.muli %arg1, %mul3A_13 : i32
    %mul3A_15 = arith.constant 640 : i32
    %mul3A_16 = arith.muli %arg1, %mul3A_15 : i32
    "tpu.region"() ({
      %run_scoped3A = tpu.sem_alloc : memref<!tpu.dma_semaphore, #tpu.memory_space<semaphore_mem>>
      %dma_start3A = arith.constant 0 : i32
      %dma_start3A_17 = tpu.memref_slice %arg6[%arg0, %mul3A_16, %dma_start3A] : memref<2x10240x80xf32, #tpu.memory_space<hbm>> -> memref<1x640x80xf32, #tpu.memory_space<hbm>>
      %dma_start3A_18 = tpu.memref_squeeze %dma_start3A_17 : memref<1x640x80xf32, #tpu.memory_space<hbm>> -> memref<640x80xf32, #tpu.memory_space<hbm>>
      %dma_start3A_19 = arith.constant 0 : i32
      %dma_start3A_20 = tpu.memref_slice %arg11[%mul3A_14, %dma_start3A_19] : memref<10240x80xf32, #tpu.memory_space<vmem_shared>> -> memref<640x80xf32, #tpu.memory_space<vmem_shared>>
      tpu.enqueue_dma source(%dma_start3A_20 : memref<640x80xf32, #tpu.memory_space<vmem_shared>>) target(%dma_start3A_18 : memref<640x80xf32, #tpu.memory_space<hbm>>) target_semaphore(%run_scoped3A : memref<!tpu.dma_semaphore, #tpu.memory_space<semaphore_mem>>)
      %dma_wait3A = arith.constant 0 : i32
      %dma_wait3A_21 = tpu.memref_slice %arg6[%arg0, %mul3A_16, %dma_wait3A] : memref<2x10240x80xf32, #tpu.memory_space<hbm>> -> memref<1x640x80xf32, #tpu.memory_space<hbm>>
      %dma_wait3A_22 = tpu.memref_squeeze %dma_wait3A_21 : memref<1x640x80xf32, #tpu.memory_space<hbm>> -> memref<640x80xf32, #tpu.memory_space<hbm>>
      %dma_wait3A_23 = arith.constant 0 : i32
      %dma_wait3A_24 = tpu.memref_slice %arg11[%mul3A_14, %dma_wait3A_23] : memref<10240x80xf32, #tpu.memory_space<vmem_shared>> -> memref<640x80xf32, #tpu.memory_space<vmem_shared>>
      tpu.wait_dma2 semaphore(%run_scoped3A : memref<!tpu.dma_semaphore, #tpu.memory_space<semaphore_mem>>) src(%dma_wait3A_24 : memref<640x80xf32, #tpu.memory_space<vmem_shared>>) dst(%dma_wait3A_22 : memref<640x80xf32, #tpu.memory_space<hbm>>)
      tpu.yield
    }) : () -> ()
    return
  }
}

#map = affine_map<(d0, d1) -> (0)>
#map1 = affine_map<(d0, d1) -> (0, 0)>
#map2 = affine_map<(d0, d1) -> (0, 0, 0)>
module attributes {stable_mosaic.version = 14 : i64} {
  func.func @k(%arg0: i32, %arg1: i32, %arg2: memref<163840xi32, #tpu.memory_space<hbm>>, %arg3: memref<10240x8xf32, #tpu.memory_space<hbm>>, %arg4: memref<128x8xf32, #tpu.memory_space<hbm>>, %arg5: memref<2x10240x8xf32, #tpu.memory_space<hbm>>, %arg6: memref<128xi32, #tpu.memory_space<vmem>>, %arg7: memref<128x8xf32, #tpu.memory_space<vmem>>, %arg8: memref<10240x8xf32, #tpu.memory_space<vmem_shared>>, %arg9: memref<!tpu.dma_semaphore, #tpu.memory_space<semaphore_mem>>) attributes {dimension_semantics = [#tpu.dimension_semantics<core_parallel>, #tpu.dimension_semantics<subcore_parallel>], iteration_bounds = array<i64: 2, 16>, scalar_prefetch = 0 : i64, scratch_operands = 4 : i64, tpu.core_type = #tpu.core_type<sc_vector_subcore>, window_params = [{transform_indices = #map}, {transform_indices = #map1}, {transform_indices = #map1}, {transform_indices = #map2}]} {
    %mul3A = arith.constant 2 : i32
    %mul3A_0 = arith.muli %arg1, %mul3A : i32
    %add3A = arith.addi %mul3A_0, %arg0 : i32
    %mul3A_1 = arith.constant 640 : i32
    %mul3A_2 = arith.muli %arg1, %mul3A_1 : i32
    %mul3A_3 = arith.constant 640 : i32
    %mul3A_4 = arith.muli %arg1, %mul3A_3 : i32
    "tpu.region"() ({
      %run_scoped3A = tpu.sem_alloc : memref<!tpu.dma_semaphore, #tpu.memory_space<semaphore_mem>>
      %dma_start3A = arith.constant 0 : i32
      %dma_start3A_17 = tpu.memref_slice %arg8[%mul3A_4, %dma_start3A] : memref<10240x8xf32, #tpu.memory_space<vmem_shared>> -> memref<640x8xf32, #tpu.memory_space<vmem_shared>>
      %dma_start3A_18 = arith.constant 0 : i32
      %dma_start3A_19 = tpu.memref_slice %arg3[%mul3A_2, %dma_start3A_18] : memref<10240x8xf32, #tpu.memory_space<hbm>> -> memref<640x8xf32, #tpu.memory_space<hbm>>
      tpu.enqueue_dma source(%dma_start3A_19 : memref<640x8xf32, #tpu.memory_space<hbm>>) target(%dma_start3A_17 : memref<640x8xf32, #tpu.memory_space<vmem_shared>>) target_semaphore(%run_scoped3A : memref<!tpu.dma_semaphore, #tpu.memory_space<semaphore_mem>>)
      %dma_wait3A = arith.constant 0 : i32
      %dma_wait3A_20 = tpu.memref_slice %arg8[%mul3A_4, %dma_wait3A] : memref<10240x8xf32, #tpu.memory_space<vmem_shared>> -> memref<640x8xf32, #tpu.memory_space<vmem_shared>>
      %dma_wait3A_21 = arith.constant 0 : i32
      %dma_wait3A_22 = tpu.memref_slice %arg3[%mul3A_2, %dma_wait3A_21] : memref<10240x8xf32, #tpu.memory_space<hbm>> -> memref<640x8xf32, #tpu.memory_space<hbm>>
      tpu.wait_dma2 semaphore(%run_scoped3A : memref<!tpu.dma_semaphore, #tpu.memory_space<semaphore_mem>>) src(%dma_wait3A_22 : memref<640x8xf32, #tpu.memory_space<hbm>>) dst(%dma_wait3A_20 : memref<640x8xf32, #tpu.memory_space<vmem_shared>>)
      tpu.yield
    }) : () -> ()
    "tpu.region"() ({
      %run_scoped3A = tpu.sem_alloc : memref<!tpu.dma_semaphore, #tpu.memory_space<semaphore_mem>>
      tpu.enqueue_dma source(%arg4 : memref<128x8xf32, #tpu.memory_space<hbm>>) target(%arg7 : memref<128x8xf32, #tpu.memory_space<vmem>>) target_semaphore(%run_scoped3A : memref<!tpu.dma_semaphore, #tpu.memory_space<semaphore_mem>>)
      tpu.wait_dma2 semaphore(%run_scoped3A : memref<!tpu.dma_semaphore, #tpu.memory_space<semaphore_mem>>) src(%arg4 : memref<128x8xf32, #tpu.memory_space<hbm>>) dst(%arg7 : memref<128x8xf32, #tpu.memory_space<vmem>>)
      tpu.yield
    }) : () -> ()
    %barrier3A = arith.constant 0 : index
    tpu.barrier barrier_id(%barrier3A)
    %mul3A_5 = arith.constant 5120 : i32
    %mul3A_6 = arith.muli %add3A, %mul3A_5 : i32
    %scan3A = arith.constant 0 : i32
    %scan3A_7 = arith.constant 0 : i32
    %scan3A_8 = arith.constant 40 : i32
    %scan3A_9 = arith.addi %scan3A_7, %scan3A_8 : i32
    %scan3A_10 = arith.constant 1 : i32
    scf.for %scan3A_17 = %scan3A_7 to %scan3A_9 step %scan3A_10  : i32 {
      %mul3A_18 = arith.constant 128 : i32
      %mul3A_19 = arith.muli %scan3A_17, %mul3A_18 : i32
      %add3A_20 = arith.addi %mul3A_6, %mul3A_19 : i32
      %multiple_of3A = tpu.assume_multiple %add3A_20, 8 : i32
      "tpu.region"() ({
        %run_scoped3A = tpu.sem_alloc : memref<!tpu.dma_semaphore, #tpu.memory_space<semaphore_mem>>
        %dma_start3A = tpu.memref_slice %arg2[%multiple_of3A] : memref<163840xi32, #tpu.memory_space<hbm>> -> memref<128xi32, #tpu.memory_space<hbm>>
        %dma_start3A_21 = tpu.memref_slice %arg2[%multiple_of3A] : memref<163840xi32, #tpu.memory_space<hbm>> -> memref<128xi32, #tpu.memory_space<hbm>>
        tpu.enqueue_dma source(%dma_start3A_21 : memref<128xi32, #tpu.memory_space<hbm>>) target(%arg6 : memref<128xi32, #tpu.memory_space<vmem>>) target_semaphore(%run_scoped3A : memref<!tpu.dma_semaphore, #tpu.memory_space<semaphore_mem>>)
        %dma_wait3A = tpu.memref_slice %arg2[%multiple_of3A] : memref<163840xi32, #tpu.memory_space<hbm>> -> memref<128xi32, #tpu.memory_space<hbm>>
        %dma_wait3A_22 = tpu.memref_slice %arg2[%multiple_of3A] : memref<163840xi32, #tpu.memory_space<hbm>> -> memref<128xi32, #tpu.memory_space<hbm>>
        tpu.wait_dma2 semaphore(%run_scoped3A : memref<!tpu.dma_semaphore, #tpu.memory_space<semaphore_mem>>) src(%dma_wait3A_22 : memref<128xi32, #tpu.memory_space<hbm>>) dst(%arg6 : memref<128xi32, #tpu.memory_space<vmem>>)
        tpu.yield
      }) : () -> ()
      "tpu.region"() ({
        %run_scoped3A = tpu.sem_alloc : memref<!tpu.dma_semaphore, #tpu.memory_space<semaphore_mem>>
        %dma_start3A = arith.constant 0 : i32
        %dma_start3A_21 = arith.constant 0 : i32
        %dma_start3A_22 = tpu.memref_slice %arg8[%dma_start3A, %dma_start3A_21] : memref<10240x8xf32, #tpu.memory_space<vmem_shared>> -> memref<10240x8xf32, #tpu.memory_space<vmem_shared>>
        tpu.enqueue_indirect_dma source(%arg7 : memref<128x8xf32, #tpu.memory_space<vmem>>) target(%dma_start3A_22 : memref<10240x8xf32, #tpu.memory_space<vmem_shared>>) offsets(%arg6 : memref<128xi32, #tpu.memory_space<vmem>>) semaphore(%run_scoped3A : memref<!tpu.dma_semaphore, #tpu.memory_space<semaphore_mem>>) {add = true}
        %dma_wait3A = arith.constant 0 : i32
        %dma_wait3A_23 = arith.constant 0 : i32
        %dma_wait3A_24 = tpu.memref_slice %arg8[%dma_wait3A, %dma_wait3A_23] : memref<10240x8xf32, #tpu.memory_space<vmem_shared>> -> memref<10240x8xf32, #tpu.memory_space<vmem_shared>>
        tpu.wait_indirect_dma semaphore(%run_scoped3A : memref<!tpu.dma_semaphore, #tpu.memory_space<semaphore_mem>>) src(%arg7 : memref<128x8xf32, #tpu.memory_space<vmem>>) dst(%dma_wait3A_24 : memref<10240x8xf32, #tpu.memory_space<vmem_shared>>)
        tpu.yield
      }) : () -> ()
    }
    %scan3A_11 = arith.constant 40 : i32
    %barrier3A_12 = arith.constant 0 : index
    tpu.barrier barrier_id(%barrier3A_12)
    %mul3A_13 = arith.constant 640 : i32
    %mul3A_14 = arith.muli %arg1, %mul3A_13 : i32
    %mul3A_15 = arith.constant 640 : i32
    %mul3A_16 = arith.muli %arg1, %mul3A_15 : i32
    "tpu.region"() ({
      %run_scoped3A = tpu.sem_alloc : memref<!tpu.dma_semaphore, #tpu.memory_space<semaphore_mem>>
      %dma_start3A = arith.constant 0 : i32
      %dma_start3A_17 = tpu.memref_slice %arg5[%arg0, %mul3A_16, %dma_start3A] : memref<2x10240x8xf32, #tpu.memory_space<hbm>> -> memref<1x640x8xf32, #tpu.memory_space<hbm>>
      %dma_start3A_18 = tpu.memref_squeeze %dma_start3A_17 : memref<1x640x8xf32, #tpu.memory_space<hbm>> -> memref<640x8xf32, #tpu.memory_space<hbm>>
      %dma_start3A_19 = arith.constant 0 : i32
      %dma_start3A_20 = tpu.memref_slice %arg8[%mul3A_14, %dma_start3A_19] : memref<10240x8xf32, #tpu.memory_space<vmem_shared>> -> memref<640x8xf32, #tpu.memory_space<vmem_shared>>
      tpu.enqueue_dma source(%dma_start3A_20 : memref<640x8xf32, #tpu.memory_space<vmem_shared>>) target(%dma_start3A_18 : memref<640x8xf32, #tpu.memory_space<hbm>>) target_semaphore(%run_scoped3A : memref<!tpu.dma_semaphore, #tpu.memory_space<semaphore_mem>>)
      %dma_wait3A = arith.constant 0 : i32
      %dma_wait3A_21 = tpu.memref_slice %arg5[%arg0, %mul3A_16, %dma_wait3A] : memref<2x10240x8xf32, #tpu.memory_space<hbm>> -> memref<1x640x8xf32, #tpu.memory_space<hbm>>
      %dma_wait3A_22 = tpu.memref_squeeze %dma_wait3A_21 : memref<1x640x8xf32, #tpu.memory_space<hbm>> -> memref<640x8xf32, #tpu.memory_space<hbm>>
      %dma_wait3A_23 = arith.constant 0 : i32
      %dma_wait3A_24 = tpu.memref_slice %arg8[%mul3A_14, %dma_wait3A_23] : memref<10240x8xf32, #tpu.memory_space<vmem_shared>> -> memref<640x8xf32, #tpu.memory_space<vmem_shared>>
      tpu.wait_dma2 semaphore(%run_scoped3A : memref<!tpu.dma_semaphore, #tpu.memory_space<semaphore_mem>>) src(%dma_wait3A_24 : memref<640x8xf32, #tpu.memory_space<vmem_shared>>) dst(%dma_wait3A_22 : memref<640x8xf32, #tpu.memory_space<hbm>>)
      tpu.yield
    }) : () -> ()
    return
  }
}

#map = affine_map<(d0, d1) -> (0, 0)>
#map1 = affine_map<(d0, d1) -> (0, 0, 0)>
module attributes {stable_mosaic.version = 14 : i64} {
  func.func @k(%arg0: i32, %arg1: i32, %arg2: memref<1280x128xi32, #tpu.memory_space<hbm>>, %arg3: memref<1280x128xi32, #tpu.memory_space<hbm>>, %arg4: memref<10240x80xf32, #tpu.memory_space<hbm>>, %arg5: memref<10240x80xf32, #tpu.memory_space<hbm>>, %arg6: memref<2x10240x80xf32, #tpu.memory_space<hbm>>, %arg7: memref<2x128xi32, #tpu.memory_space<vmem>>, %arg8: memref<2x128xi32, #tpu.memory_space<vmem>>, %arg9: memref<128x80xf32, #tpu.memory_space<vmem>>, %arg10: memref<128x80xf32, #tpu.memory_space<vmem>>, %arg11: memref<10240x80xf32, #tpu.memory_space<vmem_shared>>, %arg12: memref<!tpu.dma_semaphore, #tpu.memory_space<semaphore_mem>>, %arg13: memref<!tpu.dma_semaphore, #tpu.memory_space<semaphore_mem>>) attributes {dimension_semantics = [#tpu.dimension_semantics<core_parallel>, #tpu.dimension_semantics<subcore_parallel>], iteration_bounds = array<i64: 2, 16>, scalar_prefetch = 0 : i64, scratch_operands = 7 : i64, tpu.core_type = #tpu.core_type<sc_vector_subcore>, window_params = [{transform_indices = #map}, {transform_indices = #map}, {transform_indices = #map}, {transform_indices = #map}, {transform_indices = #map1}]} {
    %mul3A = arith.constant 2 : i32
    %mul3A_0 = arith.muli %arg1, %mul3A : i32
    %add3A = arith.addi %mul3A_0, %arg0 : i32
    %mul3A_1 = arith.constant 640 : i32
    %mul3A_2 = arith.muli %arg1, %mul3A_1 : i32
    %mul3A_3 = arith.constant 640 : i32
    %mul3A_4 = arith.muli %arg1, %mul3A_3 : i32
    "tpu.region"() ({
      %run_scoped3A = tpu.sem_alloc : memref<!tpu.dma_semaphore, #tpu.memory_space<semaphore_mem>>
      %dma_start3A = arith.constant 0 : i32
      %dma_start3A_17 = tpu.memref_slice %arg11[%mul3A_4, %dma_start3A] : memref<10240x80xf32, #tpu.memory_space<vmem_shared>> -> memref<640x80xf32, #tpu.memory_space<vmem_shared>>
      %dma_start3A_18 = arith.constant 0 : i32
      %dma_start3A_19 = tpu.memref_slice %arg5[%mul3A_2, %dma_start3A_18] : memref<10240x80xf32, #tpu.memory_space<hbm>> -> memref<640x80xf32, #tpu.memory_space<hbm>>
      tpu.enqueue_dma source(%dma_start3A_19 : memref<640x80xf32, #tpu.memory_space<hbm>>) target(%dma_start3A_17 : memref<640x80xf32, #tpu.memory_space<vmem_shared>>) target_semaphore(%run_scoped3A : memref<!tpu.dma_semaphore, #tpu.memory_space<semaphore_mem>>)
      %dma_wait3A = arith.constant 0 : i32
      %dma_wait3A_20 = tpu.memref_slice %arg11[%mul3A_4, %dma_wait3A] : memref<10240x80xf32, #tpu.memory_space<vmem_shared>> -> memref<640x80xf32, #tpu.memory_space<vmem_shared>>
      %dma_wait3A_21 = arith.constant 0 : i32
      %dma_wait3A_22 = tpu.memref_slice %arg5[%mul3A_2, %dma_wait3A_21] : memref<10240x80xf32, #tpu.memory_space<hbm>> -> memref<640x80xf32, #tpu.memory_space<hbm>>
      tpu.wait_dma2 semaphore(%run_scoped3A : memref<!tpu.dma_semaphore, #tpu.memory_space<semaphore_mem>>) src(%dma_wait3A_22 : memref<640x80xf32, #tpu.memory_space<hbm>>) dst(%dma_wait3A_20 : memref<640x80xf32, #tpu.memory_space<vmem_shared>>)
      tpu.yield
    }) : () -> ()
    %barrier3A = arith.constant 0 : index
    tpu.barrier barrier_id(%barrier3A)
    %mul3A_5 = arith.constant 40 : i32
    %mul3A_6 = arith.muli %add3A, %mul3A_5 : i32
    %scan3A = arith.constant 0 : i32
    %scan3A_7 = arith.constant 0 : i32
    %scan3A_8 = arith.constant 20 : i32
    %scan3A_9 = arith.addi %scan3A_7, %scan3A_8 : i32
    %scan3A_10 = arith.constant 1 : i32
    scf.for %scan3A_17 = %scan3A_7 to %scan3A_9 step %scan3A_10  : i32 {
      %mul3A_18 = arith.constant 2 : i32
      %mul3A_19 = arith.muli %scan3A_17, %mul3A_18 : i32
      %add3A_20 = arith.addi %mul3A_6, %mul3A_19 : i32
      %multiple_of3A = tpu.assume_multiple %add3A_20, 1 : i32
      "tpu.region"() ({
        %run_scoped3A_48 = tpu.sem_alloc : memref<!tpu.dma_semaphore, #tpu.memory_space<semaphore_mem>>
        %dma_start3A_49 = arith.constant 0 : i32
        %dma_start3A_50 = tpu.memref_slice %arg2[%multiple_of3A, %dma_start3A_49] : memref<1280x128xi32, #tpu.memory_space<hbm>> -> memref<2x128xi32, #tpu.memory_space<hbm>>
        %dma_start3A_51 = arith.constant 0 : i32
        %dma_start3A_52 = tpu.memref_slice %arg2[%multiple_of3A, %dma_start3A_51] : memref<1280x128xi32, #tpu.memory_space<hbm>> -> memref<2x128xi32, #tpu.memory_space<hbm>>
        tpu.enqueue_dma source(%dma_start3A_52 : memref<2x128xi32, #tpu.memory_space<hbm>>) target(%arg7 : memref<2x128xi32, #tpu.memory_space<vmem>>) target_semaphore(%run_scoped3A_48 : memref<!tpu.dma_semaphore, #tpu.memory_space<semaphore_mem>>)
        %dma_wait3A_53 = arith.constant 0 : i32
        %dma_wait3A_54 = tpu.memref_slice %arg2[%multiple_of3A, %dma_wait3A_53] : memref<1280x128xi32, #tpu.memory_space<hbm>> -> memref<2x128xi32, #tpu.memory_space<hbm>>
        %dma_wait3A_55 = arith.constant 0 : i32
        %dma_wait3A_56 = tpu.memref_slice %arg2[%multiple_of3A, %dma_wait3A_55] : memref<1280x128xi32, #tpu.memory_space<hbm>> -> memref<2x128xi32, #tpu.memory_space<hbm>>
        tpu.wait_dma2 semaphore(%run_scoped3A_48 : memref<!tpu.dma_semaphore, #tpu.memory_space<semaphore_mem>>) src(%dma_wait3A_56 : memref<2x128xi32, #tpu.memory_space<hbm>>) dst(%arg7 : memref<2x128xi32, #tpu.memory_space<vmem>>)
        tpu.yield
      }) : () -> ()
      "tpu.region"() ({
        %run_scoped3A_48 = tpu.sem_alloc : memref<!tpu.dma_semaphore, #tpu.memory_space<semaphore_mem>>
        %dma_start3A_49 = arith.constant 0 : i32
        %dma_start3A_50 = tpu.memref_slice %arg3[%multiple_of3A, %dma_start3A_49] : memref<1280x128xi32, #tpu.memory_space<hbm>> -> memref<2x128xi32, #tpu.memory_space<hbm>>
        %dma_start3A_51 = arith.constant 0 : i32
        %dma_start3A_52 = tpu.memref_slice %arg3[%multiple_of3A, %dma_start3A_51] : memref<1280x128xi32, #tpu.memory_space<hbm>> -> memref<2x128xi32, #tpu.memory_space<hbm>>
        tpu.enqueue_dma source(%dma_start3A_52 : memref<2x128xi32, #tpu.memory_space<hbm>>) target(%arg8 : memref<2x128xi32, #tpu.memory_space<vmem>>) target_semaphore(%run_scoped3A_48 : memref<!tpu.dma_semaphore, #tpu.memory_space<semaphore_mem>>)
        %dma_wait3A_53 = arith.constant 0 : i32
        %dma_wait3A_54 = tpu.memref_slice %arg3[%multiple_of3A, %dma_wait3A_53] : memref<1280x128xi32, #tpu.memory_space<hbm>> -> memref<2x128xi32, #tpu.memory_space<hbm>>
        %dma_wait3A_55 = arith.constant 0 : i32
        %dma_wait3A_56 = tpu.memref_slice %arg3[%multiple_of3A, %dma_wait3A_55] : memref<1280x128xi32, #tpu.memory_space<hbm>> -> memref<2x128xi32, #tpu.memory_space<hbm>>
        tpu.wait_dma2 semaphore(%run_scoped3A_48 : memref<!tpu.dma_semaphore, #tpu.memory_space<semaphore_mem>>) src(%dma_wait3A_56 : memref<2x128xi32, #tpu.memory_space<hbm>>) dst(%arg8 : memref<2x128xi32, #tpu.memory_space<vmem>>)
        tpu.yield
      }) : () -> ()
      %dma_start3A = arith.constant 0 : i32
      %dma_start3A_21 = arith.constant 0 : i32
      %dma_start3A_22 = tpu.memref_slice %arg7[%dma_start3A, %dma_start3A_21] : memref<2x128xi32, #tpu.memory_space<vmem>> -> memref<1x128xi32, #tpu.memory_space<vmem>>
      %dma_start3A_23 = tpu.memref_squeeze %dma_start3A_22 : memref<1x128xi32, #tpu.memory_space<vmem>> -> memref<128xi32, #tpu.memory_space<vmem>>
      %dma_start3A_24 = arith.constant 0 : i32
      %dma_start3A_25 = arith.constant 0 : i32
      %dma_start3A_26 = tpu.memref_slice %arg4[%dma_start3A_24, %dma_start3A_25] : memref<10240x80xf32, #tpu.memory_space<hbm>> -> memref<10240x80xf32, #tpu.memory_space<hbm>>
      tpu.enqueue_indirect_dma source(%dma_start3A_26 : memref<10240x80xf32, #tpu.memory_space<hbm>>) target(%arg9 : memref<128x80xf32, #tpu.memory_space<vmem>>) offsets(%dma_start3A_23 : memref<128xi32, #tpu.memory_space<vmem>>) semaphore(%arg12 : memref<!tpu.dma_semaphore, #tpu.memory_space<semaphore_mem>>)
      %dma_start3A_27 = arith.constant 1 : i32
      %dma_start3A_28 = arith.constant 0 : i32
      %dma_start3A_29 = tpu.memref_slice %arg7[%dma_start3A_27, %dma_start3A_28] : memref<2x128xi32, #tpu.memory_space<vmem>> -> memref<1x128xi32, #tpu.memory_space<vmem>>
      %dma_start3A_30 = tpu.memref_squeeze %dma_start3A_29 : memref<1x128xi32, #tpu.memory_space<vmem>> -> memref<128xi32, #tpu.memory_space<vmem>>
      %dma_start3A_31 = arith.constant 0 : i32
      %dma_start3A_32 = arith.constant 0 : i32
      %dma_start3A_33 = tpu.memref_slice %arg4[%dma_start3A_31, %dma_start3A_32] : memref<10240x80xf32, #tpu.memory_space<hbm>> -> memref<10240x80xf32, #tpu.memory_space<hbm>>
      tpu.enqueue_indirect_dma source(%dma_start3A_33 : memref<10240x80xf32, #tpu.memory_space<hbm>>) target(%arg10 : memref<128x80xf32, #tpu.memory_space<vmem>>) offsets(%dma_start3A_30 : memref<128xi32, #tpu.memory_space<vmem>>) semaphore(%arg13 : memref<!tpu.dma_semaphore, #tpu.memory_space<semaphore_mem>>)
      %dma_wait3A = arith.constant 0 : i32
      %dma_wait3A_34 = arith.constant 0 : i32
      %dma_wait3A_35 = tpu.memref_slice %arg7[%dma_wait3A, %dma_wait3A_34] : memref<2x128xi32, #tpu.memory_space<vmem>> -> memref<1x128xi32, #tpu.memory_space<vmem>>
      %dma_wait3A_36 = tpu.memref_squeeze %dma_wait3A_35 : memref<1x128xi32, #tpu.memory_space<vmem>> -> memref<128xi32, #tpu.memory_space<vmem>>
      %dma_wait3A_37 = arith.constant 0 : i32
      %dma_wait3A_38 = arith.constant 0 : i32
      %dma_wait3A_39 = tpu.memref_slice %arg4[%dma_wait3A_37, %dma_wait3A_38] : memref<10240x80xf32, #tpu.memory_space<hbm>> -> memref<10240x80xf32, #tpu.memory_space<hbm>>
      tpu.wait_indirect_dma semaphore(%arg12 : memref<!tpu.dma_semaphore, #tpu.memory_space<semaphore_mem>>) src(%dma_wait3A_39 : memref<10240x80xf32, #tpu.memory_space<hbm>>) dst(%arg9 : memref<128x80xf32, #tpu.memory_space<vmem>>)
      %run_scoped3A = arith.constant 0 : i32
      "tpu.region"() ({
        %run_scoped3A_48 = tpu.sem_alloc : memref<!tpu.dma_semaphore, #tpu.memory_space<semaphore_mem>>
        %dma_start3A_49 = arith.constant 0 : i32
        %dma_start3A_50 = tpu.memref_slice %arg8[%run_scoped3A, %dma_start3A_49] : memref<2x128xi32, #tpu.memory_space<vmem>> -> memref<1x128xi32, #tpu.memory_space<vmem>>
        %dma_start3A_51 = tpu.memref_squeeze %dma_start3A_50 : memref<1x128xi32, #tpu.memory_space<vmem>> -> memref<128xi32, #tpu.memory_space<vmem>>
        %dma_start3A_52 = arith.constant 0 : i32
        %dma_start3A_53 = arith.constant 0 : i32
        %dma_start3A_54 = tpu.memref_slice %arg11[%dma_start3A_52, %dma_start3A_53] : memref<10240x80xf32, #tpu.memory_space<vmem_shared>> -> memref<10240x80xf32, #tpu.memory_space<vmem_shared>>
        tpu.enqueue_indirect_dma source(%arg9 : memref<128x80xf32, #tpu.memory_space<vmem>>) target(%dma_start3A_54 : memref<10240x80xf32, #tpu.memory_space<vmem_shared>>) offsets(%dma_start3A_51 : memref<128xi32, #tpu.memory_space<vmem>>) semaphore(%run_scoped3A_48 : memref<!tpu.dma_semaphore, #tpu.memory_space<semaphore_mem>>) {add = true}
        %dma_wait3A_55 = arith.constant 0 : i32
        %dma_wait3A_56 = tpu.memref_slice %arg8[%run_scoped3A, %dma_wait3A_55] : memref<2x128xi32, #tpu.memory_space<vmem>> -> memref<1x128xi32, #tpu.memory_space<vmem>>
        %dma_wait3A_57 = tpu.memref_squeeze %dma_wait3A_56 : memref<1x128xi32, #tpu.memory_space<vmem>> -> memref<128xi32, #tpu.memory_space<vmem>>
        %dma_wait3A_58 = arith.constant 0 : i32
        %dma_wait3A_59 = arith.constant 0 : i32
        %dma_wait3A_60 = tpu.memref_slice %arg11[%dma_wait3A_58, %dma_wait3A_59] : memref<10240x80xf32, #tpu.memory_space<vmem_shared>> -> memref<10240x80xf32, #tpu.memory_space<vmem_shared>>
        tpu.wait_indirect_dma semaphore(%run_scoped3A_48 : memref<!tpu.dma_semaphore, #tpu.memory_space<semaphore_mem>>) src(%arg9 : memref<128x80xf32, #tpu.memory_space<vmem>>) dst(%dma_wait3A_60 : memref<10240x80xf32, #tpu.memory_space<vmem_shared>>)
        tpu.yield
      }) : () -> ()
      %dma_wait3A_40 = arith.constant 1 : i32
      %dma_wait3A_41 = arith.constant 0 : i32
      %dma_wait3A_42 = tpu.memref_slice %arg7[%dma_wait3A_40, %dma_wait3A_41] : memref<2x128xi32, #tpu.memory_space<vmem>> -> memref<1x128xi32, #tpu.memory_space<vmem>>
      %dma_wait3A_43 = tpu.memref_squeeze %dma_wait3A_42 : memref<1x128xi32, #tpu.memory_space<vmem>> -> memref<128xi32, #tpu.memory_space<vmem>>
      %dma_wait3A_44 = arith.constant 0 : i32
      %dma_wait3A_45 = arith.constant 0 : i32
      %dma_wait3A_46 = tpu.memref_slice %arg4[%dma_wait3A_44, %dma_wait3A_45] : memref<10240x80xf32, #tpu.memory_space<hbm>> -> memref<10240x80xf32, #tpu.memory_space<hbm>>
      tpu.wait_indirect_dma semaphore(%arg13 : memref<!tpu.dma_semaphore, #tpu.memory_space<semaphore_mem>>) src(%dma_wait3A_46 : memref<10240x80xf32, #tpu.memory_space<hbm>>) dst(%arg10 : memref<128x80xf32, #tpu.memory_space<vmem>>)
      %run_scoped3A_47 = arith.constant 1 : i32
      "tpu.region"() ({
        %run_scoped3A_48 = tpu.sem_alloc : memref<!tpu.dma_semaphore, #tpu.memory_space<semaphore_mem>>
        %dma_start3A_49 = arith.constant 0 : i32
        %dma_start3A_50 = tpu.memref_slice %arg8[%run_scoped3A_47, %dma_start3A_49] : memref<2x128xi32, #tpu.memory_space<vmem>> -> memref<1x128xi32, #tpu.memory_space<vmem>>
        %dma_start3A_51 = tpu.memref_squeeze %dma_start3A_50 : memref<1x128xi32, #tpu.memory_space<vmem>> -> memref<128xi32, #tpu.memory_space<vmem>>
        %dma_start3A_52 = arith.constant 0 : i32
        %dma_start3A_53 = arith.constant 0 : i32
        %dma_start3A_54 = tpu.memref_slice %arg11[%dma_start3A_52, %dma_start3A_53] : memref<10240x80xf32, #tpu.memory_space<vmem_shared>> -> memref<10240x80xf32, #tpu.memory_space<vmem_shared>>
        tpu.enqueue_indirect_dma source(%arg10 : memref<128x80xf32, #tpu.memory_space<vmem>>) target(%dma_start3A_54 : memref<10240x80xf32, #tpu.memory_space<vmem_shared>>) offsets(%dma_start3A_51 : memref<128xi32, #tpu.memory_space<vmem>>) semaphore(%run_scoped3A_48 : memref<!tpu.dma_semaphore, #tpu.memory_space<semaphore_mem>>) {add = true}
        %dma_wait3A_55 = arith.constant 0 : i32
        %dma_wait3A_56 = tpu.memref_slice %arg8[%run_scoped3A_47, %dma_wait3A_55] : memref<2x128xi32, #tpu.memory_space<vmem>> -> memref<1x128xi32, #tpu.memory_space<vmem>>
        %dma_wait3A_57 = tpu.memref_squeeze %dma_wait3A_56 : memref<1x128xi32, #tpu.memory_space<vmem>> -> memref<128xi32, #tpu.memory_space<vmem>>
        %dma_wait3A_58 = arith.constant 0 : i32
        %dma_wait3A_59 = arith.constant 0 : i32
        %dma_wait3A_60 = tpu.memref_slice %arg11[%dma_wait3A_58, %dma_wait3A_59] : memref<10240x80xf32, #tpu.memory_space<vmem_shared>> -> memref<10240x80xf32, #tpu.memory_space<vmem_shared>>
        tpu.wait_indirect_dma semaphore(%run_scoped3A_48 : memref<!tpu.dma_semaphore, #tpu.memory_space<semaphore_mem>>) src(%arg10 : memref<128x80xf32, #tpu.memory_space<vmem>>) dst(%dma_wait3A_60 : memref<10240x80xf32, #tpu.memory_space<vmem_shared>>)
        tpu.yield
      }) : () -> ()
    }
    %scan3A_11 = arith.constant 20 : i32
    %barrier3A_12 = arith.constant 0 : index
    tpu.barrier barrier_id(%barrier3A_12)
    %mul3A_13 = arith.constant 640 : i32
    %mul3A_14 = arith.muli %arg1, %mul3A_13 : i32
    %mul3A_15 = arith.constant 640 : i32
    %mul3A_16 = arith.muli %arg1, %mul3A_15 : i32
    "tpu.region"() ({
      %run_scoped3A = tpu.sem_alloc : memref<!tpu.dma_semaphore, #tpu.memory_space<semaphore_mem>>
      %dma_start3A = arith.constant 0 : i32
      %dma_start3A_17 = tpu.memref_slice %arg6[%arg0, %mul3A_16, %dma_start3A] : memref<2x10240x80xf32, #tpu.memory_space<hbm>> -> memref<1x640x80xf32, #tpu.memory_space<hbm>>
      %dma_start3A_18 = tpu.memref_squeeze %dma_start3A_17 : memref<1x640x80xf32, #tpu.memory_space<hbm>> -> memref<640x80xf32, #tpu.memory_space<hbm>>
      %dma_start3A_19 = arith.constant 0 : i32
      %dma_start3A_20 = tpu.memref_slice %arg11[%mul3A_14, %dma_start3A_19] : memref<10240x80xf32, #tpu.memory_space<vmem_shared>> -> memref<640x80xf32, #tpu.memory_space<vmem_shared>>
      tpu.enqueue_dma source(%dma_start3A_20 : memref<640x80xf32, #tpu.memory_space<vmem_shared>>) target(%dma_start3A_18 : memref<640x80xf32, #tpu.memory_space<hbm>>) target_semaphore(%run_scoped3A : memref<!tpu.dma_semaphore, #tpu.memory_space<semaphore_mem>>)
      %dma_wait3A = arith.constant 0 : i32
      %dma_wait3A_21 = tpu.memref_slice %arg6[%arg0, %mul3A_16, %dma_wait3A] : memref<2x10240x80xf32, #tpu.memory_space<hbm>> -> memref<1x640x80xf32, #tpu.memory_space<hbm>>
      %dma_wait3A_22 = tpu.memref_squeeze %dma_wait3A_21 : memref<1x640x80xf32, #tpu.memory_space<hbm>> -> memref<640x80xf32, #tpu.memory_space<hbm>>
      %dma_wait3A_23 = arith.constant 0 : i32
      %dma_wait3A_24 = tpu.memref_slice %arg11[%mul3A_14, %dma_wait3A_23] : memref<10240x80xf32, #tpu.memory_space<vmem_shared>> -> memref<640x80xf32, #tpu.memory_space<vmem_shared>>
      tpu.wait_dma2 semaphore(%run_scoped3A : memref<!tpu.dma_semaphore, #tpu.memory_space<semaphore_mem>>) src(%dma_wait3A_24 : memref<640x80xf32, #tpu.memory_space<vmem_shared>>) dst(%dma_wait3A_22 : memref<640x80xf32, #tpu.memory_space<hbm>>)
      tpu.yield
    }) : () -> ()
    return
  }
}

#map = affine_map<(d0, d1) -> (0, 0)>
#map1 = affine_map<(d0, d1) -> (0, 0, 0)>
module attributes {stable_mosaic.version = 14 : i64} {
  func.func @k(%arg0: i32, %arg1: i32, %arg2: memref<1280x128xi32, #tpu.memory_space<hbm>>, %arg3: memref<1280x128xi32, #tpu.memory_space<hbm>>, %arg4: memref<10240x80xf32, #tpu.memory_space<hbm>>, %arg5: memref<10240x80xf32, #tpu.memory_space<hbm>>, %arg6: memref<2x10240x80xf32, #tpu.memory_space<hbm>>, %arg7: memref<2x128xi32, #tpu.memory_space<vmem>>, %arg8: memref<2x128xi32, #tpu.memory_space<vmem>>, %arg9: memref<128x80xf32, #tpu.memory_space<vmem>>, %arg10: memref<128x80xf32, #tpu.memory_space<vmem>>, %arg11: memref<10240x80xf32, #tpu.memory_space<vmem_shared>>, %arg12: memref<!tpu.dma_semaphore, #tpu.memory_space<semaphore_mem>>, %arg13: memref<!tpu.dma_semaphore, #tpu.memory_space<semaphore_mem>>) attributes {dimension_semantics = [#tpu.dimension_semantics<core_parallel>, #tpu.dimension_semantics<subcore_parallel>], iteration_bounds = array<i64: 2, 16>, scalar_prefetch = 0 : i64, scratch_operands = 7 : i64, tpu.core_type = #tpu.core_type<sc_vector_subcore>, window_params = [{transform_indices = #map}, {transform_indices = #map}, {transform_indices = #map}, {transform_indices = #map}, {transform_indices = #map1}]} {
    %mul3A = arith.constant 2 : i32
    %mul3A_0 = arith.muli %arg1, %mul3A : i32
    %add3A = arith.addi %mul3A_0, %arg0 : i32
    %mul3A_1 = arith.constant 640 : i32
    %mul3A_2 = arith.muli %arg1, %mul3A_1 : i32
    %mul3A_3 = arith.constant 640 : i32
    %mul3A_4 = arith.muli %arg1, %mul3A_3 : i32
    "tpu.region"() ({
      %run_scoped3A = tpu.sem_alloc : memref<!tpu.dma_semaphore, #tpu.memory_space<semaphore_mem>>
      %dma_start3A = arith.constant 0 : i32
      %dma_start3A_17 = tpu.memref_slice %arg11[%mul3A_4, %dma_start3A] : memref<10240x80xf32, #tpu.memory_space<vmem_shared>> -> memref<640x80xf32, #tpu.memory_space<vmem_shared>>
      %dma_start3A_18 = arith.constant 0 : i32
      %dma_start3A_19 = tpu.memref_slice %arg5[%mul3A_2, %dma_start3A_18] : memref<10240x80xf32, #tpu.memory_space<hbm>> -> memref<640x80xf32, #tpu.memory_space<hbm>>
      tpu.enqueue_dma source(%dma_start3A_19 : memref<640x80xf32, #tpu.memory_space<hbm>>) target(%dma_start3A_17 : memref<640x80xf32, #tpu.memory_space<vmem_shared>>) target_semaphore(%run_scoped3A : memref<!tpu.dma_semaphore, #tpu.memory_space<semaphore_mem>>)
      %dma_wait3A = arith.constant 0 : i32
      %dma_wait3A_20 = tpu.memref_slice %arg11[%mul3A_4, %dma_wait3A] : memref<10240x80xf32, #tpu.memory_space<vmem_shared>> -> memref<640x80xf32, #tpu.memory_space<vmem_shared>>
      %dma_wait3A_21 = arith.constant 0 : i32
      %dma_wait3A_22 = tpu.memref_slice %arg5[%mul3A_2, %dma_wait3A_21] : memref<10240x80xf32, #tpu.memory_space<hbm>> -> memref<640x80xf32, #tpu.memory_space<hbm>>
      tpu.wait_dma2 semaphore(%run_scoped3A : memref<!tpu.dma_semaphore, #tpu.memory_space<semaphore_mem>>) src(%dma_wait3A_22 : memref<640x80xf32, #tpu.memory_space<hbm>>) dst(%dma_wait3A_20 : memref<640x80xf32, #tpu.memory_space<vmem_shared>>)
      tpu.yield
    }) : () -> ()
    %barrier3A = arith.constant 0 : index
    tpu.barrier barrier_id(%barrier3A)
    %mul3A_5 = arith.constant 40 : i32
    %mul3A_6 = arith.muli %add3A, %mul3A_5 : i32
    %scan3A = arith.constant 0 : i32
    %scan3A_7 = arith.constant 0 : i32
    %scan3A_8 = arith.constant 20 : i32
    %scan3A_9 = arith.addi %scan3A_7, %scan3A_8 : i32
    %scan3A_10 = arith.constant 1 : i32
    scf.for %scan3A_17 = %scan3A_7 to %scan3A_9 step %scan3A_10  : i32 {
      %mul3A_18 = arith.constant 2 : i32
      %mul3A_19 = arith.muli %scan3A_17, %mul3A_18 : i32
      %add3A_20 = arith.addi %mul3A_6, %mul3A_19 : i32
      %multiple_of3A = tpu.assume_multiple %add3A_20, 1 : i32
      "tpu.region"() ({
        %run_scoped3A_48 = tpu.sem_alloc : memref<!tpu.dma_semaphore, #tpu.memory_space<semaphore_mem>>
        %dma_start3A_49 = arith.constant 0 : i32
        %dma_start3A_50 = tpu.memref_slice %arg2[%multiple_of3A, %dma_start3A_49] : memref<1280x128xi32, #tpu.memory_space<hbm>> -> memref<2x128xi32, #tpu.memory_space<hbm>>
        %dma_start3A_51 = arith.constant 0 : i32
        %dma_start3A_52 = tpu.memref_slice %arg2[%multiple_of3A, %dma_start3A_51] : memref<1280x128xi32, #tpu.memory_space<hbm>> -> memref<2x128xi32, #tpu.memory_space<hbm>>
        tpu.enqueue_dma source(%dma_start3A_52 : memref<2x128xi32, #tpu.memory_space<hbm>>) target(%arg7 : memref<2x128xi32, #tpu.memory_space<vmem>>) target_semaphore(%run_scoped3A_48 : memref<!tpu.dma_semaphore, #tpu.memory_space<semaphore_mem>>)
        %dma_wait3A_53 = arith.constant 0 : i32
        %dma_wait3A_54 = tpu.memref_slice %arg2[%multiple_of3A, %dma_wait3A_53] : memref<1280x128xi32, #tpu.memory_space<hbm>> -> memref<2x128xi32, #tpu.memory_space<hbm>>
        %dma_wait3A_55 = arith.constant 0 : i32
        %dma_wait3A_56 = tpu.memref_slice %arg2[%multiple_of3A, %dma_wait3A_55] : memref<1280x128xi32, #tpu.memory_space<hbm>> -> memref<2x128xi32, #tpu.memory_space<hbm>>
        tpu.wait_dma2 semaphore(%run_scoped3A_48 : memref<!tpu.dma_semaphore, #tpu.memory_space<semaphore_mem>>) src(%dma_wait3A_56 : memref<2x128xi32, #tpu.memory_space<hbm>>) dst(%arg7 : memref<2x128xi32, #tpu.memory_space<vmem>>)
        tpu.yield
      }) : () -> ()
      "tpu.region"() ({
        %run_scoped3A_48 = tpu.sem_alloc : memref<!tpu.dma_semaphore, #tpu.memory_space<semaphore_mem>>
        %dma_start3A_49 = arith.constant 0 : i32
        %dma_start3A_50 = tpu.memref_slice %arg3[%multiple_of3A, %dma_start3A_49] : memref<1280x128xi32, #tpu.memory_space<hbm>> -> memref<2x128xi32, #tpu.memory_space<hbm>>
        %dma_start3A_51 = arith.constant 0 : i32
        %dma_start3A_52 = tpu.memref_slice %arg3[%multiple_of3A, %dma_start3A_51] : memref<1280x128xi32, #tpu.memory_space<hbm>> -> memref<2x128xi32, #tpu.memory_space<hbm>>
        tpu.enqueue_dma source(%dma_start3A_52 : memref<2x128xi32, #tpu.memory_space<hbm>>) target(%arg8 : memref<2x128xi32, #tpu.memory_space<vmem>>) target_semaphore(%run_scoped3A_48 : memref<!tpu.dma_semaphore, #tpu.memory_space<semaphore_mem>>)
        %dma_wait3A_53 = arith.constant 0 : i32
        %dma_wait3A_54 = tpu.memref_slice %arg3[%multiple_of3A, %dma_wait3A_53] : memref<1280x128xi32, #tpu.memory_space<hbm>> -> memref<2x128xi32, #tpu.memory_space<hbm>>
        %dma_wait3A_55 = arith.constant 0 : i32
        %dma_wait3A_56 = tpu.memref_slice %arg3[%multiple_of3A, %dma_wait3A_55] : memref<1280x128xi32, #tpu.memory_space<hbm>> -> memref<2x128xi32, #tpu.memory_space<hbm>>
        tpu.wait_dma2 semaphore(%run_scoped3A_48 : memref<!tpu.dma_semaphore, #tpu.memory_space<semaphore_mem>>) src(%dma_wait3A_56 : memref<2x128xi32, #tpu.memory_space<hbm>>) dst(%arg8 : memref<2x128xi32, #tpu.memory_space<vmem>>)
        tpu.yield
      }) : () -> ()
      %dma_start3A = arith.constant 0 : i32
      %dma_start3A_21 = arith.constant 0 : i32
      %dma_start3A_22 = tpu.memref_slice %arg7[%dma_start3A, %dma_start3A_21] : memref<2x128xi32, #tpu.memory_space<vmem>> -> memref<1x128xi32, #tpu.memory_space<vmem>>
      %dma_start3A_23 = tpu.memref_squeeze %dma_start3A_22 : memref<1x128xi32, #tpu.memory_space<vmem>> -> memref<128xi32, #tpu.memory_space<vmem>>
      %dma_start3A_24 = arith.constant 0 : i32
      %dma_start3A_25 = arith.constant 0 : i32
      %dma_start3A_26 = tpu.memref_slice %arg4[%dma_start3A_24, %dma_start3A_25] : memref<10240x80xf32, #tpu.memory_space<hbm>> -> memref<10240x80xf32, #tpu.memory_space<hbm>>
      tpu.enqueue_indirect_dma source(%dma_start3A_26 : memref<10240x80xf32, #tpu.memory_space<hbm>>) target(%arg9 : memref<128x80xf32, #tpu.memory_space<vmem>>) offsets(%dma_start3A_23 : memref<128xi32, #tpu.memory_space<vmem>>) semaphore(%arg12 : memref<!tpu.dma_semaphore, #tpu.memory_space<semaphore_mem>>)
      %dma_start3A_27 = arith.constant 1 : i32
      %dma_start3A_28 = arith.constant 0 : i32
      %dma_start3A_29 = tpu.memref_slice %arg7[%dma_start3A_27, %dma_start3A_28] : memref<2x128xi32, #tpu.memory_space<vmem>> -> memref<1x128xi32, #tpu.memory_space<vmem>>
      %dma_start3A_30 = tpu.memref_squeeze %dma_start3A_29 : memref<1x128xi32, #tpu.memory_space<vmem>> -> memref<128xi32, #tpu.memory_space<vmem>>
      %dma_start3A_31 = arith.constant 0 : i32
      %dma_start3A_32 = arith.constant 0 : i32
      %dma_start3A_33 = tpu.memref_slice %arg4[%dma_start3A_31, %dma_start3A_32] : memref<10240x80xf32, #tpu.memory_space<hbm>> -> memref<10240x80xf32, #tpu.memory_space<hbm>>
      tpu.enqueue_indirect_dma source(%dma_start3A_33 : memref<10240x80xf32, #tpu.memory_space<hbm>>) target(%arg10 : memref<128x80xf32, #tpu.memory_space<vmem>>) offsets(%dma_start3A_30 : memref<128xi32, #tpu.memory_space<vmem>>) semaphore(%arg13 : memref<!tpu.dma_semaphore, #tpu.memory_space<semaphore_mem>>)
      %dma_wait3A = arith.constant 0 : i32
      %dma_wait3A_34 = arith.constant 0 : i32
      %dma_wait3A_35 = tpu.memref_slice %arg7[%dma_wait3A, %dma_wait3A_34] : memref<2x128xi32, #tpu.memory_space<vmem>> -> memref<1x128xi32, #tpu.memory_space<vmem>>
      %dma_wait3A_36 = tpu.memref_squeeze %dma_wait3A_35 : memref<1x128xi32, #tpu.memory_space<vmem>> -> memref<128xi32, #tpu.memory_space<vmem>>
      %dma_wait3A_37 = arith.constant 0 : i32
      %dma_wait3A_38 = arith.constant 0 : i32
      %dma_wait3A_39 = tpu.memref_slice %arg4[%dma_wait3A_37, %dma_wait3A_38] : memref<10240x80xf32, #tpu.memory_space<hbm>> -> memref<10240x80xf32, #tpu.memory_space<hbm>>
      tpu.wait_indirect_dma semaphore(%arg12 : memref<!tpu.dma_semaphore, #tpu.memory_space<semaphore_mem>>) src(%dma_wait3A_39 : memref<10240x80xf32, #tpu.memory_space<hbm>>) dst(%arg9 : memref<128x80xf32, #tpu.memory_space<vmem>>)
      %run_scoped3A = arith.constant 0 : i32
      "tpu.region"() ({
        %run_scoped3A_48 = tpu.sem_alloc : memref<!tpu.dma_semaphore, #tpu.memory_space<semaphore_mem>>
        %dma_start3A_49 = arith.constant 0 : i32
        %dma_start3A_50 = tpu.memref_slice %arg8[%run_scoped3A, %dma_start3A_49] : memref<2x128xi32, #tpu.memory_space<vmem>> -> memref<1x128xi32, #tpu.memory_space<vmem>>
        %dma_start3A_51 = tpu.memref_squeeze %dma_start3A_50 : memref<1x128xi32, #tpu.memory_space<vmem>> -> memref<128xi32, #tpu.memory_space<vmem>>
        %dma_start3A_52 = arith.constant 0 : i32
        %dma_start3A_53 = arith.constant 0 : i32
        %dma_start3A_54 = tpu.memref_slice %arg11[%dma_start3A_52, %dma_start3A_53] : memref<10240x80xf32, #tpu.memory_space<vmem_shared>> -> memref<10240x80xf32, #tpu.memory_space<vmem_shared>>
        tpu.enqueue_indirect_dma source(%arg9 : memref<128x80xf32, #tpu.memory_space<vmem>>) target(%dma_start3A_54 : memref<10240x80xf32, #tpu.memory_space<vmem_shared>>) offsets(%dma_start3A_51 : memref<128xi32, #tpu.memory_space<vmem>>) semaphore(%run_scoped3A_48 : memref<!tpu.dma_semaphore, #tpu.memory_space<semaphore_mem>>) {add = true}
        %dma_wait3A_55 = arith.constant 0 : i32
        %dma_wait3A_56 = tpu.memref_slice %arg8[%run_scoped3A, %dma_wait3A_55] : memref<2x128xi32, #tpu.memory_space<vmem>> -> memref<1x128xi32, #tpu.memory_space<vmem>>
        %dma_wait3A_57 = tpu.memref_squeeze %dma_wait3A_56 : memref<1x128xi32, #tpu.memory_space<vmem>> -> memref<128xi32, #tpu.memory_space<vmem>>
        %dma_wait3A_58 = arith.constant 0 : i32
        %dma_wait3A_59 = arith.constant 0 : i32
        %dma_wait3A_60 = tpu.memref_slice %arg11[%dma_wait3A_58, %dma_wait3A_59] : memref<10240x80xf32, #tpu.memory_space<vmem_shared>> -> memref<10240x80xf32, #tpu.memory_space<vmem_shared>>
        tpu.wait_indirect_dma semaphore(%run_scoped3A_48 : memref<!tpu.dma_semaphore, #tpu.memory_space<semaphore_mem>>) src(%arg9 : memref<128x80xf32, #tpu.memory_space<vmem>>) dst(%dma_wait3A_60 : memref<10240x80xf32, #tpu.memory_space<vmem_shared>>)
        tpu.yield
      }) : () -> ()
      %dma_wait3A_40 = arith.constant 1 : i32
      %dma_wait3A_41 = arith.constant 0 : i32
      %dma_wait3A_42 = tpu.memref_slice %arg7[%dma_wait3A_40, %dma_wait3A_41] : memref<2x128xi32, #tpu.memory_space<vmem>> -> memref<1x128xi32, #tpu.memory_space<vmem>>
      %dma_wait3A_43 = tpu.memref_squeeze %dma_wait3A_42 : memref<1x128xi32, #tpu.memory_space<vmem>> -> memref<128xi32, #tpu.memory_space<vmem>>
      %dma_wait3A_44 = arith.constant 0 : i32
      %dma_wait3A_45 = arith.constant 0 : i32
      %dma_wait3A_46 = tpu.memref_slice %arg4[%dma_wait3A_44, %dma_wait3A_45] : memref<10240x80xf32, #tpu.memory_space<hbm>> -> memref<10240x80xf32, #tpu.memory_space<hbm>>
      tpu.wait_indirect_dma semaphore(%arg13 : memref<!tpu.dma_semaphore, #tpu.memory_space<semaphore_mem>>) src(%dma_wait3A_46 : memref<10240x80xf32, #tpu.memory_space<hbm>>) dst(%arg10 : memref<128x80xf32, #tpu.memory_space<vmem>>)
      %run_scoped3A_47 = arith.constant 1 : i32
      "tpu.region"() ({
        %run_scoped3A_48 = tpu.sem_alloc : memref<!tpu.dma_semaphore, #tpu.memory_space<semaphore_mem>>
        %dma_start3A_49 = arith.constant 0 : i32
        %dma_start3A_50 = tpu.memref_slice %arg8[%run_scoped3A_47, %dma_start3A_49] : memref<2x128xi32, #tpu.memory_space<vmem>> -> memref<1x128xi32, #tpu.memory_space<vmem>>
        %dma_start3A_51 = tpu.memref_squeeze %dma_start3A_50 : memref<1x128xi32, #tpu.memory_space<vmem>> -> memref<128xi32, #tpu.memory_space<vmem>>
        %dma_start3A_52 = arith.constant 0 : i32
        %dma_start3A_53 = arith.constant 0 : i32
        %dma_start3A_54 = tpu.memref_slice %arg11[%dma_start3A_52, %dma_start3A_53] : memref<10240x80xf32, #tpu.memory_space<vmem_shared>> -> memref<10240x80xf32, #tpu.memory_space<vmem_shared>>
        tpu.enqueue_indirect_dma source(%arg10 : memref<128x80xf32, #tpu.memory_space<vmem>>) target(%dma_start3A_54 : memref<10240x80xf32, #tpu.memory_space<vmem_shared>>) offsets(%dma_start3A_51 : memref<128xi32, #tpu.memory_space<vmem>>) semaphore(%run_scoped3A_48 : memref<!tpu.dma_semaphore, #tpu.memory_space<semaphore_mem>>) {add = true}
        %dma_wait3A_55 = arith.constant 0 : i32
        %dma_wait3A_56 = tpu.memref_slice %arg8[%run_scoped3A_47, %dma_wait3A_55] : memref<2x128xi32, #tpu.memory_space<vmem>> -> memref<1x128xi32, #tpu.memory_space<vmem>>
        %dma_wait3A_57 = tpu.memref_squeeze %dma_wait3A_56 : memref<1x128xi32, #tpu.memory_space<vmem>> -> memref<128xi32, #tpu.memory_space<vmem>>
        %dma_wait3A_58 = arith.constant 0 : i32
        %dma_wait3A_59 = arith.constant 0 : i32
        %dma_wait3A_60 = tpu.memref_slice %arg11[%dma_wait3A_58, %dma_wait3A_59] : memref<10240x80xf32, #tpu.memory_space<vmem_shared>> -> memref<10240x80xf32, #tpu.memory_space<vmem_shared>>
        tpu.wait_indirect_dma semaphore(%run_scoped3A_48 : memref<!tpu.dma_semaphore, #tpu.memory_space<semaphore_mem>>) src(%arg10 : memref<128x80xf32, #tpu.memory_space<vmem>>) dst(%dma_wait3A_60 : memref<10240x80xf32, #tpu.memory_space<vmem_shared>>)
        tpu.yield
      }) : () -> ()
    }
    %scan3A_11 = arith.constant 20 : i32
    %barrier3A_12 = arith.constant 0 : index
    tpu.barrier barrier_id(%barrier3A_12)
    %mul3A_13 = arith.constant 640 : i32
    %mul3A_14 = arith.muli %arg1, %mul3A_13 : i32
    %mul3A_15 = arith.constant 640 : i32
    %mul3A_16 = arith.muli %arg1, %mul3A_15 : i32
    "tpu.region"() ({
      %run_scoped3A = tpu.sem_alloc : memref<!tpu.dma_semaphore, #tpu.memory_space<semaphore_mem>>
      %dma_start3A = arith.constant 0 : i32
      %dma_start3A_17 = tpu.memref_slice %arg6[%arg0, %mul3A_16, %dma_start3A] : memref<2x10240x80xf32, #tpu.memory_space<hbm>> -> memref<1x640x80xf32, #tpu.memory_space<hbm>>
      %dma_start3A_18 = tpu.memref_squeeze %dma_start3A_17 : memref<1x640x80xf32, #tpu.memory_space<hbm>> -> memref<640x80xf32, #tpu.memory_space<hbm>>
      %dma_start3A_19 = arith.constant 0 : i32
      %dma_start3A_20 = tpu.memref_slice %arg11[%mul3A_14, %dma_start3A_19] : memref<10240x80xf32, #tpu.memory_space<vmem_shared>> -> memref<640x80xf32, #tpu.memory_space<vmem_shared>>
      tpu.enqueue_dma source(%dma_start3A_20 : memref<640x80xf32, #tpu.memory_space<vmem_shared>>) target(%dma_start3A_18 : memref<640x80xf32, #tpu.memory_space<hbm>>) target_semaphore(%run_scoped3A : memref<!tpu.dma_semaphore, #tpu.memory_space<semaphore_mem>>)
      %dma_wait3A = arith.constant 0 : i32
      %dma_wait3A_21 = tpu.memref_slice %arg6[%arg0, %mul3A_16, %dma_wait3A] : memref<2x10240x80xf32, #tpu.memory_space<hbm>> -> memref<1x640x80xf32, #tpu.memory_space<hbm>>
      %dma_wait3A_22 = tpu.memref_squeeze %dma_wait3A_21 : memref<1x640x80xf32, #tpu.memory_space<hbm>> -> memref<640x80xf32, #tpu.memory_space<hbm>>
      %dma_wait3A_23 = arith.constant 0 : i32
      %dma_wait3A_24 = tpu.memref_slice %arg11[%mul3A_14, %dma_wait3A_23] : memref<10240x80xf32, #tpu.memory_space<vmem_shared>> -> memref<640x80xf32, #tpu.memory_space<vmem_shared>>
      tpu.wait_dma2 semaphore(%run_scoped3A : memref<!tpu.dma_semaphore, #tpu.memory_space<semaphore_mem>>) src(%dma_wait3A_24 : memref<640x80xf32, #tpu.memory_space<vmem_shared>>) dst(%dma_wait3A_22 : memref<640x80xf32, #tpu.memory_space<hbm>>)
      tpu.yield
    }) : () -> ()
    return
  }
}

#map = affine_map<(d0, d1) -> (0, 0)>
#map1 = affine_map<(d0, d1) -> (0, 0, 0)>
module attributes {stable_mosaic.version = 14 : i64} {
  func.func @k(%arg0: i32, %arg1: i32, %arg2: memref<1280x128xi32, #tpu.memory_space<hbm>>, %arg3: memref<1280x128xi32, #tpu.memory_space<hbm>>, %arg4: memref<10240x160xf32, #tpu.memory_space<hbm>>, %arg5: memref<10240x160xf32, #tpu.memory_space<hbm>>, %arg6: memref<2x10240x160xf32, #tpu.memory_space<hbm>>, %arg7: memref<1x128xi32, #tpu.memory_space<vmem>>, %arg8: memref<1x128xi32, #tpu.memory_space<vmem>>, %arg9: memref<128x160xf32, #tpu.memory_space<vmem>>, %arg10: memref<10240x160xf32, #tpu.memory_space<vmem_shared>>, %arg11: memref<!tpu.dma_semaphore, #tpu.memory_space<semaphore_mem>>) attributes {dimension_semantics = [#tpu.dimension_semantics<core_parallel>, #tpu.dimension_semantics<subcore_parallel>], iteration_bounds = array<i64: 2, 16>, scalar_prefetch = 0 : i64, scratch_operands = 5 : i64, tpu.core_type = #tpu.core_type<sc_vector_subcore>, window_params = [{transform_indices = #map}, {transform_indices = #map}, {transform_indices = #map}, {transform_indices = #map}, {transform_indices = #map1}]} {
    %mul3A = arith.constant 2 : i32
    %mul3A_0 = arith.muli %arg1, %mul3A : i32
    %add3A = arith.addi %mul3A_0, %arg0 : i32
    %mul3A_1 = arith.constant 640 : i32
    %mul3A_2 = arith.muli %arg1, %mul3A_1 : i32
    %mul3A_3 = arith.constant 640 : i32
    %mul3A_4 = arith.muli %arg1, %mul3A_3 : i32
    "tpu.region"() ({
      %run_scoped3A = tpu.sem_alloc : memref<!tpu.dma_semaphore, #tpu.memory_space<semaphore_mem>>
      %dma_start3A = arith.constant 0 : i32
      %dma_start3A_17 = tpu.memref_slice %arg10[%mul3A_4, %dma_start3A] : memref<10240x160xf32, #tpu.memory_space<vmem_shared>> -> memref<640x160xf32, #tpu.memory_space<vmem_shared>>
      %dma_start3A_18 = arith.constant 0 : i32
      %dma_start3A_19 = tpu.memref_slice %arg5[%mul3A_2, %dma_start3A_18] : memref<10240x160xf32, #tpu.memory_space<hbm>> -> memref<640x160xf32, #tpu.memory_space<hbm>>
      tpu.enqueue_dma source(%dma_start3A_19 : memref<640x160xf32, #tpu.memory_space<hbm>>) target(%dma_start3A_17 : memref<640x160xf32, #tpu.memory_space<vmem_shared>>) target_semaphore(%run_scoped3A : memref<!tpu.dma_semaphore, #tpu.memory_space<semaphore_mem>>)
      %dma_wait3A = arith.constant 0 : i32
      %dma_wait3A_20 = tpu.memref_slice %arg10[%mul3A_4, %dma_wait3A] : memref<10240x160xf32, #tpu.memory_space<vmem_shared>> -> memref<640x160xf32, #tpu.memory_space<vmem_shared>>
      %dma_wait3A_21 = arith.constant 0 : i32
      %dma_wait3A_22 = tpu.memref_slice %arg5[%mul3A_2, %dma_wait3A_21] : memref<10240x160xf32, #tpu.memory_space<hbm>> -> memref<640x160xf32, #tpu.memory_space<hbm>>
      tpu.wait_dma2 semaphore(%run_scoped3A : memref<!tpu.dma_semaphore, #tpu.memory_space<semaphore_mem>>) src(%dma_wait3A_22 : memref<640x160xf32, #tpu.memory_space<hbm>>) dst(%dma_wait3A_20 : memref<640x160xf32, #tpu.memory_space<vmem_shared>>)
      tpu.yield
    }) : () -> ()
    %barrier3A = arith.constant 0 : index
    tpu.barrier barrier_id(%barrier3A)
    %mul3A_5 = arith.constant 40 : i32
    %mul3A_6 = arith.muli %add3A, %mul3A_5 : i32
    %scan3A = arith.constant 0 : i32
    %scan3A_7 = arith.constant 0 : i32
    %scan3A_8 = arith.constant 40 : i32
    %scan3A_9 = arith.addi %scan3A_7, %scan3A_8 : i32
    %scan3A_10 = arith.constant 1 : i32
    scf.for %scan3A_17 = %scan3A_7 to %scan3A_9 step %scan3A_10  : i32 {
      %mul3A_18 = arith.constant 1 : i32
      %mul3A_19 = arith.muli %scan3A_17, %mul3A_18 : i32
      %add3A_20 = arith.addi %mul3A_6, %mul3A_19 : i32
      %multiple_of3A = tpu.assume_multiple %add3A_20, 1 : i32
      "tpu.region"() ({
        %run_scoped3A_33 = tpu.sem_alloc : memref<!tpu.dma_semaphore, #tpu.memory_space<semaphore_mem>>
        %dma_start3A_34 = arith.constant 0 : i32
        %dma_start3A_35 = tpu.memref_slice %arg2[%multiple_of3A, %dma_start3A_34] : memref<1280x128xi32, #tpu.memory_space<hbm>> -> memref<1x128xi32, #tpu.memory_space<hbm>>
        %dma_start3A_36 = arith.constant 0 : i32
        %dma_start3A_37 = tpu.memref_slice %arg2[%multiple_of3A, %dma_start3A_36] : memref<1280x128xi32, #tpu.memory_space<hbm>> -> memref<1x128xi32, #tpu.memory_space<hbm>>
        tpu.enqueue_dma source(%dma_start3A_37 : memref<1x128xi32, #tpu.memory_space<hbm>>) target(%arg7 : memref<1x128xi32, #tpu.memory_space<vmem>>) target_semaphore(%run_scoped3A_33 : memref<!tpu.dma_semaphore, #tpu.memory_space<semaphore_mem>>)
        %dma_wait3A_38 = arith.constant 0 : i32
        %dma_wait3A_39 = tpu.memref_slice %arg2[%multiple_of3A, %dma_wait3A_38] : memref<1280x128xi32, #tpu.memory_space<hbm>> -> memref<1x128xi32, #tpu.memory_space<hbm>>
        %dma_wait3A_40 = arith.constant 0 : i32
        %dma_wait3A_41 = tpu.memref_slice %arg2[%multiple_of3A, %dma_wait3A_40] : memref<1280x128xi32, #tpu.memory_space<hbm>> -> memref<1x128xi32, #tpu.memory_space<hbm>>
        tpu.wait_dma2 semaphore(%run_scoped3A_33 : memref<!tpu.dma_semaphore, #tpu.memory_space<semaphore_mem>>) src(%dma_wait3A_41 : memref<1x128xi32, #tpu.memory_space<hbm>>) dst(%arg7 : memref<1x128xi32, #tpu.memory_space<vmem>>)
        tpu.yield
      }) : () -> ()
      "tpu.region"() ({
        %run_scoped3A_33 = tpu.sem_alloc : memref<!tpu.dma_semaphore, #tpu.memory_space<semaphore_mem>>
        %dma_start3A_34 = arith.constant 0 : i32
        %dma_start3A_35 = tpu.memref_slice %arg3[%multiple_of3A, %dma_start3A_34] : memref<1280x128xi32, #tpu.memory_space<hbm>> -> memref<1x128xi32, #tpu.memory_space<hbm>>
        %dma_start3A_36 = arith.constant 0 : i32
        %dma_start3A_37 = tpu.memref_slice %arg3[%multiple_of3A, %dma_start3A_36] : memref<1280x128xi32, #tpu.memory_space<hbm>> -> memref<1x128xi32, #tpu.memory_space<hbm>>
        tpu.enqueue_dma source(%dma_start3A_37 : memref<1x128xi32, #tpu.memory_space<hbm>>) target(%arg8 : memref<1x128xi32, #tpu.memory_space<vmem>>) target_semaphore(%run_scoped3A_33 : memref<!tpu.dma_semaphore, #tpu.memory_space<semaphore_mem>>)
        %dma_wait3A_38 = arith.constant 0 : i32
        %dma_wait3A_39 = tpu.memref_slice %arg3[%multiple_of3A, %dma_wait3A_38] : memref<1280x128xi32, #tpu.memory_space<hbm>> -> memref<1x128xi32, #tpu.memory_space<hbm>>
        %dma_wait3A_40 = arith.constant 0 : i32
        %dma_wait3A_41 = tpu.memref_slice %arg3[%multiple_of3A, %dma_wait3A_40] : memref<1280x128xi32, #tpu.memory_space<hbm>> -> memref<1x128xi32, #tpu.memory_space<hbm>>
        tpu.wait_dma2 semaphore(%run_scoped3A_33 : memref<!tpu.dma_semaphore, #tpu.memory_space<semaphore_mem>>) src(%dma_wait3A_41 : memref<1x128xi32, #tpu.memory_space<hbm>>) dst(%arg8 : memref<1x128xi32, #tpu.memory_space<vmem>>)
        tpu.yield
      }) : () -> ()
      %dma_start3A = arith.constant 0 : i32
      %dma_start3A_21 = arith.constant 0 : i32
      %dma_start3A_22 = tpu.memref_slice %arg7[%dma_start3A, %dma_start3A_21] : memref<1x128xi32, #tpu.memory_space<vmem>> -> memref<1x128xi32, #tpu.memory_space<vmem>>
      %dma_start3A_23 = tpu.memref_squeeze %dma_start3A_22 : memref<1x128xi32, #tpu.memory_space<vmem>> -> memref<128xi32, #tpu.memory_space<vmem>>
      %dma_start3A_24 = arith.constant 0 : i32
      %dma_start3A_25 = arith.constant 0 : i32
      %dma_start3A_26 = tpu.memref_slice %arg4[%dma_start3A_24, %dma_start3A_25] : memref<10240x160xf32, #tpu.memory_space<hbm>> -> memref<10240x160xf32, #tpu.memory_space<hbm>>
      tpu.enqueue_indirect_dma source(%dma_start3A_26 : memref<10240x160xf32, #tpu.memory_space<hbm>>) target(%arg9 : memref<128x160xf32, #tpu.memory_space<vmem>>) offsets(%dma_start3A_23 : memref<128xi32, #tpu.memory_space<vmem>>) semaphore(%arg11 : memref<!tpu.dma_semaphore, #tpu.memory_space<semaphore_mem>>)
      %dma_wait3A = arith.constant 0 : i32
      %dma_wait3A_27 = arith.constant 0 : i32
      %dma_wait3A_28 = tpu.memref_slice %arg7[%dma_wait3A, %dma_wait3A_27] : memref<1x128xi32, #tpu.memory_space<vmem>> -> memref<1x128xi32, #tpu.memory_space<vmem>>
      %dma_wait3A_29 = tpu.memref_squeeze %dma_wait3A_28 : memref<1x128xi32, #tpu.memory_space<vmem>> -> memref<128xi32, #tpu.memory_space<vmem>>
      %dma_wait3A_30 = arith.constant 0 : i32
      %dma_wait3A_31 = arith.constant 0 : i32
      %dma_wait3A_32 = tpu.memref_slice %arg4[%dma_wait3A_30, %dma_wait3A_31] : memref<10240x160xf32, #tpu.memory_space<hbm>> -> memref<10240x160xf32, #tpu.memory_space<hbm>>
      tpu.wait_indirect_dma semaphore(%arg11 : memref<!tpu.dma_semaphore, #tpu.memory_space<semaphore_mem>>) src(%dma_wait3A_32 : memref<10240x160xf32, #tpu.memory_space<hbm>>) dst(%arg9 : memref<128x160xf32, #tpu.memory_space<vmem>>)
      %run_scoped3A = arith.constant 0 : i32
      "tpu.region"() ({
        %run_scoped3A_33 = tpu.sem_alloc : memref<!tpu.dma_semaphore, #tpu.memory_space<semaphore_mem>>
        %dma_start3A_34 = arith.constant 0 : i32
        %dma_start3A_35 = tpu.memref_slice %arg8[%run_scoped3A, %dma_start3A_34] : memref<1x128xi32, #tpu.memory_space<vmem>> -> memref<1x128xi32, #tpu.memory_space<vmem>>
        %dma_start3A_36 = tpu.memref_squeeze %dma_start3A_35 : memref<1x128xi32, #tpu.memory_space<vmem>> -> memref<128xi32, #tpu.memory_space<vmem>>
        %dma_start3A_37 = arith.constant 0 : i32
        %dma_start3A_38 = arith.constant 0 : i32
        %dma_start3A_39 = tpu.memref_slice %arg10[%dma_start3A_37, %dma_start3A_38] : memref<10240x160xf32, #tpu.memory_space<vmem_shared>> -> memref<10240x160xf32, #tpu.memory_space<vmem_shared>>
        tpu.enqueue_indirect_dma source(%arg9 : memref<128x160xf32, #tpu.memory_space<vmem>>) target(%dma_start3A_39 : memref<10240x160xf32, #tpu.memory_space<vmem_shared>>) offsets(%dma_start3A_36 : memref<128xi32, #tpu.memory_space<vmem>>) semaphore(%run_scoped3A_33 : memref<!tpu.dma_semaphore, #tpu.memory_space<semaphore_mem>>) {add = true}
        %dma_wait3A_40 = arith.constant 0 : i32
        %dma_wait3A_41 = tpu.memref_slice %arg8[%run_scoped3A, %dma_wait3A_40] : memref<1x128xi32, #tpu.memory_space<vmem>> -> memref<1x128xi32, #tpu.memory_space<vmem>>
        %dma_wait3A_42 = tpu.memref_squeeze %dma_wait3A_41 : memref<1x128xi32, #tpu.memory_space<vmem>> -> memref<128xi32, #tpu.memory_space<vmem>>
        %dma_wait3A_43 = arith.constant 0 : i32
        %dma_wait3A_44 = arith.constant 0 : i32
        %dma_wait3A_45 = tpu.memref_slice %arg10[%dma_wait3A_43, %dma_wait3A_44] : memref<10240x160xf32, #tpu.memory_space<vmem_shared>> -> memref<10240x160xf32, #tpu.memory_space<vmem_shared>>
        tpu.wait_indirect_dma semaphore(%run_scoped3A_33 : memref<!tpu.dma_semaphore, #tpu.memory_space<semaphore_mem>>) src(%arg9 : memref<128x160xf32, #tpu.memory_space<vmem>>) dst(%dma_wait3A_45 : memref<10240x160xf32, #tpu.memory_space<vmem_shared>>)
        tpu.yield
      }) : () -> ()
    }
    %scan3A_11 = arith.constant 40 : i32
    %barrier3A_12 = arith.constant 0 : index
    tpu.barrier barrier_id(%barrier3A_12)
    %mul3A_13 = arith.constant 640 : i32
    %mul3A_14 = arith.muli %arg1, %mul3A_13 : i32
    %mul3A_15 = arith.constant 640 : i32
    %mul3A_16 = arith.muli %arg1, %mul3A_15 : i32
    "tpu.region"() ({
      %run_scoped3A = tpu.sem_alloc : memref<!tpu.dma_semaphore, #tpu.memory_space<semaphore_mem>>
      %dma_start3A = arith.constant 0 : i32
      %dma_start3A_17 = tpu.memref_slice %arg6[%arg0, %mul3A_16, %dma_start3A] : memref<2x10240x160xf32, #tpu.memory_space<hbm>> -> memref<1x640x160xf32, #tpu.memory_space<hbm>>
      %dma_start3A_18 = tpu.memref_squeeze %dma_start3A_17 : memref<1x640x160xf32, #tpu.memory_space<hbm>> -> memref<640x160xf32, #tpu.memory_space<hbm>>
      %dma_start3A_19 = arith.constant 0 : i32
      %dma_start3A_20 = tpu.memref_slice %arg10[%mul3A_14, %dma_start3A_19] : memref<10240x160xf32, #tpu.memory_space<vmem_shared>> -> memref<640x160xf32, #tpu.memory_space<vmem_shared>>
      tpu.enqueue_dma source(%dma_start3A_20 : memref<640x160xf32, #tpu.memory_space<vmem_shared>>) target(%dma_start3A_18 : memref<640x160xf32, #tpu.memory_space<hbm>>) target_semaphore(%run_scoped3A : memref<!tpu.dma_semaphore, #tpu.memory_space<semaphore_mem>>)
      %dma_wait3A = arith.constant 0 : i32
      %dma_wait3A_21 = tpu.memref_slice %arg6[%arg0, %mul3A_16, %dma_wait3A] : memref<2x10240x160xf32, #tpu.memory_space<hbm>> -> memref<1x640x160xf32, #tpu.memory_space<hbm>>
      %dma_wait3A_22 = tpu.memref_squeeze %dma_wait3A_21 : memref<1x640x160xf32, #tpu.memory_space<hbm>> -> memref<640x160xf32, #tpu.memory_space<hbm>>
      %dma_wait3A_23 = arith.constant 0 : i32
      %dma_wait3A_24 = tpu.memref_slice %arg10[%mul3A_14, %dma_wait3A_23] : memref<10240x160xf32, #tpu.memory_space<vmem_shared>> -> memref<640x160xf32, #tpu.memory_space<vmem_shared>>
      tpu.wait_dma2 semaphore(%run_scoped3A : memref<!tpu.dma_semaphore, #tpu.memory_space<semaphore_mem>>) src(%dma_wait3A_24 : memref<640x160xf32, #tpu.memory_space<vmem_shared>>) dst(%dma_wait3A_22 : memref<640x160xf32, #tpu.memory_space<hbm>>)
      tpu.yield
    }) : () -> ()
    return
  }
}

#map = affine_map<(d0, d1) -> (0, 0)>
#map1 = affine_map<(d0, d1) -> (0, 0, 0)>
module attributes {stable_mosaic.version = 14 : i64} {
  func.func @k(%arg0: i32, %arg1: i32, %arg2: memref<1280x128xi32, #tpu.memory_space<hbm>>, %arg3: memref<1280x128xi32, #tpu.memory_space<hbm>>, %arg4: memref<10240x160xf32, #tpu.memory_space<hbm>>, %arg5: memref<10240x160xf32, #tpu.memory_space<hbm>>, %arg6: memref<2x10240x160xf32, #tpu.memory_space<hbm>>, %arg7: memref<1x128xi32, #tpu.memory_space<vmem>>, %arg8: memref<1x128xi32, #tpu.memory_space<vmem>>, %arg9: memref<128x160xf32, #tpu.memory_space<vmem>>, %arg10: memref<10240x160xf32, #tpu.memory_space<vmem_shared>>, %arg11: memref<!tpu.dma_semaphore, #tpu.memory_space<semaphore_mem>>) attributes {dimension_semantics = [#tpu.dimension_semantics<core_parallel>, #tpu.dimension_semantics<subcore_parallel>], iteration_bounds = array<i64: 2, 16>, scalar_prefetch = 0 : i64, scratch_operands = 5 : i64, tpu.core_type = #tpu.core_type<sc_vector_subcore>, window_params = [{transform_indices = #map}, {transform_indices = #map}, {transform_indices = #map}, {transform_indices = #map}, {transform_indices = #map1}]} {
    %mul3A = arith.constant 2 : i32
    %mul3A_0 = arith.muli %arg1, %mul3A : i32
    %add3A = arith.addi %mul3A_0, %arg0 : i32
    %mul3A_1 = arith.constant 640 : i32
    %mul3A_2 = arith.muli %arg1, %mul3A_1 : i32
    %mul3A_3 = arith.constant 640 : i32
    %mul3A_4 = arith.muli %arg1, %mul3A_3 : i32
    "tpu.region"() ({
      %run_scoped3A = tpu.sem_alloc : memref<!tpu.dma_semaphore, #tpu.memory_space<semaphore_mem>>
      %dma_start3A = arith.constant 0 : i32
      %dma_start3A_17 = tpu.memref_slice %arg10[%mul3A_4, %dma_start3A] : memref<10240x160xf32, #tpu.memory_space<vmem_shared>> -> memref<640x160xf32, #tpu.memory_space<vmem_shared>>
      %dma_start3A_18 = arith.constant 0 : i32
      %dma_start3A_19 = tpu.memref_slice %arg5[%mul3A_2, %dma_start3A_18] : memref<10240x160xf32, #tpu.memory_space<hbm>> -> memref<640x160xf32, #tpu.memory_space<hbm>>
      tpu.enqueue_dma source(%dma_start3A_19 : memref<640x160xf32, #tpu.memory_space<hbm>>) target(%dma_start3A_17 : memref<640x160xf32, #tpu.memory_space<vmem_shared>>) target_semaphore(%run_scoped3A : memref<!tpu.dma_semaphore, #tpu.memory_space<semaphore_mem>>)
      %dma_wait3A = arith.constant 0 : i32
      %dma_wait3A_20 = tpu.memref_slice %arg10[%mul3A_4, %dma_wait3A] : memref<10240x160xf32, #tpu.memory_space<vmem_shared>> -> memref<640x160xf32, #tpu.memory_space<vmem_shared>>
      %dma_wait3A_21 = arith.constant 0 : i32
      %dma_wait3A_22 = tpu.memref_slice %arg5[%mul3A_2, %dma_wait3A_21] : memref<10240x160xf32, #tpu.memory_space<hbm>> -> memref<640x160xf32, #tpu.memory_space<hbm>>
      tpu.wait_dma2 semaphore(%run_scoped3A : memref<!tpu.dma_semaphore, #tpu.memory_space<semaphore_mem>>) src(%dma_wait3A_22 : memref<640x160xf32, #tpu.memory_space<hbm>>) dst(%dma_wait3A_20 : memref<640x160xf32, #tpu.memory_space<vmem_shared>>)
      tpu.yield
    }) : () -> ()
    %barrier3A = arith.constant 0 : index
    tpu.barrier barrier_id(%barrier3A)
    %mul3A_5 = arith.constant 40 : i32
    %mul3A_6 = arith.muli %add3A, %mul3A_5 : i32
    %scan3A = arith.constant 0 : i32
    %scan3A_7 = arith.constant 0 : i32
    %scan3A_8 = arith.constant 40 : i32
    %scan3A_9 = arith.addi %scan3A_7, %scan3A_8 : i32
    %scan3A_10 = arith.constant 1 : i32
    scf.for %scan3A_17 = %scan3A_7 to %scan3A_9 step %scan3A_10  : i32 {
      %mul3A_18 = arith.constant 1 : i32
      %mul3A_19 = arith.muli %scan3A_17, %mul3A_18 : i32
      %add3A_20 = arith.addi %mul3A_6, %mul3A_19 : i32
      %multiple_of3A = tpu.assume_multiple %add3A_20, 1 : i32
      "tpu.region"() ({
        %run_scoped3A_33 = tpu.sem_alloc : memref<!tpu.dma_semaphore, #tpu.memory_space<semaphore_mem>>
        %dma_start3A_34 = arith.constant 0 : i32
        %dma_start3A_35 = tpu.memref_slice %arg2[%multiple_of3A, %dma_start3A_34] : memref<1280x128xi32, #tpu.memory_space<hbm>> -> memref<1x128xi32, #tpu.memory_space<hbm>>
        %dma_start3A_36 = arith.constant 0 : i32
        %dma_start3A_37 = tpu.memref_slice %arg2[%multiple_of3A, %dma_start3A_36] : memref<1280x128xi32, #tpu.memory_space<hbm>> -> memref<1x128xi32, #tpu.memory_space<hbm>>
        tpu.enqueue_dma source(%dma_start3A_37 : memref<1x128xi32, #tpu.memory_space<hbm>>) target(%arg7 : memref<1x128xi32, #tpu.memory_space<vmem>>) target_semaphore(%run_scoped3A_33 : memref<!tpu.dma_semaphore, #tpu.memory_space<semaphore_mem>>)
        %dma_wait3A_38 = arith.constant 0 : i32
        %dma_wait3A_39 = tpu.memref_slice %arg2[%multiple_of3A, %dma_wait3A_38] : memref<1280x128xi32, #tpu.memory_space<hbm>> -> memref<1x128xi32, #tpu.memory_space<hbm>>
        %dma_wait3A_40 = arith.constant 0 : i32
        %dma_wait3A_41 = tpu.memref_slice %arg2[%multiple_of3A, %dma_wait3A_40] : memref<1280x128xi32, #tpu.memory_space<hbm>> -> memref<1x128xi32, #tpu.memory_space<hbm>>
        tpu.wait_dma2 semaphore(%run_scoped3A_33 : memref<!tpu.dma_semaphore, #tpu.memory_space<semaphore_mem>>) src(%dma_wait3A_41 : memref<1x128xi32, #tpu.memory_space<hbm>>) dst(%arg7 : memref<1x128xi32, #tpu.memory_space<vmem>>)
        tpu.yield
      }) : () -> ()
      "tpu.region"() ({
        %run_scoped3A_33 = tpu.sem_alloc : memref<!tpu.dma_semaphore, #tpu.memory_space<semaphore_mem>>
        %dma_start3A_34 = arith.constant 0 : i32
        %dma_start3A_35 = tpu.memref_slice %arg3[%multiple_of3A, %dma_start3A_34] : memref<1280x128xi32, #tpu.memory_space<hbm>> -> memref<1x128xi32, #tpu.memory_space<hbm>>
        %dma_start3A_36 = arith.constant 0 : i32
        %dma_start3A_37 = tpu.memref_slice %arg3[%multiple_of3A, %dma_start3A_36] : memref<1280x128xi32, #tpu.memory_space<hbm>> -> memref<1x128xi32, #tpu.memory_space<hbm>>
        tpu.enqueue_dma source(%dma_start3A_37 : memref<1x128xi32, #tpu.memory_space<hbm>>) target(%arg8 : memref<1x128xi32, #tpu.memory_space<vmem>>) target_semaphore(%run_scoped3A_33 : memref<!tpu.dma_semaphore, #tpu.memory_space<semaphore_mem>>)
        %dma_wait3A_38 = arith.constant 0 : i32
        %dma_wait3A_39 = tpu.memref_slice %arg3[%multiple_of3A, %dma_wait3A_38] : memref<1280x128xi32, #tpu.memory_space<hbm>> -> memref<1x128xi32, #tpu.memory_space<hbm>>
        %dma_wait3A_40 = arith.constant 0 : i32
        %dma_wait3A_41 = tpu.memref_slice %arg3[%multiple_of3A, %dma_wait3A_40] : memref<1280x128xi32, #tpu.memory_space<hbm>> -> memref<1x128xi32, #tpu.memory_space<hbm>>
        tpu.wait_dma2 semaphore(%run_scoped3A_33 : memref<!tpu.dma_semaphore, #tpu.memory_space<semaphore_mem>>) src(%dma_wait3A_41 : memref<1x128xi32, #tpu.memory_space<hbm>>) dst(%arg8 : memref<1x128xi32, #tpu.memory_space<vmem>>)
        tpu.yield
      }) : () -> ()
      %dma_start3A = arith.constant 0 : i32
      %dma_start3A_21 = arith.constant 0 : i32
      %dma_start3A_22 = tpu.memref_slice %arg7[%dma_start3A, %dma_start3A_21] : memref<1x128xi32, #tpu.memory_space<vmem>> -> memref<1x128xi32, #tpu.memory_space<vmem>>
      %dma_start3A_23 = tpu.memref_squeeze %dma_start3A_22 : memref<1x128xi32, #tpu.memory_space<vmem>> -> memref<128xi32, #tpu.memory_space<vmem>>
      %dma_start3A_24 = arith.constant 0 : i32
      %dma_start3A_25 = arith.constant 0 : i32
      %dma_start3A_26 = tpu.memref_slice %arg4[%dma_start3A_24, %dma_start3A_25] : memref<10240x160xf32, #tpu.memory_space<hbm>> -> memref<10240x160xf32, #tpu.memory_space<hbm>>
      tpu.enqueue_indirect_dma source(%dma_start3A_26 : memref<10240x160xf32, #tpu.memory_space<hbm>>) target(%arg9 : memref<128x160xf32, #tpu.memory_space<vmem>>) offsets(%dma_start3A_23 : memref<128xi32, #tpu.memory_space<vmem>>) semaphore(%arg11 : memref<!tpu.dma_semaphore, #tpu.memory_space<semaphore_mem>>)
      %dma_wait3A = arith.constant 0 : i32
      %dma_wait3A_27 = arith.constant 0 : i32
      %dma_wait3A_28 = tpu.memref_slice %arg7[%dma_wait3A, %dma_wait3A_27] : memref<1x128xi32, #tpu.memory_space<vmem>> -> memref<1x128xi32, #tpu.memory_space<vmem>>
      %dma_wait3A_29 = tpu.memref_squeeze %dma_wait3A_28 : memref<1x128xi32, #tpu.memory_space<vmem>> -> memref<128xi32, #tpu.memory_space<vmem>>
      %dma_wait3A_30 = arith.constant 0 : i32
      %dma_wait3A_31 = arith.constant 0 : i32
      %dma_wait3A_32 = tpu.memref_slice %arg4[%dma_wait3A_30, %dma_wait3A_31] : memref<10240x160xf32, #tpu.memory_space<hbm>> -> memref<10240x160xf32, #tpu.memory_space<hbm>>
      tpu.wait_indirect_dma semaphore(%arg11 : memref<!tpu.dma_semaphore, #tpu.memory_space<semaphore_mem>>) src(%dma_wait3A_32 : memref<10240x160xf32, #tpu.memory_space<hbm>>) dst(%arg9 : memref<128x160xf32, #tpu.memory_space<vmem>>)
      %run_scoped3A = arith.constant 0 : i32
      "tpu.region"() ({
        %run_scoped3A_33 = tpu.sem_alloc : memref<!tpu.dma_semaphore, #tpu.memory_space<semaphore_mem>>
        %dma_start3A_34 = arith.constant 0 : i32
        %dma_start3A_35 = tpu.memref_slice %arg8[%run_scoped3A, %dma_start3A_34] : memref<1x128xi32, #tpu.memory_space<vmem>> -> memref<1x128xi32, #tpu.memory_space<vmem>>
        %dma_start3A_36 = tpu.memref_squeeze %dma_start3A_35 : memref<1x128xi32, #tpu.memory_space<vmem>> -> memref<128xi32, #tpu.memory_space<vmem>>
        %dma_start3A_37 = arith.constant 0 : i32
        %dma_start3A_38 = arith.constant 0 : i32
        %dma_start3A_39 = tpu.memref_slice %arg10[%dma_start3A_37, %dma_start3A_38] : memref<10240x160xf32, #tpu.memory_space<vmem_shared>> -> memref<10240x160xf32, #tpu.memory_space<vmem_shared>>
        tpu.enqueue_indirect_dma source(%arg9 : memref<128x160xf32, #tpu.memory_space<vmem>>) target(%dma_start3A_39 : memref<10240x160xf32, #tpu.memory_space<vmem_shared>>) offsets(%dma_start3A_36 : memref<128xi32, #tpu.memory_space<vmem>>) semaphore(%run_scoped3A_33 : memref<!tpu.dma_semaphore, #tpu.memory_space<semaphore_mem>>) {add = true}
        %dma_wait3A_40 = arith.constant 0 : i32
        %dma_wait3A_41 = tpu.memref_slice %arg8[%run_scoped3A, %dma_wait3A_40] : memref<1x128xi32, #tpu.memory_space<vmem>> -> memref<1x128xi32, #tpu.memory_space<vmem>>
        %dma_wait3A_42 = tpu.memref_squeeze %dma_wait3A_41 : memref<1x128xi32, #tpu.memory_space<vmem>> -> memref<128xi32, #tpu.memory_space<vmem>>
        %dma_wait3A_43 = arith.constant 0 : i32
        %dma_wait3A_44 = arith.constant 0 : i32
        %dma_wait3A_45 = tpu.memref_slice %arg10[%dma_wait3A_43, %dma_wait3A_44] : memref<10240x160xf32, #tpu.memory_space<vmem_shared>> -> memref<10240x160xf32, #tpu.memory_space<vmem_shared>>
        tpu.wait_indirect_dma semaphore(%run_scoped3A_33 : memref<!tpu.dma_semaphore, #tpu.memory_space<semaphore_mem>>) src(%arg9 : memref<128x160xf32, #tpu.memory_space<vmem>>) dst(%dma_wait3A_45 : memref<10240x160xf32, #tpu.memory_space<vmem_shared>>)
        tpu.yield
      }) : () -> ()
    }
    %scan3A_11 = arith.constant 40 : i32
    %barrier3A_12 = arith.constant 0 : index
    tpu.barrier barrier_id(%barrier3A_12)
    %mul3A_13 = arith.constant 640 : i32
    %mul3A_14 = arith.muli %arg1, %mul3A_13 : i32
    %mul3A_15 = arith.constant 640 : i32
    %mul3A_16 = arith.muli %arg1, %mul3A_15 : i32
    "tpu.region"() ({
      %run_scoped3A = tpu.sem_alloc : memref<!tpu.dma_semaphore, #tpu.memory_space<semaphore_mem>>
      %dma_start3A = arith.constant 0 : i32
      %dma_start3A_17 = tpu.memref_slice %arg6[%arg0, %mul3A_16, %dma_start3A] : memref<2x10240x160xf32, #tpu.memory_space<hbm>> -> memref<1x640x160xf32, #tpu.memory_space<hbm>>
      %dma_start3A_18 = tpu.memref_squeeze %dma_start3A_17 : memref<1x640x160xf32, #tpu.memory_space<hbm>> -> memref<640x160xf32, #tpu.memory_space<hbm>>
      %dma_start3A_19 = arith.constant 0 : i32
      %dma_start3A_20 = tpu.memref_slice %arg10[%mul3A_14, %dma_start3A_19] : memref<10240x160xf32, #tpu.memory_space<vmem_shared>> -> memref<640x160xf32, #tpu.memory_space<vmem_shared>>
      tpu.enqueue_dma source(%dma_start3A_20 : memref<640x160xf32, #tpu.memory_space<vmem_shared>>) target(%dma_start3A_18 : memref<640x160xf32, #tpu.memory_space<hbm>>) target_semaphore(%run_scoped3A : memref<!tpu.dma_semaphore, #tpu.memory_space<semaphore_mem>>)
      %dma_wait3A = arith.constant 0 : i32
      %dma_wait3A_21 = tpu.memref_slice %arg6[%arg0, %mul3A_16, %dma_wait3A] : memref<2x10240x160xf32, #tpu.memory_space<hbm>> -> memref<1x640x160xf32, #tpu.memory_space<hbm>>
      %dma_wait3A_22 = tpu.memref_squeeze %dma_wait3A_21 : memref<1x640x160xf32, #tpu.memory_space<hbm>> -> memref<640x160xf32, #tpu.memory_space<hbm>>
      %dma_wait3A_23 = arith.constant 0 : i32
      %dma_wait3A_24 = tpu.memref_slice %arg10[%mul3A_14, %dma_wait3A_23] : memref<10240x160xf32, #tpu.memory_space<vmem_shared>> -> memref<640x160xf32, #tpu.memory_space<vmem_shared>>
      tpu.wait_dma2 semaphore(%run_scoped3A : memref<!tpu.dma_semaphore, #tpu.memory_space<semaphore_mem>>) src(%dma_wait3A_24 : memref<640x160xf32, #tpu.memory_space<vmem_shared>>) dst(%dma_wait3A_22 : memref<640x160xf32, #tpu.memory_space<hbm>>)
      tpu.yield
    }) : () -> ()
    return
  }
}

#map = affine_map<(d0, d1) -> (0, 0)>
#map1 = affine_map<(d0, d1) -> (0)>
module attributes {stable_mosaic.version = 14 : i64} {
  func.func @k(%arg0: i32, %arg1: i32, %arg2: memref<10240x320xf32, #tpu.memory_space<hbm>>, %arg3: memref<512xi32, #tpu.memory_space<hbm>>, %arg4: memref<512x320xf32, #tpu.memory_space<hbm>>, %arg5: memref<16xi32, #tpu.memory_space<vmem>>, %arg6: memref<16x320xf32, #tpu.memory_space<vmem>>, %arg7: memref<!tpu.dma_semaphore, #tpu.memory_space<semaphore_mem>>) attributes {dimension_semantics = [#tpu.dimension_semantics<core_parallel>, #tpu.dimension_semantics<subcore_parallel>], iteration_bounds = array<i64: 2, 16>, scalar_prefetch = 0 : i64, scratch_operands = 3 : i64, tpu.core_type = #tpu.core_type<sc_vector_subcore>, window_params = [{transform_indices = #map}, {transform_indices = #map1}, {transform_indices = #map}]} {
    %mul3A = arith.constant 2 : i32
    %mul3A_0 = arith.muli %arg1, %mul3A : i32
    %add3A = arith.addi %mul3A_0, %arg0 : i32
    %mul3A_1 = arith.constant 16 : i32
    %mul3A_2 = arith.muli %add3A, %mul3A_1 : i32
    "tpu.region"() ({
      %run_scoped3A = tpu.sem_alloc : memref<!tpu.dma_semaphore, #tpu.memory_space<semaphore_mem>>
      %dma_start3A_7 = tpu.memref_slice %arg3[%mul3A_2] : memref<512xi32, #tpu.memory_space<hbm>> -> memref<16xi32, #tpu.memory_space<hbm>>
      %dma_start3A_8 = tpu.memref_slice %arg3[%mul3A_2] : memref<512xi32, #tpu.memory_space<hbm>> -> memref<16xi32, #tpu.memory_space<hbm>>
      tpu.enqueue_dma source(%dma_start3A_8 : memref<16xi32, #tpu.memory_space<hbm>>) target(%arg5 : memref<16xi32, #tpu.memory_space<vmem>>) target_semaphore(%run_scoped3A : memref<!tpu.dma_semaphore, #tpu.memory_space<semaphore_mem>>)
      %dma_wait3A_9 = tpu.memref_slice %arg3[%mul3A_2] : memref<512xi32, #tpu.memory_space<hbm>> -> memref<16xi32, #tpu.memory_space<hbm>>
      %dma_wait3A_10 = tpu.memref_slice %arg3[%mul3A_2] : memref<512xi32, #tpu.memory_space<hbm>> -> memref<16xi32, #tpu.memory_space<hbm>>
      tpu.wait_dma2 semaphore(%run_scoped3A : memref<!tpu.dma_semaphore, #tpu.memory_space<semaphore_mem>>) src(%dma_wait3A_10 : memref<16xi32, #tpu.memory_space<hbm>>) dst(%arg5 : memref<16xi32, #tpu.memory_space<vmem>>)
      tpu.yield
    }) : () -> ()
    %dma_start3A = arith.constant 0 : i32
    %dma_start3A_3 = arith.constant 0 : i32
    %dma_start3A_4 = tpu.memref_slice %arg2[%dma_start3A, %dma_start3A_3] : memref<10240x320xf32, #tpu.memory_space<hbm>> -> memref<10240x320xf32, #tpu.memory_space<hbm>>
    tpu.enqueue_indirect_dma source(%dma_start3A_4 : memref<10240x320xf32, #tpu.memory_space<hbm>>) target(%arg6 : memref<16x320xf32, #tpu.memory_space<vmem>>) offsets(%arg5 : memref<16xi32, #tpu.memory_space<vmem>>) semaphore(%arg7 : memref<!tpu.dma_semaphore, #tpu.memory_space<semaphore_mem>>)
    %dma_wait3A = arith.constant 0 : i32
    %dma_wait3A_5 = arith.constant 0 : i32
    %dma_wait3A_6 = tpu.memref_slice %arg2[%dma_wait3A, %dma_wait3A_5] : memref<10240x320xf32, #tpu.memory_space<hbm>> -> memref<10240x320xf32, #tpu.memory_space<hbm>>
    tpu.wait_indirect_dma semaphore(%arg7 : memref<!tpu.dma_semaphore, #tpu.memory_space<semaphore_mem>>) src(%dma_wait3A_6 : memref<10240x320xf32, #tpu.memory_space<hbm>>) dst(%arg6 : memref<16x320xf32, #tpu.memory_space<vmem>>)
    "tpu.region"() ({
      %run_scoped3A = tpu.sem_alloc : memref<!tpu.dma_semaphore, #tpu.memory_space<semaphore_mem>>
      %dma_start3A_7 = arith.constant 0 : i32
      %dma_start3A_8 = tpu.memref_slice %arg4[%mul3A_2, %dma_start3A_7] : memref<512x320xf32, #tpu.memory_space<hbm>> -> memref<16x320xf32, #tpu.memory_space<hbm>>
      %dma_start3A_9 = arith.constant 0 : i32
      %dma_start3A_10 = tpu.memref_slice %arg4[%mul3A_2, %dma_start3A_9] : memref<512x320xf32, #tpu.memory_space<hbm>> -> memref<16x320xf32, #tpu.memory_space<hbm>>
      tpu.enqueue_dma source(%arg6 : memref<16x320xf32, #tpu.memory_space<vmem>>) target(%dma_start3A_10 : memref<16x320xf32, #tpu.memory_space<hbm>>) target_semaphore(%run_scoped3A : memref<!tpu.dma_semaphore, #tpu.memory_space<semaphore_mem>>)
      %dma_wait3A_11 = arith.constant 0 : i32
      %dma_wait3A_12 = tpu.memref_slice %arg4[%mul3A_2, %dma_wait3A_11] : memref<512x320xf32, #tpu.memory_space<hbm>> -> memref<16x320xf32, #tpu.memory_space<hbm>>
      %dma_wait3A_13 = arith.constant 0 : i32
      %dma_wait3A_14 = tpu.memref_slice %arg4[%mul3A_2, %dma_wait3A_13] : memref<512x320xf32, #tpu.memory_space<hbm>> -> memref<16x320xf32, #tpu.memory_space<hbm>>
      tpu.wait_dma2 semaphore(%run_scoped3A : memref<!tpu.dma_semaphore, #tpu.memory_space<semaphore_mem>>) src(%arg6 : memref<16x320xf32, #tpu.memory_space<vmem>>) dst(%dma_wait3A_14 : memref<16x320xf32, #tpu.memory_space<hbm>>)
      tpu.yield
    }) : () -> ()
    return
  }
}

#map = affine_map<(d0, d1) -> (0, 0)>
#map1 = affine_map<(d0, d1) -> (0)>
module attributes {stable_mosaic.version = 14 : i64} {
  func.func @k(%arg0: i32, %arg1: i32, %arg2: memref<10240x320xf32, #tpu.memory_space<hbm>>, %arg3: memref<512xi32, #tpu.memory_space<hbm>>, %arg4: memref<512x320xf32, #tpu.memory_space<hbm>>, %arg5: memref<16xi32, #tpu.memory_space<vmem>>, %arg6: memref<16x320xf32, #tpu.memory_space<vmem>>, %arg7: memref<!tpu.dma_semaphore, #tpu.memory_space<semaphore_mem>>) attributes {dimension_semantics = [#tpu.dimension_semantics<core_parallel>, #tpu.dimension_semantics<subcore_parallel>], iteration_bounds = array<i64: 2, 16>, scalar_prefetch = 0 : i64, scratch_operands = 3 : i64, tpu.core_type = #tpu.core_type<sc_vector_subcore>, window_params = [{transform_indices = #map}, {transform_indices = #map1}, {transform_indices = #map}]} {
    %mul3A = arith.constant 2 : i32
    %mul3A_0 = arith.muli %arg1, %mul3A : i32
    %add3A = arith.addi %mul3A_0, %arg0 : i32
    %mul3A_1 = arith.constant 16 : i32
    %mul3A_2 = arith.muli %add3A, %mul3A_1 : i32
    "tpu.region"() ({
      %run_scoped3A = tpu.sem_alloc : memref<!tpu.dma_semaphore, #tpu.memory_space<semaphore_mem>>
      %dma_start3A_7 = tpu.memref_slice %arg3[%mul3A_2] : memref<512xi32, #tpu.memory_space<hbm>> -> memref<16xi32, #tpu.memory_space<hbm>>
      %dma_start3A_8 = tpu.memref_slice %arg3[%mul3A_2] : memref<512xi32, #tpu.memory_space<hbm>> -> memref<16xi32, #tpu.memory_space<hbm>>
      tpu.enqueue_dma source(%dma_start3A_8 : memref<16xi32, #tpu.memory_space<hbm>>) target(%arg5 : memref<16xi32, #tpu.memory_space<vmem>>) target_semaphore(%run_scoped3A : memref<!tpu.dma_semaphore, #tpu.memory_space<semaphore_mem>>)
      %dma_wait3A_9 = tpu.memref_slice %arg3[%mul3A_2] : memref<512xi32, #tpu.memory_space<hbm>> -> memref<16xi32, #tpu.memory_space<hbm>>
      %dma_wait3A_10 = tpu.memref_slice %arg3[%mul3A_2] : memref<512xi32, #tpu.memory_space<hbm>> -> memref<16xi32, #tpu.memory_space<hbm>>
      tpu.wait_dma2 semaphore(%run_scoped3A : memref<!tpu.dma_semaphore, #tpu.memory_space<semaphore_mem>>) src(%dma_wait3A_10 : memref<16xi32, #tpu.memory_space<hbm>>) dst(%arg5 : memref<16xi32, #tpu.memory_space<vmem>>)
      tpu.yield
    }) : () -> ()
    %dma_start3A = arith.constant 0 : i32
    %dma_start3A_3 = arith.constant 0 : i32
    %dma_start3A_4 = tpu.memref_slice %arg2[%dma_start3A, %dma_start3A_3] : memref<10240x320xf32, #tpu.memory_space<hbm>> -> memref<10240x320xf32, #tpu.memory_space<hbm>>
    tpu.enqueue_indirect_dma source(%dma_start3A_4 : memref<10240x320xf32, #tpu.memory_space<hbm>>) target(%arg6 : memref<16x320xf32, #tpu.memory_space<vmem>>) offsets(%arg5 : memref<16xi32, #tpu.memory_space<vmem>>) semaphore(%arg7 : memref<!tpu.dma_semaphore, #tpu.memory_space<semaphore_mem>>)
    %dma_wait3A = arith.constant 0 : i32
    %dma_wait3A_5 = arith.constant 0 : i32
    %dma_wait3A_6 = tpu.memref_slice %arg2[%dma_wait3A, %dma_wait3A_5] : memref<10240x320xf32, #tpu.memory_space<hbm>> -> memref<10240x320xf32, #tpu.memory_space<hbm>>
    tpu.wait_indirect_dma semaphore(%arg7 : memref<!tpu.dma_semaphore, #tpu.memory_space<semaphore_mem>>) src(%dma_wait3A_6 : memref<10240x320xf32, #tpu.memory_space<hbm>>) dst(%arg6 : memref<16x320xf32, #tpu.memory_space<vmem>>)
    "tpu.region"() ({
      %run_scoped3A = tpu.sem_alloc : memref<!tpu.dma_semaphore, #tpu.memory_space<semaphore_mem>>
      %dma_start3A_7 = arith.constant 0 : i32
      %dma_start3A_8 = tpu.memref_slice %arg4[%mul3A_2, %dma_start3A_7] : memref<512x320xf32, #tpu.memory_space<hbm>> -> memref<16x320xf32, #tpu.memory_space<hbm>>
      %dma_start3A_9 = arith.constant 0 : i32
      %dma_start3A_10 = tpu.memref_slice %arg4[%mul3A_2, %dma_start3A_9] : memref<512x320xf32, #tpu.memory_space<hbm>> -> memref<16x320xf32, #tpu.memory_space<hbm>>
      tpu.enqueue_dma source(%arg6 : memref<16x320xf32, #tpu.memory_space<vmem>>) target(%dma_start3A_10 : memref<16x320xf32, #tpu.memory_space<hbm>>) target_semaphore(%run_scoped3A : memref<!tpu.dma_semaphore, #tpu.memory_space<semaphore_mem>>)
      %dma_wait3A_11 = arith.constant 0 : i32
      %dma_wait3A_12 = tpu.memref_slice %arg4[%mul3A_2, %dma_wait3A_11] : memref<512x320xf32, #tpu.memory_space<hbm>> -> memref<16x320xf32, #tpu.memory_space<hbm>>
      %dma_wait3A_13 = arith.constant 0 : i32
      %dma_wait3A_14 = tpu.memref_slice %arg4[%mul3A_2, %dma_wait3A_13] : memref<512x320xf32, #tpu.memory_space<hbm>> -> memref<16x320xf32, #tpu.memory_space<hbm>>
      tpu.wait_dma2 semaphore(%run_scoped3A : memref<!tpu.dma_semaphore, #tpu.memory_space<semaphore_mem>>) src(%arg6 : memref<16x320xf32, #tpu.memory_space<vmem>>) dst(%dma_wait3A_14 : memref<16x320xf32, #tpu.memory_space<hbm>>)
      tpu.yield
    }) : () -> ()
    return
  }
}

module attributes {stable_mosaic.version = 14 : i64} {
  func.func @body(%arg0: memref<2x10240x8xf32, #tpu.memory_space<vmem>>, %arg1: memref<10240x80xf32, #tpu.memory_space<vmem>>, %arg2: memref<10240x8xf32, #tpu.memory_space<vmem>>, %arg3: memref<10240x80xf32, #tpu.memory_space<vmem>>) attributes {dimension_semantics = [], scalar_prefetch = 0 : i64, scratch_operands = 0 : i64, tpu.core_type = #tpu.core_type<tc>} {
    %get3A = arith.constant 0 : index
    %get3A_0 = arith.constant 0 : index
    %get3A_1 = arith.constant 0 : index
    %get3A_2 = vector.load %arg0[%get3A, %get3A_0, %get3A_1] : memref<2x10240x8xf32, #tpu.memory_space<vmem>>, vector<1x10240x8xf32>
    %get3A_3 = vector.shape_cast %get3A_2 : vector<1x10240x8xf32> to vector<10240x8xf32>
    %get3A_4 = arith.constant 1 : index
    %get3A_5 = arith.constant 0 : index
    %get3A_6 = arith.constant 0 : index
    %get3A_7 = vector.load %arg0[%get3A_4, %get3A_5, %get3A_6] : memref<2x10240x8xf32, #tpu.memory_space<vmem>>, vector<1x10240x8xf32>
    %get3A_8 = vector.shape_cast %get3A_7 : vector<1x10240x8xf32> to vector<10240x8xf32>
    %add3A = arith.addf %get3A_3, %get3A_8 : vector<10240x8xf32>
    %add3A_9 = arith.constant 1.000000e+00 : f32
    %add3A_10 = vector.broadcast %add3A_9 : f32 to vector<10240x8xf32>
    %add3A_11 = arith.addf %add3A, %add3A_10 : vector<10240x8xf32>
    %rsqrt3A = math.rsqrt %add3A_11 : vector<10240x8xf32>
    %swap3A = arith.constant 0 : index
    %swap3A_12 = arith.constant 0 : index
    %swap3A_13 = vector.load %arg2[%swap3A, %swap3A_12] : memref<10240x8xf32, #tpu.memory_space<vmem>>, vector<10240x8xf32>
    tpu.vector_store %arg2[%swap3A, %swap3A_12], %rsqrt3A {strides = array<i32>} : memref<10240x8xf32, #tpu.memory_space<vmem>>, vector<10240x8xf32>,
    %get3A_14 = arith.constant 0 : index
    %get3A_15 = arith.constant 0 : index
    %get3A_16 = vector.load %arg1[%get3A_14, %get3A_15] : memref<10240x80xf32, #tpu.memory_space<vmem>>, vector<10240x80xf32>
    %slice3A = vector.extract_strided_slice %rsqrt3A {offsets = [0, 0], sizes = [10240, 1], strides = [1, 1]} : vector<10240x8xf32> to vector<10240x1xf32>
    %mul3A = vector.broadcast %slice3A : vector<10240x1xf32> to vector<10240x80xf32>
    %mul3A_17 = arith.mulf %get3A_16, %mul3A : vector<10240x80xf32>
    %swap3A_18 = arith.constant 0 : index
    %swap3A_19 = arith.constant 0 : index
    %swap3A_20 = vector.load %arg3[%swap3A_18, %swap3A_19] : memref<10240x80xf32, #tpu.memory_space<vmem>>, vector<10240x80xf32>
    tpu.vector_store %arg3[%swap3A_18, %swap3A_19], %mul3A_17 {strides = array<i32>} : memref<10240x80xf32, #tpu.memory_space<vmem>>, vector<10240x80xf32>,
    return
  }
}

module attributes {stable_mosaic.version = 14 : i64} {
  func.func @body(%arg0: i32, %arg1: memref<2x2048x80xf32, #tpu.memory_space<vmem>>, %arg2: memref<2048x80xf32, #tpu.memory_space<vmem>>, %arg3: memref<2048x8xf32, #tpu.memory_space<vmem>>, %arg4: memref<80x80xf32, #tpu.memory_space<vmem>>, %arg5: memref<8x80xf32, #tpu.memory_space<vmem>>, %arg6: memref<2048x80xf32, #tpu.memory_space<vmem>>, %arg7: memref<2048x80xf32, #tpu.memory_space<vmem>>) attributes {dimension_semantics = [#tpu.dimension_semantics<arbitrary>], iteration_bounds = array<i64: 5>, scalar_prefetch = 0 : i64, scratch_operands = 0 : i64, tpu.core_type = #tpu.core_type<tc>, window_params = [{transform_indices = @transform_0, window_bounds = array<i64: 2, 2048, 80>}, {transform_indices = @transform_1, window_bounds = array<i64: 2048, 80>}, {transform_indices = @transform_2, window_bounds = array<i64: 2048, 8>}, {pipeline_mode = #tpu.pipeline_mode<synchronous>, transform_indices = @transform_3, window_bounds = array<i64: 80, 80>}, {pipeline_mode = #tpu.pipeline_mode<synchronous>, transform_indices = @transform_4, window_bounds = array<i64: 8, 80>}, {transform_indices = @transform_5, window_bounds = array<i64: 2048, 80>}, {transform_indices = @transform_6, window_bounds = array<i64: 2048, 80>}]} {
    %get3A = arith.constant 0 : index
    %get3A_0 = arith.constant 0 : index
    %get3A_1 = vector.load %arg3[%get3A, %get3A_0] : memref<2048x8xf32, #tpu.memory_space<vmem>>, vector<2048x1xf32>
    %get3A_2 = arith.constant 0 : index
    %get3A_3 = arith.constant 0 : index
    %get3A_4 = arith.constant 0 : index
    %get3A_5 = vector.load %arg1[%get3A_2, %get3A_3, %get3A_4] : memref<2x2048x80xf32, #tpu.memory_space<vmem>>, vector<1x2048x80xf32>
    %get3A_6 = vector.shape_cast %get3A_5 : vector<1x2048x80xf32> to vector<2048x80xf32>
    %get3A_7 = arith.constant 1 : index
    %get3A_8 = arith.constant 0 : index
    %get3A_9 = arith.constant 0 : index
    %get3A_10 = vector.load %arg1[%get3A_7, %get3A_8, %get3A_9] : memref<2x2048x80xf32, #tpu.memory_space<vmem>>, vector<1x2048x80xf32>
    %get3A_11 = vector.shape_cast %get3A_10 : vector<1x2048x80xf32> to vector<2048x80xf32>
    %add3A = arith.addf %get3A_6, %get3A_11 : vector<2048x80xf32>
    %mul3A = vector.broadcast %get3A_1 : vector<2048x1xf32> to vector<2048x80xf32>
    %mul3A_12 = arith.mulf %mul3A, %add3A : vector<2048x80xf32>
    %mul3A_13 = arith.mulf %get3A_1, %get3A_1 : vector<2048x1xf32>
    %get3A_14 = arith.constant 0 : index
    %get3A_15 = arith.constant 0 : index
    %get3A_16 = vector.load %arg2[%get3A_14, %get3A_15] : memref<2048x80xf32, #tpu.memory_space<vmem>>, vector<2048x80xf32>
    %mul3A_17 = vector.broadcast %mul3A_13 : vector<2048x1xf32> to vector<2048x80xf32>
    %mul3A_18 = arith.mulf %mul3A_17, %get3A_16 : vector<2048x80xf32>
    %add3A_19 = arith.addf %mul3A_12, %mul3A_18 : vector<2048x80xf32>
    %get3A_20 = arith.constant 0 : index
    %get3A_21 = arith.constant 0 : index
    %get3A_22 = vector.load %arg4[%get3A_20, %get3A_21] : memref<80x80xf32, #tpu.memory_space<vmem>>, vector<80x80xf32>
    %dot_general3A = arith.constant dense<0.000000e+00> : vector<2048x80xf32>
    %dot_general3A_23 = tpu.matmul %add3A_19, %get3A_22, %dot_general3A {dimension_numbers = #tpu.dot_dimension_numbers<[1], [0], [0], [1], [0, 0, 1, 1], [], []>, transpose_lhs_hint = false} : vector<2048x80xf32>, vector<80x80xf32>, vector<2048x80xf32> -> vector<2048x80xf32>
    %get3A_24 = arith.constant 0 : index
    %get3A_25 = arith.constant 0 : index
    %get3A_26 = vector.load %arg5[%get3A_24, %get3A_25] : memref<8x80xf32, #tpu.memory_space<vmem>>, vector<1x80xf32>
    %add3A_27 = vector.broadcast %get3A_26 : vector<1x80xf32> to vector<2048x80xf32>
    %add3A_28 = arith.addf %dot_general3A_23, %add3A_27 : vector<2048x80xf32>
    %max3A = arith.constant 0.000000e+00 : f32
    %max3A_29 = vector.broadcast %max3A : f32 to vector<2048x80xf32>
    %max3A_30 = arith.maximumf %add3A_28, %max3A_29 : vector<2048x80xf32>
    %mul3A_31 = arith.constant 2048 : i32
    %mul3A_32 = arith.muli %arg0, %mul3A_31 : i32
    %iota3A = tpu.iota {dimensions = array<i32: 0>} : vector<2048x1xi32>
    %add3A_33 = vector.broadcast %mul3A_32 : i32 to vector<2048x1xi32>
    %add3A_34 = arith.addi %add3A_33, %iota3A : vector<2048x1xi32>
    %lt3A = arith.constant 10000 : i32
    %lt3A_35 = vector.broadcast %lt3A : i32 to vector<2048x1xi32>
    %lt3A_36 = arith.cmpi slt, %add3A_34, %lt3A_35 : vector<2048x1xi32>
    %jit3A = arith.constant 0.000000e+00 : f32
    %broadcast_in_dim3A = vector.shape_cast %lt3A_36 : vector<2048x1xi1> to vector<2048x1xi1>
    %broadcast_in_dim3A_37 = vector.broadcast %broadcast_in_dim3A : vector<2048x1xi1> to vector<2048x80xi1>
    %broadcast_in_dim3A_38 = vector.broadcast %jit3A : f32 to vector<2048x80xf32>
    %select_n3A = arith.select %broadcast_in_dim3A_37, %max3A_30, %broadcast_in_dim3A_38 : vector<2048x80xi1>, vector<2048x80xf32>
    %swap3A = arith.constant 0 : index
    %swap3A_39 = arith.constant 0 : index
    %swap3A_40 = vector.load %arg6[%swap3A, %swap3A_39] : memref<2048x80xf32, #tpu.memory_space<vmem>>, vector<2048x80xf32>
    tpu.vector_store %arg6[%swap3A, %swap3A_39], %select_n3A {strides = array<i32>} : memref<2048x80xf32, #tpu.memory_space<vmem>>, vector<2048x80xf32>,
    %mul3A_41 = vector.broadcast %get3A_1 : vector<2048x1xf32> to vector<2048x80xf32>
    %mul3A_42 = arith.mulf %select_n3A, %mul3A_41 : vector<2048x80xf32>
    %swap3A_43 = arith.constant 0 : index
    %swap3A_44 = arith.constant 0 : index
    %swap3A_45 = vector.load %arg7[%swap3A_43, %swap3A_44] : memref<2048x80xf32, #tpu.memory_space<vmem>>, vector<2048x80xf32>
    tpu.vector_store %arg7[%swap3A_43, %swap3A_44], %mul3A_42 {strides = array<i32>} : memref<2048x80xf32, #tpu.memory_space<vmem>>, vector<2048x80xf32>,
    return
  }
  func.func @transform_0(%arg0: i32) -> (i32, i32, i32) {
    %c0_i32 = arith.constant 0 : i32
    %c0_i32_0 = arith.constant 0 : i32
    %c0_i32_1 = arith.constant 0 : i32
    return %c0_i32, %arg0, %c0_i32_0 : i32, i32, i32
  }
  func.func @transform_1(%arg0: i32) -> (i32, i32) {
    %c0_i32 = arith.constant 0 : i32
    %c0_i32_0 = arith.constant 0 : i32
    return %arg0, %c0_i32 : i32, i32
  }
  func.func @transform_2(%arg0: i32) -> (i32, i32) {
    %c0_i32 = arith.constant 0 : i32
    %c0_i32_0 = arith.constant 0 : i32
    return %arg0, %c0_i32 : i32, i32
  }
  func.func @transform_3(%arg0: i32) -> (i32, i32) {
    %c0_i32 = arith.constant 0 : i32
    %c0_i32_0 = arith.constant 0 : i32
    %c0_i32_1 = arith.constant 0 : i32
    return %c0_i32, %c0_i32_0 : i32, i32
  }
  func.func @transform_4(%arg0: i32) -> (i32, i32) {
    %c0_i32 = arith.constant 0 : i32
    %c0_i32_0 = arith.constant 0 : i32
    %c0_i32_1 = arith.constant 0 : i32
    return %c0_i32, %c0_i32_0 : i32, i32
  }
  func.func @transform_5(%arg0: i32) -> (i32, i32) {
    %c0_i32 = arith.constant 0 : i32
    %c0_i32_0 = arith.constant 0 : i32
    return %arg0, %c0_i32 : i32, i32
  }
  func.func @transform_6(%arg0: i32) -> (i32, i32) {
    %c0_i32 = arith.constant 0 : i32
    %c0_i32_0 = arith.constant 0 : i32
    return %arg0, %c0_i32 : i32, i32
  }
}

module attributes {stable_mosaic.version = 14 : i64} {
  func.func @body(%arg0: i32, %arg1: memref<2x2048x80xf32, #tpu.memory_space<vmem>>, %arg2: memref<2048x80xf32, #tpu.memory_space<vmem>>, %arg3: memref<2048x8xf32, #tpu.memory_space<vmem>>, %arg4: memref<80x160xf32, #tpu.memory_space<vmem>>, %arg5: memref<8x160xf32, #tpu.memory_space<vmem>>, %arg6: memref<2048x160xf32, #tpu.memory_space<vmem>>, %arg7: memref<2048x160xf32, #tpu.memory_space<vmem>>) attributes {dimension_semantics = [#tpu.dimension_semantics<arbitrary>], iteration_bounds = array<i64: 5>, scalar_prefetch = 0 : i64, scratch_operands = 0 : i64, tpu.core_type = #tpu.core_type<tc>, window_params = [{transform_indices = @transform_0, window_bounds = array<i64: 2, 2048, 80>}, {transform_indices = @transform_1, window_bounds = array<i64: 2048, 80>}, {transform_indices = @transform_2, window_bounds = array<i64: 2048, 8>}, {pipeline_mode = #tpu.pipeline_mode<synchronous>, transform_indices = @transform_3, window_bounds = array<i64: 80, 160>}, {pipeline_mode = #tpu.pipeline_mode<synchronous>, transform_indices = @transform_4, window_bounds = array<i64: 8, 160>}, {transform_indices = @transform_5, window_bounds = array<i64: 2048, 160>}, {transform_indices = @transform_6, window_bounds = array<i64: 2048, 160>}]} {
    %get3A = arith.constant 0 : index
    %get3A_0 = arith.constant 0 : index
    %get3A_1 = vector.load %arg3[%get3A, %get3A_0] : memref<2048x8xf32, #tpu.memory_space<vmem>>, vector<2048x1xf32>
    %get3A_2 = arith.constant 0 : index
    %get3A_3 = arith.constant 0 : index
    %get3A_4 = arith.constant 0 : index
    %get3A_5 = vector.load %arg1[%get3A_2, %get3A_3, %get3A_4] : memref<2x2048x80xf32, #tpu.memory_space<vmem>>, vector<1x2048x80xf32>
    %get3A_6 = vector.shape_cast %get3A_5 : vector<1x2048x80xf32> to vector<2048x80xf32>
    %get3A_7 = arith.constant 1 : index
    %get3A_8 = arith.constant 0 : index
    %get3A_9 = arith.constant 0 : index
    %get3A_10 = vector.load %arg1[%get3A_7, %get3A_8, %get3A_9] : memref<2x2048x80xf32, #tpu.memory_space<vmem>>, vector<1x2048x80xf32>
    %get3A_11 = vector.shape_cast %get3A_10 : vector<1x2048x80xf32> to vector<2048x80xf32>
    %add3A = arith.addf %get3A_6, %get3A_11 : vector<2048x80xf32>
    %mul3A = vector.broadcast %get3A_1 : vector<2048x1xf32> to vector<2048x80xf32>
    %mul3A_12 = arith.mulf %mul3A, %add3A : vector<2048x80xf32>
    %mul3A_13 = arith.mulf %get3A_1, %get3A_1 : vector<2048x1xf32>
    %get3A_14 = arith.constant 0 : index
    %get3A_15 = arith.constant 0 : index
    %get3A_16 = vector.load %arg2[%get3A_14, %get3A_15] : memref<2048x80xf32, #tpu.memory_space<vmem>>, vector<2048x80xf32>
    %mul3A_17 = vector.broadcast %mul3A_13 : vector<2048x1xf32> to vector<2048x80xf32>
    %mul3A_18 = arith.mulf %mul3A_17, %get3A_16 : vector<2048x80xf32>
    %add3A_19 = arith.addf %mul3A_12, %mul3A_18 : vector<2048x80xf32>
    %get3A_20 = arith.constant 0 : index
    %get3A_21 = arith.constant 0 : index
    %get3A_22 = vector.load %arg4[%get3A_20, %get3A_21] : memref<80x160xf32, #tpu.memory_space<vmem>>, vector<80x160xf32>
    %dot_general3A = arith.constant dense<0.000000e+00> : vector<2048x160xf32>
    %dot_general3A_23 = tpu.matmul %add3A_19, %get3A_22, %dot_general3A {dimension_numbers = #tpu.dot_dimension_numbers<[1], [0], [0], [1], [0, 0, 1, 1], [], []>, transpose_lhs_hint = false} : vector<2048x80xf32>, vector<80x160xf32>, vector<2048x160xf32> -> vector<2048x160xf32>
    %get3A_24 = arith.constant 0 : index
    %get3A_25 = arith.constant 0 : index
    %get3A_26 = vector.load %arg5[%get3A_24, %get3A_25] : memref<8x160xf32, #tpu.memory_space<vmem>>, vector<1x160xf32>
    %add3A_27 = vector.broadcast %get3A_26 : vector<1x160xf32> to vector<2048x160xf32>
    %add3A_28 = arith.addf %dot_general3A_23, %add3A_27 : vector<2048x160xf32>
    %max3A = arith.constant 0.000000e+00 : f32
    %max3A_29 = vector.broadcast %max3A : f32 to vector<2048x160xf32>
    %max3A_30 = arith.maximumf %add3A_28, %max3A_29 : vector<2048x160xf32>
    %mul3A_31 = arith.constant 2048 : i32
    %mul3A_32 = arith.muli %arg0, %mul3A_31 : i32
    %iota3A = tpu.iota {dimensions = array<i32: 0>} : vector<2048x1xi32>
    %add3A_33 = vector.broadcast %mul3A_32 : i32 to vector<2048x1xi32>
    %add3A_34 = arith.addi %add3A_33, %iota3A : vector<2048x1xi32>
    %lt3A = arith.constant 10000 : i32
    %lt3A_35 = vector.broadcast %lt3A : i32 to vector<2048x1xi32>
    %lt3A_36 = arith.cmpi slt, %add3A_34, %lt3A_35 : vector<2048x1xi32>
    %jit3A = arith.constant 0.000000e+00 : f32
    %broadcast_in_dim3A = vector.shape_cast %lt3A_36 : vector<2048x1xi1> to vector<2048x1xi1>
    %broadcast_in_dim3A_37 = vector.broadcast %broadcast_in_dim3A : vector<2048x1xi1> to vector<2048x160xi1>
    %broadcast_in_dim3A_38 = vector.broadcast %jit3A : f32 to vector<2048x160xf32>
    %select_n3A = arith.select %broadcast_in_dim3A_37, %max3A_30, %broadcast_in_dim3A_38 : vector<2048x160xi1>, vector<2048x160xf32>
    %swap3A = arith.constant 0 : index
    %swap3A_39 = arith.constant 0 : index
    %swap3A_40 = vector.load %arg6[%swap3A, %swap3A_39] : memref<2048x160xf32, #tpu.memory_space<vmem>>, vector<2048x160xf32>
    tpu.vector_store %arg6[%swap3A, %swap3A_39], %select_n3A {strides = array<i32>} : memref<2048x160xf32, #tpu.memory_space<vmem>>, vector<2048x160xf32>,
    %mul3A_41 = vector.broadcast %get3A_1 : vector<2048x1xf32> to vector<2048x160xf32>
    %mul3A_42 = arith.mulf %select_n3A, %mul3A_41 : vector<2048x160xf32>
    %swap3A_43 = arith.constant 0 : index
    %swap3A_44 = arith.constant 0 : index
    %swap3A_45 = vector.load %arg7[%swap3A_43, %swap3A_44] : memref<2048x160xf32, #tpu.memory_space<vmem>>, vector<2048x160xf32>
    tpu.vector_store %arg7[%swap3A_43, %swap3A_44], %mul3A_42 {strides = array<i32>} : memref<2048x160xf32, #tpu.memory_space<vmem>>, vector<2048x160xf32>,
    return
  }
  func.func @transform_0(%arg0: i32) -> (i32, i32, i32) {
    %c0_i32 = arith.constant 0 : i32
    %c0_i32_0 = arith.constant 0 : i32
    %c0_i32_1 = arith.constant 0 : i32
    return %c0_i32, %arg0, %c0_i32_0 : i32, i32, i32
  }
  func.func @transform_1(%arg0: i32) -> (i32, i32) {
    %c0_i32 = arith.constant 0 : i32
    %c0_i32_0 = arith.constant 0 : i32
    return %arg0, %c0_i32 : i32, i32
  }
  func.func @transform_2(%arg0: i32) -> (i32, i32) {
    %c0_i32 = arith.constant 0 : i32
    %c0_i32_0 = arith.constant 0 : i32
    return %arg0, %c0_i32 : i32, i32
  }
  func.func @transform_3(%arg0: i32) -> (i32, i32) {
    %c0_i32 = arith.constant 0 : i32
    %c0_i32_0 = arith.constant 0 : i32
    %c0_i32_1 = arith.constant 0 : i32
    return %c0_i32, %c0_i32_0 : i32, i32
  }
  func.func @transform_4(%arg0: i32) -> (i32, i32) {
    %c0_i32 = arith.constant 0 : i32
    %c0_i32_0 = arith.constant 0 : i32
    %c0_i32_1 = arith.constant 0 : i32
    return %c0_i32, %c0_i32_0 : i32, i32
  }
  func.func @transform_5(%arg0: i32) -> (i32, i32) {
    %c0_i32 = arith.constant 0 : i32
    %c0_i32_0 = arith.constant 0 : i32
    return %arg0, %c0_i32 : i32, i32
  }
  func.func @transform_6(%arg0: i32) -> (i32, i32) {
    %c0_i32 = arith.constant 0 : i32
    %c0_i32_0 = arith.constant 0 : i32
    return %arg0, %c0_i32 : i32, i32
  }
}

module attributes {stable_mosaic.version = 14 : i64} {
  func.func @body(%arg0: i32, %arg1: memref<2x2048x160xf32, #tpu.memory_space<vmem>>, %arg2: memref<2048x160xf32, #tpu.memory_space<vmem>>, %arg3: memref<2048x8xf32, #tpu.memory_space<vmem>>, %arg4: memref<160x320xf32, #tpu.memory_space<vmem>>, %arg5: memref<8x320xf32, #tpu.memory_space<vmem>>, %arg6: memref<2048x320xf32, #tpu.memory_space<vmem>>, %arg7: memref<2048x320xf32, #tpu.memory_space<vmem>>) attributes {dimension_semantics = [#tpu.dimension_semantics<arbitrary>], iteration_bounds = array<i64: 5>, scalar_prefetch = 0 : i64, scratch_operands = 0 : i64, tpu.core_type = #tpu.core_type<tc>, window_params = [{transform_indices = @transform_0, window_bounds = array<i64: 2, 2048, 160>}, {transform_indices = @transform_1, window_bounds = array<i64: 2048, 160>}, {transform_indices = @transform_2, window_bounds = array<i64: 2048, 8>}, {pipeline_mode = #tpu.pipeline_mode<synchronous>, transform_indices = @transform_3, window_bounds = array<i64: 160, 320>}, {pipeline_mode = #tpu.pipeline_mode<synchronous>, transform_indices = @transform_4, window_bounds = array<i64: 8, 320>}, {transform_indices = @transform_5, window_bounds = array<i64: 2048, 320>}, {transform_indices = @transform_6, window_bounds = array<i64: 2048, 320>}]} {
    %get3A = arith.constant 0 : index
    %get3A_0 = arith.constant 0 : index
    %get3A_1 = vector.load %arg3[%get3A, %get3A_0] : memref<2048x8xf32, #tpu.memory_space<vmem>>, vector<2048x1xf32>
    %get3A_2 = arith.constant 0 : index
    %get3A_3 = arith.constant 0 : index
    %get3A_4 = arith.constant 0 : index
    %get3A_5 = vector.load %arg1[%get3A_2, %get3A_3, %get3A_4] : memref<2x2048x160xf32, #tpu.memory_space<vmem>>, vector<1x2048x160xf32>
    %get3A_6 = vector.shape_cast %get3A_5 : vector<1x2048x160xf32> to vector<2048x160xf32>
    %get3A_7 = arith.constant 1 : index
    %get3A_8 = arith.constant 0 : index
    %get3A_9 = arith.constant 0 : index
    %get3A_10 = vector.load %arg1[%get3A_7, %get3A_8, %get3A_9] : memref<2x2048x160xf32, #tpu.memory_space<vmem>>, vector<1x2048x160xf32>
    %get3A_11 = vector.shape_cast %get3A_10 : vector<1x2048x160xf32> to vector<2048x160xf32>
    %add3A = arith.addf %get3A_6, %get3A_11 : vector<2048x160xf32>
    %mul3A = vector.broadcast %get3A_1 : vector<2048x1xf32> to vector<2048x160xf32>
    %mul3A_12 = arith.mulf %mul3A, %add3A : vector<2048x160xf32>
    %mul3A_13 = arith.mulf %get3A_1, %get3A_1 : vector<2048x1xf32>
    %get3A_14 = arith.constant 0 : index
    %get3A_15 = arith.constant 0 : index
    %get3A_16 = vector.load %arg2[%get3A_14, %get3A_15] : memref<2048x160xf32, #tpu.memory_space<vmem>>, vector<2048x160xf32>
    %mul3A_17 = vector.broadcast %mul3A_13 : vector<2048x1xf32> to vector<2048x160xf32>
    %mul3A_18 = arith.mulf %mul3A_17, %get3A_16 : vector<2048x160xf32>
    %add3A_19 = arith.addf %mul3A_12, %mul3A_18 : vector<2048x160xf32>
    %get3A_20 = arith.constant 0 : index
    %get3A_21 = arith.constant 0 : index
    %get3A_22 = vector.load %arg4[%get3A_20, %get3A_21] : memref<160x320xf32, #tpu.memory_space<vmem>>, vector<160x320xf32>
    %dot_general3A = arith.constant dense<0.000000e+00> : vector<2048x320xf32>
    %dot_general3A_23 = tpu.matmul %add3A_19, %get3A_22, %dot_general3A {dimension_numbers = #tpu.dot_dimension_numbers<[1], [0], [0], [1], [0, 0, 1, 1], [], []>, transpose_lhs_hint = false} : vector<2048x160xf32>, vector<160x320xf32>, vector<2048x320xf32> -> vector<2048x320xf32>
    %get3A_24 = arith.constant 0 : index
    %get3A_25 = arith.constant 0 : index
    %get3A_26 = vector.load %arg5[%get3A_24, %get3A_25] : memref<8x320xf32, #tpu.memory_space<vmem>>, vector<1x320xf32>
    %add3A_27 = vector.broadcast %get3A_26 : vector<1x320xf32> to vector<2048x320xf32>
    %add3A_28 = arith.addf %dot_general3A_23, %add3A_27 : vector<2048x320xf32>
    %max3A = arith.constant 0.000000e+00 : f32
    %max3A_29 = vector.broadcast %max3A : f32 to vector<2048x320xf32>
    %max3A_30 = arith.maximumf %add3A_28, %max3A_29 : vector<2048x320xf32>
    %mul3A_31 = arith.constant 2048 : i32
    %mul3A_32 = arith.muli %arg0, %mul3A_31 : i32
    %iota3A = tpu.iota {dimensions = array<i32: 0>} : vector<2048x1xi32>
    %add3A_33 = vector.broadcast %mul3A_32 : i32 to vector<2048x1xi32>
    %add3A_34 = arith.addi %add3A_33, %iota3A : vector<2048x1xi32>
    %lt3A = arith.constant 10000 : i32
    %lt3A_35 = vector.broadcast %lt3A : i32 to vector<2048x1xi32>
    %lt3A_36 = arith.cmpi slt, %add3A_34, %lt3A_35 : vector<2048x1xi32>
    %jit3A = arith.constant 0.000000e+00 : f32
    %broadcast_in_dim3A = vector.shape_cast %lt3A_36 : vector<2048x1xi1> to vector<2048x1xi1>
    %broadcast_in_dim3A_37 = vector.broadcast %broadcast_in_dim3A : vector<2048x1xi1> to vector<2048x320xi1>
    %broadcast_in_dim3A_38 = vector.broadcast %jit3A : f32 to vector<2048x320xf32>
    %select_n3A = arith.select %broadcast_in_dim3A_37, %max3A_30, %broadcast_in_dim3A_38 : vector<2048x320xi1>, vector<2048x320xf32>
    %swap3A = arith.constant 0 : index
    %swap3A_39 = arith.constant 0 : index
    %swap3A_40 = vector.load %arg6[%swap3A, %swap3A_39] : memref<2048x320xf32, #tpu.memory_space<vmem>>, vector<2048x320xf32>
    tpu.vector_store %arg6[%swap3A, %swap3A_39], %select_n3A {strides = array<i32>} : memref<2048x320xf32, #tpu.memory_space<vmem>>, vector<2048x320xf32>,
    %mul3A_41 = vector.broadcast %get3A_1 : vector<2048x1xf32> to vector<2048x320xf32>
    %mul3A_42 = arith.mulf %select_n3A, %mul3A_41 : vector<2048x320xf32>
    %swap3A_43 = arith.constant 0 : index
    %swap3A_44 = arith.constant 0 : index
    %swap3A_45 = vector.load %arg7[%swap3A_43, %swap3A_44] : memref<2048x320xf32, #tpu.memory_space<vmem>>, vector<2048x320xf32>
    tpu.vector_store %arg7[%swap3A_43, %swap3A_44], %mul3A_42 {strides = array<i32>} : memref<2048x320xf32, #tpu.memory_space<vmem>>, vector<2048x320xf32>,
    return
  }
  func.func @transform_0(%arg0: i32) -> (i32, i32, i32) {
    %c0_i32 = arith.constant 0 : i32
    %c0_i32_0 = arith.constant 0 : i32
    %c0_i32_1 = arith.constant 0 : i32
    return %c0_i32, %arg0, %c0_i32_0 : i32, i32, i32
  }
  func.func @transform_1(%arg0: i32) -> (i32, i32) {
    %c0_i32 = arith.constant 0 : i32
    %c0_i32_0 = arith.constant 0 : i32
    return %arg0, %c0_i32 : i32, i32
  }
  func.func @transform_2(%arg0: i32) -> (i32, i32) {
    %c0_i32 = arith.constant 0 : i32
    %c0_i32_0 = arith.constant 0 : i32
    return %arg0, %c0_i32 : i32, i32
  }
  func.func @transform_3(%arg0: i32) -> (i32, i32) {
    %c0_i32 = arith.constant 0 : i32
    %c0_i32_0 = arith.constant 0 : i32
    %c0_i32_1 = arith.constant 0 : i32
    return %c0_i32, %c0_i32_0 : i32, i32
  }
  func.func @transform_4(%arg0: i32) -> (i32, i32) {
    %c0_i32 = arith.constant 0 : i32
    %c0_i32_0 = arith.constant 0 : i32
    %c0_i32_1 = arith.constant 0 : i32
    return %c0_i32, %c0_i32_0 : i32, i32
  }
  func.func @transform_5(%arg0: i32) -> (i32, i32) {
    %c0_i32 = arith.constant 0 : i32
    %c0_i32_0 = arith.constant 0 : i32
    return %arg0, %c0_i32 : i32, i32
  }
  func.func @transform_6(%arg0: i32) -> (i32, i32) {
    %c0_i32 = arith.constant 0 : i32
    %c0_i32_0 = arith.constant 0 : i32
    return %arg0, %c0_i32 : i32, i32
  }
}

module attributes {stable_mosaic.version = 14 : i64} {
  func.func @body(%arg0: i32, %arg1: memref<2048x320xf32, #tpu.memory_space<vmem>>, %arg2: memref<2048x8xi32, #tpu.memory_space<vmem>>, %arg3: memref<2048x320xf32, #tpu.memory_space<vmem>>, %arg4: memref<8x320xf32, #tpu.memory_space<vmem>>, %arg5: memref<1x1xi32, #tpu.memory_space<smem>>) attributes {dimension_semantics = [#tpu.dimension_semantics<arbitrary>], iteration_bounds = array<i64: 5>, scalar_prefetch = 0 : i64, scratch_operands = 2 : i64, tpu.core_type = #tpu.core_type<tc>, window_params = [{transform_indices = @transform_0, window_bounds = array<i64: 2048, 320>}, {transform_indices = @transform_1, window_bounds = array<i64: 2048, 8>}, {transform_indices = @transform_2, window_bounds = array<i64: 2048, 320>}]} {
    %eq3A = arith.constant 0 : i32
    %eq3A_0 = arith.cmpi eq, %arg0, %eq3A : i32
    %convert_element_type3A = arith.extui %eq3A_0 : i1 to i32
    %cond3A = arith.constant 0 : i32
    %cond3A_1 = arith.cmpi ne, %convert_element_type3A, %cond3A : i32
    scf.if %cond3A_1 {
      %swap3A_173 = arith.constant -1 : i32
      %swap3A_174 = arith.constant 0 : index
      %swap3A_175 = arith.constant 0 : index
      %swap3A_176 = memref.load %arg5[%swap3A_174, %swap3A_175] : memref<1x1xi32, #tpu.memory_space<smem>>
      memref.store %swap3A_173, %arg5[%swap3A_174, %swap3A_175] : memref<1x1xi32, #tpu.memory_space<smem>>
      %broadcast_in_dim3A_177 = arith.constant 0.000000e+00 : f32
      %broadcast_in_dim3A_178 = vector.broadcast %broadcast_in_dim3A_177 : f32 to vector<8x320xf32>
      %swap3A_179 = arith.constant 0 : index
      %swap3A_180 = arith.constant 0 : index
      %swap3A_181 = vector.load %arg4[%swap3A_179, %swap3A_180] : memref<8x320xf32, #tpu.memory_space<vmem>>, vector<8x320xf32>
      tpu.vector_store %arg4[%swap3A_179, %swap3A_180], %broadcast_in_dim3A_178 {strides = array<i32>} : memref<8x320xf32, #tpu.memory_space<vmem>>, vector<8x320xf32>,
    } else {
    }
    %get3A = arith.constant 0 : index
    %get3A_2 = arith.constant 0 : index
    %get3A_3 = vector.load %arg1[%get3A, %get3A_2] : memref<2048x320xf32, #tpu.memory_space<vmem>>, vector<2048x320xf32>
    %get3A_4 = arith.constant 0 : index
    %get3A_5 = arith.constant 0 : index
    %get3A_6 = vector.load %arg2[%get3A_4, %get3A_5] : memref<2048x8xi32, #tpu.memory_space<vmem>>, vector<2048x1xi32>
    %broadcast_in_dim3A = arith.constant 0.000000e+00 : f32
    %broadcast_in_dim3A_7 = vector.broadcast %broadcast_in_dim3A : f32 to vector<1x320xf32>
    %slice3A = vector.extract_strided_slice %get3A_3 {offsets = [0, 0], sizes = [2047, 320], strides = [1, 1]} : vector<2048x320xf32> to vector<2047x320xf32>
    %concatenate3A = tpu.concatenate %broadcast_in_dim3A_7, %slice3A in 0 : vector<1x320xf32>, vector<2047x320xf32> -> vector<2048x320xf32>
    %broadcast_in_dim3A_8 = arith.constant -1 : i32
    %broadcast_in_dim3A_9 = vector.broadcast %broadcast_in_dim3A_8 : i32 to vector<1x1xi32>
    %slice3A_10 = vector.extract_strided_slice %get3A_6 {offsets = [0, 0], sizes = [2047, 1], strides = [1, 1]} : vector<2048x1xi32> to vector<2047x1xi32>
    %concatenate3A_11 = tpu.concatenate %broadcast_in_dim3A_9, %slice3A_10 in 0 : vector<1x1xi32>, vector<2047x1xi32> -> vector<2048x1xi32>
    %eq3A_12 = arith.cmpi eq, %concatenate3A_11, %get3A_6 : vector<2048x1xi32>
    %max3A = arith.maximumf %get3A_3, %concatenate3A : vector<2048x320xf32>
    %broadcast_in_dim3A_13 = vector.shape_cast %eq3A_12 : vector<2048x1xi1> to vector<2048x1xi1>
    %broadcast_in_dim3A_14 = vector.broadcast %broadcast_in_dim3A_13 : vector<2048x1xi1> to vector<2048x320xi1>
    %select_n3A = arith.select %broadcast_in_dim3A_14, %max3A, %get3A_3 : vector<2048x320xi1>, vector<2048x320xf32>
    %broadcast_in_dim3A_15 = arith.constant 0.000000e+00 : f32
    %broadcast_in_dim3A_16 = vector.broadcast %broadcast_in_dim3A_15 : f32 to vector<2x320xf32>
    %slice3A_17 = vector.extract_strided_slice %select_n3A {offsets = [0, 0], sizes = [2046, 320], strides = [1, 1]} : vector<2048x320xf32> to vector<2046x320xf32>
    %concatenate3A_18 = tpu.concatenate %broadcast_in_dim3A_16, %slice3A_17 in 0 : vector<2x320xf32>, vector<2046x320xf32> -> vector<2048x320xf32>
    %broadcast_in_dim3A_19 = arith.constant -1 : i32
    %broadcast_in_dim3A_20 = vector.broadcast %broadcast_in_dim3A_19 : i32 to vector<2x1xi32>
    %slice3A_21 = vector.extract_strided_slice %get3A_6 {offsets = [0, 0], sizes = [2046, 1], strides = [1, 1]} : vector<2048x1xi32> to vector<2046x1xi32>
    %concatenate3A_22 = tpu.concatenate %broadcast_in_dim3A_20, %slice3A_21 in 0 : vector<2x1xi32>, vector<2046x1xi32> -> vector<2048x1xi32>
    %eq3A_23 = arith.cmpi eq, %concatenate3A_22, %get3A_6 : vector<2048x1xi32>
    %max3A_24 = arith.maximumf %select_n3A, %concatenate3A_18 : vector<2048x320xf32>
    %broadcast_in_dim3A_25 = vector.shape_cast %eq3A_23 : vector<2048x1xi1> to vector<2048x1xi1>
    %broadcast_in_dim3A_26 = vector.broadcast %broadcast_in_dim3A_25 : vector<2048x1xi1> to vector<2048x320xi1>
    %select_n3A_27 = arith.select %broadcast_in_dim3A_26, %max3A_24, %select_n3A : vector<2048x320xi1>, vector<2048x320xf32>
    %broadcast_in_dim3A_28 = arith.constant 0.000000e+00 : f32
    %broadcast_in_dim3A_29 = vector.broadcast %broadcast_in_dim3A_28 : f32 to vector<4x320xf32>
    %slice3A_30 = vector.extract_strided_slice %select_n3A_27 {offsets = [0, 0], sizes = [2044, 320], strides = [1, 1]} : vector<2048x320xf32> to vector<2044x320xf32>
    %concatenate3A_31 = tpu.concatenate %broadcast_in_dim3A_29, %slice3A_30 in 0 : vector<4x320xf32>, vector<2044x320xf32> -> vector<2048x320xf32>
    %broadcast_in_dim3A_32 = arith.constant -1 : i32
    %broadcast_in_dim3A_33 = vector.broadcast %broadcast_in_dim3A_32 : i32 to vector<4x1xi32>
    %slice3A_34 = vector.extract_strided_slice %get3A_6 {offsets = [0, 0], sizes = [2044, 1], strides = [1, 1]} : vector<2048x1xi32> to vector<2044x1xi32>
    %concatenate3A_35 = tpu.concatenate %broadcast_in_dim3A_33, %slice3A_34 in 0 : vector<4x1xi32>, vector<2044x1xi32> -> vector<2048x1xi32>
    %eq3A_36 = arith.cmpi eq, %concatenate3A_35, %get3A_6 : vector<2048x1xi32>
    %max3A_37 = arith.maximumf %select_n3A_27, %concatenate3A_31 : vector<2048x320xf32>
    %broadcast_in_dim3A_38 = vector.shape_cast %eq3A_36 : vector<2048x1xi1> to vector<2048x1xi1>
    %broadcast_in_dim3A_39 = vector.broadcast %broadcast_in_dim3A_38 : vector<2048x1xi1> to vector<2048x320xi1>
    %select_n3A_40 = arith.select %broadcast_in_dim3A_39, %max3A_37, %select_n3A_27 : vector<2048x320xi1>, vector<2048x320xf32>
    %broadcast_in_dim3A_41 = arith.constant 0.000000e+00 : f32
    %broadcast_in_dim3A_42 = vector.broadcast %broadcast_in_dim3A_41 : f32 to vector<8x320xf32>
    %slice3A_43 = vector.extract_strided_slice %select_n3A_40 {offsets = [0, 0], sizes = [2040, 320], strides = [1, 1]} : vector<2048x320xf32> to vector<2040x320xf32>
    %concatenate3A_44 = tpu.concatenate %broadcast_in_dim3A_42, %slice3A_43 in 0 : vector<8x320xf32>, vector<2040x320xf32> -> vector<2048x320xf32>
    %broadcast_in_dim3A_45 = arith.constant -1 : i32
    %broadcast_in_dim3A_46 = vector.broadcast %broadcast_in_dim3A_45 : i32 to vector<8x1xi32>
    %slice3A_47 = vector.extract_strided_slice %get3A_6 {offsets = [0, 0], sizes = [2040, 1], strides = [1, 1]} : vector<2048x1xi32> to vector<2040x1xi32>
    %concatenate3A_48 = tpu.concatenate %broadcast_in_dim3A_46, %slice3A_47 in 0 : vector<8x1xi32>, vector<2040x1xi32> -> vector<2048x1xi32>
    %eq3A_49 = arith.cmpi eq, %concatenate3A_48, %get3A_6 : vector<2048x1xi32>
    %max3A_50 = arith.maximumf %select_n3A_40, %concatenate3A_44 : vector<2048x320xf32>
    %broadcast_in_dim3A_51 = vector.shape_cast %eq3A_49 : vector<2048x1xi1> to vector<2048x1xi1>
    %broadcast_in_dim3A_52 = vector.broadcast %broadcast_in_dim3A_51 : vector<2048x1xi1> to vector<2048x320xi1>
    %select_n3A_53 = arith.select %broadcast_in_dim3A_52, %max3A_50, %select_n3A_40 : vector<2048x320xi1>, vector<2048x320xf32>
    %broadcast_in_dim3A_54 = arith.constant 0.000000e+00 : f32
    %broadcast_in_dim3A_55 = vector.broadcast %broadcast_in_dim3A_54 : f32 to vector<16x320xf32>
    %slice3A_56 = vector.extract_strided_slice %select_n3A_53 {offsets = [0, 0], sizes = [2032, 320], strides = [1, 1]} : vector<2048x320xf32> to vector<2032x320xf32>
    %concatenate3A_57 = tpu.concatenate %broadcast_in_dim3A_55, %slice3A_56 in 0 : vector<16x320xf32>, vector<2032x320xf32> -> vector<2048x320xf32>
    %broadcast_in_dim3A_58 = arith.constant -1 : i32
    %broadcast_in_dim3A_59 = vector.broadcast %broadcast_in_dim3A_58 : i32 to vector<16x1xi32>
    %slice3A_60 = vector.extract_strided_slice %get3A_6 {offsets = [0, 0], sizes = [2032, 1], strides = [1, 1]} : vector<2048x1xi32> to vector<2032x1xi32>
    %concatenate3A_61 = tpu.concatenate %broadcast_in_dim3A_59, %slice3A_60 in 0 : vector<16x1xi32>, vector<2032x1xi32> -> vector<2048x1xi32>
    %eq3A_62 = arith.cmpi eq, %concatenate3A_61, %get3A_6 : vector<2048x1xi32>
    %max3A_63 = arith.maximumf %select_n3A_53, %concatenate3A_57 : vector<2048x320xf32>
    %broadcast_in_dim3A_64 = vector.shape_cast %eq3A_62 : vector<2048x1xi1> to vector<2048x1xi1>
    %broadcast_in_dim3A_65 = vector.broadcast %broadcast_in_dim3A_64 : vector<2048x1xi1> to vector<2048x320xi1>
    %select_n3A_66 = arith.select %broadcast_in_dim3A_65, %max3A_63, %select_n3A_53 : vector<2048x320xi1>, vector<2048x320xf32>
    %broadcast_in_dim3A_67 = arith.constant 0.000000e+00 : f32
    %broadcast_in_dim3A_68 = vector.broadcast %broadcast_in_dim3A_67 : f32 to vector<32x320xf32>
    %slice3A_69 = vector.extract_strided_slice %select_n3A_66 {offsets = [0, 0], sizes = [2016, 320], strides = [1, 1]} : vector<2048x320xf32> to vector<2016x320xf32>
    %concatenate3A_70 = tpu.concatenate %broadcast_in_dim3A_68, %slice3A_69 in 0 : vector<32x320xf32>, vector<2016x320xf32> -> vector<2048x320xf32>
    %broadcast_in_dim3A_71 = arith.constant -1 : i32
    %broadcast_in_dim3A_72 = vector.broadcast %broadcast_in_dim3A_71 : i32 to vector<32x1xi32>
    %slice3A_73 = vector.extract_strided_slice %get3A_6 {offsets = [0, 0], sizes = [2016, 1], strides = [1, 1]} : vector<2048x1xi32> to vector<2016x1xi32>
    %concatenate3A_74 = tpu.concatenate %broadcast_in_dim3A_72, %slice3A_73 in 0 : vector<32x1xi32>, vector<2016x1xi32> -> vector<2048x1xi32>
    %eq3A_75 = arith.cmpi eq, %concatenate3A_74, %get3A_6 : vector<2048x1xi32>
    %max3A_76 = arith.maximumf %select_n3A_66, %concatenate3A_70 : vector<2048x320xf32>
    %broadcast_in_dim3A_77 = vector.shape_cast %eq3A_75 : vector<2048x1xi1> to vector<2048x1xi1>
    %broadcast_in_dim3A_78 = vector.broadcast %broadcast_in_dim3A_77 : vector<2048x1xi1> to vector<2048x320xi1>
    %select_n3A_79 = arith.select %broadcast_in_dim3A_78, %max3A_76, %select_n3A_66 : vector<2048x320xi1>, vector<2048x320xf32>
    %broadcast_in_dim3A_80 = arith.constant 0.000000e+00 : f32
    %broadcast_in_dim3A_81 = vector.broadcast %broadcast_in_dim3A_80 : f32 to vector<64x320xf32>
    %slice3A_82 = vector.extract_strided_slice %select_n3A_79 {offsets = [0, 0], sizes = [1984, 320], strides = [1, 1]} : vector<2048x320xf32> to vector<1984x320xf32>
    %concatenate3A_83 = tpu.concatenate %broadcast_in_dim3A_81, %slice3A_82 in 0 : vector<64x320xf32>, vector<1984x320xf32> -> vector<2048x320xf32>
    %broadcast_in_dim3A_84 = arith.constant -1 : i32
    %broadcast_in_dim3A_85 = vector.broadcast %broadcast_in_dim3A_84 : i32 to vector<64x1xi32>
    %slice3A_86 = vector.extract_strided_slice %get3A_6 {offsets = [0, 0], sizes = [1984, 1], strides = [1, 1]} : vector<2048x1xi32> to vector<1984x1xi32>
    %concatenate3A_87 = tpu.concatenate %broadcast_in_dim3A_85, %slice3A_86 in 0 : vector<64x1xi32>, vector<1984x1xi32> -> vector<2048x1xi32>
    %eq3A_88 = arith.cmpi eq, %concatenate3A_87, %get3A_6 : vector<2048x1xi32>
    %max3A_89 = arith.maximumf %select_n3A_79, %concatenate3A_83 : vector<2048x320xf32>
    %broadcast_in_dim3A_90 = vector.shape_cast %eq3A_88 : vector<2048x1xi1> to vector<2048x1xi1>
    %broadcast_in_dim3A_91 = vector.broadcast %broadcast_in_dim3A_90 : vector<2048x1xi1> to vector<2048x320xi1>
    %select_n3A_92 = arith.select %broadcast_in_dim3A_91, %max3A_89, %select_n3A_79 : vector<2048x320xi1>, vector<2048x320xf32>
    %broadcast_in_dim3A_93 = arith.constant 0.000000e+00 : f32
    %broadcast_in_dim3A_94 = vector.broadcast %broadcast_in_dim3A_93 : f32 to vector<128x320xf32>
    %slice3A_95 = vector.extract_strided_slice %select_n3A_92 {offsets = [0, 0], sizes = [1920, 320], strides = [1, 1]} : vector<2048x320xf32> to vector<1920x320xf32>
    %concatenate3A_96 = tpu.concatenate %broadcast_in_dim3A_94, %slice3A_95 in 0 : vector<128x320xf32>, vector<1920x320xf32> -> vector<2048x320xf32>
    %broadcast_in_dim3A_97 = arith.constant -1 : i32
    %broadcast_in_dim3A_98 = vector.broadcast %broadcast_in_dim3A_97 : i32 to vector<128x1xi32>
    %slice3A_99 = vector.extract_strided_slice %get3A_6 {offsets = [0, 0], sizes = [1920, 1], strides = [1, 1]} : vector<2048x1xi32> to vector<1920x1xi32>
    %concatenate3A_100 = tpu.concatenate %broadcast_in_dim3A_98, %slice3A_99 in 0 : vector<128x1xi32>, vector<1920x1xi32> -> vector<2048x1xi32>
    %eq3A_101 = arith.cmpi eq, %concatenate3A_100, %get3A_6 : vector<2048x1xi32>
    %max3A_102 = arith.maximumf %select_n3A_92, %concatenate3A_96 : vector<2048x320xf32>
    %broadcast_in_dim3A_103 = vector.shape_cast %eq3A_101 : vector<2048x1xi1> to vector<2048x1xi1>
    %broadcast_in_dim3A_104 = vector.broadcast %broadcast_in_dim3A_103 : vector<2048x1xi1> to vector<2048x320xi1>
    %select_n3A_105 = arith.select %broadcast_in_dim3A_104, %max3A_102, %select_n3A_92 : vector<2048x320xi1>, vector<2048x320xf32>
    %broadcast_in_dim3A_106 = arith.constant 0.000000e+00 : f32
    %broadcast_in_dim3A_107 = vector.broadcast %broadcast_in_dim3A_106 : f32 to vector<256x320xf32>
    %slice3A_108 = vector.extract_strided_slice %select_n3A_105 {offsets = [0, 0], sizes = [1792, 320], strides = [1, 1]} : vector<2048x320xf32> to vector<1792x320xf32>
    %concatenate3A_109 = tpu.concatenate %broadcast_in_dim3A_107, %slice3A_108 in 0 : vector<256x320xf32>, vector<1792x320xf32> -> vector<2048x320xf32>
    %broadcast_in_dim3A_110 = arith.constant -1 : i32
    %broadcast_in_dim3A_111 = vector.broadcast %broadcast_in_dim3A_110 : i32 to vector<256x1xi32>
    %slice3A_112 = vector.extract_strided_slice %get3A_6 {offsets = [0, 0], sizes = [1792, 1], strides = [1, 1]} : vector<2048x1xi32> to vector<1792x1xi32>
    %concatenate3A_113 = tpu.concatenate %broadcast_in_dim3A_111, %slice3A_112 in 0 : vector<256x1xi32>, vector<1792x1xi32> -> vector<2048x1xi32>
    %eq3A_114 = arith.cmpi eq, %concatenate3A_113, %get3A_6 : vector<2048x1xi32>
    %max3A_115 = arith.maximumf %select_n3A_105, %concatenate3A_109 : vector<2048x320xf32>
    %broadcast_in_dim3A_116 = vector.shape_cast %eq3A_114 : vector<2048x1xi1> to vector<2048x1xi1>
    %broadcast_in_dim3A_117 = vector.broadcast %broadcast_in_dim3A_116 : vector<2048x1xi1> to vector<2048x320xi1>
    %select_n3A_118 = arith.select %broadcast_in_dim3A_117, %max3A_115, %select_n3A_105 : vector<2048x320xi1>, vector<2048x320xf32>
    %broadcast_in_dim3A_119 = arith.constant 0.000000e+00 : f32
    %broadcast_in_dim3A_120 = vector.broadcast %broadcast_in_dim3A_119 : f32 to vector<512x320xf32>
    %slice3A_121 = vector.extract_strided_slice %select_n3A_118 {offsets = [0, 0], sizes = [1536, 320], strides = [1, 1]} : vector<2048x320xf32> to vector<1536x320xf32>
    %concatenate3A_122 = tpu.concatenate %broadcast_in_dim3A_120, %slice3A_121 in 0 : vector<512x320xf32>, vector<1536x320xf32> -> vector<2048x320xf32>
    %broadcast_in_dim3A_123 = arith.constant -1 : i32
    %broadcast_in_dim3A_124 = vector.broadcast %broadcast_in_dim3A_123 : i32 to vector<512x1xi32>
    %slice3A_125 = vector.extract_strided_slice %get3A_6 {offsets = [0, 0], sizes = [1536, 1], strides = [1, 1]} : vector<2048x1xi32> to vector<1536x1xi32>
    %concatenate3A_126 = tpu.concatenate %broadcast_in_dim3A_124, %slice3A_125 in 0 : vector<512x1xi32>, vector<1536x1xi32> -> vector<2048x1xi32>
    %eq3A_127 = arith.cmpi eq, %concatenate3A_126, %get3A_6 : vector<2048x1xi32>
    %max3A_128 = arith.maximumf %select_n3A_118, %concatenate3A_122 : vector<2048x320xf32>
    %broadcast_in_dim3A_129 = vector.shape_cast %eq3A_127 : vector<2048x1xi1> to vector<2048x1xi1>
    %broadcast_in_dim3A_130 = vector.broadcast %broadcast_in_dim3A_129 : vector<2048x1xi1> to vector<2048x320xi1>
    %select_n3A_131 = arith.select %broadcast_in_dim3A_130, %max3A_128, %select_n3A_118 : vector<2048x320xi1>, vector<2048x320xf32>
    %broadcast_in_dim3A_132 = arith.constant 0.000000e+00 : f32
    %broadcast_in_dim3A_133 = vector.broadcast %broadcast_in_dim3A_132 : f32 to vector<1024x320xf32>
    %slice3A_134 = vector.extract_strided_slice %select_n3A_131 {offsets = [0, 0], sizes = [1024, 320], strides = [1, 1]} : vector<2048x320xf32> to vector<1024x320xf32>
    %concatenate3A_135 = tpu.concatenate %broadcast_in_dim3A_133, %slice3A_134 in 0 : vector<1024x320xf32>, vector<1024x320xf32> -> vector<2048x320xf32>
    %broadcast_in_dim3A_136 = arith.constant -1 : i32
    %broadcast_in_dim3A_137 = vector.broadcast %broadcast_in_dim3A_136 : i32 to vector<1024x1xi32>
    %slice3A_138 = vector.extract_strided_slice %get3A_6 {offsets = [0, 0], sizes = [1024, 1], strides = [1, 1]} : vector<2048x1xi32> to vector<1024x1xi32>
    %concatenate3A_139 = tpu.concatenate %broadcast_in_dim3A_137, %slice3A_138 in 0 : vector<1024x1xi32>, vector<1024x1xi32> -> vector<2048x1xi32>
    %eq3A_140 = arith.cmpi eq, %concatenate3A_139, %get3A_6 : vector<2048x1xi32>
    %max3A_141 = arith.maximumf %select_n3A_131, %concatenate3A_135 : vector<2048x320xf32>
    %broadcast_in_dim3A_142 = vector.shape_cast %eq3A_140 : vector<2048x1xi1> to vector<2048x1xi1>
    %broadcast_in_dim3A_143 = vector.broadcast %broadcast_in_dim3A_142 : vector<2048x1xi1> to vector<2048x320xi1>
    %select_n3A_144 = arith.select %broadcast_in_dim3A_143, %max3A_141, %select_n3A_131 : vector<2048x320xi1>, vector<2048x320xf32>
    %get3A_145 = arith.constant 0 : index
    %get3A_146 = arith.constant 0 : index
    %get3A_147 = memref.load %arg5[%get3A_145, %get3A_146] : memref<1x1xi32, #tpu.memory_space<smem>>
    %eq3A_148 = vector.broadcast %get3A_147 : i32 to vector<2048x1xi32>
    %eq3A_149 = arith.cmpi eq, %get3A_6, %eq3A_148 : vector<2048x1xi32>
    %get3A_150 = arith.constant 0 : index
    %get3A_151 = arith.constant 0 : index
    %get3A_152 = vector.load %arg4[%get3A_150, %get3A_151] : memref<8x320xf32, #tpu.memory_space<vmem>>, vector<1x320xf32>
    %max3A_153 = vector.broadcast %get3A_152 : vector<1x320xf32> to vector<2048x320xf32>
    %max3A_154 = arith.maximumf %select_n3A_144, %max3A_153 : vector<2048x320xf32>
    %broadcast_in_dim3A_155 = vector.shape_cast %eq3A_149 : vector<2048x1xi1> to vector<2048x1xi1>
    %broadcast_in_dim3A_156 = vector.broadcast %broadcast_in_dim3A_155 : vector<2048x1xi1> to vector<2048x320xi1>
    %select_n3A_157 = arith.select %broadcast_in_dim3A_156, %max3A_154, %select_n3A_144 : vector<2048x320xi1>, vector<2048x320xf32>
    %swap3A = arith.constant 0 : index
    %swap3A_158 = arith.constant 0 : index
    %swap3A_159 = vector.load %arg3[%swap3A, %swap3A_158] : memref<2048x320xf32, #tpu.memory_space<vmem>>, vector<2048x320xf32>
    tpu.vector_store %arg3[%swap3A, %swap3A_158], %select_n3A_157 {strides = array<i32>} : memref<2048x320xf32, #tpu.memory_space<vmem>>, vector<2048x320xf32>,
    %slice3A_160 = vector.extract_strided_slice %select_n3A_157 {offsets = [2047, 0], sizes = [1, 320], strides = [1, 1]} : vector<2048x320xf32> to vector<1x320xf32>
    %broadcast_in_dim3A_161 = vector.shape_cast %slice3A_160 : vector<1x320xf32> to vector<1x320xf32>
    %broadcast_in_dim3A_162 = vector.broadcast %broadcast_in_dim3A_161 : vector<1x320xf32> to vector<8x320xf32>
    %swap3A_163 = arith.constant 0 : index
    %swap3A_164 = arith.constant 0 : index
    %swap3A_165 = vector.load %arg4[%swap3A_163, %swap3A_164] : memref<8x320xf32, #tpu.memory_space<vmem>>, vector<8x320xf32>
    tpu.vector_store %arg4[%swap3A_163, %swap3A_164], %broadcast_in_dim3A_162 {strides = array<i32>} : memref<8x320xf32, #tpu.memory_space<vmem>>, vector<8x320xf32>,
    %get3A_166 = arith.constant 2047 : index
    %get3A_167 = arith.constant 0 : index
    %get3A_168 = vector.load %arg2[%get3A_166, %get3A_167] : memref<2048x8xi32, #tpu.memory_space<vmem>>, vector<1x1xi32>
    %get3A_169 = vector.extract %get3A_168[0, 0] : i32 from vector<1x1xi32>
    %swap3A_170 = arith.constant 0 : index
    %swap3A_171 = arith.constant 0 : index
    %swap3A_172 = memref.load %arg5[%swap3A_170, %swap3A_171] : memref<1x1xi32, #tpu.memory_space<smem>>
    memref.store %get3A_169, %arg5[%swap3A_170, %swap3A_171] : memref<1x1xi32, #tpu.memory_space<smem>>
    return
  }
  func.func @transform_0(%arg0: i32) -> (i32, i32) {
    %c0_i32 = arith.constant 0 : i32
    %c0_i32_0 = arith.constant 0 : i32
    return %arg0, %c0_i32 : i32, i32
  }
  func.func @transform_1(%arg0: i32) -> (i32, i32) {
    %c0_i32 = arith.constant 0 : i32
    %c0_i32_0 = arith.constant 0 : i32
    return %arg0, %c0_i32 : i32, i32
  }
  func.func @transform_2(%arg0: i32) -> (i32, i32) {
    %c0_i32 = arith.constant 0 : i32
    %c0_i32_0 = arith.constant 0 : i32
    return %arg0, %c0_i32 : i32, i32
  }
}

module attributes {stable_mosaic.version = 14 : i64} {
  func.func @body(%arg0: memref<512x320xf32, #tpu.memory_space<vmem>>, %arg1: memref<512x320xf32, #tpu.memory_space<vmem>>, %arg2: memref<512x8xf32, #tpu.memory_space<vmem>>, %arg3: memref<512x8xf32, #tpu.memory_space<vmem>>, %arg4: memref<512x960xf32, #tpu.memory_space<vmem>>, %arg5: memref<320x160xf32, #tpu.memory_space<vmem>>, %arg6: memref<8x160xf32, #tpu.memory_space<vmem>>, %arg7: memref<160x128xf32, #tpu.memory_space<vmem>>, %arg8: memref<8x128xf32, #tpu.memory_space<vmem>>, %arg9: memref<960x512xf32, #tpu.memory_space<vmem>>, %arg10: memref<8x512xf32, #tpu.memory_space<vmem>>, %arg11: memref<512x256xf32, #tpu.memory_space<vmem>>, %arg12: memref<8x256xf32, #tpu.memory_space<vmem>>, %arg13: memref<256x128xf32, #tpu.memory_space<vmem>>, %arg14: memref<8x128xf32, #tpu.memory_space<vmem>>, %arg15: memref<256x128xf32, #tpu.memory_space<vmem>>, %arg16: memref<8x128xf32, #tpu.memory_space<vmem>>, %arg17: memref<512x512xf32, #tpu.memory_space<vmem>>, %arg18: memref<8x512xf32, #tpu.memory_space<vmem>>, %arg19: memref<512x128xf32, #tpu.memory_space<vmem>>, %arg20: memref<8x128xf32, #tpu.memory_space<vmem>>, %arg21: memref<128x128xf32, #tpu.memory_space<vmem>>, %arg22: memref<8x128xf32, #tpu.memory_space<vmem>>, %arg23: memref<512x128xf32, #tpu.memory_space<vmem>>) attributes {dimension_semantics = [], scalar_prefetch = 0 : i64, scratch_operands = 0 : i64, tpu.core_type = #tpu.core_type<tc>} {
    %get3A = arith.constant 0 : index
    %get3A_0 = arith.constant 0 : index
    %get3A_1 = vector.load %arg0[%get3A, %get3A_0] : memref<512x320xf32, #tpu.memory_space<vmem>>, vector<512x320xf32>
    %get3A_2 = arith.constant 0 : index
    %get3A_3 = arith.constant 0 : index
    %get3A_4 = vector.load %arg2[%get3A_2, %get3A_3] : memref<512x8xf32, #tpu.memory_space<vmem>>, vector<512x1xf32>
    %mul3A = vector.broadcast %get3A_4 : vector<512x1xf32> to vector<512x320xf32>
    %mul3A_5 = arith.mulf %get3A_1, %mul3A : vector<512x320xf32>
    %get3A_6 = arith.constant 0 : index
    %get3A_7 = arith.constant 0 : index
    %get3A_8 = vector.load %arg5[%get3A_6, %get3A_7] : memref<320x160xf32, #tpu.memory_space<vmem>>, vector<320x160xf32>
    %dot_general3A = arith.constant dense<0.000000e+00> : vector<512x160xf32>
    %dot_general3A_9 = tpu.matmul %mul3A_5, %get3A_8, %dot_general3A {dimension_numbers = #tpu.dot_dimension_numbers<[1], [0], [0], [1], [0, 0, 1, 1], [], []>, transpose_lhs_hint = false} : vector<512x320xf32>, vector<320x160xf32>, vector<512x160xf32> -> vector<512x160xf32>
    %get3A_10 = arith.constant 0 : index
    %get3A_11 = arith.constant 0 : index
    %get3A_12 = vector.load %arg6[%get3A_10, %get3A_11] : memref<8x160xf32, #tpu.memory_space<vmem>>, vector<1x160xf32>
    %add3A = vector.broadcast %get3A_12 : vector<1x160xf32> to vector<512x160xf32>
    %add3A_13 = arith.addf %dot_general3A_9, %add3A : vector<512x160xf32>
    %max3A = arith.constant 0.000000e+00 : f32
    %max3A_14 = vector.broadcast %max3A : f32 to vector<512x160xf32>
    %max3A_15 = arith.maximumf %add3A_13, %max3A_14 : vector<512x160xf32>
    %get3A_16 = arith.constant 0 : index
    %get3A_17 = arith.constant 0 : index
    %get3A_18 = vector.load %arg7[%get3A_16, %get3A_17] : memref<160x128xf32, #tpu.memory_space<vmem>>, vector<160x128xf32>
    %dot_general3A_19 = arith.constant dense<0.000000e+00> : vector<512x128xf32>
    %dot_general3A_20 = tpu.matmul %max3A_15, %get3A_18, %dot_general3A_19 {dimension_numbers = #tpu.dot_dimension_numbers<[1], [0], [0], [1], [0, 0, 1, 1], [], []>, transpose_lhs_hint = false} : vector<512x160xf32>, vector<160x128xf32>, vector<512x128xf32> -> vector<512x128xf32>
    %get3A_21 = arith.constant 0 : index
    %get3A_22 = arith.constant 0 : index
    %get3A_23 = vector.load %arg8[%get3A_21, %get3A_22] : memref<8x128xf32, #tpu.memory_space<vmem>>, vector<1x128xf32>
    %add3A_24 = vector.broadcast %get3A_23 : vector<1x128xf32> to vector<512x128xf32>
    %add3A_25 = arith.addf %dot_general3A_20, %add3A_24 : vector<512x128xf32>
    %get3A_26 = arith.constant 0 : index
    %get3A_27 = arith.constant 0 : index
    %get3A_28 = vector.load %arg1[%get3A_26, %get3A_27] : memref<512x320xf32, #tpu.memory_space<vmem>>, vector<512x320xf32>
    %get3A_29 = arith.constant 0 : index
    %get3A_30 = arith.constant 0 : index
    %get3A_31 = vector.load %arg3[%get3A_29, %get3A_30] : memref<512x8xf32, #tpu.memory_space<vmem>>, vector<512x1xf32>
    %mul3A_32 = vector.broadcast %get3A_31 : vector<512x1xf32> to vector<512x320xf32>
    %mul3A_33 = arith.mulf %get3A_28, %mul3A_32 : vector<512x320xf32>
    %get3A_34 = arith.constant 0 : index
    %get3A_35 = arith.constant 0 : index
    %get3A_36 = vector.load %arg5[%get3A_34, %get3A_35] : memref<320x160xf32, #tpu.memory_space<vmem>>, vector<320x160xf32>
    %dot_general3A_37 = arith.constant dense<0.000000e+00> : vector<512x160xf32>
    %dot_general3A_38 = tpu.matmul %mul3A_33, %get3A_36, %dot_general3A_37 {dimension_numbers = #tpu.dot_dimension_numbers<[1], [0], [0], [1], [0, 0, 1, 1], [], []>, transpose_lhs_hint = false} : vector<512x320xf32>, vector<320x160xf32>, vector<512x160xf32> -> vector<512x160xf32>
    %get3A_39 = arith.constant 0 : index
    %get3A_40 = arith.constant 0 : index
    %get3A_41 = vector.load %arg6[%get3A_39, %get3A_40] : memref<8x160xf32, #tpu.memory_space<vmem>>, vector<1x160xf32>
    %add3A_42 = vector.broadcast %get3A_41 : vector<1x160xf32> to vector<512x160xf32>
    %add3A_43 = arith.addf %dot_general3A_38, %add3A_42 : vector<512x160xf32>
    %max3A_44 = arith.constant 0.000000e+00 : f32
    %max3A_45 = vector.broadcast %max3A_44 : f32 to vector<512x160xf32>
    %max3A_46 = arith.maximumf %add3A_43, %max3A_45 : vector<512x160xf32>
    %get3A_47 = arith.constant 0 : index
    %get3A_48 = arith.constant 0 : index
    %get3A_49 = vector.load %arg7[%get3A_47, %get3A_48] : memref<160x128xf32, #tpu.memory_space<vmem>>, vector<160x128xf32>
    %dot_general3A_50 = arith.constant dense<0.000000e+00> : vector<512x128xf32>
    %dot_general3A_51 = tpu.matmul %max3A_46, %get3A_49, %dot_general3A_50 {dimension_numbers = #tpu.dot_dimension_numbers<[1], [0], [0], [1], [0, 0, 1, 1], [], []>, transpose_lhs_hint = false} : vector<512x160xf32>, vector<160x128xf32>, vector<512x128xf32> -> vector<512x128xf32>
    %get3A_52 = arith.constant 0 : index
    %get3A_53 = arith.constant 0 : index
    %get3A_54 = vector.load %arg8[%get3A_52, %get3A_53] : memref<8x128xf32, #tpu.memory_space<vmem>>, vector<1x128xf32>
    %add3A_55 = vector.broadcast %get3A_54 : vector<1x128xf32> to vector<512x128xf32>
    %add3A_56 = arith.addf %dot_general3A_51, %add3A_55 : vector<512x128xf32>
    %get3A_57 = arith.constant 0 : index
    %get3A_58 = arith.constant 0 : index
    %get3A_59 = vector.load %arg4[%get3A_57, %get3A_58] : memref<512x960xf32, #tpu.memory_space<vmem>>, vector<512x960xf32>
    %mul3A_60 = arith.mulf %get3A_59, %get3A_59 : vector<512x960xf32>
    %reduce_sum3A = arith.constant dense<0.000000e+00> : vector<512xf32>
    %reduce_sum3A_61 = vector.multi_reduction <add>, %mul3A_60, %reduce_sum3A [1] : vector<512x960xf32> to vector<512xf32>
    %broadcast_in_dim3A = vector.shape_cast %reduce_sum3A_61 : vector<512xf32> to vector<512x1xf32>
    %sqrt3A = math.sqrt %broadcast_in_dim3A : vector<512x1xf32>
    %max3A_62 = arith.constant 9.99999996E-13 : f32
    %max3A_63 = vector.broadcast %max3A_62 : f32 to vector<512x1xf32>
    %max3A_64 = arith.maximumf %sqrt3A, %max3A_63 : vector<512x1xf32>
    %div3A = vector.broadcast %max3A_64 : vector<512x1xf32> to vector<512x960xf32>
    %div3A_65 = arith.divf %get3A_59, %div3A : vector<512x960xf32>
    %get3A_66 = arith.constant 0 : index
    %get3A_67 = arith.constant 0 : index
    %get3A_68 = vector.load %arg9[%get3A_66, %get3A_67] : memref<960x512xf32, #tpu.memory_space<vmem>>, vector<960x512xf32>
    %dot_general3A_69 = arith.constant dense<0.000000e+00> : vector<512x512xf32>
    %dot_general3A_70 = tpu.matmul %div3A_65, %get3A_68, %dot_general3A_69 {dimension_numbers = #tpu.dot_dimension_numbers<[1], [0], [0], [1], [0, 0, 1, 1], [], []>, transpose_lhs_hint = false} : vector<512x960xf32>, vector<960x512xf32>, vector<512x512xf32> -> vector<512x512xf32>
    %get3A_71 = arith.constant 0 : index
    %get3A_72 = arith.constant 0 : index
    %get3A_73 = vector.load %arg10[%get3A_71, %get3A_72] : memref<8x512xf32, #tpu.memory_space<vmem>>, vector<1x512xf32>
    %add3A_74 = vector.broadcast %get3A_73 : vector<1x512xf32> to vector<512x512xf32>
    %add3A_75 = arith.addf %dot_general3A_70, %add3A_74 : vector<512x512xf32>
    %max3A_76 = arith.constant 0.000000e+00 : f32
    %max3A_77 = vector.broadcast %max3A_76 : f32 to vector<512x512xf32>
    %max3A_78 = arith.maximumf %add3A_75, %max3A_77 : vector<512x512xf32>
    %get3A_79 = arith.constant 0 : index
    %get3A_80 = arith.constant 0 : index
    %get3A_81 = vector.load %arg11[%get3A_79, %get3A_80] : memref<512x256xf32, #tpu.memory_space<vmem>>, vector<512x256xf32>
    %dot_general3A_82 = arith.constant dense<0.000000e+00> : vector<512x256xf32>
    %dot_general3A_83 = tpu.matmul %max3A_78, %get3A_81, %dot_general3A_82 {dimension_numbers = #tpu.dot_dimension_numbers<[1], [0], [0], [1], [0, 0, 1, 1], [], []>, transpose_lhs_hint = false} : vector<512x512xf32>, vector<512x256xf32>, vector<512x256xf32> -> vector<512x256xf32>
    %get3A_84 = arith.constant 0 : index
    %get3A_85 = arith.constant 0 : index
    %get3A_86 = vector.load %arg12[%get3A_84, %get3A_85] : memref<8x256xf32, #tpu.memory_space<vmem>>, vector<1x256xf32>
    %add3A_87 = vector.broadcast %get3A_86 : vector<1x256xf32> to vector<512x256xf32>
    %add3A_88 = arith.addf %dot_general3A_83, %add3A_87 : vector<512x256xf32>
    %max3A_89 = arith.constant 0.000000e+00 : f32
    %max3A_90 = vector.broadcast %max3A_89 : f32 to vector<512x256xf32>
    %max3A_91 = arith.maximumf %add3A_88, %max3A_90 : vector<512x256xf32>
    %get3A_92 = arith.constant 0 : index
    %get3A_93 = arith.constant 0 : index
    %get3A_94 = vector.load %arg13[%get3A_92, %get3A_93] : memref<256x128xf32, #tpu.memory_space<vmem>>, vector<256x128xf32>
    %dot_general3A_95 = arith.constant dense<0.000000e+00> : vector<512x128xf32>
    %dot_general3A_96 = tpu.matmul %max3A_91, %get3A_94, %dot_general3A_95 {dimension_numbers = #tpu.dot_dimension_numbers<[1], [0], [0], [1], [0, 0, 1, 1], [], []>, transpose_lhs_hint = false} : vector<512x256xf32>, vector<256x128xf32>, vector<512x128xf32> -> vector<512x128xf32>
    %get3A_97 = arith.constant 0 : index
    %get3A_98 = arith.constant 0 : index
    %get3A_99 = vector.load %arg14[%get3A_97, %get3A_98] : memref<8x128xf32, #tpu.memory_space<vmem>>, vector<1x128xf32>
    %add3A_100 = vector.broadcast %get3A_99 : vector<1x128xf32> to vector<512x128xf32>
    %add3A_101 = arith.addf %dot_general3A_96, %add3A_100 : vector<512x128xf32>
    %concatenate3A = tpu.concatenate %add3A_25, %add3A_56 in 1 : vector<512x128xf32>, vector<512x128xf32> -> vector<512x256xf32>
    %get3A_102 = arith.constant 0 : index
    %get3A_103 = arith.constant 0 : index
    %get3A_104 = vector.load %arg15[%get3A_102, %get3A_103] : memref<256x128xf32, #tpu.memory_space<vmem>>, vector<256x128xf32>
    %dot_general3A_105 = arith.constant dense<0.000000e+00> : vector<512x128xf32>
    %dot_general3A_106 = tpu.matmul %concatenate3A, %get3A_104, %dot_general3A_105 {dimension_numbers = #tpu.dot_dimension_numbers<[1], [0], [0], [1], [0, 0, 1, 1], [], []>, transpose_lhs_hint = false} : vector<512x256xf32>, vector<256x128xf32>, vector<512x128xf32> -> vector<512x128xf32>
    %get3A_107 = arith.constant 0 : index
    %get3A_108 = arith.constant 0 : index
    %get3A_109 = vector.load %arg16[%get3A_107, %get3A_108] : memref<8x128xf32, #tpu.memory_space<vmem>>, vector<1x128xf32>
    %add3A_110 = vector.broadcast %get3A_109 : vector<1x128xf32> to vector<512x128xf32>
    %add3A_111 = arith.addf %dot_general3A_106, %add3A_110 : vector<512x128xf32>
    %logistic3A = arith.negf %add3A_111 : vector<512x128xf32>
    %logistic3A_112 = math.exp %logistic3A : vector<512x128xf32>
    %logistic3A_113 = arith.constant 1.000000e+00 : f32
    %logistic3A_114 = vector.broadcast %logistic3A_113 : f32 to vector<512x128xf32>
    %logistic3A_115 = arith.addf %logistic3A_114, %logistic3A_112 : vector<512x128xf32>
    %logistic3A_116 = arith.divf %logistic3A_114, %logistic3A_115 : vector<512x128xf32>
    %concatenate3A_117 = tpu.concatenate %concatenate3A, %logistic3A_116, %add3A_101 in 1 : vector<512x256xf32>, vector<512x128xf32>, vector<512x128xf32> -> vector<512x512xf32>
    %get3A_118 = arith.constant 0 : index
    %get3A_119 = arith.constant 0 : index
    %get3A_120 = vector.load %arg17[%get3A_118, %get3A_119] : memref<512x512xf32, #tpu.memory_space<vmem>>, vector<512x512xf32>
    %dot_general3A_121 = arith.constant dense<0.000000e+00> : vector<512x512xf32>
    %dot_general3A_122 = tpu.matmul %concatenate3A_117, %get3A_120, %dot_general3A_121 {dimension_numbers = #tpu.dot_dimension_numbers<[1], [0], [0], [1], [0, 0, 1, 1], [], []>, transpose_lhs_hint = false} : vector<512x512xf32>, vector<512x512xf32>, vector<512x512xf32> -> vector<512x512xf32>
    %get3A_123 = arith.constant 0 : index
    %get3A_124 = arith.constant 0 : index
    %get3A_125 = vector.load %arg18[%get3A_123, %get3A_124] : memref<8x512xf32, #tpu.memory_space<vmem>>, vector<1x512xf32>
    %add3A_126 = vector.broadcast %get3A_125 : vector<1x512xf32> to vector<512x512xf32>
    %add3A_127 = arith.addf %dot_general3A_122, %add3A_126 : vector<512x512xf32>
    %max3A_128 = arith.constant 0.000000e+00 : f32
    %max3A_129 = vector.broadcast %max3A_128 : f32 to vector<512x512xf32>
    %max3A_130 = arith.maximumf %add3A_127, %max3A_129 : vector<512x512xf32>
    %get3A_131 = arith.constant 0 : index
    %get3A_132 = arith.constant 0 : index
    %get3A_133 = vector.load %arg19[%get3A_131, %get3A_132] : memref<512x128xf32, #tpu.memory_space<vmem>>, vector<512x128xf32>
    %dot_general3A_134 = arith.constant dense<0.000000e+00> : vector<512x128xf32>
    %dot_general3A_135 = tpu.matmul %max3A_130, %get3A_133, %dot_general3A_134 {dimension_numbers = #tpu.dot_dimension_numbers<[1], [0], [0], [1], [0, 0, 1, 1], [], []>, transpose_lhs_hint = false} : vector<512x512xf32>, vector<512x128xf32>, vector<512x128xf32> -> vector<512x128xf32>
    %get3A_136 = arith.constant 0 : index
    %get3A_137 = arith.constant 0 : index
    %get3A_138 = vector.load %arg20[%get3A_136, %get3A_137] : memref<8x128xf32, #tpu.memory_space<vmem>>, vector<1x128xf32>
    %add3A_139 = vector.broadcast %get3A_138 : vector<1x128xf32> to vector<512x128xf32>
    %add3A_140 = arith.addf %dot_general3A_135, %add3A_139 : vector<512x128xf32>
    %max3A_141 = arith.constant 0.000000e+00 : f32
    %max3A_142 = vector.broadcast %max3A_141 : f32 to vector<512x128xf32>
    %max3A_143 = arith.maximumf %add3A_140, %max3A_142 : vector<512x128xf32>
    %get3A_144 = arith.constant 0 : index
    %get3A_145 = arith.constant 0 : index
    %get3A_146 = vector.load %arg21[%get3A_144, %get3A_145] : memref<128x128xf32, #tpu.memory_space<vmem>>, vector<128x128xf32>
    %dot_general3A_147 = arith.constant dense<0.000000e+00> : vector<512x128xf32>
    %dot_general3A_148 = tpu.matmul %max3A_143, %get3A_146, %dot_general3A_147 {dimension_numbers = #tpu.dot_dimension_numbers<[1], [0], [0], [1], [0, 0, 1, 1], [], []>, transpose_lhs_hint = false} : vector<512x128xf32>, vector<128x128xf32>, vector<512x128xf32> -> vector<512x128xf32>
    %get3A_149 = arith.constant 0 : index
    %get3A_150 = arith.constant 0 : index
    %get3A_151 = vector.load %arg22[%get3A_149, %get3A_150] : memref<8x128xf32, #tpu.memory_space<vmem>>, vector<1x128xf32>
    %add3A_152 = vector.broadcast %get3A_151 : vector<1x128xf32> to vector<512x128xf32>
    %add3A_153 = arith.addf %dot_general3A_148, %add3A_152 : vector<512x128xf32>
    %swap3A = arith.constant 0 : index
    %swap3A_154 = arith.constant 0 : index
    %swap3A_155 = vector.load %arg23[%swap3A, %swap3A_154] : memref<512x128xf32, #tpu.memory_space<vmem>>, vector<512x128xf32>
    tpu.vector_store %arg23[%swap3A, %swap3A_154], %add3A_153 {strides = array<i32>} : memref<512x128xf32, #tpu.memory_space<vmem>>, vector<512x128xf32>,
    return
  }
}

</mosaic_0001>

<sc_bundles>
// kernel: kernel.23.cloned.1.call-start
scs
__scs_entry_jumppad:
0x0: {  	(pc) =	sbr.rel $0x88, $3  }
0x1: {  	(tag) =	ssettag $0x0;
	lr =	simm.s32 $0x1  }
0x2: {  	[smem:$0x3F82] =	sst lr;
	_ =	strace $0xD0000000  }
0x3: {  	_ = 	snop  }
0x4: {  	_ = 	snop  }
0x5: {  	_ = 	snop  }
0x6: {  	_ = 	snop  }
0x7: {  	_ = 	snop  }
__scs_overlays_trampoline_lowered:
0x8: {  	[smem:$0x3F91] =	sst s0  }
0x9: {  	[smem:$0x3F92] =	sst s1  }
0xa: {  	[smem:$0x3F93] =	sst s2  }
0xb: {  	[smem:$0x3F94] =	sst s3  }
0xc: {  	[smem:$0x3F95] =	sst s4  }
0xd: {  	[smem:$0x3F96] =	sst s5  }
0xe: {  	[smem:$0x3F97] =	sst s6  }
0xf: {  	[smem:$0x3F98] =	sst s7  }
0x10: {  	[smem:$0x3F99] =	sst s8  }
0x11: {  	[smem:$0x3F9A] =	sst s9;
	s0 =	simm.s32 @!p0 $0x0  }
0x12: {  	s1 =	sld [smem:$0x3F80];
	s0 =	simm.s32 @p0 $0x1  }
0x13: {  	[smem:$0x3F9B] =	sst s0;
	s0 =	simm.s32 @!p1 $0x0  }
0x14: {  	s2 =	sld [smem:$0x3F7F];
	s0 =	simm.s32 @p1 $0x1  }
0x15: {  	[smem:$0x3F9C] =	sst s0;
	s0 =	simm.s32 @!p2 $0x0  }
0x16: {  	s3 =	sld [smem:$0x3FDB];
	s0 =	simm.s32 @p2 $0x1  }
0x17: {  	s4 =	simm.s32 $0x1BF5;
	[smem:$0x3F9E] =	sst s0  }
0x18: {  	s0 =	sld [smem:$0x3F81];
	_ =	swait.ge [sflag:s4], $0x0  }
0x19: {  	s7 =	sld [smem:$0x3F82]  }
0x1a: {  	s8 =	sadd.s32 $0xFFFFE003, lr  }
0x1b: {  	s9 =	sadd.s32 $0xFFFFFEF7, lr;
	s5 =	simm.s32 $0xFFFFFFFF;
	p2 =	slt.u32 s8, $0xFFFFF086  }
0x1c: {  	p1 =	slt.u32 s9, $0xF7A;
	s5 =	simm.s32 @!p2 $0x0  }
0x1d: {  	s5 =	simm.s32 @p1 $0x1;
	p0 =	seq.s32 s7, s2  }
0x1e: {  	s7 =	smul.u32 @!p0 $0xF7A, s2;
	p2 =	seq.s32 @!p0 s5, $0x0  }
0x1f: {  	s9 =	smul.u32 $0xF7A, s1;
	s8 =	simm.s32 @!p0 $0x1BF5;
	p2 =	por !p2, p0  }
0x20: {  	[sflag:s8] =	ssyncset.s32 @!p0 $0xFFFFF086;
	s6 =	sadd.s32 @!p0 s3, s7;
	s7 =	simm.s32 @!p0 $0x108  }
0x21: {  	s3 =	sadd.s32 s3, s9;
	s6 =	sadd.s32 @!p0 $0x88, s6;
	s7 =	simm.s32 @p2 $0x1082  }
0x22: {  	[simem:s7], [sflag:s8] =	dma.local @!p0 [hbm:s6], $0xF7A  }
0x23: {  	s9 =	sor.u32 $0xD0000000, s2;
	s6 =	simm.s32 $0x108;
	_ =	swait.ge @!p0 [sflag:s8], $0x0  }
0x24: {  	s3 =	sadd.s32 $0x88, s3;
	s6 =	simm.s32 @!p1 $0x1082;
	[sflag:s4] =	ssyncset.s32 $0xFFFFF086  }
0x25: {  	[simem:s6], [sflag:s4] =	dma.local [hbm:s3], $0xF7A  }
0x26: {  	[smem:$0x3F82] =	sst s1;
	(tag) =	ssettag s2;
	_ =	strace s9  }
0x27: {  	s1 =	sld [smem:$0x3F92]  }
0x28: {  	s2 =	sld [smem:$0x3F93]  }
0x29: {  	s4 =	sld [smem:$0x3F95]  }
0x2a: {  	p0 =	seq.s32 s5, $0x0;
	s5 =	sld [smem:$0x3F96]  }
0x2b: {  	s6 =	sld [smem:$0x3F97]  }
0x2c: {  	s7 =	sld [smem:$0x3F98]  }
0x2d: {  	s3 =	simm.s32 $0x108;
	s8 =	sld [smem:$0x3F99]  }
0x2e: {  	s3 =	simm.s32 @!p0 $0x1082;
	s9 =	sld [smem:$0x3F9A]  }
0x2f: {  	lr =	sadd.s32 s0, s3;
	s0 =	sld [smem:$0x3F91]  }
0x30: {  	s3 =	sld [smem:$0x3F94]  }
0x31: {  	[smem:$0x3F9D] =	sst s10  }
0x32: {  	s10 =	sld [smem:$0x3F9B];
	_ =	sdelay $0x3  }
0x33: {  	p0 =	seq.s32 s10, $0x1;
	s10 =	sld [smem:$0x3F9D];
	_ =	sdelay $0x3  }
0x34: {  	[smem:$0x3F9D] =	sst s10  }
0x35: {  	s10 =	sld [smem:$0x3F9C];
	_ =	sdelay $0x3  }
0x36: {  	p1 =	seq.s32 s10, $0x1;
	s10 =	sld [smem:$0x3F9D];
	_ =	sdelay $0x3  }
0x37: {  	[smem:$0x3F9D] =	sst s10  }
0x38: {  	s10 =	sld [smem:$0x3F9E]  }
0x39: {  	_ = 	snop;
	(pc) =	sbr.ind lr, $3  }
0x3a: {  	_ = 	snop  }
0x3b: {  	_ = 	snop  }
0x3c: {  	p2 =	seq.s32 s10, $0x1;
	s10 =	sld [smem:$0x3F9D]  }
0x3d: {  	_ =	shalt  }
0x3e: {  	_ =	shalt  }
0x3f: {  	_ =	shalt  }
0x40: {  	_ =	shalt  }
0x41: {  	_ =	shalt  }
0x42: {  	_ =	shalt  }
0x43: {  	_ =	shalt  }
0x44: {  	_ =	shalt  }
0x45: {  	_ =	shalt  }
0x46: {  	_ =	shalt  }
0x47: {  	_ =	shalt  }
0x48: {  	_ =	shalt  }
0x49: {  	_ =	shalt  }
0x4a: {  	_ =	shalt  }
0x4b: {  	_ =	shalt  }
0x4c: {  	_ =	shalt  }
0x4d: {  	_ =	shalt  }
0x4e: {  	_ =	shalt  }
0x4f: {  	_ =	shalt  }
0x50: {  	_ =	shalt  }
0x51: {  	_ =	shalt  }
0x52: {  	_ =	shalt  }
0x53: {  	_ =	shalt  }
0x54: {  	_ =	shalt  }
0x55: {  	_ =	shalt  }
0x56: {  	_ =	shalt  }
0x57: {  	_ =	shalt  }
0x58: {  	_ =	shalt  }
0x59: {  	_ =	shalt  }
0x5a: {  	_ =	shalt  }
0x5b: {  	_ =	shalt  }
0x5c: {  	_ =	shalt  }
0x5d: {  	_ =	shalt  }
0x5e: {  	_ =	shalt  }
0x5f: {  	_ =	shalt  }
0x60: {  	_ =	shalt  }
0x61: {  	_ =	shalt  }
0x62: {  	_ =	shalt  }
0x63: {  	_ =	shalt  }
0x64: {  	_ =	shalt  }
0x65: {  	_ =	shalt  }
0x66: {  	_ =	shalt  }
0x67: {  	_ =	shalt  }
0x68: {  	_ =	shalt  }
0x69: {  	_ =	shalt  }
0x6a: {  	_ =	shalt  }
0x6b: {  	_ =	shalt  }
0x6c: {  	_ =	shalt  }
0x6d: {  	_ =	shalt  }
0x6e: {  	_ =	shalt  }
0x6f: {  	_ =	shalt  }
0x70: {  	_ =	shalt  }
0x71: {  	_ =	shalt  }
0x72: {  	_ =	shalt  }
0x73: {  	_ =	shalt  }
0x74: {  	_ =	shalt  }
0x75: {  	_ =	shalt  }
0x76: {  	_ =	shalt  }
0x77: {  	_ =	shalt  }
0x78: {  	_ =	shalt  }
0x79: {  	_ =	shalt  }
0x7a: {  	_ =	shalt  }
0x7b: {  	_ =	shalt  }
0x7c: {  	_ =	shalt  }
0x7d: {  	_ =	shalt  }
0x7e: {  	_ =	shalt  }
0x7f: {  	_ =	shalt  }
0x80: {  	_ =	shalt  }
0x81: {  	_ =	shalt  }
0x82: {  	_ =	shalt  }
0x83: {  	_ =	shalt  }
0x84: {  	_ =	shalt  }
0x85: {  	_ =	shalt  }
0x86: {  	_ =	shalt  }
0x87: {  	_ =	shalt  }
.Lfunc_end0:
.L_simem_size_0:
called_computation_lowered:
.L_overlay_start_0:
0x88: {  	s2 =	sld [smem:$0x3FD9]  }
0x89: {  	s3 =	sld [smem:$0x3FFE];
	_ =	sdelay $0x1  }
0x8a: {  	s1 =	srdreg.scid  }
0x8b: {  	s0 =	sand.u32 $0x1, s1  }
0x8c: {  	s17 =	sshll.u32 s0, $0xA;
	s2 =	sadd.s32 s3, s2  }
0x8d: {  	s2 =	sadd.s32 s2, s17  }
0x8e: {  	[smem:$0x3FA9] =	sst s2  }
0x8f: {  	_ = 	snop  }
0x90: {  	s18 =	sld [smem:$0x3FD0];
	(tm) =	ssettm $0x1  }
0x91: {  	s19 =	sld [smem:$0x3FFB];
	_ =	sdelay $0x3  }
0x92: {  	_ =	strace s19  }
0x93: {  	s2 =	sld [smem:$0x3FFC];
	_ =	sdelay $0x3  }
0x94: {  	_ =	strace s2  }
0x95: {  	s2 =	sld [smem:$0x3FFD];
	_ =	sdelay $0x3  }
0x96: {  	_ =	strace s2  }
0x97: {  	_ =	strace $0x8FFFFFFF  }
0x98: {  	s20 =	sld [smem:$0x3FDB];
	_ =	sdelay $0x1  }
0x99: {  	s4 =	simm.s32 $_scs_section_size  }
0x9a: {  	s5 =	simm.s32 $_size__tile_overlayer_lowered;
	s6 =	simm.s32 $_tile_overlayer_lowered  }
0x9b: {  	s7 =	simm.s32 $0x1BFF;
	s21 =	sshll.u32 s6, $0x1;
	s4 =	sadd.s32 s4, s20  }
0x9c: {  	s22 =	simm.s32 $0x0;
	s5 =	sshll.u32 s5, $0x1;
	s6 =	sadd.s32 s21, s4  }
0x9d: {  	[timem:s22], [sflag:s7] =	dma.local [hbm:s6], s5  }
0x9e: {  	_ =	swait.ge [sflag:s7], s5  }
0x9f: {  	s5 =	ssub.s32 $0x0, s5;
	[sflag:s7] =	ssyncset.done $0x0  }
0xa0: {  	[sflag:s7] =	ssyncadd.s32 s5;
	_ =	sdelay $0x1  }
0xa1: {  	s23 =	simm.s32 $0x1B8B  }
0xa2: {  	_ =	swait.ge [sflag:s23], $0x1  }
0xa3: {  	[sflag:s23] =	ssyncset.done $0x0  }
0xa4: {  	[sflag:s23] =	ssyncadd.s32 $0xFFFFFFFF  }
0xa5: {  	s5 =	sld [smem:$0x0]  }
0xa6: {  	s6 =	sand.u32 $0xFFFFFFFE, s1  }
0xa7: {  	p0 =	sne.s32 s1, s6  }
0xa8: {  	s6 =	sshll.u32 @p0 s6, $0xE  }
0xa9: {  	s6 =	sadd.s32 @p0 $0x11B8D, s6;
	s7 =	sshll.u32 @p0 s5, $0x11  }
0xaa: {  	s6 =	sor.u32 @p0 s7, s6  }
0xab: {  	[sflag:s6] =	ssyncadd.remote.s32 @p0 $0x1;
	_ =	sdelay $0x1  }
0xac: {  	s6 =	simm.s32 @p0 $0x1B8D  }
0xad: {  	_ =	swait.eq @p0 [sflag:s6], $0x1  }
0xae: {  	[sflag:s6] =	ssyncadd.s32 @p0 $0xFFFFFFFF  }
0xaf: {  	s7 =	sshll.u32 @!p0 s1, $0xE  }
0xb0: {  	s7 =	sor.u32 @!p0 $0x4000, s7;
	s6 =	simm.s32 @!p0 $0x1B8D  }
0xb1: {  	s5 =	sshll.u32 @!p0 s5, $0x11;
	s7 =	sadd.s32 @!p0 $0x11B8D, s7;
	_ =	swait.eq @!p0 [sflag:s6], $0x1  }
0xb2: {  	s5 =	sor.u32 @!p0 s5, s7;
	[sflag:s6] =	ssyncadd.s32 @!p0 $0xFFFFFFFF  }
0xb3: {  	s25 =	simm.s32 $0x1B8E;
	s24 =	sld [smem:$0x3FFE];
	[sflag:s5] =	ssyncadd.remote.s32 @!p0 $0x1  }
0xb4: {  	s26 =	simm.s32 $execute0_lowered;
	[smem:$0x3FD2] =	sst s25  }
0xb5: {  	s6 =	sshll.u32 s26, $0x1;
	_ =	strace $0x80000049;
	[dreg:$0x1] =	wrdreg $0xFFFFFFFF  }
0xb6: {  	s28 =	simm.s32 $_size_execute0_lowered;
	s4 =	sadd.s32 s4, s6;
	[dreg:$0x0] =	wrdreg $0x0  }
0xb7: {  	s6 =	sshll.u32 s28, $0x1;
	[dreg:$0x2] =	wrdreg s4  }
0xb8: {  	[dreg:$0x3] =	wrdreg s6  }
0xb9: {  	[dreg:$0x4] =	wrdreg $0xC0  }
0xba: {  	_ =	task [dreg:s22], $0x5FFFF  }
0xbb: {  	[dreg:$0x1] =	wrdreg $0xFFFFFFFF  }
0xbc: {  	[dreg:$0x0] =	wrdreg $0x60  }
0xbd: {  	[dreg:$0x2] =	wrdreg s24  }
0xbe: {  	[dreg:$0x3] =	wrdreg s18  }
0xbf: {  	[dreg:$0x4] =	wrdreg $0x4800  }
0xc0: {  	[dreg:$0x5] =	wrdreg $0x9  }
0xc1: {  	_ =	task.clear_ibuf [dreg:s22], $0x6FFFF;
	_ =	strace $0x90000049  }
0xc2: {  	s29 =	simm.s32 $0x9;
	_ =	strace $0x8000004B  }
0xc3: {  	_ =	swait.ge [sflag:s29], $0x1  }
0xc4: {  	[sflag:s29] =	ssyncadd.s32 $0xFFFFFFFF  }
0xc5: {  	_ =	strace $0x9000004B  }
0xc6: {  	_ =	sfence  }
0xc7: {  	s30 =	sld [smem:$0x0];
	_ =	sdelay $0x2  }
0xc8: {  	s31 =	sshll.u32 s1, $0xD;
	s1 =	sshrl.u32 s1, $0x2  }
0xc9: {  	s4 =	sand.u32 $0x4000, s31;
	s1 =	sadd.s32 s1, s30  }
0xca: {  	s0 =	sor.u32 s4, s0;
	s1 =	sshll.u32 s1, $0x11  }
0xcb: {  	s0 =	sor.u32 s1, s0  }
0xcc: {  	s0 =	sadd.s32 $0x8F2B, s0  }
0xcd: {  	[sflag:s0] =	ssyncadd.remote.s32 $0x1  }
0xce: {  	_ =	sfence.sel $0xFFFF  }
0xcf: {  	[dreg:$0x0] =	wrdreg $0xFFFFFFFF;
	(pc) =	sbr.abs _section_cstart, $3  }
0xd0: {  	[dreg:$0x1] =	wrdreg $0xFFFFFFFF  }
0xd1: {  	_ =	task.clear_ibuf [dreg:s22], $0x2FFFF;
	_ =	strace $0x9FFFFFFF  }
0xd2: {  	(tm) =	ssettm $0x7FFFFFFF  }
0xd3: {  	_ =	shalt  }
tec
execute0_lowered:
.L_overlay_start_1:
0x0: {  	(tag) =	ssettag $0x1  }
0x1: {  	s5 =	rddreg [dreg:$0x0];
	s1 =	srdreg.scid  }
0x2: {  	s0 =	stileid.u32;
	s2 =	rddreg [dreg:$0x1]  }
0x3: {  	s3 =	rddreg [dreg:$0x2];
	s7 =	smul.u32 $0x2800, s0  }
0x4: {  	s4 =	simm.s32 $0x0;
	s6 =	sand.u32 $0x1, s1;
	s9 =	smul.u32 $0x1400, s0  }
0x5: {  	s13 =	simm.s32 $0x0;
	s1 =	rddreg [dreg:$0x3];
	s8 =	smul.u32 $0x1400, s6  }
0x6: {  	[smem:$0x7FF] =	sst s4;
	s31 =	sshll.u32 s0, $0x6;
	s26 =	smul.u32 $0x14000, s6  }
0x7: {  	_ =	strace $0x8000004A;
	s6 =	ssub.s32 $0x2, s6;
	s29 =	sshrl.u32 s9, $0x3  }
0x8: {  	s30 =	sshrl.u32 s6, $0x1;
	s12 =	sadd.s32 s9, s3;
	s7 =	sadd.s32 s8, s7  }
0x9: {  	s28 =	sadd.s32 s9, s26;
	s8 =	sadd.s32 s29, s5;
	s7 =	sshrl.u32 s7, $0x3  }
0xa: {  	s11 =	ssub.s32 s6, s30;
	s10 =	sadd.s32 s7, s5;
	s7 =	sshrl.u32 s28, $0x3  }
0xb: {  	s6 =	sor.u32 $0x1C01, s31;
	s7 =	sadd.s32 s7, s5;
	s5 =	sadd.s32 $0xFA00, s8  }
0xc: {  	s8 =	smax.u32 s11, $0x1;
	s9 =	sadd.s32 $0x17200, s10;
	s10 =	sshrl.u32 s12, $0x3  }
0xd: {  	s11 =	simm.s32 $0x1;
	s12 =	simm.s32 $0x80;
	s7 =	sadd.s32 $0x1C200, s7  }
.LBB2_1:
0xe: {  	[spmem:s10], [sflag:s6] =	dma.local [hbm:s5], $0x280  }
0xf: {  	_ =	swait.ge [sflag:s11], $0x280  }
0x10: {  	[sflag:s11] =	ssyncset.done $0x0  }
0x11: {  	[sflag:s11] =	ssyncadd.s32 $0xFFFFFD80  }
0x12: {  	[tilespmem:s12], [sflag:$0x1] =	stream.linear.gather [hbm4b:s2+s4], $0x400, $0x38;
	[tilespmem:$0x1880] =	vst v63  }
0x13: {  	_ =	swait.ge [sflag:s11], $0x400  }
0x14: {  	[sflag:s11] =	ssyncset.done $0x0  }
0x15: {  	[sflag:s11] =	ssyncadd.s32 $0xFFFFFC00  }
0x16: {  	s14 =	sadd.s32 $0x0, s9;
	[bflag:$0x0] =	sbarrier.arrive $0xFFFF  }
0x17: {  	[tilespmem:s4], [sflag:$0x1] =	stream.linear.gather [hbm4b:s14+s4], $0x80, $0x38;
	[tilespmem:$0x1880] =	vst v63  }
0x18: {  	_ =	swait.ge [sflag:s11], $0x80  }
0x19: {  	[sflag:s11] =	ssyncset.done $0x0  }
0x1a: {  	[sflag:s11] =	ssyncadd.s32 $0xFFFFFF80  }
0x1b: {  	[spmem:s3] =	stream.indirect.scatter.add.f32 [tilespmem:s12], [sflag:$0x1], $0x8, s4, s12, $0xb8;
	[tilespmem:$0x1880] =	vst v63  }
0x1c: {  	_ =	swait.ge [sflag:s11], $0x400  }
0x1d: {  	s15 =	simm.s32 $0x20;
	s14 =	simm.s32 $0x10;
	[sflag:s11] =	ssyncset.done $0x0  }
.LBB2_2:
0x1e: {  	s16 =	sadd.s32 s14, s9  }
0x1f: {  	[sflag:s11] =	ssyncadd.s32 $0xFFFFFC00;
	s14 =	smov.u32 s15;
	s17 =	sadd.s32 $0x10, s15  }
0x20: {  	[tilespmem:s4], [sflag:$0x1] =	stream.linear.gather [hbm4b:s16+s4], $0x80, $0x38;
	[tilespmem:$0x1880] =	vst v63  }
0x21: {  	p0 =	sne.s32 s15, $0x270;
	_ =	swait.ge [sflag:s11], $0x80  }
.Ltmp0:
0x22: {  	[sflag:s11] =	ssyncset.done $0x0;
	(pc) =	sbr.rel @p0 .LBB2_2-.Ltmp0, $4  }
0x23: {  	[sflag:s11] =	ssyncadd.s32 $0xFFFFFF80  }
0x24: {  	[spmem:s3] =	stream.indirect.scatter.add.f32 [tilespmem:s12], [sflag:$0x1], $0x8, s4, s12, $0xb8;
	[tilespmem:$0x1880] =	vst v63  }
0x25: {  	_ =	swait.ge [sflag:s11], $0x400  }
0x26: {  	s15 =	smov.u32 s17;
	[sflag:s11] =	ssyncset.done $0x0  }
0x27: {  	s14 =	sadd.s32 s14, s9;
	[sflag:s11] =	ssyncadd.s32 $0xFFFFFC00  }
0x28: {  	[tilespmem:s4], [sflag:$0x1] =	stream.linear.gather [hbm4b:s14+s4], $0x80, $0x38;
	[tilespmem:$0x1880] =	vst v63  }
0x29: {  	_ =	swait.ge [sflag:s11], $0x80  }
0x2a: {  	[sflag:s11] =	ssyncset.done $0x0  }
0x2b: {  	[sflag:s11] =	ssyncadd.s32 $0xFFFFFF80  }
0x2c: {  	[spmem:s3] =	stream.indirect.scatter.add.f32 [tilespmem:s12], [sflag:$0x1], $0x8, s4, s12, $0xb8;
	[tilespmem:$0x1880] =	vst v63  }
0x2d: {  	_ =	swait.ge [sflag:s11], $0x400  }
0x2e: {  	s13 =	sadd.s32 $0x1, s13;
	[sflag:s11] =	ssyncset.done $0x0  }
0x2f: {  	p0 =	sne.s32 s13, s8;
	[sflag:s11] =	ssyncadd.s32 $0xFFFFFC00  }
.Ltmp1:
0x30: {  	[bflag:$0x0] =	sbarrier.arrive $0xFFFF;
	(pc) =	sbr.rel @p0 .LBB2_1-.Ltmp1, $4  }
0x31: {  	[hbm:s7], [sflag:s6] =	dma.local [spmem:s10], $0x280  }
0x32: {  	_ =	swait.ge [sflag:s11], $0x280  }
0x33: {  	[sflag:s11] =	ssyncset.done $0x0  }
0x34: {  	[sflag:s11] =	ssyncadd.s32 $0xFFFFFD80  }
0x35: {  	_ =	sfence.sel $0x180000  }
0x36: {  	[bflag:$0x0] =	sbarrier.arrive $0xFFFF  }
0x37: {  	p0 =	sne.s32 s0, $0x0;
	_ =	strace $0x9000004A  }
0x38: {  	s0 =	sadd.s32 @!p0 $0x100000, s1;
	[bflag:$0x2] =	sbarrier.arrive $0xFFFF  }
0x39: {  	[sflag:s0] =	ssyncadd.tile.s32 @!p0 $0x1;
	_ =	shalt  }
.Lfunc_end2:
_tile_overlayer_lowered:
.L_overlay_start_2:
0x3a: {  	(tag) =	ssettag $0x2  }
0x3b: {  	s0 =	rddreg [dreg:$0x0];
	s2 =	stileid.u32  }
0x3c: {  	s1 =	rddreg [dreg:$0x1];
	p0 =	sne.s32 s2, $0x0  }
0x3d: {  	s3 =	rddreg [dreg:$0x2];
	[bflag:$0x3] =	sbarrier.arrive $0xFFFF;
	s2 =	simm.s32 @!p0 $0x1C01  }
0x3e: {  	[timem:s3], [sflag:s2] =	dma.local @!p0 [hbm:s0], s1  }
0x3f: {  	s0 =	simm.s32 @!p0 $0x1  }
0x40: {  	_ =	swait.ge @!p0 [sflag:s0], s1  }
0x41: {  	s1 =	ssub.s32 @!p0 $0x0, s1;
	[sflag:s0] =	ssyncset.done @!p0 $0x0  }
0x42: {  	[sflag:s0] =	ssyncadd.s32 @!p0 s1  }
0x43: {  	[bflag:$0x3] =	sbarrier.arrive $0xFFFF  }
0x44: {  	_ =	shalt  }

// kernel: kernel.26.cloned.1.call-start
scs
__scs_entry_jumppad:
0x0: {  	(pc) =	sbr.rel $0x88, $3  }
0x1: {  	(tag) =	ssettag $0x0;
	lr =	simm.s32 $0x1  }
0x2: {  	[smem:$0x3F82] =	sst lr;
	_ =	strace $0xD0000000  }
0x3: {  	_ = 	snop  }
0x4: {  	_ = 	snop  }
0x5: {  	_ = 	snop  }
0x6: {  	_ = 	snop  }
0x7: {  	_ = 	snop  }
__scs_overlays_trampoline_lowered:
0x8: {  	[smem:$0x3F91] =	sst s0  }
0x9: {  	[smem:$0x3F92] =	sst s1  }
0xa: {  	[smem:$0x3F93] =	sst s2  }
0xb: {  	[smem:$0x3F94] =	sst s3  }
0xc: {  	[smem:$0x3F95] =	sst s4  }
0xd: {  	[smem:$0x3F96] =	sst s5  }
0xe: {  	[smem:$0x3F97] =	sst s6  }
0xf: {  	[smem:$0x3F98] =	sst s7  }
0x10: {  	[smem:$0x3F99] =	sst s8  }
0x11: {  	[smem:$0x3F9A] =	sst s9;
	s0 =	simm.s32 @!p0 $0x0  }
0x12: {  	s1 =	sld [smem:$0x3F80];
	s0 =	simm.s32 @p0 $0x1  }
0x13: {  	[smem:$0x3F9B] =	sst s0;
	s0 =	simm.s32 @!p1 $0x0  }
0x14: {  	s2 =	sld [smem:$0x3F7F];
	s0 =	simm.s32 @p1 $0x1  }
0x15: {  	[smem:$0x3F9C] =	sst s0;
	s0 =	simm.s32 @!p2 $0x0  }
0x16: {  	s3 =	sld [smem:$0x3FDB];
	s0 =	simm.s32 @p2 $0x1  }
0x17: {  	s4 =	simm.s32 $0x1BF5;
	[smem:$0x3F9E] =	sst s0  }
0x18: {  	s0 =	sld [smem:$0x3F81];
	_ =	swait.ge [sflag:s4], $0x0  }
0x19: {  	s7 =	sld [smem:$0x3F82]  }
0x1a: {  	s8 =	sadd.s32 $0xFFFFE003, lr  }
0x1b: {  	s9 =	sadd.s32 $0xFFFFFEF7, lr;
	s5 =	simm.s32 $0xFFFFFFFF;
	p2 =	slt.u32 s8, $0xFFFFF086  }
0x1c: {  	p1 =	slt.u32 s9, $0xF7A;
	s5 =	simm.s32 @!p2 $0x0  }
0x1d: {  	s5 =	simm.s32 @p1 $0x1;
	p0 =	seq.s32 s7, s2  }
0x1e: {  	s7 =	smul.u32 @!p0 $0xF7A, s2;
	p2 =	seq.s32 @!p0 s5, $0x0  }
0x1f: {  	s9 =	smul.u32 $0xF7A, s1;
	s8 =	simm.s32 @!p0 $0x1BF5;
	p2 =	por !p2, p0  }
0x20: {  	[sflag:s8] =	ssyncset.s32 @!p0 $0xFFFFF086;
	s6 =	sadd.s32 @!p0 s3, s7;
	s7 =	simm.s32 @!p0 $0x108  }
0x21: {  	s3 =	sadd.s32 s3, s9;
	s6 =	sadd.s32 @!p0 $0x88, s6;
	s7 =	simm.s32 @p2 $0x1082  }
0x22: {  	[simem:s7], [sflag:s8] =	dma.local @!p0 [hbm:s6], $0xF7A  }
0x23: {  	s9 =	sor.u32 $0xD0000000, s2;
	s6 =	simm.s32 $0x108;
	_ =	swait.ge @!p0 [sflag:s8], $0x0  }
0x24: {  	s3 =	sadd.s32 $0x88, s3;
	s6 =	simm.s32 @!p1 $0x1082;
	[sflag:s4] =	ssyncset.s32 $0xFFFFF086  }
0x25: {  	[simem:s6], [sflag:s4] =	dma.local [hbm:s3], $0xF7A  }
0x26: {  	[smem:$0x3F82] =	sst s1;
	(tag) =	ssettag s2;
	_ =	strace s9  }
0x27: {  	s1 =	sld [smem:$0x3F92]  }
0x28: {  	s2 =	sld [smem:$0x3F93]  }
0x29: {  	s4 =	sld [smem:$0x3F95]  }
0x2a: {  	p0 =	seq.s32 s5, $0x0;
	s5 =	sld [smem:$0x3F96]  }
0x2b: {  	s6 =	sld [smem:$0x3F97]  }
0x2c: {  	s7 =	sld [smem:$0x3F98]  }
0x2d: {  	s3 =	simm.s32 $0x108;
	s8 =	sld [smem:$0x3F99]  }
0x2e: {  	s3 =	simm.s32 @!p0 $0x1082;
	s9 =	sld [smem:$0x3F9A]  }
0x2f: {  	lr =	sadd.s32 s0, s3;
	s0 =	sld [smem:$0x3F91]  }
0x30: {  	s3 =	sld [smem:$0x3F94]  }
0x31: {  	[smem:$0x3F9D] =	sst s10  }
0x32: {  	s10 =	sld [smem:$0x3F9B];
	_ =	sdelay $0x3  }
0x33: {  	p0 =	seq.s32 s10, $0x1;
	s10 =	sld [smem:$0x3F9D];
	_ =	sdelay $0x3  }
0x34: {  	[smem:$0x3F9D] =	sst s10  }
0x35: {  	s10 =	sld [smem:$0x3F9C];
	_ =	sdelay $0x3  }
0x36: {  	p1 =	seq.s32 s10, $0x1;
	s10 =	sld [smem:$0x3F9D];
	_ =	sdelay $0x3  }
0x37: {  	[smem:$0x3F9D] =	sst s10  }
0x38: {  	s10 =	sld [smem:$0x3F9E]  }
0x39: {  	_ = 	snop;
	(pc) =	sbr.ind lr, $3  }
0x3a: {  	_ = 	snop  }
0x3b: {  	_ = 	snop  }
0x3c: {  	p2 =	seq.s32 s10, $0x1;
	s10 =	sld [smem:$0x3F9D]  }
0x3d: {  	_ =	shalt  }
0x3e: {  	_ =	shalt  }
0x3f: {  	_ =	shalt  }
0x40: {  	_ =	shalt  }
0x41: {  	_ =	shalt  }
0x42: {  	_ =	shalt  }
0x43: {  	_ =	shalt  }
0x44: {  	_ =	shalt  }
0x45: {  	_ =	shalt  }
0x46: {  	_ =	shalt  }
0x47: {  	_ =	shalt  }
0x48: {  	_ =	shalt  }
0x49: {  	_ =	shalt  }
0x4a: {  	_ =	shalt  }
0x4b: {  	_ =	shalt  }
0x4c: {  	_ =	shalt  }
0x4d: {  	_ =	shalt  }
0x4e: {  	_ =	shalt  }
0x4f: {  	_ =	shalt  }
0x50: {  	_ =	shalt  }
0x51: {  	_ =	shalt  }
0x52: {  	_ =	shalt  }
0x53: {  	_ =	shalt  }
0x54: {  	_ =	shalt  }
0x55: {  	_ =	shalt  }
0x56: {  	_ =	shalt  }
0x57: {  	_ =	shalt  }
0x58: {  	_ =	shalt  }
0x59: {  	_ =	shalt  }
0x5a: {  	_ =	shalt  }
0x5b: {  	_ =	shalt  }
0x5c: {  	_ =	shalt  }
0x5d: {  	_ =	shalt  }
0x5e: {  	_ =	shalt  }
0x5f: {  	_ =	shalt  }
0x60: {  	_ =	shalt  }
0x61: {  	_ =	shalt  }
0x62: {  	_ =	shalt  }
0x63: {  	_ =	shalt  }
0x64: {  	_ =	shalt  }
0x65: {  	_ =	shalt  }
0x66: {  	_ =	shalt  }
0x67: {  	_ =	shalt  }
0x68: {  	_ =	shalt  }
0x69: {  	_ =	shalt  }
0x6a: {  	_ =	shalt  }
0x6b: {  	_ =	shalt  }
0x6c: {  	_ =	shalt  }
0x6d: {  	_ =	shalt  }
0x6e: {  	_ =	shalt  }
0x6f: {  	_ =	shalt  }
0x70: {  	_ =	shalt  }
0x71: {  	_ =	shalt  }
0x72: {  	_ =	shalt  }
0x73: {  	_ =	shalt  }
0x74: {  	_ =	shalt  }
0x75: {  	_ =	shalt  }
0x76: {  	_ =	shalt  }
0x77: {  	_ =	shalt  }
0x78: {  	_ =	shalt  }
0x79: {  	_ =	shalt  }
0x7a: {  	_ =	shalt  }
0x7b: {  	_ =	shalt  }
0x7c: {  	_ =	shalt  }
0x7d: {  	_ =	shalt  }
0x7e: {  	_ =	shalt  }
0x7f: {  	_ =	shalt  }
0x80: {  	_ =	shalt  }
0x81: {  	_ =	shalt  }
0x82: {  	_ =	shalt  }
0x83: {  	_ =	shalt  }
0x84: {  	_ =	shalt  }
0x85: {  	_ =	shalt  }
0x86: {  	_ =	shalt  }
0x87: {  	_ =	shalt  }
.Lfunc_end0:
.L_simem_size_0:
called_computation.1_lowered:
.L_overlay_start_0:
0x88: {  	s2 =	sld [smem:$0x3FD9]  }
0x89: {  	s3 =	sld [smem:$0x3FFE];
	_ =	sdelay $0x1  }
0x8a: {  	s1 =	srdreg.scid  }
0x8b: {  	s0 =	sand.u32 $0x1, s1  }
0x8c: {  	s17 =	sshll.u32 s0, $0xA;
	s2 =	sadd.s32 s3, s2  }
0x8d: {  	s2 =	sadd.s32 s2, s17  }
0x8e: {  	[smem:$0x3FA9] =	sst s2  }
0x8f: {  	_ = 	snop  }
0x90: {  	(tm) =	ssettm $0x1  }
0x91: {  	s18 =	sld [smem:$0x3FFB];
	_ =	sdelay $0x3  }
0x92: {  	_ =	strace s18  }
0x93: {  	s2 =	sld [smem:$0x3FFC];
	_ =	sdelay $0x3  }
0x94: {  	_ =	strace s2  }
0x95: {  	s2 =	sld [smem:$0x3FFD];
	_ =	sdelay $0x3  }
0x96: {  	_ =	strace s2  }
0x97: {  	_ =	strace $0x8FFFFFFF  }
0x98: {  	s19 =	sld [smem:$0x3FDB];
	_ =	sdelay $0x1  }
0x99: {  	s20 =	simm.s32 $_scs_section_size  }
0x9a: {  	s4 =	simm.s32 $_size__tile_overlayer_lowered;
	s5 =	simm.s32 $_tile_overlayer_lowered  }
0x9b: {  	s6 =	simm.s32 $0x1BFF;
	s21 =	sshll.u32 s5, $0x1;
	s3 =	sadd.s32 s20, s19  }
0x9c: {  	s22 =	simm.s32 $0x0;
	s4 =	sshll.u32 s4, $0x1;
	s5 =	sadd.s32 s21, s3  }
0x9d: {  	[timem:s22], [sflag:s6] =	dma.local [hbm:s5], s4  }
0x9e: {  	_ =	swait.ge [sflag:s6], s4  }
0x9f: {  	s4 =	ssub.s32 $0x0, s4;
	[sflag:s6] =	ssyncset.done $0x0  }
0xa0: {  	[sflag:s6] =	ssyncadd.s32 s4;
	_ =	sdelay $0x1  }
0xa1: {  	s23 =	simm.s32 $0x1B8B  }
0xa2: {  	_ =	swait.ge [sflag:s23], $0x1  }
0xa3: {  	[sflag:s23] =	ssyncset.done $0x0  }
0xa4: {  	[sflag:s23] =	ssyncadd.s32 $0xFFFFFFFF  }
0xa5: {  	s4 =	sld [smem:$0x0]  }
0xa6: {  	s5 =	sand.u32 $0xFFFFFFFE, s1  }
0xa7: {  	p0 =	sne.s32 s1, s5  }
0xa8: {  	s5 =	sshll.u32 @p0 s5, $0xE  }
0xa9: {  	s5 =	sadd.s32 @p0 $0x11B8D, s5;
	s6 =	sshll.u32 @p0 s4, $0x11  }
0xaa: {  	s5 =	sor.u32 @p0 s6, s5  }
0xab: {  	[sflag:s5] =	ssyncadd.remote.s32 @p0 $0x1;
	_ =	sdelay $0x1  }
0xac: {  	s5 =	simm.s32 @p0 $0x1B8D  }
0xad: {  	_ =	swait.eq @p0 [sflag:s5], $0x1  }
0xae: {  	[sflag:s5] =	ssyncadd.s32 @p0 $0xFFFFFFFF  }
0xaf: {  	s6 =	sshll.u32 @!p0 s1, $0xE  }
0xb0: {  	s6 =	sor.u32 @!p0 $0x4000, s6;
	s5 =	simm.s32 @!p0 $0x1B8D  }
0xb1: {  	s4 =	sshll.u32 @!p0 s4, $0x11;
	s6 =	sadd.s32 @!p0 $0x11B8D, s6;
	_ =	swait.eq @!p0 [sflag:s5], $0x1  }
0xb2: {  	s4 =	sor.u32 @!p0 s4, s6;
	[sflag:s5] =	ssyncadd.s32 @!p0 $0xFFFFFFFF  }
0xb3: {  	s25 =	simm.s32 $0x1B8E;
	s24 =	sld [smem:$0x3FFE];
	[sflag:s4] =	ssyncadd.remote.s32 @!p0 $0x1  }
0xb4: {  	s26 =	simm.s32 $execute0_lowered;
	[smem:$0x3FD2] =	sst s25  }
0xb5: {  	s5 =	sshll.u32 s26, $0x1;
	_ =	strace $0x8000004F;
	[dreg:$0x1] =	wrdreg $0xFFFFFFFF  }
0xb6: {  	s28 =	simm.s32 $_size_execute0_lowered;
	s3 =	sadd.s32 s3, s5;
	[dreg:$0x0] =	wrdreg $0x0  }
0xb7: {  	s5 =	sshll.u32 s28, $0x1;
	[dreg:$0x2] =	wrdreg s3  }
0xb8: {  	[dreg:$0x3] =	wrdreg s5  }
0xb9: {  	[dreg:$0x4] =	wrdreg $0xC0  }
0xba: {  	_ =	task [dreg:s22], $0x5FFFF  }
0xbb: {  	[dreg:$0x1] =	wrdreg $0xFFFFFFFF  }
0xbc: {  	[dreg:$0x0] =	wrdreg $0x60  }
0xbd: {  	[dreg:$0x2] =	wrdreg s24  }
0xbe: {  	[dreg:$0x3] =	wrdreg $0x52000  }
0xbf: {  	[dreg:$0x4] =	wrdreg $0x9  }
0xc0: {  	_ =	task.clear_ibuf [dreg:s22], $0x5FFFF;
	_ =	strace $0x9000004F  }
0xc1: {  	s29 =	simm.s32 $0x9;
	_ =	strace $0x80000051  }
0xc2: {  	_ =	swait.ge [sflag:s29], $0x1  }
0xc3: {  	[sflag:s29] =	ssyncadd.s32 $0xFFFFFFFF  }
0xc4: {  	_ =	strace $0x90000051  }
0xc5: {  	_ =	sfence  }
0xc6: {  	s30 =	sld [smem:$0x0];
	_ =	sdelay $0x2  }
0xc7: {  	s31 =	sshll.u32 s1, $0xD;
	s1 =	sshrl.u32 s1, $0x2  }
0xc8: {  	s4 =	sand.u32 $0x4000, s31;
	s1 =	sadd.s32 s1, s30  }
0xc9: {  	s0 =	sor.u32 s4, s0;
	s1 =	sshll.u32 s1, $0x11  }
0xca: {  	s0 =	sor.u32 s1, s0  }
0xcb: {  	s0 =	sadd.s32 $0x8F2B, s0  }
0xcc: {  	[sflag:s0] =	ssyncadd.remote.s32 $0x1  }
0xcd: {  	_ =	sfence.sel $0xFFFF  }
0xce: {  	[dreg:$0x0] =	wrdreg $0xFFFFFFFF;
	(pc) =	sbr.abs _section_cstart, $3  }
0xcf: {  	[dreg:$0x1] =	wrdreg $0xFFFFFFFF  }
0xd0: {  	_ =	task.clear_ibuf [dreg:s22], $0x2FFFF;
	_ =	strace $0x9FFFFFFF  }
0xd1: {  	(tm) =	ssettm $0x7FFFFFFF  }
tec
execute0_lowered:
.L_overlay_start_1:
0x0: {  	(tag) =	ssettag $0x1  }
0x1: {  	s1 =	srdreg.scid;
	s5 =	rddreg [dreg:$0x0]  }
0x2: {  	s0 =	stileid.u32;
	s2 =	rddreg [dreg:$0x1]  }
0x3: {  	s3 =	simm.s32 $0x0;
	s13 =	simm.s32 $0x100;
	s14 =	simm.s32 $0x80  }
0x4: {  	s15 =	simm.s32 $0x200;
	s16 =	simm.s32 $0x2A00;
	s17 =	simm.s32 $0x1  }
0x5: {  	s18 =	simm.s32 $0x2;
	s19 =	simm.s32 $0x180;
	s4 =	smul.u32 $0x2800, s0  }
0x6: {  	s6 =	sand.u32 $0x1, s1;
	s1 =	rddreg [dreg:$0x2];
	s30 =	smul.u32 $0xC800, s0  }
0x7: {  	s20 =	simm.s32 $0x0;
	[smem:$0x7FF] =	sst s3;
	s7 =	smul.u32 $0x1400, s6  }
0x8: {  	s31 =	sshll.u32 s0, $0x6;
	s8 =	smul.u32 $0xC8000, s6;
	s6 =	ssub.s32 $0x2, s6  }
0x9: {  	_ =	strace $0x80000050;
	s9 =	sshrl.u32 s30, $0x3;
	s11 =	sshrl.u32 s6, $0x1  }
0xa: {  	s12 =	sadd.s32 s30, s2;
	s4 =	sadd.s32 s7, s4;
	s8 =	sadd.s32 s30, s8  }
0xb: {  	s9 =	sadd.s32 s9, s5;
	s11 =	ssub.s32 s6, s11;
	s4 =	sshrl.u32 s4, $0x3  }
0xc: {  	s6 =	sor.u32 $0x1C03, s31;
	s8 =	sshrl.u32 s8, $0x3;
	s10 =	sadd.s32 s4, s5  }
0xd: {  	s4 =	sadd.s32 $0xDA200, s5;
	s8 =	sadd.s32 s8, s5;
	s5 =	sadd.s32 $0x67200, s9  }
0xe: {  	s7 =	sadd.s32 $0xF3200, s8;
	s8 =	smax.u32 s11, $0x1;
	s9 =	sadd.s32 $0x17200, s10  }
0xf: {  	s10 =	sadd.s32 $0x12200, s10;
	s11 =	sshrl.u32 s12, $0x3;
	s12 =	simm.s32 $0x3  }
.LBB2_1:
0x10: {  	[spmem:s11], [sflag:s6] =	dma.local [hbm:s5], $0x1900  }
0x11: {  	_ =	swait.ge [sflag:s12], $0x1900  }
0x12: {  	[sflag:s12] =	ssyncset.done $0x0  }
0x13: {  	[sflag:s12] =	ssyncadd.s32 $0xFFFFE700  }
0x14: {  	s21 =	sadd.s32 $0x0, s10;
	[bflag:$0x0] =	sbarrier.arrive $0xFFFF  }
0x15: {  	[tilespmem:s3], [sflag:$0x3] =	stream.linear.gather [hbm4b:s21+s3], $0x100, $0x38;
	[tilespmem:$0x11A00] =	vst v63  }
0x16: {  	_ =	swait.ge [sflag:s12], $0x100  }
0x17: {  	[sflag:s12] =	ssyncset.done $0x0  }
0x18: {  	s31 =	sadd.s32 $0x0, s9;
	[sflag:s12] =	ssyncadd.s32 $0xFFFFFF00  }
0x19: {  	[tilespmem:s13], [sflag:$0x3] =	stream.linear.gather [hbm4b:s31+s3], $0x100, $0x38;
	[tilespmem:$0x11A00] =	vst v63  }
0x1a: {  	_ =	swait.ge [sflag:s12], $0x100  }
0x1b: {  	[sflag:s12] =	ssyncset.done $0x0  }
0x1c: {  	[sflag:s12] =	ssyncadd.s32 $0xFFFFFF00  }
0x1d: {  	[tilespmem:s15], [sflag:$0x1] =	stream.indirect.gather [hbm4b:s4+s14], $0x50, s3, s14, $0xb8;
	[tilespmem:$0x11A00] =	vst v63  }
0x1e: {  	_ = 	snop  }
0x1f: {  	[tilespmem:s16], [sflag:$0x2] =	stream.indirect.gather [hbm4b:s4+s14], $0x50, s14, s14, $0xb8;
	[tilespmem:$0x11A00] =	vst v63  }
0x20: {  	_ =	swait.ge [sflag:s17], $0x2800  }
0x21: {  	[sflag:s17] =	ssyncset.done $0x0  }
0x22: {  	[sflag:s17] =	ssyncadd.s32 $0xFFFFD800  }
0x23: {  	[spmem:s2] =	stream.indirect.scatter.add.f32 [tilespmem:s15], [sflag:$0x3], $0x50, s13, s14, $0xb8;
	[tilespmem:$0x11A00] =	vst v63  }
0x24: {  	_ =	swait.ge [sflag:s12], $0x2800  }
0x25: {  	[sflag:s12] =	ssyncset.done $0x0  }
0x26: {  	[sflag:s12] =	ssyncadd.s32 $0xFFFFD800  }
0x27: {  	_ =	swait.ge [sflag:s18], $0x2800  }
0x28: {  	[sflag:s18] =	ssyncset.done $0x0  }
0x29: {  	[sflag:s18] =	ssyncadd.s32 $0xFFFFD800  }
0x2a: {  	[spmem:s2] =	stream.indirect.scatter.add.f32 [tilespmem:s16], [sflag:$0x3], $0x50, s19, s14, $0xb8;
	[tilespmem:$0x11A00] =	vst v63  }
0x2b: {  	_ =	swait.ge [sflag:s12], $0x2800  }
0x2c: {  	s22 =	simm.s32 $0x40;
	s21 =	simm.s32 $0x20;
	[sflag:s12] =	ssyncset.done $0x0  }
.LBB2_2:
0x2d: {  	s23 =	sadd.s32 s21, s10  }
0x2e: {  	[sflag:s12] =	ssyncadd.s32 $0xFFFFD800;
	s24 =	smov.u32 s22;
	s25 =	sadd.s32 $0x20, s22  }
0x2f: {  	[tilespmem:s3], [sflag:$0x3] =	stream.linear.gather [hbm4b:s23+s3], $0x100, $0x38;
	[tilespmem:$0x11A00] =	vst v63  }
0x30: {  	p0 =	sne.s32 s22, $0x260;
	_ =	swait.ge [sflag:s12], $0x100  }
0x31: {  	[sflag:s12] =	ssyncset.done $0x0  }
0x32: {  	s22 =	sadd.s32 s21, s9;
	s21 =	smov.u32 s24;
	[sflag:s12] =	ssyncadd.s32 $0xFFFFFF00  }
0x33: {  	[tilespmem:s13], [sflag:$0x3] =	stream.linear.gather [hbm4b:s22+s3], $0x100, $0x38;
	[tilespmem:$0x11A00] =	vst v63  }
0x34: {  	_ =	swait.ge [sflag:s12], $0x100  }
0x35: {  	[sflag:s12] =	ssyncset.done $0x0  }
0x36: {  	[sflag:s12] =	ssyncadd.s32 $0xFFFFFF00  }
0x37: {  	[tilespmem:s15], [sflag:$0x1] =	stream.indirect.gather [hbm4b:s4+s14], $0x50, s3, s14, $0xb8;
	[tilespmem:$0x11A00] =	vst v63  }
0x38: {  	_ = 	snop  }
0x39: {  	[tilespmem:s16], [sflag:$0x2] =	stream.indirect.gather [hbm4b:s4+s14], $0x50, s14, s14, $0xb8;
	[tilespmem:$0x11A00] =	vst v63  }
0x3a: {  	_ =	swait.ge [sflag:s17], $0x2800  }
0x3b: {  	[sflag:s17] =	ssyncset.done $0x0  }
0x3c: {  	[sflag:s17] =	ssyncadd.s32 $0xFFFFD800  }
0x3d: {  	[spmem:s2] =	stream.indirect.scatter.add.f32 [tilespmem:s15], [sflag:$0x3], $0x50, s13, s14, $0xb8;
	[tilespmem:$0x11A00] =	vst v63  }
0x3e: {  	_ =	swait.ge [sflag:s12], $0x2800  }
0x3f: {  	[sflag:s12] =	ssyncset.done $0x0  }
0x40: {  	[sflag:s12] =	ssyncadd.s32 $0xFFFFD800  }
0x41: {  	_ =	swait.ge [sflag:s18], $0x2800  }
.Ltmp0:
0x42: {  	[sflag:s18] =	ssyncset.done $0x0;
	(pc) =	sbr.rel @p0 .LBB2_2-.Ltmp0, $4  }
0x43: {  	[sflag:s18] =	ssyncadd.s32 $0xFFFFD800  }
0x44: {  	[spmem:s2] =	stream.indirect.scatter.add.f32 [tilespmem:s16], [sflag:$0x3], $0x50, s19, s14, $0xb8;
	[tilespmem:$0x11A00] =	vst v63  }
0x45: {  	_ =	swait.ge [sflag:s12], $0x2800  }
0x46: {  	s22 =	smov.u32 s25;
	[sflag:s12] =	ssyncset.done $0x0  }
0x47: {  	s22 =	sadd.s32 s21, s10;
	[sflag:s12] =	ssyncadd.s32 $0xFFFFD800  }
0x48: {  	[tilespmem:s3], [sflag:$0x3] =	stream.linear.gather [hbm4b:s22+s3], $0x100, $0x38;
	[tilespmem:$0x11A00] =	vst v63  }
0x49: {  	_ =	swait.ge [sflag:s12], $0x100  }
0x4a: {  	[sflag:s12] =	ssyncset.done $0x0  }
0x4b: {  	s31 =	sadd.s32 s21, s9;
	[sflag:s12] =	ssyncadd.s32 $0xFFFFFF00  }
0x4c: {  	[tilespmem:s13], [sflag:$0x3] =	stream.linear.gather [hbm4b:s31+s3], $0x100, $0x38;
	[tilespmem:$0x11A00] =	vst v63  }
0x4d: {  	_ =	swait.ge [sflag:s12], $0x100  }
0x4e: {  	[sflag:s12] =	ssyncset.done $0x0  }
0x4f: {  	[sflag:s12] =	ssyncadd.s32 $0xFFFFFF00  }
0x50: {  	[tilespmem:s15], [sflag:$0x1] =	stream.indirect.gather [hbm4b:s4+s14], $0x50, s3, s14, $0xb8;
	[tilespmem:$0x11A00] =	vst v63  }
0x51: {  	_ = 	snop  }
0x52: {  	[tilespmem:s16], [sflag:$0x2] =	stream.indirect.gather [hbm4b:s4+s14], $0x50, s14, s14, $0xb8;
	[tilespmem:$0x11A00] =	vst v63  }
0x53: {  	_ =	swait.ge [sflag:s17], $0x2800  }
0x54: {  	[sflag:s17] =	ssyncset.done $0x0  }
0x55: {  	[sflag:s17] =	ssyncadd.s32 $0xFFFFD800  }
0x56: {  	[spmem:s2] =	stream.indirect.scatter.add.f32 [tilespmem:s15], [sflag:$0x3], $0x50, s13, s14, $0xb8;
	[tilespmem:$0x11A00] =	vst v63  }
0x57: {  	_ =	swait.ge [sflag:s12], $0x2800  }
0x58: {  	[sflag:s12] =	ssyncset.done $0x0  }
0x59: {  	[sflag:s12] =	ssyncadd.s32 $0xFFFFD800  }
0x5a: {  	_ =	swait.ge [sflag:s18], $0x2800  }
0x5b: {  	[sflag:s18] =	ssyncset.done $0x0  }
0x5c: {  	[sflag:s18] =	ssyncadd.s32 $0xFFFFD800  }
0x5d: {  	[spmem:s2] =	stream.indirect.scatter.add.f32 [tilespmem:s16], [sflag:$0x3], $0x50, s19, s14, $0xb8;
	[tilespmem:$0x11A00] =	vst v63  }
0x5e: {  	_ =	swait.ge [sflag:s12], $0x2800  }
0x5f: {  	s20 =	sadd.s32 $0x1, s20;
	[sflag:s12] =	ssyncset.done $0x0  }
0x60: {  	p0 =	sne.s32 s20, s8;
	[sflag:s12] =	ssyncadd.s32 $0xFFFFD800  }
.Ltmp1:
0x61: {  	[bflag:$0x0] =	sbarrier.arrive $0xFFFF;
	(pc) =	sbr.rel @p0 .LBB2_1-.Ltmp1, $4  }
0x62: {  	[hbm:s7], [sflag:s6] =	dma.local [spmem:s11], $0x1900  }
0x63: {  	_ =	swait.ge [sflag:s12], $0x1900  }
0x64: {  	[sflag:s12] =	ssyncset.done $0x0  }
0x65: {  	[sflag:s12] =	ssyncadd.s32 $0xFFFFE700  }
0x66: {  	_ =	sfence.sel $0x180000  }
0x67: {  	[bflag:$0x0] =	sbarrier.arrive $0xFFFF  }
0x68: {  	p0 =	sne.s32 s0, $0x0;
	_ =	strace $0x90000050  }
0x69: {  	s0 =	sadd.s32 @!p0 $0x100000, s1;
	[bflag:$0x2] =	sbarrier.arrive $0xFFFF  }
0x6a: {  	[sflag:s0] =	ssyncadd.tile.s32 @!p0 $0x1;
	_ =	shalt  }
.Lfunc_end2:
_tile_overlayer_lowered:
.L_overlay_start_2:
0x6b: {  	(tag) =	ssettag $0x2  }
0x6c: {  	s0 =	rddreg [dreg:$0x0];
	s2 =	stileid.u32  }
0x6d: {  	s1 =	rddreg [dreg:$0x1];
	p0 =	sne.s32 s2, $0x0  }
0x6e: {  	s3 =	rddreg [dreg:$0x2];
	[bflag:$0x3] =	sbarrier.arrive $0xFFFF;
	s2 =	simm.s32 @!p0 $0x1C03  }
0x6f: {  	[timem:s3], [sflag:s2] =	dma.local @!p0 [hbm:s0], s1  }
0x70: {  	s0 =	simm.s32 @!p0 $0x3  }
0x71: {  	_ =	swait.ge @!p0 [sflag:s0], s1  }
0x72: {  	s1 =	ssub.s32 @!p0 $0x0, s1;
	[sflag:s0] =	ssyncset.done @!p0 $0x0  }
0x73: {  	[sflag:s0] =	ssyncadd.s32 @!p0 s1  }
0x74: {  	[bflag:$0x3] =	sbarrier.arrive $0xFFFF  }
0x75: {  	_ =	shalt  }

// kernel: kernel.29.cloned.1.call-start
scs
__scs_entry_jumppad:
0x0: {  	(pc) =	sbr.rel $0x88, $3  }
0x1: {  	(tag) =	ssettag $0x0;
	lr =	simm.s32 $0x1  }
0x2: {  	[smem:$0x3F82] =	sst lr;
	_ =	strace $0xD0000000  }
0x3: {  	_ = 	snop  }
0x4: {  	_ = 	snop  }
0x5: {  	_ = 	snop  }
0x6: {  	_ = 	snop  }
0x7: {  	_ = 	snop  }
__scs_overlays_trampoline_lowered:
0x8: {  	[smem:$0x3F91] =	sst s0  }
0x9: {  	[smem:$0x3F92] =	sst s1  }
0xa: {  	[smem:$0x3F93] =	sst s2  }
0xb: {  	[smem:$0x3F94] =	sst s3  }
0xc: {  	[smem:$0x3F95] =	sst s4  }
0xd: {  	[smem:$0x3F96] =	sst s5  }
0xe: {  	[smem:$0x3F97] =	sst s6  }
0xf: {  	[smem:$0x3F98] =	sst s7  }
0x10: {  	[smem:$0x3F99] =	sst s8  }
0x11: {  	[smem:$0x3F9A] =	sst s9;
	s0 =	simm.s32 @!p0 $0x0  }
0x12: {  	s1 =	sld [smem:$0x3F80];
	s0 =	simm.s32 @p0 $0x1  }
0x13: {  	[smem:$0x3F9B] =	sst s0;
	s0 =	simm.s32 @!p1 $0x0  }
0x14: {  	s2 =	sld [smem:$0x3F7F];
	s0 =	simm.s32 @p1 $0x1  }
0x15: {  	[smem:$0x3F9C] =	sst s0;
	s0 =	simm.s32 @!p2 $0x0  }
0x16: {  	s3 =	sld [smem:$0x3FDB];
	s0 =	simm.s32 @p2 $0x1  }
0x17: {  	s4 =	simm.s32 $0x1BF5;
	[smem:$0x3F9E] =	sst s0  }
0x18: {  	s0 =	sld [smem:$0x3F81];
	_ =	swait.ge [sflag:s4], $0x0  }
0x19: {  	s7 =	sld [smem:$0x3F82]  }
0x1a: {  	s8 =	sadd.s32 $0xFFFFE003, lr  }
0x1b: {  	s9 =	sadd.s32 $0xFFFFFEF7, lr;
	s5 =	simm.s32 $0xFFFFFFFF;
	p2 =	slt.u32 s8, $0xFFFFF086  }
0x1c: {  	p1 =	slt.u32 s9, $0xF7A;
	s5 =	simm.s32 @!p2 $0x0  }
0x1d: {  	s5 =	simm.s32 @p1 $0x1;
	p0 =	seq.s32 s7, s2  }
0x1e: {  	s7 =	smul.u32 @!p0 $0xF7A, s2;
	p2 =	seq.s32 @!p0 s5, $0x0  }
0x1f: {  	s9 =	smul.u32 $0xF7A, s1;
	s8 =	simm.s32 @!p0 $0x1BF5;
	p2 =	por !p2, p0  }
0x20: {  	[sflag:s8] =	ssyncset.s32 @!p0 $0xFFFFF086;
	s6 =	sadd.s32 @!p0 s3, s7;
	s7 =	simm.s32 @!p0 $0x108  }
0x21: {  	s3 =	sadd.s32 s3, s9;
	s6 =	sadd.s32 @!p0 $0x88, s6;
	s7 =	simm.s32 @p2 $0x1082  }
0x22: {  	[simem:s7], [sflag:s8] =	dma.local @!p0 [hbm:s6], $0xF7A  }
0x23: {  	s9 =	sor.u32 $0xD0000000, s2;
	s6 =	simm.s32 $0x108;
	_ =	swait.ge @!p0 [sflag:s8], $0x0  }
0x24: {  	s3 =	sadd.s32 $0x88, s3;
	s6 =	simm.s32 @!p1 $0x1082;
	[sflag:s4] =	ssyncset.s32 $0xFFFFF086  }
0x25: {  	[simem:s6], [sflag:s4] =	dma.local [hbm:s3], $0xF7A  }
0x26: {  	[smem:$0x3F82] =	sst s1;
	(tag) =	ssettag s2;
	_ =	strace s9  }
0x27: {  	s1 =	sld [smem:$0x3F92]  }
0x28: {  	s2 =	sld [smem:$0x3F93]  }
0x29: {  	s4 =	sld [smem:$0x3F95]  }
0x2a: {  	p0 =	seq.s32 s5, $0x0;
	s5 =	sld [smem:$0x3F96]  }
0x2b: {  	s6 =	sld [smem:$0x3F97]  }
0x2c: {  	s7 =	sld [smem:$0x3F98]  }
0x2d: {  	s3 =	simm.s32 $0x108;
	s8 =	sld [smem:$0x3F99]  }
0x2e: {  	s3 =	simm.s32 @!p0 $0x1082;
	s9 =	sld [smem:$0x3F9A]  }
0x2f: {  	lr =	sadd.s32 s0, s3;
	s0 =	sld [smem:$0x3F91]  }
0x30: {  	s3 =	sld [smem:$0x3F94]  }
0x31: {  	[smem:$0x3F9D] =	sst s10  }
0x32: {  	s10 =	sld [smem:$0x3F9B];
	_ =	sdelay $0x3  }
0x33: {  	p0 =	seq.s32 s10, $0x1;
	s10 =	sld [smem:$0x3F9D];
	_ =	sdelay $0x3  }
0x34: {  	[smem:$0x3F9D] =	sst s10  }
0x35: {  	s10 =	sld [smem:$0x3F9C];
	_ =	sdelay $0x3  }
0x36: {  	p1 =	seq.s32 s10, $0x1;
	s10 =	sld [smem:$0x3F9D];
	_ =	sdelay $0x3  }
0x37: {  	[smem:$0x3F9D] =	sst s10  }
0x38: {  	s10 =	sld [smem:$0x3F9E]  }
0x39: {  	_ = 	snop;
	(pc) =	sbr.ind lr, $3  }
0x3a: {  	_ = 	snop  }
0x3b: {  	_ = 	snop  }
0x3c: {  	p2 =	seq.s32 s10, $0x1;
	s10 =	sld [smem:$0x3F9D]  }
0x3d: {  	_ =	shalt  }
0x3e: {  	_ =	shalt  }
0x3f: {  	_ =	shalt  }
0x40: {  	_ =	shalt  }
0x41: {  	_ =	shalt  }
0x42: {  	_ =	shalt  }
0x43: {  	_ =	shalt  }
0x44: {  	_ =	shalt  }
0x45: {  	_ =	shalt  }
0x46: {  	_ =	shalt  }
0x47: {  	_ =	shalt  }
0x48: {  	_ =	shalt  }
0x49: {  	_ =	shalt  }
0x4a: {  	_ =	shalt  }
0x4b: {  	_ =	shalt  }
0x4c: {  	_ =	shalt  }
0x4d: {  	_ =	shalt  }
0x4e: {  	_ =	shalt  }
0x4f: {  	_ =	shalt  }
0x50: {  	_ =	shalt  }
0x51: {  	_ =	shalt  }
0x52: {  	_ =	shalt  }
0x53: {  	_ =	shalt  }
0x54: {  	_ =	shalt  }
0x55: {  	_ =	shalt  }
0x56: {  	_ =	shalt  }
0x57: {  	_ =	shalt  }
0x58: {  	_ =	shalt  }
0x59: {  	_ =	shalt  }
0x5a: {  	_ =	shalt  }
0x5b: {  	_ =	shalt  }
0x5c: {  	_ =	shalt  }
0x5d: {  	_ =	shalt  }
0x5e: {  	_ =	shalt  }
0x5f: {  	_ =	shalt  }
0x60: {  	_ =	shalt  }
0x61: {  	_ =	shalt  }
0x62: {  	_ =	shalt  }
0x63: {  	_ =	shalt  }
0x64: {  	_ =	shalt  }
0x65: {  	_ =	shalt  }
0x66: {  	_ =	shalt  }
0x67: {  	_ =	shalt  }
0x68: {  	_ =	shalt  }
0x69: {  	_ =	shalt  }
0x6a: {  	_ =	shalt  }
0x6b: {  	_ =	shalt  }
0x6c: {  	_ =	shalt  }
0x6d: {  	_ =	shalt  }
0x6e: {  	_ =	shalt  }
0x6f: {  	_ =	shalt  }
0x70: {  	_ =	shalt  }
0x71: {  	_ =	shalt  }
0x72: {  	_ =	shalt  }
0x73: {  	_ =	shalt  }
0x74: {  	_ =	shalt  }
0x75: {  	_ =	shalt  }
0x76: {  	_ =	shalt  }
0x77: {  	_ =	shalt  }
0x78: {  	_ =	shalt  }
0x79: {  	_ =	shalt  }
0x7a: {  	_ =	shalt  }
0x7b: {  	_ =	shalt  }
0x7c: {  	_ =	shalt  }
0x7d: {  	_ =	shalt  }
0x7e: {  	_ =	shalt  }
0x7f: {  	_ =	shalt  }
0x80: {  	_ =	shalt  }
0x81: {  	_ =	shalt  }
0x82: {  	_ =	shalt  }
0x83: {  	_ =	shalt  }
0x84: {  	_ =	shalt  }
0x85: {  	_ =	shalt  }
0x86: {  	_ =	shalt  }
0x87: {  	_ =	shalt  }
.Lfunc_end0:
.L_simem_size_0:
called_computation.2_lowered:
.L_overlay_start_0:
0x88: {  	s2 =	sld [smem:$0x3FD9]  }
0x89: {  	s3 =	sld [smem:$0x3FFE];
	_ =	sdelay $0x1  }
0x8a: {  	s1 =	srdreg.scid  }
0x8b: {  	s0 =	sand.u32 $0x1, s1  }
0x8c: {  	s17 =	sshll.u32 s0, $0xA;
	s2 =	sadd.s32 s3, s2  }
0x8d: {  	s2 =	sadd.s32 s2, s17  }
0x8e: {  	[smem:$0x3FA9] =	sst s2  }
0x8f: {  	_ = 	snop  }
0x90: {  	(tm) =	ssettm $0x1  }
0x91: {  	s18 =	sld [smem:$0x3FFB];
	_ =	sdelay $0x3  }
0x92: {  	_ =	strace s18  }
0x93: {  	s2 =	sld [smem:$0x3FFC];
	_ =	sdelay $0x3  }
0x94: {  	_ =	strace s2  }
0x95: {  	s2 =	sld [smem:$0x3FFD];
	_ =	sdelay $0x3  }
0x96: {  	_ =	strace s2  }
0x97: {  	_ =	strace $0x8FFFFFFF  }
0x98: {  	s19 =	sld [smem:$0x3FDB];
	_ =	sdelay $0x1  }
0x99: {  	s20 =	simm.s32 $_scs_section_size  }
0x9a: {  	s4 =	simm.s32 $_size__tile_overlayer_lowered;
	s5 =	simm.s32 $_tile_overlayer_lowered  }
0x9b: {  	s6 =	simm.s32 $0x1BFF;
	s21 =	sshll.u32 s5, $0x1;
	s3 =	sadd.s32 s20, s19  }
0x9c: {  	s22 =	simm.s32 $0x0;
	s4 =	sshll.u32 s4, $0x1;
	s5 =	sadd.s32 s21, s3  }
0x9d: {  	[timem:s22], [sflag:s6] =	dma.local [hbm:s5], s4  }
0x9e: {  	_ =	swait.ge [sflag:s6], s4  }
0x9f: {  	s4 =	ssub.s32 $0x0, s4;
	[sflag:s6] =	ssyncset.done $0x0  }
0xa0: {  	[sflag:s6] =	ssyncadd.s32 s4;
	_ =	sdelay $0x1  }
0xa1: {  	s23 =	simm.s32 $0x1B8B  }
0xa2: {  	_ =	swait.ge [sflag:s23], $0x1  }
0xa3: {  	[sflag:s23] =	ssyncset.done $0x0  }
0xa4: {  	[sflag:s23] =	ssyncadd.s32 $0xFFFFFFFF  }
0xa5: {  	s4 =	sld [smem:$0x0]  }
0xa6: {  	s5 =	sand.u32 $0xFFFFFFFE, s1  }
0xa7: {  	p0 =	sne.s32 s1, s5  }
0xa8: {  	s5 =	sshll.u32 @p0 s5, $0xE  }
0xa9: {  	s5 =	sadd.s32 @p0 $0x11B8D, s5;
	s6 =	sshll.u32 @p0 s4, $0x11  }
0xaa: {  	s5 =	sor.u32 @p0 s6, s5  }
0xab: {  	[sflag:s5] =	ssyncadd.remote.s32 @p0 $0x1;
	_ =	sdelay $0x1  }
0xac: {  	s5 =	simm.s32 @p0 $0x1B8D  }
0xad: {  	_ =	swait.eq @p0 [sflag:s5], $0x1  }
0xae: {  	[sflag:s5] =	ssyncadd.s32 @p0 $0xFFFFFFFF  }
0xaf: {  	s6 =	sshll.u32 @!p0 s1, $0xE  }
0xb0: {  	s6 =	sor.u32 @!p0 $0x4000, s6;
	s5 =	simm.s32 @!p0 $0x1B8D  }
0xb1: {  	s4 =	sshll.u32 @!p0 s4, $0x11;
	s6 =	sadd.s32 @!p0 $0x11B8D, s6;
	_ =	swait.eq @!p0 [sflag:s5], $0x1  }
0xb2: {  	s4 =	sor.u32 @!p0 s4, s6;
	[sflag:s5] =	ssyncadd.s32 @!p0 $0xFFFFFFFF  }
0xb3: {  	s25 =	simm.s32 $0x1B8E;
	s24 =	sld [smem:$0x3FFE];
	[sflag:s4] =	ssyncadd.remote.s32 @!p0 $0x1  }
0xb4: {  	s26 =	simm.s32 $execute0_lowered;
	[smem:$0x3FD2] =	sst s25  }
0xb5: {  	s5 =	sshll.u32 s26, $0x1;
	_ =	strace $0x80000055;
	[dreg:$0x1] =	wrdreg $0xFFFFFFFF  }
0xb6: {  	s28 =	simm.s32 $_size_execute0_lowered;
	s3 =	sadd.s32 s3, s5;
	[dreg:$0x0] =	wrdreg $0x0  }
0xb7: {  	s5 =	sshll.u32 s28, $0x1;
	[dreg:$0x2] =	wrdreg s3  }
0xb8: {  	[dreg:$0x3] =	wrdreg s5  }
0xb9: {  	[dreg:$0x4] =	wrdreg $0xC0  }
0xba: {  	_ =	task [dreg:s22], $0x5FFFF  }
0xbb: {  	[dreg:$0x1] =	wrdreg $0xFFFFFFFF  }
0xbc: {  	[dreg:$0x0] =	wrdreg $0x60  }
0xbd: {  	[dreg:$0x2] =	wrdreg s24  }
0xbe: {  	[dreg:$0x3] =	wrdreg $0x52000  }
0xbf: {  	[dreg:$0x4] =	wrdreg $0x9  }
0xc0: {  	_ =	task.clear_ibuf [dreg:s22], $0x5FFFF;
	_ =	strace $0x90000055  }
0xc1: {  	s29 =	simm.s32 $0x9;
	_ =	strace $0x80000057  }
0xc2: {  	_ =	swait.ge [sflag:s29], $0x1  }
0xc3: {  	[sflag:s29] =	ssyncadd.s32 $0xFFFFFFFF  }
0xc4: {  	_ =	strace $0x90000057  }
0xc5: {  	_ =	sfence  }
0xc6: {  	s30 =	sld [smem:$0x0];
	_ =	sdelay $0x2  }
0xc7: {  	s31 =	sshll.u32 s1, $0xD;
	s1 =	sshrl.u32 s1, $0x2  }
0xc8: {  	s4 =	sand.u32 $0x4000, s31;
	s1 =	sadd.s32 s1, s30  }
0xc9: {  	s0 =	sor.u32 s4, s0;
	s1 =	sshll.u32 s1, $0x11  }
0xca: {  	s0 =	sor.u32 s1, s0  }
0xcb: {  	s0 =	sadd.s32 $0x8F2B, s0  }
0xcc: {  	[sflag:s0] =	ssyncadd.remote.s32 $0x1  }
0xcd: {  	_ =	sfence.sel $0xFFFF  }
0xce: {  	[dreg:$0x0] =	wrdreg $0xFFFFFFFF;
	(pc) =	sbr.abs _section_cstart, $3  }
0xcf: {  	[dreg:$0x1] =	wrdreg $0xFFFFFFFF  }
0xd0: {  	_ =	task.clear_ibuf [dreg:s22], $0x2FFFF;
	_ =	strace $0x9FFFFFFF  }
0xd1: {  	(tm) =	ssettm $0x7FFFFFFF  }
tec
execute0_lowered:
.L_overlay_start_1:
0x0: {  	(tag) =	ssettag $0x1  }
0x1: {  	s1 =	srdreg.scid;
	s5 =	rddreg [dreg:$0x0]  }
0x2: {  	s0 =	stileid.u32;
	s2 =	rddreg [dreg:$0x1]  }
0x3: {  	s3 =	simm.s32 $0x0;
	s13 =	simm.s32 $0x100;
	s14 =	simm.s32 $0x80  }
0x4: {  	s15 =	simm.s32 $0x200;
	s16 =	simm.s32 $0x2A00;
	s17 =	simm.s32 $0x1  }
0x5: {  	s18 =	simm.s32 $0x2;
	s19 =	simm.s32 $0x180;
	s4 =	smul.u32 $0x2800, s0  }
0x6: {  	s6 =	sand.u32 $0x1, s1;
	s1 =	rddreg [dreg:$0x2];
	s30 =	smul.u32 $0xC800, s0  }
0x7: {  	s20 =	simm.s32 $0x0;
	[smem:$0x7FF] =	sst s3;
	s7 =	smul.u32 $0x1400, s6  }
0x8: {  	s31 =	sshll.u32 s0, $0x6;
	s8 =	smul.u32 $0xC8000, s6;
	s6 =	ssub.s32 $0x2, s6  }
0x9: {  	_ =	strace $0x80000056;
	s9 =	sshrl.u32 s30, $0x3;
	s11 =	sshrl.u32 s6, $0x1  }
0xa: {  	s12 =	sadd.s32 s30, s2;
	s4 =	sadd.s32 s7, s4;
	s8 =	sadd.s32 s30, s8  }
0xb: {  	s9 =	sadd.s32 s9, s5;
	s11 =	ssub.s32 s6, s11;
	s4 =	sshrl.u32 s4, $0x3  }
0xc: {  	s6 =	sor.u32 $0x1C03, s31;
	s8 =	sshrl.u32 s8, $0x3;
	s10 =	sadd.s32 s4, s5  }
0xd: {  	s4 =	sadd.s32 $0x102200, s5;
	s8 =	sadd.s32 s8, s5;
	s5 =	sadd.s32 $0x67200, s9  }
0xe: {  	s7 =	sadd.s32 $0x157200, s8;
	s8 =	smax.u32 s11, $0x1;
	s9 =	sadd.s32 $0x17200, s10  }
0xf: {  	s10 =	sadd.s32 $0x12200, s10;
	s11 =	sshrl.u32 s12, $0x3;
	s12 =	simm.s32 $0x3  }
.LBB2_1:
0x10: {  	[spmem:s11], [sflag:s6] =	dma.local [hbm:s5], $0x1900  }
0x11: {  	_ =	swait.ge [sflag:s12], $0x1900  }
0x12: {  	[sflag:s12] =	ssyncset.done $0x0  }
0x13: {  	[sflag:s12] =	ssyncadd.s32 $0xFFFFE700  }
0x14: {  	s21 =	sadd.s32 $0x0, s10;
	[bflag:$0x0] =	sbarrier.arrive $0xFFFF  }
0x15: {  	[tilespmem:s3], [sflag:$0x3] =	stream.linear.gather [hbm4b:s21+s3], $0x100, $0x38;
	[tilespmem:$0x11A00] =	vst v63  }
0x16: {  	_ =	swait.ge [sflag:s12], $0x100  }
0x17: {  	[sflag:s12] =	ssyncset.done $0x0  }
0x18: {  	s31 =	sadd.s32 $0x0, s9;
	[sflag:s12] =	ssyncadd.s32 $0xFFFFFF00  }
0x19: {  	[tilespmem:s13], [sflag:$0x3] =	stream.linear.gather [hbm4b:s31+s3], $0x100, $0x38;
	[tilespmem:$0x11A00] =	vst v63  }
0x1a: {  	_ =	swait.ge [sflag:s12], $0x100  }
0x1b: {  	[sflag:s12] =	ssyncset.done $0x0  }
0x1c: {  	[sflag:s12] =	ssyncadd.s32 $0xFFFFFF00  }
0x1d: {  	[tilespmem:s15], [sflag:$0x1] =	stream.indirect.gather [hbm4b:s4+s14], $0x50, s3, s14, $0xb8;
	[tilespmem:$0x11A00] =	vst v63  }
0x1e: {  	_ = 	snop  }
0x1f: {  	[tilespmem:s16], [sflag:$0x2] =	stream.indirect.gather [hbm4b:s4+s14], $0x50, s14, s14, $0xb8;
	[tilespmem:$0x11A00] =	vst v63  }
0x20: {  	_ =	swait.ge [sflag:s17], $0x2800  }
0x21: {  	[sflag:s17] =	ssyncset.done $0x0  }
0x22: {  	[sflag:s17] =	ssyncadd.s32 $0xFFFFD800  }
0x23: {  	[spmem:s2] =	stream.indirect.scatter.add.f32 [tilespmem:s15], [sflag:$0x3], $0x50, s13, s14, $0xb8;
	[tilespmem:$0x11A00] =	vst v63  }
0x24: {  	_ =	swait.ge [sflag:s12], $0x2800  }
0x25: {  	[sflag:s12] =	ssyncset.done $0x0  }
0x26: {  	[sflag:s12] =	ssyncadd.s32 $0xFFFFD800  }
0x27: {  	_ =	swait.ge [sflag:s18], $0x2800  }
0x28: {  	[sflag:s18] =	ssyncset.done $0x0  }
0x29: {  	[sflag:s18] =	ssyncadd.s32 $0xFFFFD800  }
0x2a: {  	[spmem:s2] =	stream.indirect.scatter.add.f32 [tilespmem:s16], [sflag:$0x3], $0x50, s19, s14, $0xb8;
	[tilespmem:$0x11A00] =	vst v63  }
0x2b: {  	_ =	swait.ge [sflag:s12], $0x2800  }
0x2c: {  	s22 =	simm.s32 $0x40;
	s21 =	simm.s32 $0x20;
	[sflag:s12] =	ssyncset.done $0x0  }
.LBB2_2:
0x2d: {  	s23 =	sadd.s32 s21, s10  }
0x2e: {  	[sflag:s12] =	ssyncadd.s32 $0xFFFFD800;
	s24 =	smov.u32 s22;
	s25 =	sadd.s32 $0x20, s22  }
0x2f: {  	[tilespmem:s3], [sflag:$0x3] =	stream.linear.gather [hbm4b:s23+s3], $0x100, $0x38;
	[tilespmem:$0x11A00] =	vst v63  }
0x30: {  	p0 =	sne.s32 s22, $0x260;
	_ =	swait.ge [sflag:s12], $0x100  }
0x31: {  	[sflag:s12] =	ssyncset.done $0x0  }
0x32: {  	s22 =	sadd.s32 s21, s9;
	s21 =	smov.u32 s24;
	[sflag:s12] =	ssyncadd.s32 $0xFFFFFF00  }
0x33: {  	[tilespmem:s13], [sflag:$0x3] =	stream.linear.gather [hbm4b:s22+s3], $0x100, $0x38;
	[tilespmem:$0x11A00] =	vst v63  }
0x34: {  	_ =	swait.ge [sflag:s12], $0x100  }
0x35: {  	[sflag:s12] =	ssyncset.done $0x0  }
0x36: {  	[sflag:s12] =	ssyncadd.s32 $0xFFFFFF00  }
0x37: {  	[tilespmem:s15], [sflag:$0x1] =	stream.indirect.gather [hbm4b:s4+s14], $0x50, s3, s14, $0xb8;
	[tilespmem:$0x11A00] =	vst v63  }
0x38: {  	_ = 	snop  }
0x39: {  	[tilespmem:s16], [sflag:$0x2] =	stream.indirect.gather [hbm4b:s4+s14], $0x50, s14, s14, $0xb8;
	[tilespmem:$0x11A00] =	vst v63  }
0x3a: {  	_ =	swait.ge [sflag:s17], $0x2800  }
0x3b: {  	[sflag:s17] =	ssyncset.done $0x0  }
0x3c: {  	[sflag:s17] =	ssyncadd.s32 $0xFFFFD800  }
0x3d: {  	[spmem:s2] =	stream.indirect.scatter.add.f32 [tilespmem:s15], [sflag:$0x3], $0x50, s13, s14, $0xb8;
	[tilespmem:$0x11A00] =	vst v63  }
0x3e: {  	_ =	swait.ge [sflag:s12], $0x2800  }
0x3f: {  	[sflag:s12] =	ssyncset.done $0x0  }
0x40: {  	[sflag:s12] =	ssyncadd.s32 $0xFFFFD800  }
0x41: {  	_ =	swait.ge [sflag:s18], $0x2800  }
.Ltmp0:
0x42: {  	[sflag:s18] =	ssyncset.done $0x0;
	(pc) =	sbr.rel @p0 .LBB2_2-.Ltmp0, $4  }
0x43: {  	[sflag:s18] =	ssyncadd.s32 $0xFFFFD800  }
0x44: {  	[spmem:s2] =	stream.indirect.scatter.add.f32 [tilespmem:s16], [sflag:$0x3], $0x50, s19, s14, $0xb8;
	[tilespmem:$0x11A00] =	vst v63  }
0x45: {  	_ =	swait.ge [sflag:s12], $0x2800  }
0x46: {  	s22 =	smov.u32 s25;
	[sflag:s12] =	ssyncset.done $0x0  }
0x47: {  	s22 =	sadd.s32 s21, s10;
	[sflag:s12] =	ssyncadd.s32 $0xFFFFD800  }
0x48: {  	[tilespmem:s3], [sflag:$0x3] =	stream.linear.gather [hbm4b:s22+s3], $0x100, $0x38;
	[tilespmem:$0x11A00] =	vst v63  }
0x49: {  	_ =	swait.ge [sflag:s12], $0x100  }
0x4a: {  	[sflag:s12] =	ssyncset.done $0x0  }
0x4b: {  	s31 =	sadd.s32 s21, s9;
	[sflag:s12] =	ssyncadd.s32 $0xFFFFFF00  }
0x4c: {  	[tilespmem:s13], [sflag:$0x3] =	stream.linear.gather [hbm4b:s31+s3], $0x100, $0x38;
	[tilespmem:$0x11A00] =	vst v63  }
0x4d: {  	_ =	swait.ge [sflag:s12], $0x100  }
0x4e: {  	[sflag:s12] =	ssyncset.done $0x0  }
0x4f: {  	[sflag:s12] =	ssyncadd.s32 $0xFFFFFF00  }
0x50: {  	[tilespmem:s15], [sflag:$0x1] =	stream.indirect.gather [hbm4b:s4+s14], $0x50, s3, s14, $0xb8;
	[tilespmem:$0x11A00] =	vst v63  }
0x51: {  	_ = 	snop  }
0x52: {  	[tilespmem:s16], [sflag:$0x2] =	stream.indirect.gather [hbm4b:s4+s14], $0x50, s14, s14, $0xb8;
	[tilespmem:$0x11A00] =	vst v63  }
0x53: {  	_ =	swait.ge [sflag:s17], $0x2800  }
0x54: {  	[sflag:s17] =	ssyncset.done $0x0  }
0x55: {  	[sflag:s17] =	ssyncadd.s32 $0xFFFFD800  }
0x56: {  	[spmem:s2] =	stream.indirect.scatter.add.f32 [tilespmem:s15], [sflag:$0x3], $0x50, s13, s14, $0xb8;
	[tilespmem:$0x11A00] =	vst v63  }
0x57: {  	_ =	swait.ge [sflag:s12], $0x2800  }
0x58: {  	[sflag:s12] =	ssyncset.done $0x0  }
0x59: {  	[sflag:s12] =	ssyncadd.s32 $0xFFFFD800  }
0x5a: {  	_ =	swait.ge [sflag:s18], $0x2800  }
0x5b: {  	[sflag:s18] =	ssyncset.done $0x0  }
0x5c: {  	[sflag:s18] =	ssyncadd.s32 $0xFFFFD800  }
0x5d: {  	[spmem:s2] =	stream.indirect.scatter.add.f32 [tilespmem:s16], [sflag:$0x3], $0x50, s19, s14, $0xb8;
	[tilespmem:$0x11A00] =	vst v63  }
0x5e: {  	_ =	swait.ge [sflag:s12], $0x2800  }
0x5f: {  	s20 =	sadd.s32 $0x1, s20;
	[sflag:s12] =	ssyncset.done $0x0  }
0x60: {  	p0 =	sne.s32 s20, s8;
	[sflag:s12] =	ssyncadd.s32 $0xFFFFD800  }
.Ltmp1:
0x61: {  	[bflag:$0x0] =	sbarrier.arrive $0xFFFF;
	(pc) =	sbr.rel @p0 .LBB2_1-.Ltmp1, $4  }
0x62: {  	[hbm:s7], [sflag:s6] =	dma.local [spmem:s11], $0x1900  }
0x63: {  	_ =	swait.ge [sflag:s12], $0x1900  }
0x64: {  	[sflag:s12] =	ssyncset.done $0x0  }
0x65: {  	[sflag:s12] =	ssyncadd.s32 $0xFFFFE700  }
0x66: {  	_ =	sfence.sel $0x180000  }
0x67: {  	[bflag:$0x0] =	sbarrier.arrive $0xFFFF  }
0x68: {  	p0 =	sne.s32 s0, $0x0;
	_ =	strace $0x90000056  }
0x69: {  	s0 =	sadd.s32 @!p0 $0x100000, s1;
	[bflag:$0x2] =	sbarrier.arrive $0xFFFF  }
0x6a: {  	[sflag:s0] =	ssyncadd.tile.s32 @!p0 $0x1;
	_ =	shalt  }
.Lfunc_end2:
_tile_overlayer_lowered:
.L_overlay_start_2:
0x6b: {  	(tag) =	ssettag $0x2  }
0x6c: {  	s0 =	rddreg [dreg:$0x0];
	s2 =	stileid.u32  }
0x6d: {  	s1 =	rddreg [dreg:$0x1];
	p0 =	sne.s32 s2, $0x0  }
0x6e: {  	s3 =	rddreg [dreg:$0x2];
	[bflag:$0x3] =	sbarrier.arrive $0xFFFF;
	s2 =	simm.s32 @!p0 $0x1C03  }
0x6f: {  	[timem:s3], [sflag:s2] =	dma.local @!p0 [hbm:s0], s1  }
0x70: {  	s0 =	simm.s32 @!p0 $0x3  }
0x71: {  	_ =	swait.ge @!p0 [sflag:s0], s1  }
0x72: {  	s1 =	ssub.s32 @!p0 $0x0, s1;
	[sflag:s0] =	ssyncset.done @!p0 $0x0  }
0x73: {  	[sflag:s0] =	ssyncadd.s32 @!p0 s1  }
0x74: {  	[bflag:$0x3] =	sbarrier.arrive $0xFFFF  }
0x75: {  	_ =	shalt  }

// kernel: kernel.32.cloned.1.call-start
scs
__scs_entry_jumppad:
0x0: {  	(pc) =	sbr.rel $0x88, $3  }
0x1: {  	(tag) =	ssettag $0x0;
	lr =	simm.s32 $0x1  }
0x2: {  	[smem:$0x3F82] =	sst lr;
	_ =	strace $0xD0000000  }
0x3: {  	_ = 	snop  }
0x4: {  	_ = 	snop  }
0x5: {  	_ = 	snop  }
0x6: {  	_ = 	snop  }
0x7: {  	_ = 	snop  }
__scs_overlays_trampoline_lowered:
0x8: {  	[smem:$0x3F91] =	sst s0  }
0x9: {  	[smem:$0x3F92] =	sst s1  }
0xa: {  	[smem:$0x3F93] =	sst s2  }
0xb: {  	[smem:$0x3F94] =	sst s3  }
0xc: {  	[smem:$0x3F95] =	sst s4  }
0xd: {  	[smem:$0x3F96] =	sst s5  }
0xe: {  	[smem:$0x3F97] =	sst s6  }
0xf: {  	[smem:$0x3F98] =	sst s7  }
0x10: {  	[smem:$0x3F99] =	sst s8  }
0x11: {  	[smem:$0x3F9A] =	sst s9;
	s0 =	simm.s32 @!p0 $0x0  }
0x12: {  	s1 =	sld [smem:$0x3F80];
	s0 =	simm.s32 @p0 $0x1  }
0x13: {  	[smem:$0x3F9B] =	sst s0;
	s0 =	simm.s32 @!p1 $0x0  }
0x14: {  	s2 =	sld [smem:$0x3F7F];
	s0 =	simm.s32 @p1 $0x1  }
0x15: {  	[smem:$0x3F9C] =	sst s0;
	s0 =	simm.s32 @!p2 $0x0  }
0x16: {  	s3 =	sld [smem:$0x3FDB];
	s0 =	simm.s32 @p2 $0x1  }
0x17: {  	s4 =	simm.s32 $0x1BF5;
	[smem:$0x3F9E] =	sst s0  }
0x18: {  	s0 =	sld [smem:$0x3F81];
	_ =	swait.ge [sflag:s4], $0x0  }
0x19: {  	s7 =	sld [smem:$0x3F82]  }
0x1a: {  	s8 =	sadd.s32 $0xFFFFE003, lr  }
0x1b: {  	s9 =	sadd.s32 $0xFFFFFEF7, lr;
	s5 =	simm.s32 $0xFFFFFFFF;
	p2 =	slt.u32 s8, $0xFFFFF086  }
0x1c: {  	p1 =	slt.u32 s9, $0xF7A;
	s5 =	simm.s32 @!p2 $0x0  }
0x1d: {  	s5 =	simm.s32 @p1 $0x1;
	p0 =	seq.s32 s7, s2  }
0x1e: {  	s7 =	smul.u32 @!p0 $0xF7A, s2;
	p2 =	seq.s32 @!p0 s5, $0x0  }
0x1f: {  	s9 =	smul.u32 $0xF7A, s1;
	s8 =	simm.s32 @!p0 $0x1BF5;
	p2 =	por !p2, p0  }
0x20: {  	[sflag:s8] =	ssyncset.s32 @!p0 $0xFFFFF086;
	s6 =	sadd.s32 @!p0 s3, s7;
	s7 =	simm.s32 @!p0 $0x108  }
0x21: {  	s3 =	sadd.s32 s3, s9;
	s6 =	sadd.s32 @!p0 $0x88, s6;
	s7 =	simm.s32 @p2 $0x1082  }
0x22: {  	[simem:s7], [sflag:s8] =	dma.local @!p0 [hbm:s6], $0xF7A  }
0x23: {  	s9 =	sor.u32 $0xD0000000, s2;
	s6 =	simm.s32 $0x108;
	_ =	swait.ge @!p0 [sflag:s8], $0x0  }
0x24: {  	s3 =	sadd.s32 $0x88, s3;
	s6 =	simm.s32 @!p1 $0x1082;
	[sflag:s4] =	ssyncset.s32 $0xFFFFF086  }
0x25: {  	[simem:s6], [sflag:s4] =	dma.local [hbm:s3], $0xF7A  }
0x26: {  	[smem:$0x3F82] =	sst s1;
	(tag) =	ssettag s2;
	_ =	strace s9  }
0x27: {  	s1 =	sld [smem:$0x3F92]  }
0x28: {  	s2 =	sld [smem:$0x3F93]  }
0x29: {  	s4 =	sld [smem:$0x3F95]  }
0x2a: {  	p0 =	seq.s32 s5, $0x0;
	s5 =	sld [smem:$0x3F96]  }
0x2b: {  	s6 =	sld [smem:$0x3F97]  }
0x2c: {  	s7 =	sld [smem:$0x3F98]  }
0x2d: {  	s3 =	simm.s32 $0x108;
	s8 =	sld [smem:$0x3F99]  }
0x2e: {  	s3 =	simm.s32 @!p0 $0x1082;
	s9 =	sld [smem:$0x3F9A]  }
0x2f: {  	lr =	sadd.s32 s0, s3;
	s0 =	sld [smem:$0x3F91]  }
0x30: {  	s3 =	sld [smem:$0x3F94]  }
0x31: {  	[smem:$0x3F9D] =	sst s10  }
0x32: {  	s10 =	sld [smem:$0x3F9B];
	_ =	sdelay $0x3  }
0x33: {  	p0 =	seq.s32 s10, $0x1;
	s10 =	sld [smem:$0x3F9D];
	_ =	sdelay $0x3  }
0x34: {  	[smem:$0x3F9D] =	sst s10  }
0x35: {  	s10 =	sld [smem:$0x3F9C];
	_ =	sdelay $0x3  }
0x36: {  	p1 =	seq.s32 s10, $0x1;
	s10 =	sld [smem:$0x3F9D];
	_ =	sdelay $0x3  }
0x37: {  	[smem:$0x3F9D] =	sst s10  }
0x38: {  	s10 =	sld [smem:$0x3F9E]  }
0x39: {  	_ = 	snop;
	(pc) =	sbr.ind lr, $3  }
0x3a: {  	_ = 	snop  }
0x3b: {  	_ = 	snop  }
0x3c: {  	p2 =	seq.s32 s10, $0x1;
	s10 =	sld [smem:$0x3F9D]  }
0x3d: {  	_ =	shalt  }
0x3e: {  	_ =	shalt  }
0x3f: {  	_ =	shalt  }
0x40: {  	_ =	shalt  }
0x41: {  	_ =	shalt  }
0x42: {  	_ =	shalt  }
0x43: {  	_ =	shalt  }
0x44: {  	_ =	shalt  }
0x45: {  	_ =	shalt  }
0x46: {  	_ =	shalt  }
0x47: {  	_ =	shalt  }
0x48: {  	_ =	shalt  }
0x49: {  	_ =	shalt  }
0x4a: {  	_ =	shalt  }
0x4b: {  	_ =	shalt  }
0x4c: {  	_ =	shalt  }
0x4d: {  	_ =	shalt  }
0x4e: {  	_ =	shalt  }
0x4f: {  	_ =	shalt  }
0x50: {  	_ =	shalt  }
0x51: {  	_ =	shalt  }
0x52: {  	_ =	shalt  }
0x53: {  	_ =	shalt  }
0x54: {  	_ =	shalt  }
0x55: {  	_ =	shalt  }
0x56: {  	_ =	shalt  }
0x57: {  	_ =	shalt  }
0x58: {  	_ =	shalt  }
0x59: {  	_ =	shalt  }
0x5a: {  	_ =	shalt  }
0x5b: {  	_ =	shalt  }
0x5c: {  	_ =	shalt  }
0x5d: {  	_ =	shalt  }
0x5e: {  	_ =	shalt  }
0x5f: {  	_ =	shalt  }
0x60: {  	_ =	shalt  }
0x61: {  	_ =	shalt  }
0x62: {  	_ =	shalt  }
0x63: {  	_ =	shalt  }
0x64: {  	_ =	shalt  }
0x65: {  	_ =	shalt  }
0x66: {  	_ =	shalt  }
0x67: {  	_ =	shalt  }
0x68: {  	_ =	shalt  }
0x69: {  	_ =	shalt  }
0x6a: {  	_ =	shalt  }
0x6b: {  	_ =	shalt  }
0x6c: {  	_ =	shalt  }
0x6d: {  	_ =	shalt  }
0x6e: {  	_ =	shalt  }
0x6f: {  	_ =	shalt  }
0x70: {  	_ =	shalt  }
0x71: {  	_ =	shalt  }
0x72: {  	_ =	shalt  }
0x73: {  	_ =	shalt  }
0x74: {  	_ =	shalt  }
0x75: {  	_ =	shalt  }
0x76: {  	_ =	shalt  }
0x77: {  	_ =	shalt  }
0x78: {  	_ =	shalt  }
0x79: {  	_ =	shalt  }
0x7a: {  	_ =	shalt  }
0x7b: {  	_ =	shalt  }
0x7c: {  	_ =	shalt  }
0x7d: {  	_ =	shalt  }
0x7e: {  	_ =	shalt  }
0x7f: {  	_ =	shalt  }
0x80: {  	_ =	shalt  }
0x81: {  	_ =	shalt  }
0x82: {  	_ =	shalt  }
0x83: {  	_ =	shalt  }
0x84: {  	_ =	shalt  }
0x85: {  	_ =	shalt  }
0x86: {  	_ =	shalt  }
0x87: {  	_ =	shalt  }
.Lfunc_end0:
.L_simem_size_0:
called_computation.3_lowered:
.L_overlay_start_0:
0x88: {  	s2 =	sld [smem:$0x3FD9]  }
0x89: {  	s3 =	sld [smem:$0x3FFE];
	_ =	sdelay $0x1  }
0x8a: {  	s1 =	srdreg.scid  }
0x8b: {  	s0 =	sand.u32 $0x1, s1  }
0x8c: {  	s17 =	sshll.u32 s0, $0xA;
	s2 =	sadd.s32 s3, s2  }
0x8d: {  	s2 =	sadd.s32 s2, s17  }
0x8e: {  	[smem:$0x3FA9] =	sst s2  }
0x8f: {  	_ = 	snop  }
0x90: {  	(tm) =	ssettm $0x1  }
0x91: {  	s18 =	sld [smem:$0x3FFB];
	_ =	sdelay $0x3  }
0x92: {  	_ =	strace s18  }
0x93: {  	s2 =	sld [smem:$0x3FFC];
	_ =	sdelay $0x3  }
0x94: {  	_ =	strace s2  }
0x95: {  	s2 =	sld [smem:$0x3FFD];
	_ =	sdelay $0x3  }
0x96: {  	_ =	strace s2  }
0x97: {  	_ =	strace $0x8FFFFFFF  }
0x98: {  	s19 =	sld [smem:$0x3FDB];
	_ =	sdelay $0x1  }
0x99: {  	s20 =	simm.s32 $_scs_section_size  }
0x9a: {  	s4 =	simm.s32 $_size__tile_overlayer_lowered;
	s5 =	simm.s32 $_tile_overlayer_lowered  }
0x9b: {  	s6 =	simm.s32 $0x1BFF;
	s21 =	sshll.u32 s5, $0x1;
	s3 =	sadd.s32 s20, s19  }
0x9c: {  	s22 =	simm.s32 $0x0;
	s4 =	sshll.u32 s4, $0x1;
	s5 =	sadd.s32 s21, s3  }
0x9d: {  	[timem:s22], [sflag:s6] =	dma.local [hbm:s5], s4  }
0x9e: {  	_ =	swait.ge [sflag:s6], s4  }
0x9f: {  	s4 =	ssub.s32 $0x0, s4;
	[sflag:s6] =	ssyncset.done $0x0  }
0xa0: {  	[sflag:s6] =	ssyncadd.s32 s4;
	_ =	sdelay $0x1  }
0xa1: {  	s23 =	simm.s32 $0x1B8B  }
0xa2: {  	_ =	swait.ge [sflag:s23], $0x1  }
0xa3: {  	[sflag:s23] =	ssyncset.done $0x0  }
0xa4: {  	[sflag:s23] =	ssyncadd.s32 $0xFFFFFFFF  }
0xa5: {  	s4 =	sld [smem:$0x0]  }
0xa6: {  	s5 =	sand.u32 $0xFFFFFFFE, s1  }
0xa7: {  	p0 =	sne.s32 s1, s5  }
0xa8: {  	s5 =	sshll.u32 @p0 s5, $0xE  }
0xa9: {  	s5 =	sadd.s32 @p0 $0x11B8D, s5;
	s6 =	sshll.u32 @p0 s4, $0x11  }
0xaa: {  	s5 =	sor.u32 @p0 s6, s5  }
0xab: {  	[sflag:s5] =	ssyncadd.remote.s32 @p0 $0x1;
	_ =	sdelay $0x1  }
0xac: {  	s5 =	simm.s32 @p0 $0x1B8D  }
0xad: {  	_ =	swait.eq @p0 [sflag:s5], $0x1  }
0xae: {  	[sflag:s5] =	ssyncadd.s32 @p0 $0xFFFFFFFF  }
0xaf: {  	s6 =	sshll.u32 @!p0 s1, $0xE  }
0xb0: {  	s6 =	sor.u32 @!p0 $0x4000, s6;
	s5 =	simm.s32 @!p0 $0x1B8D  }
0xb1: {  	s4 =	sshll.u32 @!p0 s4, $0x11;
	s6 =	sadd.s32 @!p0 $0x11B8D, s6;
	_ =	swait.eq @!p0 [sflag:s5], $0x1  }
0xb2: {  	s4 =	sor.u32 @!p0 s4, s6;
	[sflag:s5] =	ssyncadd.s32 @!p0 $0xFFFFFFFF  }
0xb3: {  	s25 =	simm.s32 $0x1B8E;
	s24 =	sld [smem:$0x3FFE];
	[sflag:s4] =	ssyncadd.remote.s32 @!p0 $0x1  }
0xb4: {  	s26 =	simm.s32 $execute0_lowered;
	[smem:$0x3FD2] =	sst s25  }
0xb5: {  	s5 =	sshll.u32 s26, $0x1;
	_ =	strace $0x8000005B;
	[dreg:$0x1] =	wrdreg $0xFFFFFFFF  }
0xb6: {  	s28 =	simm.s32 $_size_execute0_lowered;
	s3 =	sadd.s32 s3, s5;
	[dreg:$0x0] =	wrdreg $0x0  }
0xb7: {  	s5 =	sshll.u32 s28, $0x1;
	[dreg:$0x2] =	wrdreg s3  }
0xb8: {  	[dreg:$0x3] =	wrdreg s5  }
0xb9: {  	[dreg:$0x4] =	wrdreg $0xC0  }
0xba: {  	_ =	task [dreg:s22], $0x5FFFF  }
0xbb: {  	[dreg:$0x1] =	wrdreg $0xFFFFFFFF  }
0xbc: {  	[dreg:$0x0] =	wrdreg $0x60  }
0xbd: {  	[dreg:$0x2] =	wrdreg s24  }
0xbe: {  	[dreg:$0x3] =	wrdreg $0x51000  }
0xbf: {  	[dreg:$0x4] =	wrdreg $0x9  }
0xc0: {  	_ =	task.clear_ibuf [dreg:s22], $0x5FFFF;
	_ =	strace $0x9000005B  }
0xc1: {  	s29 =	simm.s32 $0x9;
	_ =	strace $0x8000005D  }
0xc2: {  	_ =	swait.ge [sflag:s29], $0x1  }
0xc3: {  	[sflag:s29] =	ssyncadd.s32 $0xFFFFFFFF  }
0xc4: {  	_ =	strace $0x9000005D  }
0xc5: {  	_ =	sfence  }
0xc6: {  	s30 =	sld [smem:$0x0];
	_ =	sdelay $0x2  }
0xc7: {  	s31 =	sshll.u32 s1, $0xD;
	s1 =	sshrl.u32 s1, $0x2  }
0xc8: {  	s4 =	sand.u32 $0x4000, s31;
	s1 =	sadd.s32 s1, s30  }
0xc9: {  	s0 =	sor.u32 s4, s0;
	s1 =	sshll.u32 s1, $0x11  }
0xca: {  	s0 =	sor.u32 s1, s0  }
0xcb: {  	s0 =	sadd.s32 $0x8F2B, s0  }
0xcc: {  	[sflag:s0] =	ssyncadd.remote.s32 $0x1  }
0xcd: {  	_ =	sfence.sel $0xFFFF  }
0xce: {  	[dreg:$0x0] =	wrdreg $0xFFFFFFFF;
	(pc) =	sbr.abs _section_cstart, $3  }
0xcf: {  	[dreg:$0x1] =	wrdreg $0xFFFFFFFF  }
0xd0: {  	_ =	task.clear_ibuf [dreg:s22], $0x2FFFF;
	_ =	strace $0x9FFFFFFF  }
0xd1: {  	(tm) =	ssettm $0x7FFFFFFF  }
tec
execute0_lowered:
.L_overlay_start_1:
0x0: {  	(tag) =	ssettag $0x1  }
0x1: {  	s5 =	rddreg [dreg:$0x0]  }
0x2: {  	s2 =	rddreg [dreg:$0x1]  }
0x3: {  	s0 =	rddreg [dreg:$0x2]  }
0x4: {  	s1 =	stileid.u32;
	s6 =	srdreg.scid  }
0x5: {  	s3 =	simm.s32 $0x0;
	s14 =	simm.s32 $0x100;
	s4 =	smul.u32 $0x500, s1  }
0x6: {  	s15 =	simm.s32 $0x1;
	s16 =	simm.s32 $0x0;
	s7 =	smul.u32 $0x19000, s1  }
0x7: {  	s6 =	sand.u32 $0x1, s6;
	[smem:$0x7FF] =	sst s3;
	s30 =	sshll.u32 s1, $0x6  }
0x8: {  	s8 =	smul.u32 $0x190000, s6;
	_ =	strace $0x8000005C;
	s11 =	ssub.s32 $0x2, s6  }
0x9: {  	s29 =	smul.u32 $0x280, s6;
	s6 =	sor.u32 $0x1C02, s30;
	s9 =	sadd.s32 s4, s5  }
0xa: {  	s4 =	sadd.s32 $0x14D200, s5;
	s10 =	sshrl.u32 s7, $0x3;
	s12 =	sshrl.u32 s11, $0x1  }
0xb: {  	s13 =	sadd.s32 s7, s2;
	s8 =	sadd.s32 s7, s8;
	s10 =	sadd.s32 s10, s5  }
0xc: {  	s11 =	ssub.s32 s11, s12;
	s31 =	sadd.s32 s29, s9;
	s8 =	sshrl.u32 s8, $0x3  }
0xd: {  	s12 =	simm.s32 $0x2;
	s9 =	sadd.s32 $0x17200, s31;
	s8 =	sadd.s32 s8, s5  }
0xe: {  	s5 =	sadd.s32 $0x11B200, s10;
	s10 =	sadd.s32 $0x12200, s31;
	s7 =	sadd.s32 $0xB2200, s8  }
0xf: {  	s8 =	smax.u32 s11, $0x1;
	s11 =	sshrl.u32 s13, $0x3;
	s13 =	simm.s32 $0x80  }
.LBB2_1:
0x10: {  	[spmem:s11], [sflag:s6] =	dma.local [hbm:s5], $0x3200  }
0x11: {  	_ =	swait.ge [sflag:s12], $0x3200  }
0x12: {  	[sflag:s12] =	ssyncset.done $0x0  }
0x13: {  	[sflag:s12] =	ssyncadd.s32 $0xFFFFCE00  }
0x14: {  	s17 =	sadd.s32 $0x0, s10;
	[bflag:$0x0] =	sbarrier.arrive $0xFFFF  }
0x15: {  	[tilespmem:s3], [sflag:$0x2] =	stream.linear.gather [hbm4b:s17+s3], $0x80, $0x38;
	[tilespmem:$0x1E100] =	vst v63  }
0x16: {  	_ =	swait.ge [sflag:s12], $0x80  }
0x17: {  	[sflag:s12] =	ssyncset.done $0x0  }
0x18: {  	s31 =	sadd.s32 $0x0, s9;
	[sflag:s12] =	ssyncadd.s32 $0xFFFFFF80  }
0x19: {  	[tilespmem:s13], [sflag:$0x2] =	stream.linear.gather [hbm4b:s31+s3], $0x80, $0x38;
	[tilespmem:$0x1E100] =	vst v63  }
0x1a: {  	_ =	swait.ge [sflag:s12], $0x80  }
0x1b: {  	[sflag:s12] =	ssyncset.done $0x0  }
0x1c: {  	[sflag:s12] =	ssyncadd.s32 $0xFFFFFF80  }
0x1d: {  	[tilespmem:s14], [sflag:$0x1] =	stream.indirect.gather [hbm4b:s4+s13], $0xA0, s3, s13, $0xb8;
	[tilespmem:$0x1E100] =	vst v63  }
0x1e: {  	_ =	swait.ge [sflag:s15], $0x5000  }
0x1f: {  	[sflag:s15] =	ssyncset.done $0x0  }
0x20: {  	[sflag:s15] =	ssyncadd.s32 $0xFFFFB000  }
0x21: {  	[spmem:s2] =	stream.indirect.scatter.add.f32 [tilespmem:s14], [sflag:$0x2], $0xA0, s13, s13, $0xb8;
	[tilespmem:$0x1E100] =	vst v63  }
0x22: {  	_ =	swait.ge [sflag:s12], $0x5000  }
0x23: {  	s18 =	simm.s32 $0x20;
	s17 =	simm.s32 $0x10;
	[sflag:s12] =	ssyncset.done $0x0  }
.LBB2_2:
0x24: {  	s19 =	sadd.s32 s17, s10  }
0x25: {  	[sflag:s12] =	ssyncadd.s32 $0xFFFFB000;
	s20 =	smov.u32 s18;
	s21 =	sadd.s32 $0x10, s18  }
0x26: {  	[tilespmem:s3], [sflag:$0x2] =	stream.linear.gather [hbm4b:s19+s3], $0x80, $0x38;
	[tilespmem:$0x1E100] =	vst v63  }
0x27: {  	p0 =	sne.s32 s18, $0x270;
	_ =	swait.ge [sflag:s12], $0x80  }
0x28: {  	[sflag:s12] =	ssyncset.done $0x0  }
0x29: {  	s18 =	sadd.s32 s17, s9;
	s17 =	smov.u32 s20;
	[sflag:s12] =	ssyncadd.s32 $0xFFFFFF80  }
0x2a: {  	[tilespmem:s13], [sflag:$0x2] =	stream.linear.gather [hbm4b:s18+s3], $0x80, $0x38;
	[tilespmem:$0x1E100] =	vst v63  }
0x2b: {  	_ =	swait.ge [sflag:s12], $0x80  }
0x2c: {  	[sflag:s12] =	ssyncset.done $0x0  }
0x2d: {  	[sflag:s12] =	ssyncadd.s32 $0xFFFFFF80  }
0x2e: {  	[tilespmem:s14], [sflag:$0x1] =	stream.indirect.gather [hbm4b:s4+s13], $0xA0, s3, s13, $0xb8;
	[tilespmem:$0x1E100] =	vst v63  }
0x2f: {  	_ =	swait.ge [sflag:s15], $0x5000  }
.Ltmp0:
0x30: {  	[sflag:s15] =	ssyncset.done $0x0;
	(pc) =	sbr.rel @p0 .LBB2_2-.Ltmp0, $4  }
0x31: {  	[sflag:s15] =	ssyncadd.s32 $0xFFFFB000  }
0x32: {  	[spmem:s2] =	stream.indirect.scatter.add.f32 [tilespmem:s14], [sflag:$0x2], $0xA0, s13, s13, $0xb8;
	[tilespmem:$0x1E100] =	vst v63  }
0x33: {  	_ =	swait.ge [sflag:s12], $0x5000  }
0x34: {  	s18 =	smov.u32 s21;
	[sflag:s12] =	ssyncset.done $0x0  }
0x35: {  	s18 =	sadd.s32 s17, s10;
	[sflag:s12] =	ssyncadd.s32 $0xFFFFB000  }
0x36: {  	[tilespmem:s3], [sflag:$0x2] =	stream.linear.gather [hbm4b:s18+s3], $0x80, $0x38;
	[tilespmem:$0x1E100] =	vst v63  }
0x37: {  	_ =	swait.ge [sflag:s12], $0x80  }
0x38: {  	[sflag:s12] =	ssyncset.done $0x0  }
0x39: {  	s31 =	sadd.s32 s17, s9;
	[sflag:s12] =	ssyncadd.s32 $0xFFFFFF80  }
0x3a: {  	[tilespmem:s13], [sflag:$0x2] =	stream.linear.gather [hbm4b:s31+s3], $0x80, $0x38;
	[tilespmem:$0x1E100] =	vst v63  }
0x3b: {  	_ =	swait.ge [sflag:s12], $0x80  }
0x3c: {  	[sflag:s12] =	ssyncset.done $0x0  }
0x3d: {  	[sflag:s12] =	ssyncadd.s32 $0xFFFFFF80  }
0x3e: {  	[tilespmem:s14], [sflag:$0x1] =	stream.indirect.gather [hbm4b:s4+s13], $0xA0, s3, s13, $0xb8;
	[tilespmem:$0x1E100] =	vst v63  }
0x3f: {  	_ =	swait.ge [sflag:s15], $0x5000  }
0x40: {  	[sflag:s15] =	ssyncset.done $0x0  }
0x41: {  	[sflag:s15] =	ssyncadd.s32 $0xFFFFB000  }
0x42: {  	[spmem:s2] =	stream.indirect.scatter.add.f32 [tilespmem:s14], [sflag:$0x2], $0xA0, s13, s13, $0xb8;
	[tilespmem:$0x1E100] =	vst v63  }
0x43: {  	_ =	swait.ge [sflag:s12], $0x5000  }
0x44: {  	s16 =	sadd.s32 $0x1, s16;
	[sflag:s12] =	ssyncset.done $0x0  }
0x45: {  	p0 =	sne.s32 s16, s8;
	[sflag:s12] =	ssyncadd.s32 $0xFFFFB000  }
.Ltmp1:
0x46: {  	[bflag:$0x0] =	sbarrier.arrive $0xFFFF;
	(pc) =	sbr.rel @p0 .LBB2_1-.Ltmp1, $4  }
0x47: {  	[hbm:s7], [sflag:s6] =	dma.local [spmem:s11], $0x3200  }
0x48: {  	_ =	swait.ge [sflag:s12], $0x3200  }
0x49: {  	[sflag:s12] =	ssyncset.done $0x0  }
0x4a: {  	[sflag:s12] =	ssyncadd.s32 $0xFFFFCE00  }
0x4b: {  	_ =	sfence.sel $0x180000  }
0x4c: {  	[bflag:$0x0] =	sbarrier.arrive $0xFFFF  }
0x4d: {  	p0 =	sne.s32 s1, $0x0;
	_ =	strace $0x9000005C  }
0x4e: {  	s0 =	sadd.s32 @!p0 $0x100000, s0;
	[bflag:$0x2] =	sbarrier.arrive $0xFFFF  }
0x4f: {  	[sflag:s0] =	ssyncadd.tile.s32 @!p0 $0x1;
	_ =	shalt  }
.Lfunc_end2:
_tile_overlayer_lowered:
.L_overlay_start_2:
0x50: {  	(tag) =	ssettag $0x2  }
0x51: {  	s0 =	rddreg [dreg:$0x0];
	s2 =	stileid.u32  }
0x52: {  	s1 =	rddreg [dreg:$0x1];
	p0 =	sne.s32 s2, $0x0  }
0x53: {  	s3 =	rddreg [dreg:$0x2];
	[bflag:$0x3] =	sbarrier.arrive $0xFFFF;
	s2 =	simm.s32 @!p0 $0x1C02  }
0x54: {  	[timem:s3], [sflag:s2] =	dma.local @!p0 [hbm:s0], s1  }
0x55: {  	s0 =	simm.s32 @!p0 $0x2  }
0x56: {  	_ =	swait.ge @!p0 [sflag:s0], s1  }
0x57: {  	s1 =	ssub.s32 @!p0 $0x0, s1;
	[sflag:s0] =	ssyncset.done @!p0 $0x0  }
0x58: {  	[sflag:s0] =	ssyncadd.s32 @!p0 s1  }
0x59: {  	[bflag:$0x3] =	sbarrier.arrive $0xFFFF  }
0x5a: {  	_ =	shalt  }

// kernel: kernel.35.cloned.1.call-start
scs
__scs_entry_jumppad:
0x0: {  	(pc) =	sbr.rel $0x88, $3  }
0x1: {  	(tag) =	ssettag $0x0;
	lr =	simm.s32 $0x1  }
0x2: {  	[smem:$0x3F82] =	sst lr;
	_ =	strace $0xD0000000  }
0x3: {  	_ = 	snop  }
0x4: {  	_ = 	snop  }
0x5: {  	_ = 	snop  }
0x6: {  	_ = 	snop  }
0x7: {  	_ = 	snop  }
__scs_overlays_trampoline_lowered:
0x8: {  	[smem:$0x3F91] =	sst s0  }
0x9: {  	[smem:$0x3F92] =	sst s1  }
0xa: {  	[smem:$0x3F93] =	sst s2  }
0xb: {  	[smem:$0x3F94] =	sst s3  }
0xc: {  	[smem:$0x3F95] =	sst s4  }
0xd: {  	[smem:$0x3F96] =	sst s5  }
0xe: {  	[smem:$0x3F97] =	sst s6  }
0xf: {  	[smem:$0x3F98] =	sst s7  }
0x10: {  	[smem:$0x3F99] =	sst s8  }
0x11: {  	[smem:$0x3F9A] =	sst s9;
	s0 =	simm.s32 @!p0 $0x0  }
0x12: {  	s1 =	sld [smem:$0x3F80];
	s0 =	simm.s32 @p0 $0x1  }
0x13: {  	[smem:$0x3F9B] =	sst s0;
	s0 =	simm.s32 @!p1 $0x0  }
0x14: {  	s2 =	sld [smem:$0x3F7F];
	s0 =	simm.s32 @p1 $0x1  }
0x15: {  	[smem:$0x3F9C] =	sst s0;
	s0 =	simm.s32 @!p2 $0x0  }
0x16: {  	s3 =	sld [smem:$0x3FDB];
	s0 =	simm.s32 @p2 $0x1  }
0x17: {  	s4 =	simm.s32 $0x1BF5;
	[smem:$0x3F9E] =	sst s0  }
0x18: {  	s0 =	sld [smem:$0x3F81];
	_ =	swait.ge [sflag:s4], $0x0  }
0x19: {  	s7 =	sld [smem:$0x3F82]  }
0x1a: {  	s8 =	sadd.s32 $0xFFFFE003, lr  }
0x1b: {  	s9 =	sadd.s32 $0xFFFFFEF7, lr;
	s5 =	simm.s32 $0xFFFFFFFF;
	p2 =	slt.u32 s8, $0xFFFFF086  }
0x1c: {  	p1 =	slt.u32 s9, $0xF7A;
	s5 =	simm.s32 @!p2 $0x0  }
0x1d: {  	s5 =	simm.s32 @p1 $0x1;
	p0 =	seq.s32 s7, s2  }
0x1e: {  	s7 =	smul.u32 @!p0 $0xF7A, s2;
	p2 =	seq.s32 @!p0 s5, $0x0  }
0x1f: {  	s9 =	smul.u32 $0xF7A, s1;
	s8 =	simm.s32 @!p0 $0x1BF5;
	p2 =	por !p2, p0  }
0x20: {  	[sflag:s8] =	ssyncset.s32 @!p0 $0xFFFFF086;
	s6 =	sadd.s32 @!p0 s3, s7;
	s7 =	simm.s32 @!p0 $0x108  }
0x21: {  	s3 =	sadd.s32 s3, s9;
	s6 =	sadd.s32 @!p0 $0x88, s6;
	s7 =	simm.s32 @p2 $0x1082  }
0x22: {  	[simem:s7], [sflag:s8] =	dma.local @!p0 [hbm:s6], $0xF7A  }
0x23: {  	s9 =	sor.u32 $0xD0000000, s2;
	s6 =	simm.s32 $0x108;
	_ =	swait.ge @!p0 [sflag:s8], $0x0  }
0x24: {  	s3 =	sadd.s32 $0x88, s3;
	s6 =	simm.s32 @!p1 $0x1082;
	[sflag:s4] =	ssyncset.s32 $0xFFFFF086  }
0x25: {  	[simem:s6], [sflag:s4] =	dma.local [hbm:s3], $0xF7A  }
0x26: {  	[smem:$0x3F82] =	sst s1;
	(tag) =	ssettag s2;
	_ =	strace s9  }
0x27: {  	s1 =	sld [smem:$0x3F92]  }
0x28: {  	s2 =	sld [smem:$0x3F93]  }
0x29: {  	s4 =	sld [smem:$0x3F95]  }
0x2a: {  	p0 =	seq.s32 s5, $0x0;
	s5 =	sld [smem:$0x3F96]  }
0x2b: {  	s6 =	sld [smem:$0x3F97]  }
0x2c: {  	s7 =	sld [smem:$0x3F98]  }
0x2d: {  	s3 =	simm.s32 $0x108;
	s8 =	sld [smem:$0x3F99]  }
0x2e: {  	s3 =	simm.s32 @!p0 $0x1082;
	s9 =	sld [smem:$0x3F9A]  }
0x2f: {  	lr =	sadd.s32 s0, s3;
	s0 =	sld [smem:$0x3F91]  }
0x30: {  	s3 =	sld [smem:$0x3F94]  }
0x31: {  	[smem:$0x3F9D] =	sst s10  }
0x32: {  	s10 =	sld [smem:$0x3F9B];
	_ =	sdelay $0x3  }
0x33: {  	p0 =	seq.s32 s10, $0x1;
	s10 =	sld [smem:$0x3F9D];
	_ =	sdelay $0x3  }
0x34: {  	[smem:$0x3F9D] =	sst s10  }
0x35: {  	s10 =	sld [smem:$0x3F9C];
	_ =	sdelay $0x3  }
0x36: {  	p1 =	seq.s32 s10, $0x1;
	s10 =	sld [smem:$0x3F9D];
	_ =	sdelay $0x3  }
0x37: {  	[smem:$0x3F9D] =	sst s10  }
0x38: {  	s10 =	sld [smem:$0x3F9E]  }
0x39: {  	_ = 	snop;
	(pc) =	sbr.ind lr, $3  }
0x3a: {  	_ = 	snop  }
0x3b: {  	_ = 	snop  }
0x3c: {  	p2 =	seq.s32 s10, $0x1;
	s10 =	sld [smem:$0x3F9D]  }
0x3d: {  	_ =	shalt  }
0x3e: {  	_ =	shalt  }
0x3f: {  	_ =	shalt  }
0x40: {  	_ =	shalt  }
0x41: {  	_ =	shalt  }
0x42: {  	_ =	shalt  }
0x43: {  	_ =	shalt  }
0x44: {  	_ =	shalt  }
0x45: {  	_ =	shalt  }
0x46: {  	_ =	shalt  }
0x47: {  	_ =	shalt  }
0x48: {  	_ =	shalt  }
0x49: {  	_ =	shalt  }
0x4a: {  	_ =	shalt  }
0x4b: {  	_ =	shalt  }
0x4c: {  	_ =	shalt  }
0x4d: {  	_ =	shalt  }
0x4e: {  	_ =	shalt  }
0x4f: {  	_ =	shalt  }
0x50: {  	_ =	shalt  }
0x51: {  	_ =	shalt  }
0x52: {  	_ =	shalt  }
0x53: {  	_ =	shalt  }
0x54: {  	_ =	shalt  }
0x55: {  	_ =	shalt  }
0x56: {  	_ =	shalt  }
0x57: {  	_ =	shalt  }
0x58: {  	_ =	shalt  }
0x59: {  	_ =	shalt  }
0x5a: {  	_ =	shalt  }
0x5b: {  	_ =	shalt  }
0x5c: {  	_ =	shalt  }
0x5d: {  	_ =	shalt  }
0x5e: {  	_ =	shalt  }
0x5f: {  	_ =	shalt  }
0x60: {  	_ =	shalt  }
0x61: {  	_ =	shalt  }
0x62: {  	_ =	shalt  }
0x63: {  	_ =	shalt  }
0x64: {  	_ =	shalt  }
0x65: {  	_ =	shalt  }
0x66: {  	_ =	shalt  }
0x67: {  	_ =	shalt  }
0x68: {  	_ =	shalt  }
0x69: {  	_ =	shalt  }
0x6a: {  	_ =	shalt  }
0x6b: {  	_ =	shalt  }
0x6c: {  	_ =	shalt  }
0x6d: {  	_ =	shalt  }
0x6e: {  	_ =	shalt  }
0x6f: {  	_ =	shalt  }
0x70: {  	_ =	shalt  }
0x71: {  	_ =	shalt  }
0x72: {  	_ =	shalt  }
0x73: {  	_ =	shalt  }
0x74: {  	_ =	shalt  }
0x75: {  	_ =	shalt  }
0x76: {  	_ =	shalt  }
0x77: {  	_ =	shalt  }
0x78: {  	_ =	shalt  }
0x79: {  	_ =	shalt  }
0x7a: {  	_ =	shalt  }
0x7b: {  	_ =	shalt  }
0x7c: {  	_ =	shalt  }
0x7d: {  	_ =	shalt  }
0x7e: {  	_ =	shalt  }
0x7f: {  	_ =	shalt  }
0x80: {  	_ =	shalt  }
0x81: {  	_ =	shalt  }
0x82: {  	_ =	shalt  }
0x83: {  	_ =	shalt  }
0x84: {  	_ =	shalt  }
0x85: {  	_ =	shalt  }
0x86: {  	_ =	shalt  }
0x87: {  	_ =	shalt  }
.Lfunc_end0:
.L_simem_size_0:
called_computation.4_lowered:
.L_overlay_start_0:
0x88: {  	s2 =	sld [smem:$0x3FD9]  }
0x89: {  	s3 =	sld [smem:$0x3FFE];
	_ =	sdelay $0x1  }
0x8a: {  	s1 =	srdreg.scid  }
0x8b: {  	s0 =	sand.u32 $0x1, s1  }
0x8c: {  	s17 =	sshll.u32 s0, $0xA;
	s2 =	sadd.s32 s3, s2  }
0x8d: {  	s2 =	sadd.s32 s2, s17  }
0x8e: {  	[smem:$0x3FA9] =	sst s2  }
0x8f: {  	_ = 	snop  }
0x90: {  	s18 =	sld [smem:$0x3FD0];
	(tm) =	ssettm $0x1  }
0x91: {  	s19 =	sld [smem:$0x3FFB];
	_ =	sdelay $0x3  }
0x92: {  	_ =	strace s19  }
0x93: {  	s2 =	sld [smem:$0x3FFC];
	_ =	sdelay $0x3  }
0x94: {  	_ =	strace s2  }
0x95: {  	s2 =	sld [smem:$0x3FFD];
	_ =	sdelay $0x3  }
0x96: {  	_ =	strace s2  }
0x97: {  	_ =	strace $0x8FFFFFFF  }
0x98: {  	s20 =	sld [smem:$0x3FDB];
	_ =	sdelay $0x1  }
0x99: {  	s4 =	simm.s32 $_scs_section_size  }
0x9a: {  	s5 =	simm.s32 $_size__tile_overlayer_lowered;
	s6 =	simm.s32 $_tile_overlayer_lowered  }
0x9b: {  	s7 =	simm.s32 $0x1BFF;
	s21 =	sshll.u32 s6, $0x1;
	s4 =	sadd.s32 s4, s20  }
0x9c: {  	s22 =	simm.s32 $0x0;
	s5 =	sshll.u32 s5, $0x1;
	s6 =	sadd.s32 s21, s4  }
0x9d: {  	[timem:s22], [sflag:s7] =	dma.local [hbm:s6], s5  }
0x9e: {  	_ =	swait.ge [sflag:s7], s5  }
0x9f: {  	s5 =	ssub.s32 $0x0, s5;
	[sflag:s7] =	ssyncset.done $0x0  }
0xa0: {  	[sflag:s7] =	ssyncadd.s32 s5;
	_ =	sdelay $0x1  }
0xa1: {  	s23 =	simm.s32 $0x1B8B  }
0xa2: {  	_ =	swait.ge [sflag:s23], $0x1  }
0xa3: {  	[sflag:s23] =	ssyncset.done $0x0  }
0xa4: {  	[sflag:s23] =	ssyncadd.s32 $0xFFFFFFFF  }
0xa5: {  	s5 =	sld [smem:$0x0]  }
0xa6: {  	s6 =	sand.u32 $0xFFFFFFFE, s1  }
0xa7: {  	p0 =	sne.s32 s1, s6  }
0xa8: {  	s6 =	sshll.u32 @p0 s6, $0xE  }
0xa9: {  	s6 =	sadd.s32 @p0 $0x11B8D, s6;
	s7 =	sshll.u32 @p0 s5, $0x11  }
0xaa: {  	s6 =	sor.u32 @p0 s7, s6  }
0xab: {  	[sflag:s6] =	ssyncadd.remote.s32 @p0 $0x1;
	_ =	sdelay $0x1  }
0xac: {  	s6 =	simm.s32 @p0 $0x1B8D  }
0xad: {  	_ =	swait.eq @p0 [sflag:s6], $0x1  }
0xae: {  	[sflag:s6] =	ssyncadd.s32 @p0 $0xFFFFFFFF  }
0xaf: {  	s7 =	sshll.u32 @!p0 s1, $0xE  }
0xb0: {  	s7 =	sor.u32 @!p0 $0x4000, s7;
	s6 =	simm.s32 @!p0 $0x1B8D  }
0xb1: {  	s5 =	sshll.u32 @!p0 s5, $0x11;
	s7 =	sadd.s32 @!p0 $0x11B8D, s7;
	_ =	swait.eq @!p0 [sflag:s6], $0x1  }
0xb2: {  	s5 =	sor.u32 @!p0 s5, s7;
	[sflag:s6] =	ssyncadd.s32 @!p0 $0xFFFFFFFF  }
0xb3: {  	s25 =	simm.s32 $0x1B8E;
	s24 =	sld [smem:$0x3FFE];
	[sflag:s5] =	ssyncadd.remote.s32 @!p0 $0x1  }
0xb4: {  	s26 =	simm.s32 $execute0_lowered;
	[smem:$0x3FD2] =	sst s25  }
0xb5: {  	s6 =	sshll.u32 s26, $0x1;
	_ =	strace $0x80000061;
	[dreg:$0x1] =	wrdreg $0xFFFFFFFF  }
0xb6: {  	s28 =	simm.s32 $_size_execute0_lowered;
	s4 =	sadd.s32 s4, s6;
	[dreg:$0x0] =	wrdreg $0x0  }
0xb7: {  	s6 =	sshll.u32 s28, $0x1;
	[dreg:$0x2] =	wrdreg s4  }
0xb8: {  	[dreg:$0x3] =	wrdreg s6  }
0xb9: {  	[dreg:$0x4] =	wrdreg $0xC0  }
0xba: {  	_ =	task [dreg:s22], $0x5FFFF  }
0xbb: {  	[dreg:$0x1] =	wrdreg $0xFFFFFFFF  }
0xbc: {  	[dreg:$0x0] =	wrdreg $0x60  }
0xbd: {  	[dreg:$0x2] =	wrdreg s24  }
0xbe: {  	[dreg:$0x3] =	wrdreg s18  }
0xbf: {  	[dreg:$0x4] =	wrdreg $0x9  }
0xc0: {  	_ =	task.clear_ibuf [dreg:s22], $0x5FFFF;
	_ =	strace $0x90000061  }
0xc1: {  	s29 =	simm.s32 $0x9;
	_ =	strace $0x80000063  }
0xc2: {  	_ =	swait.ge [sflag:s29], $0x1  }
0xc3: {  	[sflag:s29] =	ssyncadd.s32 $0xFFFFFFFF  }
0xc4: {  	_ =	strace $0x90000063  }
0xc5: {  	_ =	sfence  }
0xc6: {  	s30 =	sld [smem:$0x0];
	_ =	sdelay $0x2  }
0xc7: {  	s31 =	sshll.u32 s1, $0xD;
	s1 =	sshrl.u32 s1, $0x2  }
0xc8: {  	s4 =	sand.u32 $0x4000, s31;
	s1 =	sadd.s32 s1, s30  }
0xc9: {  	s0 =	sor.u32 s4, s0;
	s1 =	sshll.u32 s1, $0x11  }
0xca: {  	s0 =	sor.u32 s1, s0  }
0xcb: {  	s0 =	sadd.s32 $0x8F2B, s0  }
0xcc: {  	[sflag:s0] =	ssyncadd.remote.s32 $0x1  }
0xcd: {  	_ =	sfence.sel $0xFFFF  }
0xce: {  	[dreg:$0x0] =	wrdreg $0xFFFFFFFF;
	(pc) =	sbr.abs _section_cstart, $3  }
0xcf: {  	[dreg:$0x1] =	wrdreg $0xFFFFFFFF  }
0xd0: {  	_ =	task.clear_ibuf [dreg:s22], $0x2FFFF;
	_ =	strace $0x9FFFFFFF  }
0xd1: {  	(tm) =	ssettm $0x7FFFFFFF  }
tec
execute0_lowered:
.L_overlay_start_1:
0x0: {  	(tag) =	ssettag $0x1  }
0x1: {  	s1 =	srdreg.scid  }
0x2: {  	s8 =	rddreg [dreg:$0x0];
	s0 =	stileid.u32  }
0x3: {  	s3 =	rddreg [dreg:$0x1];
	s2 =	simm.s32 $0x0;
	s6 =	sand.u32 $0x1, s1  }
0x4: {  	s4 =	sshll.u32 s0, $0x5;
	[smem:$0x7FF] =	sst s2;
	s5 =	sshll.u32 s6, $0x4  }
0x5: {  	s1 =	rddreg [dreg:$0x2];
	_ =	strace $0x80000062;
	s7 =	sor.u32 s5, s4  }
0x6: {  	s10 =	ssub.s32 $0x2, s6;
	s6 =	simm.s32 $0x10;
	s4 =	sshrl.u32 s7, $0x3  }
0x7: {  	s5 =	sadd.s32 $0xFC00, s8;
	s4 =	sadd.s32 s3, s4;
	s3 =	simm.s32 $0x2  }
0x8: {  	[tilespmem:s2], [sflag:$0x2] =	stream.linear.gather [hbm4b:s4+s2], $0x10, $0x38;
	[tilespmem:$0x1410] =	vst v63  }
0x9: {  	s11 =	sshrl.u32 s10, $0x1;
	s9 =	smul.u32 $0x28, s7;
	_ =	swait.ge [sflag:s3], $0x10  }
0xa: {  	s7 =	simm.s32 $0x1;
	s31 =	ssub.s32 s10, s11;
	[sflag:s3] =	ssyncset.done $0x0  }
0xb: {  	s8 =	sadd.s32 s9, s8;
	s9 =	smax.u32 s31, $0x1;
	[sflag:s3] =	ssyncadd.s32 $0xFFFFFFF0  }
0xc: {  	[tilespmem:s6], [sflag:$0x1] =	stream.indirect.gather [hbm4b:s5+s6], $0x140, s2, s6, $0xb8;
	[tilespmem:$0x1410] =	vst v63  }
0xd: {  	p0 =	sne.s32 s9, $0x1;
	_ =	swait.ge [sflag:s7], $0x1400  }
.Ltmp0:
0xe: {  	[sflag:s7] =	ssyncset.done $0x0;
	(pc) =	sbr.rel @!p0 .LBB2_2-.Ltmp0, $4  }
0xf: {  	s8 =	sadd.s32 $0x73C00, s8;
	[sflag:s7] =	ssyncadd.s32 $0xFFFFEC00  }
0x10: {  	[hbm4b:s8+s2] =	stream.linear.scatter [tilespmem:s6], [sflag:$0x2], $0x1400, $0x38;
	[tilespmem:$0x1410] =	vst v63  }
0x11: {  	_ =	swait.ge [sflag:s3], $0x1400  }
0x12: {  	s9 =	sadd.s32 $0xFFFFFFFF, s9;
	[sflag:s3] =	ssyncset.done $0x0  }
.LBB2_1:
0x13: {  	p0 =	sne.s32 s9, $0x1;
	s9 =	sadd.s32 $0xFFFFFFFF, s9;
	[sflag:s3] =	ssyncadd.s32 $0xFFFFEC00  }
0x14: {  	[tilespmem:s2], [sflag:$0x2] =	stream.linear.gather [hbm4b:s4+s2], $0x10, $0x38;
	[tilespmem:$0x1410] =	vst v63  }
0x15: {  	_ =	swait.ge [sflag:s3], $0x10  }
0x16: {  	[sflag:s3] =	ssyncset.done $0x0  }
0x17: {  	[sflag:s3] =	ssyncadd.s32 $0xFFFFFFF0  }
0x18: {  	[tilespmem:s6], [sflag:$0x1] =	stream.indirect.gather [hbm4b:s5+s6], $0x140, s2, s6, $0xb8;
	[tilespmem:$0x1410] =	vst v63  }
0x19: {  	_ =	swait.ge [sflag:s7], $0x1400  }
.Ltmp1:
0x1a: {  	[sflag:s7] =	ssyncset.done $0x0;
	(pc) =	sbr.rel @p0 .LBB2_1-.Ltmp1, $4  }
0x1b: {  	[sflag:s7] =	ssyncadd.s32 $0xFFFFEC00  }
0x1c: {  	[hbm4b:s8+s2] =	stream.linear.scatter [tilespmem:s6], [sflag:$0x2], $0x1400, $0x38;
	[tilespmem:$0x1410] =	vst v63  }
0x1d: {  	_ =	swait.ge [sflag:s3], $0x1400  }
0x1e: {  	[sflag:s3] =	ssyncset.done $0x0  }
.LBB2_2:
0x1f: {  	[sflag:s3] =	ssyncadd.s32 $0xFFFFEC00  }
0x20: {  	_ =	sfence.sel $0x180000  }
0x21: {  	[bflag:$0x0] =	sbarrier.arrive $0xFFFF  }
0x22: {  	p0 =	sne.s32 s0, $0x0;
	_ =	strace $0x90000062  }
0x23: {  	s0 =	sadd.s32 @!p0 $0x100000, s1;
	[bflag:$0x2] =	sbarrier.arrive $0xFFFF  }
0x24: {  	[sflag:s0] =	ssyncadd.tile.s32 @!p0 $0x1;
	_ =	shalt  }
.Lfunc_end2:
_tile_overlayer_lowered:
.L_overlay_start_2:
0x25: {  	(tag) =	ssettag $0x2  }
0x26: {  	s0 =	rddreg [dreg:$0x0];
	s2 =	stileid.u32  }
0x27: {  	s1 =	rddreg [dreg:$0x1];
	p0 =	sne.s32 s2, $0x0  }
0x28: {  	s3 =	rddreg [dreg:$0x2];
	[bflag:$0x3] =	sbarrier.arrive $0xFFFF;
	s2 =	simm.s32 @!p0 $0x1C02  }
0x29: {  	[timem:s3], [sflag:s2] =	dma.local @!p0 [hbm:s0], s1  }
0x2a: {  	s0 =	simm.s32 @!p0 $0x2  }
0x2b: {  	_ =	swait.ge @!p0 [sflag:s0], s1  }
0x2c: {  	s1 =	ssub.s32 @!p0 $0x0, s1;
	[sflag:s0] =	ssyncset.done @!p0 $0x0  }
0x2d: {  	[sflag:s0] =	ssyncadd.s32 @!p0 s1  }
0x2e: {  	[bflag:$0x3] =	sbarrier.arrive $0xFFFF  }
0x2f: {  	_ =	shalt  }

// kernel: kernel.38.cloned.1.call-start
scs
__scs_entry_jumppad:
0x0: {  	(pc) =	sbr.rel $0x88, $3  }
0x1: {  	(tag) =	ssettag $0x0;
	lr =	simm.s32 $0x1  }
0x2: {  	[smem:$0x3F82] =	sst lr;
	_ =	strace $0xD0000000  }
0x3: {  	_ = 	snop  }
0x4: {  	_ = 	snop  }
0x5: {  	_ = 	snop  }
0x6: {  	_ = 	snop  }
0x7: {  	_ = 	snop  }
__scs_overlays_trampoline_lowered:
0x8: {  	[smem:$0x3F91] =	sst s0  }
0x9: {  	[smem:$0x3F92] =	sst s1  }
0xa: {  	[smem:$0x3F93] =	sst s2  }
0xb: {  	[smem:$0x3F94] =	sst s3  }
0xc: {  	[smem:$0x3F95] =	sst s4  }
0xd: {  	[smem:$0x3F96] =	sst s5  }
0xe: {  	[smem:$0x3F97] =	sst s6  }
0xf: {  	[smem:$0x3F98] =	sst s7  }
0x10: {  	[smem:$0x3F99] =	sst s8  }
0x11: {  	[smem:$0x3F9A] =	sst s9;
	s0 =	simm.s32 @!p0 $0x0  }
0x12: {  	s1 =	sld [smem:$0x3F80];
	s0 =	simm.s32 @p0 $0x1  }
0x13: {  	[smem:$0x3F9B] =	sst s0;
	s0 =	simm.s32 @!p1 $0x0  }
0x14: {  	s2 =	sld [smem:$0x3F7F];
	s0 =	simm.s32 @p1 $0x1  }
0x15: {  	[smem:$0x3F9C] =	sst s0;
	s0 =	simm.s32 @!p2 $0x0  }
0x16: {  	s3 =	sld [smem:$0x3FDB];
	s0 =	simm.s32 @p2 $0x1  }
0x17: {  	s4 =	simm.s32 $0x1BF5;
	[smem:$0x3F9E] =	sst s0  }
0x18: {  	s0 =	sld [smem:$0x3F81];
	_ =	swait.ge [sflag:s4], $0x0  }
0x19: {  	s7 =	sld [smem:$0x3F82]  }
0x1a: {  	s8 =	sadd.s32 $0xFFFFE003, lr  }
0x1b: {  	s9 =	sadd.s32 $0xFFFFFEF7, lr;
	s5 =	simm.s32 $0xFFFFFFFF;
	p2 =	slt.u32 s8, $0xFFFFF086  }
0x1c: {  	p1 =	slt.u32 s9, $0xF7A;
	s5 =	simm.s32 @!p2 $0x0  }
0x1d: {  	s5 =	simm.s32 @p1 $0x1;
	p0 =	seq.s32 s7, s2  }
0x1e: {  	s7 =	smul.u32 @!p0 $0xF7A, s2;
	p2 =	seq.s32 @!p0 s5, $0x0  }
0x1f: {  	s9 =	smul.u32 $0xF7A, s1;
	s8 =	simm.s32 @!p0 $0x1BF5;
	p2 =	por !p2, p0  }
0x20: {  	[sflag:s8] =	ssyncset.s32 @!p0 $0xFFFFF086;
	s6 =	sadd.s32 @!p0 s3, s7;
	s7 =	simm.s32 @!p0 $0x108  }
0x21: {  	s3 =	sadd.s32 s3, s9;
	s6 =	sadd.s32 @!p0 $0x88, s6;
	s7 =	simm.s32 @p2 $0x1082  }
0x22: {  	[simem:s7], [sflag:s8] =	dma.local @!p0 [hbm:s6], $0xF7A  }
0x23: {  	s9 =	sor.u32 $0xD0000000, s2;
	s6 =	simm.s32 $0x108;
	_ =	swait.ge @!p0 [sflag:s8], $0x0  }
0x24: {  	s3 =	sadd.s32 $0x88, s3;
	s6 =	simm.s32 @!p1 $0x1082;
	[sflag:s4] =	ssyncset.s32 $0xFFFFF086  }
0x25: {  	[simem:s6], [sflag:s4] =	dma.local [hbm:s3], $0xF7A  }
0x26: {  	[smem:$0x3F82] =	sst s1;
	(tag) =	ssettag s2;
	_ =	strace s9  }
0x27: {  	s1 =	sld [smem:$0x3F92]  }
0x28: {  	s2 =	sld [smem:$0x3F93]  }
0x29: {  	s4 =	sld [smem:$0x3F95]  }
0x2a: {  	p0 =	seq.s32 s5, $0x0;
	s5 =	sld [smem:$0x3F96]  }
0x2b: {  	s6 =	sld [smem:$0x3F97]  }
0x2c: {  	s7 =	sld [smem:$0x3F98]  }
0x2d: {  	s3 =	simm.s32 $0x108;
	s8 =	sld [smem:$0x3F99]  }
0x2e: {  	s3 =	simm.s32 @!p0 $0x1082;
	s9 =	sld [smem:$0x3F9A]  }
0x2f: {  	lr =	sadd.s32 s0, s3;
	s0 =	sld [smem:$0x3F91]  }
0x30: {  	s3 =	sld [smem:$0x3F94]  }
0x31: {  	[smem:$0x3F9D] =	sst s10  }
0x32: {  	s10 =	sld [smem:$0x3F9B];
	_ =	sdelay $0x3  }
0x33: {  	p0 =	seq.s32 s10, $0x1;
	s10 =	sld [smem:$0x3F9D];
	_ =	sdelay $0x3  }
0x34: {  	[smem:$0x3F9D] =	sst s10  }
0x35: {  	s10 =	sld [smem:$0x3F9C];
	_ =	sdelay $0x3  }
0x36: {  	p1 =	seq.s32 s10, $0x1;
	s10 =	sld [smem:$0x3F9D];
	_ =	sdelay $0x3  }
0x37: {  	[smem:$0x3F9D] =	sst s10  }
0x38: {  	s10 =	sld [smem:$0x3F9E]  }
0x39: {  	_ = 	snop;
	(pc) =	sbr.ind lr, $3  }
0x3a: {  	_ = 	snop  }
0x3b: {  	_ = 	snop  }
0x3c: {  	p2 =	seq.s32 s10, $0x1;
	s10 =	sld [smem:$0x3F9D]  }
0x3d: {  	_ =	shalt  }
0x3e: {  	_ =	shalt  }
0x3f: {  	_ =	shalt  }
0x40: {  	_ =	shalt  }
0x41: {  	_ =	shalt  }
0x42: {  	_ =	shalt  }
0x43: {  	_ =	shalt  }
0x44: {  	_ =	shalt  }
0x45: {  	_ =	shalt  }
0x46: {  	_ =	shalt  }
0x47: {  	_ =	shalt  }
0x48: {  	_ =	shalt  }
0x49: {  	_ =	shalt  }
0x4a: {  	_ =	shalt  }
0x4b: {  	_ =	shalt  }
0x4c: {  	_ =	shalt  }
0x4d: {  	_ =	shalt  }
0x4e: {  	_ =	shalt  }
0x4f: {  	_ =	shalt  }
0x50: {  	_ =	shalt  }
0x51: {  	_ =	shalt  }
0x52: {  	_ =	shalt  }
0x53: {  	_ =	shalt  }
0x54: {  	_ =	shalt  }
0x55: {  	_ =	shalt  }
0x56: {  	_ =	shalt  }
0x57: {  	_ =	shalt  }
0x58: {  	_ =	shalt  }
0x59: {  	_ =	shalt  }
0x5a: {  	_ =	shalt  }
0x5b: {  	_ =	shalt  }
0x5c: {  	_ =	shalt  }
0x5d: {  	_ =	shalt  }
0x5e: {  	_ =	shalt  }
0x5f: {  	_ =	shalt  }
0x60: {  	_ =	shalt  }
0x61: {  	_ =	shalt  }
0x62: {  	_ =	shalt  }
0x63: {  	_ =	shalt  }
0x64: {  	_ =	shalt  }
0x65: {  	_ =	shalt  }
0x66: {  	_ =	shalt  }
0x67: {  	_ =	shalt  }
0x68: {  	_ =	shalt  }
0x69: {  	_ =	shalt  }
0x6a: {  	_ =	shalt  }
0x6b: {  	_ =	shalt  }
0x6c: {  	_ =	shalt  }
0x6d: {  	_ =	shalt  }
0x6e: {  	_ =	shalt  }
0x6f: {  	_ =	shalt  }
0x70: {  	_ =	shalt  }
0x71: {  	_ =	shalt  }
0x72: {  	_ =	shalt  }
0x73: {  	_ =	shalt  }
0x74: {  	_ =	shalt  }
0x75: {  	_ =	shalt  }
0x76: {  	_ =	shalt  }
0x77: {  	_ =	shalt  }
0x78: {  	_ =	shalt  }
0x79: {  	_ =	shalt  }
0x7a: {  	_ =	shalt  }
0x7b: {  	_ =	shalt  }
0x7c: {  	_ =	shalt  }
0x7d: {  	_ =	shalt  }
0x7e: {  	_ =	shalt  }
0x7f: {  	_ =	shalt  }
0x80: {  	_ =	shalt  }
0x81: {  	_ =	shalt  }
0x82: {  	_ =	shalt  }
0x83: {  	_ =	shalt  }
0x84: {  	_ =	shalt  }
0x85: {  	_ =	shalt  }
0x86: {  	_ =	shalt  }
0x87: {  	_ =	shalt  }
.Lfunc_end0:
.L_simem_size_0:
called_computation.5_lowered:
.L_overlay_start_0:
0x88: {  	s2 =	sld [smem:$0x3FD9]  }
0x89: {  	s3 =	sld [smem:$0x3FFE];
	_ =	sdelay $0x1  }
0x8a: {  	s1 =	srdreg.scid  }
0x8b: {  	s0 =	sand.u32 $0x1, s1  }
0x8c: {  	s17 =	sshll.u32 s0, $0xA;
	s2 =	sadd.s32 s3, s2  }
0x8d: {  	s2 =	sadd.s32 s2, s17  }
0x8e: {  	[smem:$0x3FA9] =	sst s2  }
0x8f: {  	_ = 	snop  }
0x90: {  	s2 =	sld [smem:$0x3FD0];
	(tm) =	ssettm $0x1  }
0x91: {  	s18 =	sld [smem:$0x3FFB];
	_ =	sdelay $0x3  }
0x92: {  	_ =	strace s18  }
0x93: {  	s3 =	sld [smem:$0x3FFC];
	_ =	sdelay $0x3  }
0x94: {  	_ =	strace s3  }
0x95: {  	s3 =	sld [smem:$0x3FFD];
	_ =	sdelay $0x3  }
0x96: {  	_ =	strace s3  }
0x97: {  	_ =	strace $0x8FFFFFFF  }
0x98: {  	s19 =	sld [smem:$0x3FDB];
	_ =	sdelay $0x1  }
0x99: {  	s4 =	simm.s32 $_scs_section_size  }
0x9a: {  	s5 =	simm.s32 $_size__tile_overlayer_lowered;
	s6 =	simm.s32 $_tile_overlayer_lowered  }
0x9b: {  	s22 =	simm.s32 $0x1BFF;
	s21 =	sshll.u32 s6, $0x1;
	s3 =	sadd.s32 s4, s19  }
0x9c: {  	s7 =	simm.s32 $0x0;
	s20 =	sshll.u32 s5, $0x1;
	s5 =	sadd.s32 s21, s3  }
0x9d: {  	[timem:s7], [sflag:s22] =	dma.local [hbm:s5], s20  }
0x9e: {  	_ =	swait.ge [sflag:s22], s20  }
0x9f: {  	s4 =	ssub.s32 $0x0, s20;
	[sflag:s22] =	ssyncset.done $0x0  }
0xa0: {  	[sflag:s22] =	ssyncadd.s32 s4;
	_ =	sdelay $0x1  }
0xa1: {  	s23 =	simm.s32 $0x1B8B  }
0xa2: {  	_ =	swait.ge [sflag:s23], $0x1  }
0xa3: {  	[sflag:s23] =	ssyncset.done $0x0  }
0xa4: {  	s25 =	simm.s32 $0x1B8E;
	s24 =	sld [smem:$0x3FFE];
	[sflag:s23] =	ssyncadd.s32 $0xFFFFFFFF  }
0xa5: {  	s26 =	simm.s32 $execute0_lowered;
	[smem:$0x3FD2] =	sst s25  }
0xa6: {  	s5 =	sshll.u32 s26, $0x1;
	_ =	strace $0x80000046;
	[dreg:$0x1] =	wrdreg $0xFFFFFFFF  }
0xa7: {  	s28 =	simm.s32 $_size_execute0_lowered;
	s3 =	sadd.s32 s3, s5;
	[dreg:$0x0] =	wrdreg $0x0  }
0xa8: {  	s5 =	sshll.u32 s28, $0x1;
	[dreg:$0x2] =	wrdreg s3  }
0xa9: {  	[dreg:$0x3] =	wrdreg s5  }
0xaa: {  	[dreg:$0x4] =	wrdreg $0xC0  }
0xab: {  	_ =	task [dreg:s7], $0x5FFFF  }
0xac: {  	[dreg:$0x1] =	wrdreg $0xFFFFFFFF  }
0xad: {  	[dreg:$0x0] =	wrdreg $0x60  }
0xae: {  	[dreg:$0x2] =	wrdreg s24  }
0xaf: {  	[dreg:$0x3] =	wrdreg s2  }
0xb0: {  	[dreg:$0x4] =	wrdreg $0x4800  }
0xb1: {  	[dreg:$0x5] =	wrdreg $0xA  }
0xb2: {  	_ =	task.clear_ibuf [dreg:s7], $0x6FFFF;
	_ =	strace $0x90000046  }
0xb3: {  	s29 =	simm.s32 $0xA;
	_ =	strace $0x80000048  }
0xb4: {  	_ =	swait.ge [sflag:s29], $0x1  }
0xb5: {  	[sflag:s29] =	ssyncadd.s32 $0xFFFFFFFF  }
0xb6: {  	_ =	strace $0x90000048  }
0xb7: {  	_ =	sfence  }
0xb8: {  	s30 =	sld [smem:$0x0];
	_ =	sdelay $0x2  }
0xb9: {  	s31 =	sshll.u32 s1, $0xD;
	s1 =	sshrl.u32 s1, $0x2  }
0xba: {  	s3 =	sand.u32 $0x4000, s31;
	s1 =	sadd.s32 s1, s30  }
0xbb: {  	s0 =	sor.u32 s3, s0;
	s1 =	sshll.u32 s1, $0x11  }
0xbc: {  	s0 =	sor.u32 s1, s0  }
0xbd: {  	s0 =	sadd.s32 $0x8F2B, s0  }
0xbe: {  	[sflag:s0] =	ssyncadd.remote.s32 $0x1  }
0xbf: {  	_ =	sfence.sel $0xFFFF  }
0xc0: {  	[dreg:$0x0] =	wrdreg $0xFFFFFFFF;
	(pc) =	sbr.abs _section_cstart, $3  }
0xc1: {  	[dreg:$0x1] =	wrdreg $0xFFFFFFFF  }
0xc2: {  	_ =	task.clear_ibuf [dreg:s7], $0x2FFFF;
	_ =	strace $0x9FFFFFFF  }
0xc3: {  	(tm) =	ssettm $0x7FFFFFFF  }
tec
execute0_lowered:
.L_overlay_start_1:
0x0: {  	(tag) =	ssettag $0x1  }
0x1: {  	s5 =	rddreg [dreg:$0x0];
	s1 =	srdreg.scid  }
0x2: {  	s0 =	stileid.u32;
	s2 =	rddreg [dreg:$0x1]  }
0x3: {  	s3 =	rddreg [dreg:$0x2];
	s7 =	smul.u32 $0x2800, s0  }
0x4: {  	s4 =	simm.s32 $0x0;
	s6 =	sand.u32 $0x1, s1;
	s9 =	smul.u32 $0x1400, s0  }
0x5: {  	s13 =	simm.s32 $0x0;
	s1 =	rddreg [dreg:$0x3];
	s8 =	smul.u32 $0x1400, s6  }
0x6: {  	[smem:$0x7FF] =	sst s4;
	s31 =	sshll.u32 s0, $0x6;
	s26 =	smul.u32 $0x14000, s6  }
0x7: {  	_ =	strace $0x80000047;
	s6 =	ssub.s32 $0x2, s6;
	s29 =	sshrl.u32 s9, $0x3  }
0x8: {  	s30 =	sshrl.u32 s6, $0x1;
	s12 =	sadd.s32 s9, s3;
	s7 =	sadd.s32 s8, s7  }
0x9: {  	s28 =	sadd.s32 s9, s26;
	s8 =	sadd.s32 s29, s5;
	s7 =	sshrl.u32 s7, $0x3  }
0xa: {  	s11 =	ssub.s32 s6, s30;
	s10 =	sadd.s32 s7, s5;
	s7 =	sshrl.u32 s28, $0x3  }
0xb: {  	s6 =	sor.u32 $0x1C01, s31;
	s7 =	sadd.s32 s7, s5;
	s5 =	sadd.s32 $0xFA00, s8  }
0xc: {  	s8 =	smax.u32 s11, $0x1;
	s9 =	sadd.s32 $0xAA00, s10;
	s10 =	sshrl.u32 s12, $0x3  }
0xd: {  	s11 =	simm.s32 $0x1;
	s12 =	simm.s32 $0x80;
	s7 =	sadd.s32 $0x12200, s7  }
.LBB2_1:
0xe: {  	[spmem:s10], [sflag:s6] =	dma.local [hbm:s5], $0x280  }
0xf: {  	_ =	swait.ge [sflag:s11], $0x280  }
0x10: {  	[sflag:s11] =	ssyncset.done $0x0  }
0x11: {  	[sflag:s11] =	ssyncadd.s32 $0xFFFFFD80  }
0x12: {  	[tilespmem:s12], [sflag:$0x1] =	stream.linear.gather [hbm4b:s2+s4], $0x400, $0x38;
	[tilespmem:$0x1880] =	vst v63  }
0x13: {  	_ =	swait.ge [sflag:s11], $0x400  }
0x14: {  	[sflag:s11] =	ssyncset.done $0x0  }
0x15: {  	[sflag:s11] =	ssyncadd.s32 $0xFFFFFC00  }
0x16: {  	s14 =	sadd.s32 $0x0, s9;
	[bflag:$0x0] =	sbarrier.arrive $0xFFFF  }
0x17: {  	[tilespmem:s4], [sflag:$0x1] =	stream.linear.gather [hbm4b:s14+s4], $0x80, $0x38;
	[tilespmem:$0x1880] =	vst v63  }
0x18: {  	_ =	swait.ge [sflag:s11], $0x80  }
0x19: {  	[sflag:s11] =	ssyncset.done $0x0  }
0x1a: {  	[sflag:s11] =	ssyncadd.s32 $0xFFFFFF80  }
0x1b: {  	[spmem:s3] =	stream.indirect.scatter.add.f32 [tilespmem:s12], [sflag:$0x1], $0x8, s4, s12, $0xb8;
	[tilespmem:$0x1880] =	vst v63  }
0x1c: {  	_ =	swait.ge [sflag:s11], $0x400  }
0x1d: {  	s15 =	simm.s32 $0x20;
	s14 =	simm.s32 $0x10;
	[sflag:s11] =	ssyncset.done $0x0  }
.LBB2_2:
0x1e: {  	s16 =	sadd.s32 s14, s9  }
0x1f: {  	[sflag:s11] =	ssyncadd.s32 $0xFFFFFC00;
	s14 =	smov.u32 s15;
	s17 =	sadd.s32 $0x10, s15  }
0x20: {  	[tilespmem:s4], [sflag:$0x1] =	stream.linear.gather [hbm4b:s16+s4], $0x80, $0x38;
	[tilespmem:$0x1880] =	vst v63  }
0x21: {  	p0 =	sne.s32 s15, $0x270;
	_ =	swait.ge [sflag:s11], $0x80  }
.Ltmp0:
0x22: {  	[sflag:s11] =	ssyncset.done $0x0;
	(pc) =	sbr.rel @p0 .LBB2_2-.Ltmp0, $4  }
0x23: {  	[sflag:s11] =	ssyncadd.s32 $0xFFFFFF80  }
0x24: {  	[spmem:s3] =	stream.indirect.scatter.add.f32 [tilespmem:s12], [sflag:$0x1], $0x8, s4, s12, $0xb8;
	[tilespmem:$0x1880] =	vst v63  }
0x25: {  	_ =	swait.ge [sflag:s11], $0x400  }
0x26: {  	s15 =	smov.u32 s17;
	[sflag:s11] =	ssyncset.done $0x0  }
0x27: {  	s14 =	sadd.s32 s14, s9;
	[sflag:s11] =	ssyncadd.s32 $0xFFFFFC00  }
0x28: {  	[tilespmem:s4], [sflag:$0x1] =	stream.linear.gather [hbm4b:s14+s4], $0x80, $0x38;
	[tilespmem:$0x1880] =	vst v63  }
0x29: {  	_ =	swait.ge [sflag:s11], $0x80  }
0x2a: {  	[sflag:s11] =	ssyncset.done $0x0  }
0x2b: {  	[sflag:s11] =	ssyncadd.s32 $0xFFFFFF80  }
0x2c: {  	[spmem:s3] =	stream.indirect.scatter.add.f32 [tilespmem:s12], [sflag:$0x1], $0x8, s4, s12, $0xb8;
	[tilespmem:$0x1880] =	vst v63  }
0x2d: {  	_ =	swait.ge [sflag:s11], $0x400  }
0x2e: {  	s13 =	sadd.s32 $0x1, s13;
	[sflag:s11] =	ssyncset.done $0x0  }
0x2f: {  	p0 =	sne.s32 s13, s8;
	[sflag:s11] =	ssyncadd.s32 $0xFFFFFC00  }
.Ltmp1:
0x30: {  	[bflag:$0x0] =	sbarrier.arrive $0xFFFF;
	(pc) =	sbr.rel @p0 .LBB2_1-.Ltmp1, $4  }
0x31: {  	[hbm:s7], [sflag:s6] =	dma.local [spmem:s10], $0x280  }
0x32: {  	_ =	swait.ge [sflag:s11], $0x280  }
0x33: {  	[sflag:s11] =	ssyncset.done $0x0  }
0x34: {  	[sflag:s11] =	ssyncadd.s32 $0xFFFFFD80  }
0x35: {  	_ =	sfence.sel $0x180000  }
0x36: {  	[bflag:$0x0] =	sbarrier.arrive $0xFFFF  }
0x37: {  	p0 =	sne.s32 s0, $0x0;
	_ =	strace $0x90000047  }
0x38: {  	s0 =	sadd.s32 @!p0 $0x100000, s1;
	[bflag:$0x2] =	sbarrier.arrive $0xFFFF  }
0x39: {  	[sflag:s0] =	ssyncadd.tile.s32 @!p0 $0x1;
	_ =	shalt  }
.Lfunc_end2:
_tile_overlayer_lowered:
.L_overlay_start_2:
0x3a: {  	(tag) =	ssettag $0x2  }
0x3b: {  	s0 =	rddreg [dreg:$0x0];
	s2 =	stileid.u32  }
0x3c: {  	s1 =	rddreg [dreg:$0x1];
	p0 =	sne.s32 s2, $0x0  }
0x3d: {  	s3 =	rddreg [dreg:$0x2];
	[bflag:$0x3] =	sbarrier.arrive $0xFFFF;
	s2 =	simm.s32 @!p0 $0x1C01  }
0x3e: {  	[timem:s3], [sflag:s2] =	dma.local @!p0 [hbm:s0], s1  }
0x3f: {  	s0 =	simm.s32 @!p0 $0x1  }
0x40: {  	_ =	swait.ge @!p0 [sflag:s0], s1  }
0x41: {  	s1 =	ssub.s32 @!p0 $0x0, s1;
	[sflag:s0] =	ssyncset.done @!p0 $0x0  }
0x42: {  	[sflag:s0] =	ssyncadd.s32 @!p0 s1  }
0x43: {  	[bflag:$0x3] =	sbarrier.arrive $0xFFFF  }
0x44: {  	_ =	shalt  }

// kernel: kernel.41.cloned.1.call-start
scs
__scs_entry_jumppad:
0x0: {  	(pc) =	sbr.rel $0x88, $3  }
0x1: {  	(tag) =	ssettag $0x0;
	lr =	simm.s32 $0x1  }
0x2: {  	[smem:$0x3F82] =	sst lr;
	_ =	strace $0xD0000000  }
0x3: {  	_ = 	snop  }
0x4: {  	_ = 	snop  }
0x5: {  	_ = 	snop  }
0x6: {  	_ = 	snop  }
0x7: {  	_ = 	snop  }
__scs_overlays_trampoline_lowered:
0x8: {  	[smem:$0x3F91] =	sst s0  }
0x9: {  	[smem:$0x3F92] =	sst s1  }
0xa: {  	[smem:$0x3F93] =	sst s2  }
0xb: {  	[smem:$0x3F94] =	sst s3  }
0xc: {  	[smem:$0x3F95] =	sst s4  }
0xd: {  	[smem:$0x3F96] =	sst s5  }
0xe: {  	[smem:$0x3F97] =	sst s6  }
0xf: {  	[smem:$0x3F98] =	sst s7  }
0x10: {  	[smem:$0x3F99] =	sst s8  }
0x11: {  	[smem:$0x3F9A] =	sst s9;
	s0 =	simm.s32 @!p0 $0x0  }
0x12: {  	s1 =	sld [smem:$0x3F80];
	s0 =	simm.s32 @p0 $0x1  }
0x13: {  	[smem:$0x3F9B] =	sst s0;
	s0 =	simm.s32 @!p1 $0x0  }
0x14: {  	s2 =	sld [smem:$0x3F7F];
	s0 =	simm.s32 @p1 $0x1  }
0x15: {  	[smem:$0x3F9C] =	sst s0;
	s0 =	simm.s32 @!p2 $0x0  }
0x16: {  	s3 =	sld [smem:$0x3FDB];
	s0 =	simm.s32 @p2 $0x1  }
0x17: {  	s4 =	simm.s32 $0x1BF5;
	[smem:$0x3F9E] =	sst s0  }
0x18: {  	s0 =	sld [smem:$0x3F81];
	_ =	swait.ge [sflag:s4], $0x0  }
0x19: {  	s7 =	sld [smem:$0x3F82]  }
0x1a: {  	s8 =	sadd.s32 $0xFFFFE003, lr  }
0x1b: {  	s9 =	sadd.s32 $0xFFFFFEF7, lr;
	s5 =	simm.s32 $0xFFFFFFFF;
	p2 =	slt.u32 s8, $0xFFFFF086  }
0x1c: {  	p1 =	slt.u32 s9, $0xF7A;
	s5 =	simm.s32 @!p2 $0x0  }
0x1d: {  	s5 =	simm.s32 @p1 $0x1;
	p0 =	seq.s32 s7, s2  }
0x1e: {  	s7 =	smul.u32 @!p0 $0xF7A, s2;
	p2 =	seq.s32 @!p0 s5, $0x0  }
0x1f: {  	s9 =	smul.u32 $0xF7A, s1;
	s8 =	simm.s32 @!p0 $0x1BF5;
	p2 =	por !p2, p0  }
0x20: {  	[sflag:s8] =	ssyncset.s32 @!p0 $0xFFFFF086;
	s6 =	sadd.s32 @!p0 s3, s7;
	s7 =	simm.s32 @!p0 $0x108  }
0x21: {  	s3 =	sadd.s32 s3, s9;
	s6 =	sadd.s32 @!p0 $0x88, s6;
	s7 =	simm.s32 @p2 $0x1082  }
0x22: {  	[simem:s7], [sflag:s8] =	dma.local @!p0 [hbm:s6], $0xF7A  }
0x23: {  	s9 =	sor.u32 $0xD0000000, s2;
	s6 =	simm.s32 $0x108;
	_ =	swait.ge @!p0 [sflag:s8], $0x0  }
0x24: {  	s3 =	sadd.s32 $0x88, s3;
	s6 =	simm.s32 @!p1 $0x1082;
	[sflag:s4] =	ssyncset.s32 $0xFFFFF086  }
0x25: {  	[simem:s6], [sflag:s4] =	dma.local [hbm:s3], $0xF7A  }
0x26: {  	[smem:$0x3F82] =	sst s1;
	(tag) =	ssettag s2;
	_ =	strace s9  }
0x27: {  	s1 =	sld [smem:$0x3F92]  }
0x28: {  	s2 =	sld [smem:$0x3F93]  }
0x29: {  	s4 =	sld [smem:$0x3F95]  }
0x2a: {  	p0 =	seq.s32 s5, $0x0;
	s5 =	sld [smem:$0x3F96]  }
0x2b: {  	s6 =	sld [smem:$0x3F97]  }
0x2c: {  	s7 =	sld [smem:$0x3F98]  }
0x2d: {  	s3 =	simm.s32 $0x108;
	s8 =	sld [smem:$0x3F99]  }
0x2e: {  	s3 =	simm.s32 @!p0 $0x1082;
	s9 =	sld [smem:$0x3F9A]  }
0x2f: {  	lr =	sadd.s32 s0, s3;
	s0 =	sld [smem:$0x3F91]  }
0x30: {  	s3 =	sld [smem:$0x3F94]  }
0x31: {  	[smem:$0x3F9D] =	sst s10  }
0x32: {  	s10 =	sld [smem:$0x3F9B];
	_ =	sdelay $0x3  }
0x33: {  	p0 =	seq.s32 s10, $0x1;
	s10 =	sld [smem:$0x3F9D];
	_ =	sdelay $0x3  }
0x34: {  	[smem:$0x3F9D] =	sst s10  }
0x35: {  	s10 =	sld [smem:$0x3F9C];
	_ =	sdelay $0x3  }
0x36: {  	p1 =	seq.s32 s10, $0x1;
	s10 =	sld [smem:$0x3F9D];
	_ =	sdelay $0x3  }
0x37: {  	[smem:$0x3F9D] =	sst s10  }
0x38: {  	s10 =	sld [smem:$0x3F9E]  }
0x39: {  	_ = 	snop;
	(pc) =	sbr.ind lr, $3  }
0x3a: {  	_ = 	snop  }
0x3b: {  	_ = 	snop  }
0x3c: {  	p2 =	seq.s32 s10, $0x1;
	s10 =	sld [smem:$0x3F9D]  }
0x3d: {  	_ =	shalt  }
0x3e: {  	_ =	shalt  }
0x3f: {  	_ =	shalt  }
0x40: {  	_ =	shalt  }
0x41: {  	_ =	shalt  }
0x42: {  	_ =	shalt  }
0x43: {  	_ =	shalt  }
0x44: {  	_ =	shalt  }
0x45: {  	_ =	shalt  }
0x46: {  	_ =	shalt  }
0x47: {  	_ =	shalt  }
0x48: {  	_ =	shalt  }
0x49: {  	_ =	shalt  }
0x4a: {  	_ =	shalt  }
0x4b: {  	_ =	shalt  }
0x4c: {  	_ =	shalt  }
0x4d: {  	_ =	shalt  }
0x4e: {  	_ =	shalt  }
0x4f: {  	_ =	shalt  }
0x50: {  	_ =	shalt  }
0x51: {  	_ =	shalt  }
0x52: {  	_ =	shalt  }
0x53: {  	_ =	shalt  }
0x54: {  	_ =	shalt  }
0x55: {  	_ =	shalt  }
0x56: {  	_ =	shalt  }
0x57: {  	_ =	shalt  }
0x58: {  	_ =	shalt  }
0x59: {  	_ =	shalt  }
0x5a: {  	_ =	shalt  }
0x5b: {  	_ =	shalt  }
0x5c: {  	_ =	shalt  }
0x5d: {  	_ =	shalt  }
0x5e: {  	_ =	shalt  }
0x5f: {  	_ =	shalt  }
0x60: {  	_ =	shalt  }
0x61: {  	_ =	shalt  }
0x62: {  	_ =	shalt  }
0x63: {  	_ =	shalt  }
0x64: {  	_ =	shalt  }
0x65: {  	_ =	shalt  }
0x66: {  	_ =	shalt  }
0x67: {  	_ =	shalt  }
0x68: {  	_ =	shalt  }
0x69: {  	_ =	shalt  }
0x6a: {  	_ =	shalt  }
0x6b: {  	_ =	shalt  }
0x6c: {  	_ =	shalt  }
0x6d: {  	_ =	shalt  }
0x6e: {  	_ =	shalt  }
0x6f: {  	_ =	shalt  }
0x70: {  	_ =	shalt  }
0x71: {  	_ =	shalt  }
0x72: {  	_ =	shalt  }
0x73: {  	_ =	shalt  }
0x74: {  	_ =	shalt  }
0x75: {  	_ =	shalt  }
0x76: {  	_ =	shalt  }
0x77: {  	_ =	shalt  }
0x78: {  	_ =	shalt  }
0x79: {  	_ =	shalt  }
0x7a: {  	_ =	shalt  }
0x7b: {  	_ =	shalt  }
0x7c: {  	_ =	shalt  }
0x7d: {  	_ =	shalt  }
0x7e: {  	_ =	shalt  }
0x7f: {  	_ =	shalt  }
0x80: {  	_ =	shalt  }
0x81: {  	_ =	shalt  }
0x82: {  	_ =	shalt  }
0x83: {  	_ =	shalt  }
0x84: {  	_ =	shalt  }
0x85: {  	_ =	shalt  }
0x86: {  	_ =	shalt  }
0x87: {  	_ =	shalt  }
.Lfunc_end0:
.L_simem_size_0:
called_computation.6_lowered:
.L_overlay_start_0:
0x88: {  	s2 =	sld [smem:$0x3FD9]  }
0x89: {  	s3 =	sld [smem:$0x3FFE];
	_ =	sdelay $0x1  }
0x8a: {  	s1 =	srdreg.scid  }
0x8b: {  	s0 =	sand.u32 $0x1, s1  }
0x8c: {  	s17 =	sshll.u32 s0, $0xA;
	s2 =	sadd.s32 s3, s2  }
0x8d: {  	s2 =	sadd.s32 s2, s17  }
0x8e: {  	[smem:$0x3FA9] =	sst s2  }
0x8f: {  	_ = 	snop  }
0x90: {  	(tm) =	ssettm $0x1  }
0x91: {  	s18 =	sld [smem:$0x3FFB];
	_ =	sdelay $0x3  }
0x92: {  	_ =	strace s18  }
0x93: {  	s2 =	sld [smem:$0x3FFC];
	_ =	sdelay $0x3  }
0x94: {  	_ =	strace s2  }
0x95: {  	s2 =	sld [smem:$0x3FFD];
	_ =	sdelay $0x3  }
0x96: {  	_ =	strace s2  }
0x97: {  	_ =	strace $0x8FFFFFFF  }
0x98: {  	s19 =	sld [smem:$0x3FDB];
	_ =	sdelay $0x1  }
0x99: {  	s20 =	simm.s32 $_scs_section_size  }
0x9a: {  	s4 =	simm.s32 $_size__tile_overlayer_lowered;
	s5 =	simm.s32 $_tile_overlayer_lowered  }
0x9b: {  	s6 =	simm.s32 $0x1BFF;
	s21 =	sshll.u32 s5, $0x1;
	s3 =	sadd.s32 s20, s19  }
0x9c: {  	s22 =	simm.s32 $0x0;
	s4 =	sshll.u32 s4, $0x1;
	s5 =	sadd.s32 s21, s3  }
0x9d: {  	[timem:s22], [sflag:s6] =	dma.local [hbm:s5], s4  }
0x9e: {  	_ =	swait.ge [sflag:s6], s4  }
0x9f: {  	s4 =	ssub.s32 $0x0, s4;
	[sflag:s6] =	ssyncset.done $0x0  }
0xa0: {  	[sflag:s6] =	ssyncadd.s32 s4;
	_ =	sdelay $0x1  }
0xa1: {  	s23 =	simm.s32 $0x1B8B  }
0xa2: {  	_ =	swait.ge [sflag:s23], $0x1  }
0xa3: {  	[sflag:s23] =	ssyncset.done $0x0  }
0xa4: {  	[sflag:s23] =	ssyncadd.s32 $0xFFFFFFFF  }
0xa5: {  	s4 =	sld [smem:$0x0]  }
0xa6: {  	s5 =	sand.u32 $0xFFFFFFFE, s1  }
0xa7: {  	p0 =	sne.s32 s1, s5  }
0xa8: {  	s5 =	sshll.u32 @p0 s5, $0xE  }
0xa9: {  	s5 =	sadd.s32 @p0 $0x11B8D, s5;
	s6 =	sshll.u32 @p0 s4, $0x11  }
0xaa: {  	s5 =	sor.u32 @p0 s6, s5  }
0xab: {  	[sflag:s5] =	ssyncadd.remote.s32 @p0 $0x1;
	_ =	sdelay $0x1  }
0xac: {  	s5 =	simm.s32 @p0 $0x1B8D  }
0xad: {  	_ =	swait.eq @p0 [sflag:s5], $0x1  }
0xae: {  	[sflag:s5] =	ssyncadd.s32 @p0 $0xFFFFFFFF  }
0xaf: {  	s6 =	sshll.u32 @!p0 s1, $0xE  }
0xb0: {  	s6 =	sor.u32 @!p0 $0x4000, s6;
	s5 =	simm.s32 @!p0 $0x1B8D  }
0xb1: {  	s4 =	sshll.u32 @!p0 s4, $0x11;
	s6 =	sadd.s32 @!p0 $0x11B8D, s6;
	_ =	swait.eq @!p0 [sflag:s5], $0x1  }
0xb2: {  	s4 =	sor.u32 @!p0 s4, s6;
	[sflag:s5] =	ssyncadd.s32 @!p0 $0xFFFFFFFF  }
0xb3: {  	s25 =	simm.s32 $0x1B8E;
	s24 =	sld [smem:$0x3FFE];
	[sflag:s4] =	ssyncadd.remote.s32 @!p0 $0x1  }
0xb4: {  	s26 =	simm.s32 $execute0_lowered;
	[smem:$0x3FD2] =	sst s25  }
0xb5: {  	s5 =	sshll.u32 s26, $0x1;
	_ =	strace $0x8000004C;
	[dreg:$0x1] =	wrdreg $0xFFFFFFFF  }
0xb6: {  	s28 =	simm.s32 $_size_execute0_lowered;
	s3 =	sadd.s32 s3, s5;
	[dreg:$0x0] =	wrdreg $0x0  }
0xb7: {  	s5 =	sshll.u32 s28, $0x1;
	[dreg:$0x2] =	wrdreg s3  }
0xb8: {  	[dreg:$0x3] =	wrdreg s5  }
0xb9: {  	[dreg:$0x4] =	wrdreg $0xC0  }
0xba: {  	_ =	task [dreg:s22], $0x5FFFF  }
0xbb: {  	[dreg:$0x1] =	wrdreg $0xFFFFFFFF  }
0xbc: {  	[dreg:$0x0] =	wrdreg $0x60  }
0xbd: {  	[dreg:$0x2] =	wrdreg s24  }
0xbe: {  	[dreg:$0x3] =	wrdreg $0x52000  }
0xbf: {  	[dreg:$0x4] =	wrdreg $0xA  }
0xc0: {  	_ =	task.clear_ibuf [dreg:s22], $0x5FFFF;
	_ =	strace $0x9000004C  }
0xc1: {  	s29 =	simm.s32 $0xA;
	_ =	strace $0x8000004E  }
0xc2: {  	_ =	swait.ge [sflag:s29], $0x1  }
0xc3: {  	[sflag:s29] =	ssyncadd.s32 $0xFFFFFFFF  }
0xc4: {  	_ =	strace $0x9000004E  }
0xc5: {  	_ =	sfence  }
0xc6: {  	s30 =	sld [smem:$0x0];
	_ =	sdelay $0x2  }
0xc7: {  	s31 =	sshll.u32 s1, $0xD;
	s1 =	sshrl.u32 s1, $0x2  }
0xc8: {  	s4 =	sand.u32 $0x4000, s31;
	s1 =	sadd.s32 s1, s30  }
0xc9: {  	s0 =	sor.u32 s4, s0;
	s1 =	sshll.u32 s1, $0x11  }
0xca: {  	s0 =	sor.u32 s1, s0  }
0xcb: {  	s0 =	sadd.s32 $0x8F2B, s0  }
0xcc: {  	[sflag:s0] =	ssyncadd.remote.s32 $0x1  }
0xcd: {  	_ =	sfence.sel $0xFFFF  }
0xce: {  	[dreg:$0x0] =	wrdreg $0xFFFFFFFF;
	(pc) =	sbr.abs _section_cstart, $3  }
0xcf: {  	[dreg:$0x1] =	wrdreg $0xFFFFFFFF  }
0xd0: {  	_ =	task.clear_ibuf [dreg:s22], $0x2FFFF;
	_ =	strace $0x9FFFFFFF  }
0xd1: {  	(tm) =	ssettm $0x7FFFFFFF  }
tec
execute0_lowered:
.L_overlay_start_1:
0x0: {  	(tag) =	ssettag $0x1  }
0x1: {  	s1 =	srdreg.scid;
	s5 =	rddreg [dreg:$0x0]  }
0x2: {  	s0 =	stileid.u32;
	s2 =	rddreg [dreg:$0x1]  }
0x3: {  	s3 =	simm.s32 $0x0;
	s13 =	simm.s32 $0x100;
	s14 =	simm.s32 $0x80  }
0x4: {  	s15 =	simm.s32 $0x200;
	s16 =	simm.s32 $0x2A00;
	s17 =	simm.s32 $0x1  }
0x5: {  	s18 =	simm.s32 $0x2;
	s19 =	simm.s32 $0x180;
	s4 =	smul.u32 $0x2800, s0  }
0x6: {  	s6 =	sand.u32 $0x1, s1;
	s1 =	rddreg [dreg:$0x2];
	s30 =	smul.u32 $0xC800, s0  }
0x7: {  	s20 =	simm.s32 $0x0;
	[smem:$0x7FF] =	sst s3;
	s7 =	smul.u32 $0x1400, s6  }
0x8: {  	s31 =	sshll.u32 s0, $0x6;
	s8 =	smul.u32 $0xC8000, s6;
	s6 =	ssub.s32 $0x2, s6  }
0x9: {  	_ =	strace $0x8000004D;
	s9 =	sshrl.u32 s30, $0x3;
	s11 =	sshrl.u32 s6, $0x1  }
0xa: {  	s12 =	sadd.s32 s30, s2;
	s4 =	sadd.s32 s7, s4;
	s8 =	sadd.s32 s30, s8  }
0xb: {  	s9 =	sadd.s32 s9, s5;
	s11 =	ssub.s32 s6, s11;
	s4 =	sshrl.u32 s4, $0x3  }
0xc: {  	s6 =	sor.u32 $0x1C03, s31;
	s8 =	sshrl.u32 s8, $0x3;
	s10 =	sadd.s32 s4, s5  }
0xd: {  	s4 =	sadd.s32 $0x4E200, s5;
	s8 =	sadd.s32 s8, s5;
	s5 =	sadd.s32 $0x67200, s9  }
0xe: {  	s7 =	sadd.s32 $0x80200, s8;
	s8 =	smax.u32 s11, $0x1;
	s9 =	sadd.s32 $0xAA00, s10  }
0xf: {  	s10 =	sadd.s32 $0x21200, s10;
	s11 =	sshrl.u32 s12, $0x3;
	s12 =	simm.s32 $0x3  }
.LBB2_1:
0x10: {  	[spmem:s11], [sflag:s6] =	dma.local [hbm:s5], $0x1900  }
0x11: {  	_ =	swait.ge [sflag:s12], $0x1900  }
0x12: {  	[sflag:s12] =	ssyncset.done $0x0  }
0x13: {  	[sflag:s12] =	ssyncadd.s32 $0xFFFFE700  }
0x14: {  	s21 =	sadd.s32 $0x0, s10;
	[bflag:$0x0] =	sbarrier.arrive $0xFFFF  }
0x15: {  	[tilespmem:s3], [sflag:$0x3] =	stream.linear.gather [hbm4b:s21+s3], $0x100, $0x38;
	[tilespmem:$0x11A00] =	vst v63  }
0x16: {  	_ =	swait.ge [sflag:s12], $0x100  }
0x17: {  	[sflag:s12] =	ssyncset.done $0x0  }
0x18: {  	s31 =	sadd.s32 $0x0, s9;
	[sflag:s12] =	ssyncadd.s32 $0xFFFFFF00  }
0x19: {  	[tilespmem:s13], [sflag:$0x3] =	stream.linear.gather [hbm4b:s31+s3], $0x100, $0x38;
	[tilespmem:$0x11A00] =	vst v63  }
0x1a: {  	_ =	swait.ge [sflag:s12], $0x100  }
0x1b: {  	[sflag:s12] =	ssyncset.done $0x0  }
0x1c: {  	[sflag:s12] =	ssyncadd.s32 $0xFFFFFF00  }
0x1d: {  	[tilespmem:s15], [sflag:$0x1] =	stream.indirect.gather [hbm4b:s4+s14], $0x50, s3, s14, $0xb8;
	[tilespmem:$0x11A00] =	vst v63  }
0x1e: {  	_ = 	snop  }
0x1f: {  	[tilespmem:s16], [sflag:$0x2] =	stream.indirect.gather [hbm4b:s4+s14], $0x50, s14, s14, $0xb8;
	[tilespmem:$0x11A00] =	vst v63  }
0x20: {  	_ =	swait.ge [sflag:s17], $0x2800  }
0x21: {  	[sflag:s17] =	ssyncset.done $0x0  }
0x22: {  	[sflag:s17] =	ssyncadd.s32 $0xFFFFD800  }
0x23: {  	[spmem:s2] =	stream.indirect.scatter.add.f32 [tilespmem:s15], [sflag:$0x3], $0x50, s13, s14, $0xb8;
	[tilespmem:$0x11A00] =	vst v63  }
0x24: {  	_ =	swait.ge [sflag:s12], $0x2800  }
0x25: {  	[sflag:s12] =	ssyncset.done $0x0  }
0x26: {  	[sflag:s12] =	ssyncadd.s32 $0xFFFFD800  }
0x27: {  	_ =	swait.ge [sflag:s18], $0x2800  }
0x28: {  	[sflag:s18] =	ssyncset.done $0x0  }
0x29: {  	[sflag:s18] =	ssyncadd.s32 $0xFFFFD800  }
0x2a: {  	[spmem:s2] =	stream.indirect.scatter.add.f32 [tilespmem:s16], [sflag:$0x3], $0x50, s19, s14, $0xb8;
	[tilespmem:$0x11A00] =	vst v63  }
0x2b: {  	_ =	swait.ge [sflag:s12], $0x2800  }
0x2c: {  	s22 =	simm.s32 $0x40;
	s21 =	simm.s32 $0x20;
	[sflag:s12] =	ssyncset.done $0x0  }
.LBB2_2:
0x2d: {  	s23 =	sadd.s32 s21, s10  }
0x2e: {  	[sflag:s12] =	ssyncadd.s32 $0xFFFFD800;
	s24 =	smov.u32 s22;
	s25 =	sadd.s32 $0x20, s22  }
0x2f: {  	[tilespmem:s3], [sflag:$0x3] =	stream.linear.gather [hbm4b:s23+s3], $0x100, $0x38;
	[tilespmem:$0x11A00] =	vst v63  }
0x30: {  	p0 =	sne.s32 s22, $0x260;
	_ =	swait.ge [sflag:s12], $0x100  }
0x31: {  	[sflag:s12] =	ssyncset.done $0x0  }
0x32: {  	s22 =	sadd.s32 s21, s9;
	s21 =	smov.u32 s24;
	[sflag:s12] =	ssyncadd.s32 $0xFFFFFF00  }
0x33: {  	[tilespmem:s13], [sflag:$0x3] =	stream.linear.gather [hbm4b:s22+s3], $0x100, $0x38;
	[tilespmem:$0x11A00] =	vst v63  }
0x34: {  	_ =	swait.ge [sflag:s12], $0x100  }
0x35: {  	[sflag:s12] =	ssyncset.done $0x0  }
0x36: {  	[sflag:s12] =	ssyncadd.s32 $0xFFFFFF00  }
0x37: {  	[tilespmem:s15], [sflag:$0x1] =	stream.indirect.gather [hbm4b:s4+s14], $0x50, s3, s14, $0xb8;
	[tilespmem:$0x11A00] =	vst v63  }
0x38: {  	_ = 	snop  }
0x39: {  	[tilespmem:s16], [sflag:$0x2] =	stream.indirect.gather [hbm4b:s4+s14], $0x50, s14, s14, $0xb8;
	[tilespmem:$0x11A00] =	vst v63  }
0x3a: {  	_ =	swait.ge [sflag:s17], $0x2800  }
0x3b: {  	[sflag:s17] =	ssyncset.done $0x0  }
0x3c: {  	[sflag:s17] =	ssyncadd.s32 $0xFFFFD800  }
0x3d: {  	[spmem:s2] =	stream.indirect.scatter.add.f32 [tilespmem:s15], [sflag:$0x3], $0x50, s13, s14, $0xb8;
	[tilespmem:$0x11A00] =	vst v63  }
0x3e: {  	_ =	swait.ge [sflag:s12], $0x2800  }
0x3f: {  	[sflag:s12] =	ssyncset.done $0x0  }
0x40: {  	[sflag:s12] =	ssyncadd.s32 $0xFFFFD800  }
0x41: {  	_ =	swait.ge [sflag:s18], $0x2800  }
.Ltmp0:
0x42: {  	[sflag:s18] =	ssyncset.done $0x0;
	(pc) =	sbr.rel @p0 .LBB2_2-.Ltmp0, $4  }
0x43: {  	[sflag:s18] =	ssyncadd.s32 $0xFFFFD800  }
0x44: {  	[spmem:s2] =	stream.indirect.scatter.add.f32 [tilespmem:s16], [sflag:$0x3], $0x50, s19, s14, $0xb8;
	[tilespmem:$0x11A00] =	vst v63  }
0x45: {  	_ =	swait.ge [sflag:s12], $0x2800  }
0x46: {  	s22 =	smov.u32 s25;
	[sflag:s12] =	ssyncset.done $0x0  }
0x47: {  	s22 =	sadd.s32 s21, s10;
	[sflag:s12] =	ssyncadd.s32 $0xFFFFD800  }
0x48: {  	[tilespmem:s3], [sflag:$0x3] =	stream.linear.gather [hbm4b:s22+s3], $0x100, $0x38;
	[tilespmem:$0x11A00] =	vst v63  }
0x49: {  	_ =	swait.ge [sflag:s12], $0x100  }
0x4a: {  	[sflag:s12] =	ssyncset.done $0x0  }
0x4b: {  	s31 =	sadd.s32 s21, s9;
	[sflag:s12] =	ssyncadd.s32 $0xFFFFFF00  }
0x4c: {  	[tilespmem:s13], [sflag:$0x3] =	stream.linear.gather [hbm4b:s31+s3], $0x100, $0x38;
	[tilespmem:$0x11A00] =	vst v63  }
0x4d: {  	_ =	swait.ge [sflag:s12], $0x100  }
0x4e: {  	[sflag:s12] =	ssyncset.done $0x0  }
0x4f: {  	[sflag:s12] =	ssyncadd.s32 $0xFFFFFF00  }
0x50: {  	[tilespmem:s15], [sflag:$0x1] =	stream.indirect.gather [hbm4b:s4+s14], $0x50, s3, s14, $0xb8;
	[tilespmem:$0x11A00] =	vst v63  }
0x51: {  	_ = 	snop  }
0x52: {  	[tilespmem:s16], [sflag:$0x2] =	stream.indirect.gather [hbm4b:s4+s14], $0x50, s14, s14, $0xb8;
	[tilespmem:$0x11A00] =	vst v63  }
0x53: {  	_ =	swait.ge [sflag:s17], $0x2800  }
0x54: {  	[sflag:s17] =	ssyncset.done $0x0  }
0x55: {  	[sflag:s17] =	ssyncadd.s32 $0xFFFFD800  }
0x56: {  	[spmem:s2] =	stream.indirect.scatter.add.f32 [tilespmem:s15], [sflag:$0x3], $0x50, s13, s14, $0xb8;
	[tilespmem:$0x11A00] =	vst v63  }
0x57: {  	_ =	swait.ge [sflag:s12], $0x2800  }
0x58: {  	[sflag:s12] =	ssyncset.done $0x0  }
0x59: {  	[sflag:s12] =	ssyncadd.s32 $0xFFFFD800  }
0x5a: {  	_ =	swait.ge [sflag:s18], $0x2800  }
0x5b: {  	[sflag:s18] =	ssyncset.done $0x0  }
0x5c: {  	[sflag:s18] =	ssyncadd.s32 $0xFFFFD800  }
0x5d: {  	[spmem:s2] =	stream.indirect.scatter.add.f32 [tilespmem:s16], [sflag:$0x3], $0x50, s19, s14, $0xb8;
	[tilespmem:$0x11A00] =	vst v63  }
0x5e: {  	_ =	swait.ge [sflag:s12], $0x2800  }
0x5f: {  	s20 =	sadd.s32 $0x1, s20;
	[sflag:s12] =	ssyncset.done $0x0  }
0x60: {  	p0 =	sne.s32 s20, s8;
	[sflag:s12] =	ssyncadd.s32 $0xFFFFD800  }
.Ltmp1:
0x61: {  	[bflag:$0x0] =	sbarrier.arrive $0xFFFF;
	(pc) =	sbr.rel @p0 .LBB2_1-.Ltmp1, $4  }
0x62: {  	[hbm:s7], [sflag:s6] =	dma.local [spmem:s11], $0x1900  }
0x63: {  	_ =	swait.ge [sflag:s12], $0x1900  }
0x64: {  	[sflag:s12] =	ssyncset.done $0x0  }
0x65: {  	[sflag:s12] =	ssyncadd.s32 $0xFFFFE700  }
0x66: {  	_ =	sfence.sel $0x180000  }
0x67: {  	[bflag:$0x0] =	sbarrier.arrive $0xFFFF  }
0x68: {  	p0 =	sne.s32 s0, $0x0;
	_ =	strace $0x9000004D  }
0x69: {  	s0 =	sadd.s32 @!p0 $0x100000, s1;
	[bflag:$0x2] =	sbarrier.arrive $0xFFFF  }
0x6a: {  	[sflag:s0] =	ssyncadd.tile.s32 @!p0 $0x1;
	_ =	shalt  }
.Lfunc_end2:
_tile_overlayer_lowered:
.L_overlay_start_2:
0x6b: {  	(tag) =	ssettag $0x2  }
0x6c: {  	s0 =	rddreg [dreg:$0x0];
	s2 =	stileid.u32  }
0x6d: {  	s1 =	rddreg [dreg:$0x1];
	p0 =	sne.s32 s2, $0x0  }
0x6e: {  	s3 =	rddreg [dreg:$0x2];
	[bflag:$0x3] =	sbarrier.arrive $0xFFFF;
	s2 =	simm.s32 @!p0 $0x1C03  }
0x6f: {  	[timem:s3], [sflag:s2] =	dma.local @!p0 [hbm:s0], s1  }
0x70: {  	s0 =	simm.s32 @!p0 $0x3  }
0x71: {  	_ =	swait.ge @!p0 [sflag:s0], s1  }
0x72: {  	s1 =	ssub.s32 @!p0 $0x0, s1;
	[sflag:s0] =	ssyncset.done @!p0 $0x0  }
0x73: {  	[sflag:s0] =	ssyncadd.s32 @!p0 s1  }
0x74: {  	[bflag:$0x3] =	sbarrier.arrive $0xFFFF  }
0x75: {  	_ =	shalt  }

// kernel: kernel.44.cloned.1.call-start
scs
__scs_entry_jumppad:
0x0: {  	(pc) =	sbr.rel $0x88, $3  }
0x1: {  	(tag) =	ssettag $0x0;
	lr =	simm.s32 $0x1  }
0x2: {  	[smem:$0x3F82] =	sst lr;
	_ =	strace $0xD0000000  }
0x3: {  	_ = 	snop  }
0x4: {  	_ = 	snop  }
0x5: {  	_ = 	snop  }
0x6: {  	_ = 	snop  }
0x7: {  	_ = 	snop  }
__scs_overlays_trampoline_lowered:
0x8: {  	[smem:$0x3F91] =	sst s0  }
0x9: {  	[smem:$0x3F92] =	sst s1  }
0xa: {  	[smem:$0x3F93] =	sst s2  }
0xb: {  	[smem:$0x3F94] =	sst s3  }
0xc: {  	[smem:$0x3F95] =	sst s4  }
0xd: {  	[smem:$0x3F96] =	sst s5  }
0xe: {  	[smem:$0x3F97] =	sst s6  }
0xf: {  	[smem:$0x3F98] =	sst s7  }
0x10: {  	[smem:$0x3F99] =	sst s8  }
0x11: {  	[smem:$0x3F9A] =	sst s9;
	s0 =	simm.s32 @!p0 $0x0  }
0x12: {  	s1 =	sld [smem:$0x3F80];
	s0 =	simm.s32 @p0 $0x1  }
0x13: {  	[smem:$0x3F9B] =	sst s0;
	s0 =	simm.s32 @!p1 $0x0  }
0x14: {  	s2 =	sld [smem:$0x3F7F];
	s0 =	simm.s32 @p1 $0x1  }
0x15: {  	[smem:$0x3F9C] =	sst s0;
	s0 =	simm.s32 @!p2 $0x0  }
0x16: {  	s3 =	sld [smem:$0x3FDB];
	s0 =	simm.s32 @p2 $0x1  }
0x17: {  	s4 =	simm.s32 $0x1BF5;
	[smem:$0x3F9E] =	sst s0  }
0x18: {  	s0 =	sld [smem:$0x3F81];
	_ =	swait.ge [sflag:s4], $0x0  }
0x19: {  	s7 =	sld [smem:$0x3F82]  }
0x1a: {  	s8 =	sadd.s32 $0xFFFFE003, lr  }
0x1b: {  	s9 =	sadd.s32 $0xFFFFFEF7, lr;
	s5 =	simm.s32 $0xFFFFFFFF;
	p2 =	slt.u32 s8, $0xFFFFF086  }
0x1c: {  	p1 =	slt.u32 s9, $0xF7A;
	s5 =	simm.s32 @!p2 $0x0  }
0x1d: {  	s5 =	simm.s32 @p1 $0x1;
	p0 =	seq.s32 s7, s2  }
0x1e: {  	s7 =	smul.u32 @!p0 $0xF7A, s2;
	p2 =	seq.s32 @!p0 s5, $0x0  }
0x1f: {  	s9 =	smul.u32 $0xF7A, s1;
	s8 =	simm.s32 @!p0 $0x1BF5;
	p2 =	por !p2, p0  }
0x20: {  	[sflag:s8] =	ssyncset.s32 @!p0 $0xFFFFF086;
	s6 =	sadd.s32 @!p0 s3, s7;
	s7 =	simm.s32 @!p0 $0x108  }
0x21: {  	s3 =	sadd.s32 s3, s9;
	s6 =	sadd.s32 @!p0 $0x88, s6;
	s7 =	simm.s32 @p2 $0x1082  }
0x22: {  	[simem:s7], [sflag:s8] =	dma.local @!p0 [hbm:s6], $0xF7A  }
0x23: {  	s9 =	sor.u32 $0xD0000000, s2;
	s6 =	simm.s32 $0x108;
	_ =	swait.ge @!p0 [sflag:s8], $0x0  }
0x24: {  	s3 =	sadd.s32 $0x88, s3;
	s6 =	simm.s32 @!p1 $0x1082;
	[sflag:s4] =	ssyncset.s32 $0xFFFFF086  }
0x25: {  	[simem:s6], [sflag:s4] =	dma.local [hbm:s3], $0xF7A  }
0x26: {  	[smem:$0x3F82] =	sst s1;
	(tag) =	ssettag s2;
	_ =	strace s9  }
0x27: {  	s1 =	sld [smem:$0x3F92]  }
0x28: {  	s2 =	sld [smem:$0x3F93]  }
0x29: {  	s4 =	sld [smem:$0x3F95]  }
0x2a: {  	p0 =	seq.s32 s5, $0x0;
	s5 =	sld [smem:$0x3F96]  }
0x2b: {  	s6 =	sld [smem:$0x3F97]  }
0x2c: {  	s7 =	sld [smem:$0x3F98]  }
0x2d: {  	s3 =	simm.s32 $0x108;
	s8 =	sld [smem:$0x3F99]  }
0x2e: {  	s3 =	simm.s32 @!p0 $0x1082;
	s9 =	sld [smem:$0x3F9A]  }
0x2f: {  	lr =	sadd.s32 s0, s3;
	s0 =	sld [smem:$0x3F91]  }
0x30: {  	s3 =	sld [smem:$0x3F94]  }
0x31: {  	[smem:$0x3F9D] =	sst s10  }
0x32: {  	s10 =	sld [smem:$0x3F9B];
	_ =	sdelay $0x3  }
0x33: {  	p0 =	seq.s32 s10, $0x1;
	s10 =	sld [smem:$0x3F9D];
	_ =	sdelay $0x3  }
0x34: {  	[smem:$0x3F9D] =	sst s10  }
0x35: {  	s10 =	sld [smem:$0x3F9C];
	_ =	sdelay $0x3  }
0x36: {  	p1 =	seq.s32 s10, $0x1;
	s10 =	sld [smem:$0x3F9D];
	_ =	sdelay $0x3  }
0x37: {  	[smem:$0x3F9D] =	sst s10  }
0x38: {  	s10 =	sld [smem:$0x3F9E]  }
0x39: {  	_ = 	snop;
	(pc) =	sbr.ind lr, $3  }
0x3a: {  	_ = 	snop  }
0x3b: {  	_ = 	snop  }
0x3c: {  	p2 =	seq.s32 s10, $0x1;
	s10 =	sld [smem:$0x3F9D]  }
0x3d: {  	_ =	shalt  }
0x3e: {  	_ =	shalt  }
0x3f: {  	_ =	shalt  }
0x40: {  	_ =	shalt  }
0x41: {  	_ =	shalt  }
0x42: {  	_ =	shalt  }
0x43: {  	_ =	shalt  }
0x44: {  	_ =	shalt  }
0x45: {  	_ =	shalt  }
0x46: {  	_ =	shalt  }
0x47: {  	_ =	shalt  }
0x48: {  	_ =	shalt  }
0x49: {  	_ =	shalt  }
0x4a: {  	_ =	shalt  }
0x4b: {  	_ =	shalt  }
0x4c: {  	_ =	shalt  }
0x4d: {  	_ =	shalt  }
0x4e: {  	_ =	shalt  }
0x4f: {  	_ =	shalt  }
0x50: {  	_ =	shalt  }
0x51: {  	_ =	shalt  }
0x52: {  	_ =	shalt  }
0x53: {  	_ =	shalt  }
0x54: {  	_ =	shalt  }
0x55: {  	_ =	shalt  }
0x56: {  	_ =	shalt  }
0x57: {  	_ =	shalt  }
0x58: {  	_ =	shalt  }
0x59: {  	_ =	shalt  }
0x5a: {  	_ =	shalt  }
0x5b: {  	_ =	shalt  }
0x5c: {  	_ =	shalt  }
0x5d: {  	_ =	shalt  }
0x5e: {  	_ =	shalt  }
0x5f: {  	_ =	shalt  }
0x60: {  	_ =	shalt  }
0x61: {  	_ =	shalt  }
0x62: {  	_ =	shalt  }
0x63: {  	_ =	shalt  }
0x64: {  	_ =	shalt  }
0x65: {  	_ =	shalt  }
0x66: {  	_ =	shalt  }
0x67: {  	_ =	shalt  }
0x68: {  	_ =	shalt  }
0x69: {  	_ =	shalt  }
0x6a: {  	_ =	shalt  }
0x6b: {  	_ =	shalt  }
0x6c: {  	_ =	shalt  }
0x6d: {  	_ =	shalt  }
0x6e: {  	_ =	shalt  }
0x6f: {  	_ =	shalt  }
0x70: {  	_ =	shalt  }
0x71: {  	_ =	shalt  }
0x72: {  	_ =	shalt  }
0x73: {  	_ =	shalt  }
0x74: {  	_ =	shalt  }
0x75: {  	_ =	shalt  }
0x76: {  	_ =	shalt  }
0x77: {  	_ =	shalt  }
0x78: {  	_ =	shalt  }
0x79: {  	_ =	shalt  }
0x7a: {  	_ =	shalt  }
0x7b: {  	_ =	shalt  }
0x7c: {  	_ =	shalt  }
0x7d: {  	_ =	shalt  }
0x7e: {  	_ =	shalt  }
0x7f: {  	_ =	shalt  }
0x80: {  	_ =	shalt  }
0x81: {  	_ =	shalt  }
0x82: {  	_ =	shalt  }
0x83: {  	_ =	shalt  }
0x84: {  	_ =	shalt  }
0x85: {  	_ =	shalt  }
0x86: {  	_ =	shalt  }
0x87: {  	_ =	shalt  }
.Lfunc_end0:
.L_simem_size_0:
called_computation.7_lowered:
.L_overlay_start_0:
0x88: {  	s2 =	sld [smem:$0x3FD9]  }
0x89: {  	s3 =	sld [smem:$0x3FFE];
	_ =	sdelay $0x1  }
0x8a: {  	s1 =	srdreg.scid  }
0x8b: {  	s0 =	sand.u32 $0x1, s1  }
0x8c: {  	s17 =	sshll.u32 s0, $0xA;
	s2 =	sadd.s32 s3, s2  }
0x8d: {  	s2 =	sadd.s32 s2, s17  }
0x8e: {  	[smem:$0x3FA9] =	sst s2  }
0x8f: {  	_ = 	snop  }
0x90: {  	(tm) =	ssettm $0x1  }
0x91: {  	s18 =	sld [smem:$0x3FFB];
	_ =	sdelay $0x3  }
0x92: {  	_ =	strace s18  }
0x93: {  	s2 =	sld [smem:$0x3FFC];
	_ =	sdelay $0x3  }
0x94: {  	_ =	strace s2  }
0x95: {  	s2 =	sld [smem:$0x3FFD];
	_ =	sdelay $0x3  }
0x96: {  	_ =	strace s2  }
0x97: {  	_ =	strace $0x8FFFFFFF  }
0x98: {  	s19 =	sld [smem:$0x3FDB];
	_ =	sdelay $0x1  }
0x99: {  	s20 =	simm.s32 $_scs_section_size  }
0x9a: {  	s4 =	simm.s32 $_size__tile_overlayer_lowered;
	s5 =	simm.s32 $_tile_overlayer_lowered  }
0x9b: {  	s6 =	simm.s32 $0x1BFF;
	s21 =	sshll.u32 s5, $0x1;
	s3 =	sadd.s32 s20, s19  }
0x9c: {  	s22 =	simm.s32 $0x0;
	s4 =	sshll.u32 s4, $0x1;
	s5 =	sadd.s32 s21, s3  }
0x9d: {  	[timem:s22], [sflag:s6] =	dma.local [hbm:s5], s4  }
0x9e: {  	_ =	swait.ge [sflag:s6], s4  }
0x9f: {  	s4 =	ssub.s32 $0x0, s4;
	[sflag:s6] =	ssyncset.done $0x0  }
0xa0: {  	[sflag:s6] =	ssyncadd.s32 s4;
	_ =	sdelay $0x1  }
0xa1: {  	s23 =	simm.s32 $0x1B8B  }
0xa2: {  	_ =	swait.ge [sflag:s23], $0x1  }
0xa3: {  	[sflag:s23] =	ssyncset.done $0x0  }
0xa4: {  	[sflag:s23] =	ssyncadd.s32 $0xFFFFFFFF  }
0xa5: {  	s4 =	sld [smem:$0x0]  }
0xa6: {  	s5 =	sand.u32 $0xFFFFFFFE, s1  }
0xa7: {  	p0 =	sne.s32 s1, s5  }
0xa8: {  	s5 =	sshll.u32 @p0 s5, $0xE  }
0xa9: {  	s5 =	sadd.s32 @p0 $0x11B8D, s5;
	s6 =	sshll.u32 @p0 s4, $0x11  }
0xaa: {  	s5 =	sor.u32 @p0 s6, s5  }
0xab: {  	[sflag:s5] =	ssyncadd.remote.s32 @p0 $0x1;
	_ =	sdelay $0x1  }
0xac: {  	s5 =	simm.s32 @p0 $0x1B8D  }
0xad: {  	_ =	swait.eq @p0 [sflag:s5], $0x1  }
0xae: {  	[sflag:s5] =	ssyncadd.s32 @p0 $0xFFFFFFFF  }
0xaf: {  	s6 =	sshll.u32 @!p0 s1, $0xE  }
0xb0: {  	s6 =	sor.u32 @!p0 $0x4000, s6;
	s5 =	simm.s32 @!p0 $0x1B8D  }
0xb1: {  	s4 =	sshll.u32 @!p0 s4, $0x11;
	s6 =	sadd.s32 @!p0 $0x11B8D, s6;
	_ =	swait.eq @!p0 [sflag:s5], $0x1  }
0xb2: {  	s4 =	sor.u32 @!p0 s4, s6;
	[sflag:s5] =	ssyncadd.s32 @!p0 $0xFFFFFFFF  }
0xb3: {  	s25 =	simm.s32 $0x1B8E;
	s24 =	sld [smem:$0x3FFE];
	[sflag:s4] =	ssyncadd.remote.s32 @!p0 $0x1  }
0xb4: {  	s26 =	simm.s32 $execute0_lowered;
	[smem:$0x3FD2] =	sst s25  }
0xb5: {  	s5 =	sshll.u32 s26, $0x1;
	_ =	strace $0x80000052;
	[dreg:$0x1] =	wrdreg $0xFFFFFFFF  }
0xb6: {  	s28 =	simm.s32 $_size_execute0_lowered;
	s3 =	sadd.s32 s3, s5;
	[dreg:$0x0] =	wrdreg $0x0  }
0xb7: {  	s5 =	sshll.u32 s28, $0x1;
	[dreg:$0x2] =	wrdreg s3  }
0xb8: {  	[dreg:$0x3] =	wrdreg s5  }
0xb9: {  	[dreg:$0x4] =	wrdreg $0xC0  }
0xba: {  	_ =	task [dreg:s22], $0x5FFFF  }
0xbb: {  	[dreg:$0x1] =	wrdreg $0xFFFFFFFF  }
0xbc: {  	[dreg:$0x0] =	wrdreg $0x60  }
0xbd: {  	[dreg:$0x2] =	wrdreg s24  }
0xbe: {  	[dreg:$0x3] =	wrdreg $0x52000  }
0xbf: {  	[dreg:$0x4] =	wrdreg $0xA  }
0xc0: {  	_ =	task.clear_ibuf [dreg:s22], $0x5FFFF;
	_ =	strace $0x90000052  }
0xc1: {  	s29 =	simm.s32 $0xA;
	_ =	strace $0x80000054  }
0xc2: {  	_ =	swait.ge [sflag:s29], $0x1  }
0xc3: {  	[sflag:s29] =	ssyncadd.s32 $0xFFFFFFFF  }
0xc4: {  	_ =	strace $0x90000054  }
0xc5: {  	_ =	sfence  }
0xc6: {  	s30 =	sld [smem:$0x0];
	_ =	sdelay $0x2  }
0xc7: {  	s31 =	sshll.u32 s1, $0xD;
	s1 =	sshrl.u32 s1, $0x2  }
0xc8: {  	s4 =	sand.u32 $0x4000, s31;
	s1 =	sadd.s32 s1, s30  }
0xc9: {  	s0 =	sor.u32 s4, s0;
	s1 =	sshll.u32 s1, $0x11  }
0xca: {  	s0 =	sor.u32 s1, s0  }
0xcb: {  	s0 =	sadd.s32 $0x8F2B, s0  }
0xcc: {  	[sflag:s0] =	ssyncadd.remote.s32 $0x1  }
0xcd: {  	_ =	sfence.sel $0xFFFF  }
0xce: {  	[dreg:$0x0] =	wrdreg $0xFFFFFFFF;
	(pc) =	sbr.abs _section_cstart, $3  }
0xcf: {  	[dreg:$0x1] =	wrdreg $0xFFFFFFFF  }
0xd0: {  	_ =	task.clear_ibuf [dreg:s22], $0x2FFFF;
	_ =	strace $0x9FFFFFFF  }
0xd1: {  	(tm) =	ssettm $0x7FFFFFFF  }
tec
execute0_lowered:
.L_overlay_start_1:
0x0: {  	(tag) =	ssettag $0x1  }
0x1: {  	s1 =	srdreg.scid;
	s5 =	rddreg [dreg:$0x0]  }
0x2: {  	s0 =	stileid.u32;
	s2 =	rddreg [dreg:$0x1]  }
0x3: {  	s3 =	simm.s32 $0x0;
	s13 =	simm.s32 $0x100;
	s14 =	simm.s32 $0x80  }
0x4: {  	s15 =	simm.s32 $0x200;
	s16 =	simm.s32 $0x2A00;
	s17 =	simm.s32 $0x1  }
0x5: {  	s18 =	simm.s32 $0x2;
	s19 =	simm.s32 $0x180;
	s4 =	smul.u32 $0x2800, s0  }
0x6: {  	s6 =	sand.u32 $0x1, s1;
	s1 =	rddreg [dreg:$0x2];
	s30 =	smul.u32 $0xC800, s0  }
0x7: {  	s20 =	simm.s32 $0x0;
	[smem:$0x7FF] =	sst s3;
	s7 =	smul.u32 $0x1400, s6  }
0x8: {  	s31 =	sshll.u32 s0, $0x6;
	s8 =	smul.u32 $0xC8000, s6;
	s6 =	ssub.s32 $0x2, s6  }
0x9: {  	_ =	strace $0x80000053;
	s9 =	sshrl.u32 s30, $0x3;
	s11 =	sshrl.u32 s6, $0x1  }
0xa: {  	s12 =	sadd.s32 s30, s2;
	s4 =	sadd.s32 s7, s4;
	s8 =	sadd.s32 s30, s8  }
0xb: {  	s9 =	sadd.s32 s9, s5;
	s11 =	ssub.s32 s6, s11;
	s4 =	sshrl.u32 s4, $0x3  }
0xc: {  	s6 =	sor.u32 $0x1C03, s31;
	s8 =	sshrl.u32 s8, $0x3;
	s10 =	sadd.s32 s4, s5  }
0xd: {  	s4 =	sadd.s32 $0x4E200, s5;
	s8 =	sadd.s32 s8, s5;
	s5 =	sadd.s32 $0x67200, s9  }
0xe: {  	s7 =	sadd.s32 $0x125200, s8;
	s8 =	smax.u32 s11, $0x1;
	s9 =	sadd.s32 $0xAA00, s10  }
0xf: {  	s10 =	sadd.s32 $0x21200, s10;
	s11 =	sshrl.u32 s12, $0x3;
	s12 =	simm.s32 $0x3  }
.LBB2_1:
0x10: {  	[spmem:s11], [sflag:s6] =	dma.local [hbm:s5], $0x1900  }
0x11: {  	_ =	swait.ge [sflag:s12], $0x1900  }
0x12: {  	[sflag:s12] =	ssyncset.done $0x0  }
0x13: {  	[sflag:s12] =	ssyncadd.s32 $0xFFFFE700  }
0x14: {  	s21 =	sadd.s32 $0x0, s10;
	[bflag:$0x0] =	sbarrier.arrive $0xFFFF  }
0x15: {  	[tilespmem:s3], [sflag:$0x3] =	stream.linear.gather [hbm4b:s21+s3], $0x100, $0x38;
	[tilespmem:$0x11A00] =	vst v63  }
0x16: {  	_ =	swait.ge [sflag:s12], $0x100  }
0x17: {  	[sflag:s12] =	ssyncset.done $0x0  }
0x18: {  	s31 =	sadd.s32 $0x0, s9;
	[sflag:s12] =	ssyncadd.s32 $0xFFFFFF00  }
0x19: {  	[tilespmem:s13], [sflag:$0x3] =	stream.linear.gather [hbm4b:s31+s3], $0x100, $0x38;
	[tilespmem:$0x11A00] =	vst v63  }
0x1a: {  	_ =	swait.ge [sflag:s12], $0x100  }
0x1b: {  	[sflag:s12] =	ssyncset.done $0x0  }
0x1c: {  	[sflag:s12] =	ssyncadd.s32 $0xFFFFFF00  }
0x1d: {  	[tilespmem:s15], [sflag:$0x1] =	stream.indirect.gather [hbm4b:s4+s14], $0x50, s3, s14, $0xb8;
	[tilespmem:$0x11A00] =	vst v63  }
0x1e: {  	_ = 	snop  }
0x1f: {  	[tilespmem:s16], [sflag:$0x2] =	stream.indirect.gather [hbm4b:s4+s14], $0x50, s14, s14, $0xb8;
	[tilespmem:$0x11A00] =	vst v63  }
0x20: {  	_ =	swait.ge [sflag:s17], $0x2800  }
0x21: {  	[sflag:s17] =	ssyncset.done $0x0  }
0x22: {  	[sflag:s17] =	ssyncadd.s32 $0xFFFFD800  }
0x23: {  	[spmem:s2] =	stream.indirect.scatter.add.f32 [tilespmem:s15], [sflag:$0x3], $0x50, s13, s14, $0xb8;
	[tilespmem:$0x11A00] =	vst v63  }
0x24: {  	_ =	swait.ge [sflag:s12], $0x2800  }
0x25: {  	[sflag:s12] =	ssyncset.done $0x0  }
0x26: {  	[sflag:s12] =	ssyncadd.s32 $0xFFFFD800  }
0x27: {  	_ =	swait.ge [sflag:s18], $0x2800  }
0x28: {  	[sflag:s18] =	ssyncset.done $0x0  }
0x29: {  	[sflag:s18] =	ssyncadd.s32 $0xFFFFD800  }
0x2a: {  	[spmem:s2] =	stream.indirect.scatter.add.f32 [tilespmem:s16], [sflag:$0x3], $0x50, s19, s14, $0xb8;
	[tilespmem:$0x11A00] =	vst v63  }
0x2b: {  	_ =	swait.ge [sflag:s12], $0x2800  }
0x2c: {  	s22 =	simm.s32 $0x40;
	s21 =	simm.s32 $0x20;
	[sflag:s12] =	ssyncset.done $0x0  }
.LBB2_2:
0x2d: {  	s23 =	sadd.s32 s21, s10  }
0x2e: {  	[sflag:s12] =	ssyncadd.s32 $0xFFFFD800;
	s24 =	smov.u32 s22;
	s25 =	sadd.s32 $0x20, s22  }
0x2f: {  	[tilespmem:s3], [sflag:$0x3] =	stream.linear.gather [hbm4b:s23+s3], $0x100, $0x38;
	[tilespmem:$0x11A00] =	vst v63  }
0x30: {  	p0 =	sne.s32 s22, $0x260;
	_ =	swait.ge [sflag:s12], $0x100  }
0x31: {  	[sflag:s12] =	ssyncset.done $0x0  }
0x32: {  	s22 =	sadd.s32 s21, s9;
	s21 =	smov.u32 s24;
	[sflag:s12] =	ssyncadd.s32 $0xFFFFFF00  }
0x33: {  	[tilespmem:s13], [sflag:$0x3] =	stream.linear.gather [hbm4b:s22+s3], $0x100, $0x38;
	[tilespmem:$0x11A00] =	vst v63  }
0x34: {  	_ =	swait.ge [sflag:s12], $0x100  }
0x35: {  	[sflag:s12] =	ssyncset.done $0x0  }
0x36: {  	[sflag:s12] =	ssyncadd.s32 $0xFFFFFF00  }
0x37: {  	[tilespmem:s15], [sflag:$0x1] =	stream.indirect.gather [hbm4b:s4+s14], $0x50, s3, s14, $0xb8;
	[tilespmem:$0x11A00] =	vst v63  }
0x38: {  	_ = 	snop  }
0x39: {  	[tilespmem:s16], [sflag:$0x2] =	stream.indirect.gather [hbm4b:s4+s14], $0x50, s14, s14, $0xb8;
	[tilespmem:$0x11A00] =	vst v63  }
0x3a: {  	_ =	swait.ge [sflag:s17], $0x2800  }
0x3b: {  	[sflag:s17] =	ssyncset.done $0x0  }
0x3c: {  	[sflag:s17] =	ssyncadd.s32 $0xFFFFD800  }
0x3d: {  	[spmem:s2] =	stream.indirect.scatter.add.f32 [tilespmem:s15], [sflag:$0x3], $0x50, s13, s14, $0xb8;
	[tilespmem:$0x11A00] =	vst v63  }
0x3e: {  	_ =	swait.ge [sflag:s12], $0x2800  }
0x3f: {  	[sflag:s12] =	ssyncset.done $0x0  }
0x40: {  	[sflag:s12] =	ssyncadd.s32 $0xFFFFD800  }
0x41: {  	_ =	swait.ge [sflag:s18], $0x2800  }
.Ltmp0:
0x42: {  	[sflag:s18] =	ssyncset.done $0x0;
	(pc) =	sbr.rel @p0 .LBB2_2-.Ltmp0, $4  }
0x43: {  	[sflag:s18] =	ssyncadd.s32 $0xFFFFD800  }
0x44: {  	[spmem:s2] =	stream.indirect.scatter.add.f32 [tilespmem:s16], [sflag:$0x3], $0x50, s19, s14, $0xb8;
	[tilespmem:$0x11A00] =	vst v63  }
0x45: {  	_ =	swait.ge [sflag:s12], $0x2800  }
0x46: {  	s22 =	smov.u32 s25;
	[sflag:s12] =	ssyncset.done $0x0  }
0x47: {  	s22 =	sadd.s32 s21, s10;
	[sflag:s12] =	ssyncadd.s32 $0xFFFFD800  }
0x48: {  	[tilespmem:s3], [sflag:$0x3] =	stream.linear.gather [hbm4b:s22+s3], $0x100, $0x38;
	[tilespmem:$0x11A00] =	vst v63  }
0x49: {  	_ =	swait.ge [sflag:s12], $0x100  }
0x4a: {  	[sflag:s12] =	ssyncset.done $0x0  }
0x4b: {  	s31 =	sadd.s32 s21, s9;
	[sflag:s12] =	ssyncadd.s32 $0xFFFFFF00  }
0x4c: {  	[tilespmem:s13], [sflag:$0x3] =	stream.linear.gather [hbm4b:s31+s3], $0x100, $0x38;
	[tilespmem:$0x11A00] =	vst v63  }
0x4d: {  	_ =	swait.ge [sflag:s12], $0x100  }
0x4e: {  	[sflag:s12] =	ssyncset.done $0x0  }
0x4f: {  	[sflag:s12] =	ssyncadd.s32 $0xFFFFFF00  }
0x50: {  	[tilespmem:s15], [sflag:$0x1] =	stream.indirect.gather [hbm4b:s4+s14], $0x50, s3, s14, $0xb8;
	[tilespmem:$0x11A00] =	vst v63  }
0x51: {  	_ = 	snop  }
0x52: {  	[tilespmem:s16], [sflag:$0x2] =	stream.indirect.gather [hbm4b:s4+s14], $0x50, s14, s14, $0xb8;
	[tilespmem:$0x11A00] =	vst v63  }
0x53: {  	_ =	swait.ge [sflag:s17], $0x2800  }
0x54: {  	[sflag:s17] =	ssyncset.done $0x0  }
0x55: {  	[sflag:s17] =	ssyncadd.s32 $0xFFFFD800  }
0x56: {  	[spmem:s2] =	stream.indirect.scatter.add.f32 [tilespmem:s15], [sflag:$0x3], $0x50, s13, s14, $0xb8;
	[tilespmem:$0x11A00] =	vst v63  }
0x57: {  	_ =	swait.ge [sflag:s12], $0x2800  }
0x58: {  	[sflag:s12] =	ssyncset.done $0x0  }
0x59: {  	[sflag:s12] =	ssyncadd.s32 $0xFFFFD800  }
0x5a: {  	_ =	swait.ge [sflag:s18], $0x2800  }
0x5b: {  	[sflag:s18] =	ssyncset.done $0x0  }
0x5c: {  	[sflag:s18] =	ssyncadd.s32 $0xFFFFD800  }
0x5d: {  	[spmem:s2] =	stream.indirect.scatter.add.f32 [tilespmem:s16], [sflag:$0x3], $0x50, s19, s14, $0xb8;
	[tilespmem:$0x11A00] =	vst v63  }
0x5e: {  	_ =	swait.ge [sflag:s12], $0x2800  }
0x5f: {  	s20 =	sadd.s32 $0x1, s20;
	[sflag:s12] =	ssyncset.done $0x0  }
0x60: {  	p0 =	sne.s32 s20, s8;
	[sflag:s12] =	ssyncadd.s32 $0xFFFFD800  }
.Ltmp1:
0x61: {  	[bflag:$0x0] =	sbarrier.arrive $0xFFFF;
	(pc) =	sbr.rel @p0 .LBB2_1-.Ltmp1, $4  }
0x62: {  	[hbm:s7], [sflag:s6] =	dma.local [spmem:s11], $0x1900  }
0x63: {  	_ =	swait.ge [sflag:s12], $0x1900  }
0x64: {  	[sflag:s12] =	ssyncset.done $0x0  }
0x65: {  	[sflag:s12] =	ssyncadd.s32 $0xFFFFE700  }
0x66: {  	_ =	sfence.sel $0x180000  }
0x67: {  	[bflag:$0x0] =	sbarrier.arrive $0xFFFF  }
0x68: {  	p0 =	sne.s32 s0, $0x0;
	_ =	strace $0x90000053  }
0x69: {  	s0 =	sadd.s32 @!p0 $0x100000, s1;
	[bflag:$0x2] =	sbarrier.arrive $0xFFFF  }
0x6a: {  	[sflag:s0] =	ssyncadd.tile.s32 @!p0 $0x1;
	_ =	shalt  }
.Lfunc_end2:
_tile_overlayer_lowered:
.L_overlay_start_2:
0x6b: {  	(tag) =	ssettag $0x2  }
0x6c: {  	s0 =	rddreg [dreg:$0x0];
	s2 =	stileid.u32  }
0x6d: {  	s1 =	rddreg [dreg:$0x1];
	p0 =	sne.s32 s2, $0x0  }
0x6e: {  	s3 =	rddreg [dreg:$0x2];
	[bflag:$0x3] =	sbarrier.arrive $0xFFFF;
	s2 =	simm.s32 @!p0 $0x1C03  }
0x6f: {  	[timem:s3], [sflag:s2] =	dma.local @!p0 [hbm:s0], s1  }
0x70: {  	s0 =	simm.s32 @!p0 $0x3  }
0x71: {  	_ =	swait.ge @!p0 [sflag:s0], s1  }
0x72: {  	s1 =	ssub.s32 @!p0 $0x0, s1;
	[sflag:s0] =	ssyncset.done @!p0 $0x0  }
0x73: {  	[sflag:s0] =	ssyncadd.s32 @!p0 s1  }
0x74: {  	[bflag:$0x3] =	sbarrier.arrive $0xFFFF  }
0x75: {  	_ =	shalt  }

// kernel: kernel.47.cloned.1.call-start
scs
__scs_entry_jumppad:
0x0: {  	(pc) =	sbr.rel $0x88, $3  }
0x1: {  	(tag) =	ssettag $0x0;
	lr =	simm.s32 $0x1  }
0x2: {  	[smem:$0x3F82] =	sst lr;
	_ =	strace $0xD0000000  }
0x3: {  	_ = 	snop  }
0x4: {  	_ = 	snop  }
0x5: {  	_ = 	snop  }
0x6: {  	_ = 	snop  }
0x7: {  	_ = 	snop  }
__scs_overlays_trampoline_lowered:
0x8: {  	[smem:$0x3F91] =	sst s0  }
0x9: {  	[smem:$0x3F92] =	sst s1  }
0xa: {  	[smem:$0x3F93] =	sst s2  }
0xb: {  	[smem:$0x3F94] =	sst s3  }
0xc: {  	[smem:$0x3F95] =	sst s4  }
0xd: {  	[smem:$0x3F96] =	sst s5  }
0xe: {  	[smem:$0x3F97] =	sst s6  }
0xf: {  	[smem:$0x3F98] =	sst s7  }
0x10: {  	[smem:$0x3F99] =	sst s8  }
0x11: {  	[smem:$0x3F9A] =	sst s9;
	s0 =	simm.s32 @!p0 $0x0  }
0x12: {  	s1 =	sld [smem:$0x3F80];
	s0 =	simm.s32 @p0 $0x1  }
0x13: {  	[smem:$0x3F9B] =	sst s0;
	s0 =	simm.s32 @!p1 $0x0  }
0x14: {  	s2 =	sld [smem:$0x3F7F];
	s0 =	simm.s32 @p1 $0x1  }
0x15: {  	[smem:$0x3F9C] =	sst s0;
	s0 =	simm.s32 @!p2 $0x0  }
0x16: {  	s3 =	sld [smem:$0x3FDB];
	s0 =	simm.s32 @p2 $0x1  }
0x17: {  	s4 =	simm.s32 $0x1BF5;
	[smem:$0x3F9E] =	sst s0  }
0x18: {  	s0 =	sld [smem:$0x3F81];
	_ =	swait.ge [sflag:s4], $0x0  }
0x19: {  	s7 =	sld [smem:$0x3F82]  }
0x1a: {  	s8 =	sadd.s32 $0xFFFFE003, lr  }
0x1b: {  	s9 =	sadd.s32 $0xFFFFFEF7, lr;
	s5 =	simm.s32 $0xFFFFFFFF;
	p2 =	slt.u32 s8, $0xFFFFF086  }
0x1c: {  	p1 =	slt.u32 s9, $0xF7A;
	s5 =	simm.s32 @!p2 $0x0  }
0x1d: {  	s5 =	simm.s32 @p1 $0x1;
	p0 =	seq.s32 s7, s2  }
0x1e: {  	s7 =	smul.u32 @!p0 $0xF7A, s2;
	p2 =	seq.s32 @!p0 s5, $0x0  }
0x1f: {  	s9 =	smul.u32 $0xF7A, s1;
	s8 =	simm.s32 @!p0 $0x1BF5;
	p2 =	por !p2, p0  }
0x20: {  	[sflag:s8] =	ssyncset.s32 @!p0 $0xFFFFF086;
	s6 =	sadd.s32 @!p0 s3, s7;
	s7 =	simm.s32 @!p0 $0x108  }
0x21: {  	s3 =	sadd.s32 s3, s9;
	s6 =	sadd.s32 @!p0 $0x88, s6;
	s7 =	simm.s32 @p2 $0x1082  }
0x22: {  	[simem:s7], [sflag:s8] =	dma.local @!p0 [hbm:s6], $0xF7A  }
0x23: {  	s9 =	sor.u32 $0xD0000000, s2;
	s6 =	simm.s32 $0x108;
	_ =	swait.ge @!p0 [sflag:s8], $0x0  }
0x24: {  	s3 =	sadd.s32 $0x88, s3;
	s6 =	simm.s32 @!p1 $0x1082;
	[sflag:s4] =	ssyncset.s32 $0xFFFFF086  }
0x25: {  	[simem:s6], [sflag:s4] =	dma.local [hbm:s3], $0xF7A  }
0x26: {  	[smem:$0x3F82] =	sst s1;
	(tag) =	ssettag s2;
	_ =	strace s9  }
0x27: {  	s1 =	sld [smem:$0x3F92]  }
0x28: {  	s2 =	sld [smem:$0x3F93]  }
0x29: {  	s4 =	sld [smem:$0x3F95]  }
0x2a: {  	p0 =	seq.s32 s5, $0x0;
	s5 =	sld [smem:$0x3F96]  }
0x2b: {  	s6 =	sld [smem:$0x3F97]  }
0x2c: {  	s7 =	sld [smem:$0x3F98]  }
0x2d: {  	s3 =	simm.s32 $0x108;
	s8 =	sld [smem:$0x3F99]  }
0x2e: {  	s3 =	simm.s32 @!p0 $0x1082;
	s9 =	sld [smem:$0x3F9A]  }
0x2f: {  	lr =	sadd.s32 s0, s3;
	s0 =	sld [smem:$0x3F91]  }
0x30: {  	s3 =	sld [smem:$0x3F94]  }
0x31: {  	[smem:$0x3F9D] =	sst s10  }
0x32: {  	s10 =	sld [smem:$0x3F9B];
	_ =	sdelay $0x3  }
0x33: {  	p0 =	seq.s32 s10, $0x1;
	s10 =	sld [smem:$0x3F9D];
	_ =	sdelay $0x3  }
0x34: {  	[smem:$0x3F9D] =	sst s10  }
0x35: {  	s10 =	sld [smem:$0x3F9C];
	_ =	sdelay $0x3  }
0x36: {  	p1 =	seq.s32 s10, $0x1;
	s10 =	sld [smem:$0x3F9D];
	_ =	sdelay $0x3  }
0x37: {  	[smem:$0x3F9D] =	sst s10  }
0x38: {  	s10 =	sld [smem:$0x3F9E]  }
0x39: {  	_ = 	snop;
	(pc) =	sbr.ind lr, $3  }
0x3a: {  	_ = 	snop  }
0x3b: {  	_ = 	snop  }
0x3c: {  	p2 =	seq.s32 s10, $0x1;
	s10 =	sld [smem:$0x3F9D]  }
0x3d: {  	_ =	shalt  }
0x3e: {  	_ =	shalt  }
0x3f: {  	_ =	shalt  }
0x40: {  	_ =	shalt  }
0x41: {  	_ =	shalt  }
0x42: {  	_ =	shalt  }
0x43: {  	_ =	shalt  }
0x44: {  	_ =	shalt  }
0x45: {  	_ =	shalt  }
0x46: {  	_ =	shalt  }
0x47: {  	_ =	shalt  }
0x48: {  	_ =	shalt  }
0x49: {  	_ =	shalt  }
0x4a: {  	_ =	shalt  }
0x4b: {  	_ =	shalt  }
0x4c: {  	_ =	shalt  }
0x4d: {  	_ =	shalt  }
0x4e: {  	_ =	shalt  }
0x4f: {  	_ =	shalt  }
0x50: {  	_ =	shalt  }
0x51: {  	_ =	shalt  }
0x52: {  	_ =	shalt  }
0x53: {  	_ =	shalt  }
0x54: {  	_ =	shalt  }
0x55: {  	_ =	shalt  }
0x56: {  	_ =	shalt  }
0x57: {  	_ =	shalt  }
0x58: {  	_ =	shalt  }
0x59: {  	_ =	shalt  }
0x5a: {  	_ =	shalt  }
0x5b: {  	_ =	shalt  }
0x5c: {  	_ =	shalt  }
0x5d: {  	_ =	shalt  }
0x5e: {  	_ =	shalt  }
0x5f: {  	_ =	shalt  }
0x60: {  	_ =	shalt  }
0x61: {  	_ =	shalt  }
0x62: {  	_ =	shalt  }
0x63: {  	_ =	shalt  }
0x64: {  	_ =	shalt  }
0x65: {  	_ =	shalt  }
0x66: {  	_ =	shalt  }
0x67: {  	_ =	shalt  }
0x68: {  	_ =	shalt  }
0x69: {  	_ =	shalt  }
0x6a: {  	_ =	shalt  }
0x6b: {  	_ =	shalt  }
0x6c: {  	_ =	shalt  }
0x6d: {  	_ =	shalt  }
0x6e: {  	_ =	shalt  }
0x6f: {  	_ =	shalt  }
0x70: {  	_ =	shalt  }
0x71: {  	_ =	shalt  }
0x72: {  	_ =	shalt  }
0x73: {  	_ =	shalt  }
0x74: {  	_ =	shalt  }
0x75: {  	_ =	shalt  }
0x76: {  	_ =	shalt  }
0x77: {  	_ =	shalt  }
0x78: {  	_ =	shalt  }
0x79: {  	_ =	shalt  }
0x7a: {  	_ =	shalt  }
0x7b: {  	_ =	shalt  }
0x7c: {  	_ =	shalt  }
0x7d: {  	_ =	shalt  }
0x7e: {  	_ =	shalt  }
0x7f: {  	_ =	shalt  }
0x80: {  	_ =	shalt  }
0x81: {  	_ =	shalt  }
0x82: {  	_ =	shalt  }
0x83: {  	_ =	shalt  }
0x84: {  	_ =	shalt  }
0x85: {  	_ =	shalt  }
0x86: {  	_ =	shalt  }
0x87: {  	_ =	shalt  }
.Lfunc_end0:
.L_simem_size_0:
called_computation.8_lowered:
.L_overlay_start_0:
0x88: {  	s2 =	sld [smem:$0x3FD9]  }
0x89: {  	s3 =	sld [smem:$0x3FFE];
	_ =	sdelay $0x1  }
0x8a: {  	s1 =	srdreg.scid  }
0x8b: {  	s0 =	sand.u32 $0x1, s1  }
0x8c: {  	s17 =	sshll.u32 s0, $0xA;
	s2 =	sadd.s32 s3, s2  }
0x8d: {  	s2 =	sadd.s32 s2, s17  }
0x8e: {  	[smem:$0x3FA9] =	sst s2  }
0x8f: {  	_ = 	snop  }
0x90: {  	(tm) =	ssettm $0x1  }
0x91: {  	s18 =	sld [smem:$0x3FFB];
	_ =	sdelay $0x3  }
0x92: {  	_ =	strace s18  }
0x93: {  	s2 =	sld [smem:$0x3FFC];
	_ =	sdelay $0x3  }
0x94: {  	_ =	strace s2  }
0x95: {  	s2 =	sld [smem:$0x3FFD];
	_ =	sdelay $0x3  }
0x96: {  	_ =	strace s2  }
0x97: {  	_ =	strace $0x8FFFFFFF  }
0x98: {  	s19 =	sld [smem:$0x3FDB];
	_ =	sdelay $0x1  }
0x99: {  	s20 =	simm.s32 $_scs_section_size  }
0x9a: {  	s4 =	simm.s32 $_size__tile_overlayer_lowered;
	s5 =	simm.s32 $_tile_overlayer_lowered  }
0x9b: {  	s6 =	simm.s32 $0x1BFF;
	s21 =	sshll.u32 s5, $0x1;
	s3 =	sadd.s32 s20, s19  }
0x9c: {  	s22 =	simm.s32 $0x0;
	s4 =	sshll.u32 s4, $0x1;
	s5 =	sadd.s32 s21, s3  }
0x9d: {  	[timem:s22], [sflag:s6] =	dma.local [hbm:s5], s4  }
0x9e: {  	_ =	swait.ge [sflag:s6], s4  }
0x9f: {  	s4 =	ssub.s32 $0x0, s4;
	[sflag:s6] =	ssyncset.done $0x0  }
0xa0: {  	[sflag:s6] =	ssyncadd.s32 s4;
	_ =	sdelay $0x1  }
0xa1: {  	s23 =	simm.s32 $0x1B8B  }
0xa2: {  	_ =	swait.ge [sflag:s23], $0x1  }
0xa3: {  	[sflag:s23] =	ssyncset.done $0x0  }
0xa4: {  	[sflag:s23] =	ssyncadd.s32 $0xFFFFFFFF  }
0xa5: {  	s4 =	sld [smem:$0x0]  }
0xa6: {  	s5 =	sand.u32 $0xFFFFFFFE, s1  }
0xa7: {  	p0 =	sne.s32 s1, s5  }
0xa8: {  	s5 =	sshll.u32 @p0 s5, $0xE  }
0xa9: {  	s5 =	sadd.s32 @p0 $0x11B8D, s5;
	s6 =	sshll.u32 @p0 s4, $0x11  }
0xaa: {  	s5 =	sor.u32 @p0 s6, s5  }
0xab: {  	[sflag:s5] =	ssyncadd.remote.s32 @p0 $0x1;
	_ =	sdelay $0x1  }
0xac: {  	s5 =	simm.s32 @p0 $0x1B8D  }
0xad: {  	_ =	swait.eq @p0 [sflag:s5], $0x1  }
0xae: {  	[sflag:s5] =	ssyncadd.s32 @p0 $0xFFFFFFFF  }
0xaf: {  	s6 =	sshll.u32 @!p0 s1, $0xE  }
0xb0: {  	s6 =	sor.u32 @!p0 $0x4000, s6;
	s5 =	simm.s32 @!p0 $0x1B8D  }
0xb1: {  	s4 =	sshll.u32 @!p0 s4, $0x11;
	s6 =	sadd.s32 @!p0 $0x11B8D, s6;
	_ =	swait.eq @!p0 [sflag:s5], $0x1  }
0xb2: {  	s4 =	sor.u32 @!p0 s4, s6;
	[sflag:s5] =	ssyncadd.s32 @!p0 $0xFFFFFFFF  }
0xb3: {  	s25 =	simm.s32 $0x1B8E;
	s24 =	sld [smem:$0x3FFE];
	[sflag:s4] =	ssyncadd.remote.s32 @!p0 $0x1  }
0xb4: {  	s26 =	simm.s32 $execute0_lowered;
	[smem:$0x3FD2] =	sst s25  }
0xb5: {  	s5 =	sshll.u32 s26, $0x1;
	_ =	strace $0x80000058;
	[dreg:$0x1] =	wrdreg $0xFFFFFFFF  }
0xb6: {  	s28 =	simm.s32 $_size_execute0_lowered;
	s3 =	sadd.s32 s3, s5;
	[dreg:$0x0] =	wrdreg $0x0  }
0xb7: {  	s5 =	sshll.u32 s28, $0x1;
	[dreg:$0x2] =	wrdreg s3  }
0xb8: {  	[dreg:$0x3] =	wrdreg s5  }
0xb9: {  	[dreg:$0x4] =	wrdreg $0xC0  }
0xba: {  	_ =	task [dreg:s22], $0x5FFFF  }
0xbb: {  	[dreg:$0x1] =	wrdreg $0xFFFFFFFF  }
0xbc: {  	[dreg:$0x0] =	wrdreg $0x60  }
0xbd: {  	[dreg:$0x2] =	wrdreg s24  }
0xbe: {  	[dreg:$0x3] =	wrdreg $0x51000  }
0xbf: {  	[dreg:$0x4] =	wrdreg $0xA  }
0xc0: {  	_ =	task.clear_ibuf [dreg:s22], $0x5FFFF;
	_ =	strace $0x90000058  }
0xc1: {  	s29 =	simm.s32 $0xA;
	_ =	strace $0x8000005A  }
0xc2: {  	_ =	swait.ge [sflag:s29], $0x1  }
0xc3: {  	[sflag:s29] =	ssyncadd.s32 $0xFFFFFFFF  }
0xc4: {  	_ =	strace $0x9000005A  }
0xc5: {  	_ =	sfence  }
0xc6: {  	s30 =	sld [smem:$0x0];
	_ =	sdelay $0x2  }
0xc7: {  	s31 =	sshll.u32 s1, $0xD;
	s1 =	sshrl.u32 s1, $0x2  }
0xc8: {  	s4 =	sand.u32 $0x4000, s31;
	s1 =	sadd.s32 s1, s30  }
0xc9: {  	s0 =	sor.u32 s4, s0;
	s1 =	sshll.u32 s1, $0x11  }
0xca: {  	s0 =	sor.u32 s1, s0  }
0xcb: {  	s0 =	sadd.s32 $0x8F2B, s0  }
0xcc: {  	[sflag:s0] =	ssyncadd.remote.s32 $0x1  }
0xcd: {  	_ =	sfence.sel $0xFFFF  }
0xce: {  	[dreg:$0x0] =	wrdreg $0xFFFFFFFF;
	(pc) =	sbr.abs _section_cstart, $3  }
0xcf: {  	[dreg:$0x1] =	wrdreg $0xFFFFFFFF  }
0xd0: {  	_ =	task.clear_ibuf [dreg:s22], $0x2FFFF;
	_ =	strace $0x9FFFFFFF  }
0xd1: {  	(tm) =	ssettm $0x7FFFFFFF  }
tec
execute0_lowered:
.L_overlay_start_1:
0x0: {  	(tag) =	ssettag $0x1  }
0x1: {  	s5 =	rddreg [dreg:$0x0]  }
0x2: {  	s2 =	rddreg [dreg:$0x1]  }
0x3: {  	s0 =	rddreg [dreg:$0x2]  }
0x4: {  	s1 =	stileid.u32;
	s6 =	srdreg.scid  }
0x5: {  	s3 =	simm.s32 $0x0;
	s14 =	simm.s32 $0x100;
	s4 =	smul.u32 $0x500, s1  }
0x6: {  	s15 =	simm.s32 $0x1;
	s16 =	simm.s32 $0x0;
	s7 =	smul.u32 $0x19000, s1  }
0x7: {  	s6 =	sand.u32 $0x1, s6;
	[smem:$0x7FF] =	sst s3;
	s30 =	sshll.u32 s1, $0x6  }
0x8: {  	s8 =	smul.u32 $0x190000, s6;
	_ =	strace $0x80000059;
	s11 =	ssub.s32 $0x2, s6  }
0x9: {  	s29 =	smul.u32 $0x280, s6;
	s6 =	sor.u32 $0x1C02, s30;
	s9 =	sadd.s32 s4, s5  }
0xa: {  	s4 =	sadd.s32 $0x80200, s5;
	s10 =	sshrl.u32 s7, $0x3;
	s12 =	sshrl.u32 s11, $0x1  }
0xb: {  	s13 =	sadd.s32 s7, s2;
	s8 =	sadd.s32 s7, s8;
	s10 =	sadd.s32 s10, s5  }
0xc: {  	s11 =	ssub.s32 s11, s12;
	s31 =	sadd.s32 s29, s9;
	s8 =	sshrl.u32 s8, $0x3  }
0xd: {  	s12 =	simm.s32 $0x2;
	s8 =	sadd.s32 s8, s5;
	s5 =	sadd.s32 $0x11B200, s10  }
0xe: {  	s9 =	sadd.s32 $0xAA00, s31;
	s10 =	sadd.s32 $0x21200, s31;
	s7 =	sadd.s32 $0x1D9200, s8  }
0xf: {  	s8 =	smax.u32 s11, $0x1;
	s11 =	sshrl.u32 s13, $0x3;
	s13 =	simm.s32 $0x80  }
.LBB2_1:
0x10: {  	[spmem:s11], [sflag:s6] =	dma.local [hbm:s5], $0x3200  }
0x11: {  	_ =	swait.ge [sflag:s12], $0x3200  }
0x12: {  	[sflag:s12] =	ssyncset.done $0x0  }
0x13: {  	[sflag:s12] =	ssyncadd.s32 $0xFFFFCE00  }
0x14: {  	s17 =	sadd.s32 $0x0, s10;
	[bflag:$0x0] =	sbarrier.arrive $0xFFFF  }
0x15: {  	[tilespmem:s3], [sflag:$0x2] =	stream.linear.gather [hbm4b:s17+s3], $0x80, $0x38;
	[tilespmem:$0x1E100] =	vst v63  }
0x16: {  	_ =	swait.ge [sflag:s12], $0x80  }
0x17: {  	[sflag:s12] =	ssyncset.done $0x0  }
0x18: {  	s31 =	sadd.s32 $0x0, s9;
	[sflag:s12] =	ssyncadd.s32 $0xFFFFFF80  }
0x19: {  	[tilespmem:s13], [sflag:$0x2] =	stream.linear.gather [hbm4b:s31+s3], $0x80, $0x38;
	[tilespmem:$0x1E100] =	vst v63  }
0x1a: {  	_ =	swait.ge [sflag:s12], $0x80  }
0x1b: {  	[sflag:s12] =	ssyncset.done $0x0  }
0x1c: {  	[sflag:s12] =	ssyncadd.s32 $0xFFFFFF80  }
0x1d: {  	[tilespmem:s14], [sflag:$0x1] =	stream.indirect.gather [hbm4b:s4+s13], $0xA0, s3, s13, $0xb8;
	[tilespmem:$0x1E100] =	vst v63  }
0x1e: {  	_ =	swait.ge [sflag:s15], $0x5000  }
0x1f: {  	[sflag:s15] =	ssyncset.done $0x0  }
0x20: {  	[sflag:s15] =	ssyncadd.s32 $0xFFFFB000  }
0x21: {  	[spmem:s2] =	stream.indirect.scatter.add.f32 [tilespmem:s14], [sflag:$0x2], $0xA0, s13, s13, $0xb8;
	[tilespmem:$0x1E100] =	vst v63  }
0x22: {  	_ =	swait.ge [sflag:s12], $0x5000  }
0x23: {  	s18 =	simm.s32 $0x20;
	s17 =	simm.s32 $0x10;
	[sflag:s12] =	ssyncset.done $0x0  }
.LBB2_2:
0x24: {  	s19 =	sadd.s32 s17, s10  }
0x25: {  	[sflag:s12] =	ssyncadd.s32 $0xFFFFB000;
	s20 =	smov.u32 s18;
	s21 =	sadd.s32 $0x10, s18  }
0x26: {  	[tilespmem:s3], [sflag:$0x2] =	stream.linear.gather [hbm4b:s19+s3], $0x80, $0x38;
	[tilespmem:$0x1E100] =	vst v63  }
0x27: {  	p0 =	sne.s32 s18, $0x270;
	_ =	swait.ge [sflag:s12], $0x80  }
0x28: {  	[sflag:s12] =	ssyncset.done $0x0  }
0x29: {  	s18 =	sadd.s32 s17, s9;
	s17 =	smov.u32 s20;
	[sflag:s12] =	ssyncadd.s32 $0xFFFFFF80  }
0x2a: {  	[tilespmem:s13], [sflag:$0x2] =	stream.linear.gather [hbm4b:s18+s3], $0x80, $0x38;
	[tilespmem:$0x1E100] =	vst v63  }
0x2b: {  	_ =	swait.ge [sflag:s12], $0x80  }
0x2c: {  	[sflag:s12] =	ssyncset.done $0x0  }
0x2d: {  	[sflag:s12] =	ssyncadd.s32 $0xFFFFFF80  }
0x2e: {  	[tilespmem:s14], [sflag:$0x1] =	stream.indirect.gather [hbm4b:s4+s13], $0xA0, s3, s13, $0xb8;
	[tilespmem:$0x1E100] =	vst v63  }
0x2f: {  	_ =	swait.ge [sflag:s15], $0x5000  }
.Ltmp0:
0x30: {  	[sflag:s15] =	ssyncset.done $0x0;
	(pc) =	sbr.rel @p0 .LBB2_2-.Ltmp0, $4  }
0x31: {  	[sflag:s15] =	ssyncadd.s32 $0xFFFFB000  }
0x32: {  	[spmem:s2] =	stream.indirect.scatter.add.f32 [tilespmem:s14], [sflag:$0x2], $0xA0, s13, s13, $0xb8;
	[tilespmem:$0x1E100] =	vst v63  }
0x33: {  	_ =	swait.ge [sflag:s12], $0x5000  }
0x34: {  	s18 =	smov.u32 s21;
	[sflag:s12] =	ssyncset.done $0x0  }
0x35: {  	s18 =	sadd.s32 s17, s10;
	[sflag:s12] =	ssyncadd.s32 $0xFFFFB000  }
0x36: {  	[tilespmem:s3], [sflag:$0x2] =	stream.linear.gather [hbm4b:s18+s3], $0x80, $0x38;
	[tilespmem:$0x1E100] =	vst v63  }
0x37: {  	_ =	swait.ge [sflag:s12], $0x80  }
0x38: {  	[sflag:s12] =	ssyncset.done $0x0  }
0x39: {  	s31 =	sadd.s32 s17, s9;
	[sflag:s12] =	ssyncadd.s32 $0xFFFFFF80  }
0x3a: {  	[tilespmem:s13], [sflag:$0x2] =	stream.linear.gather [hbm4b:s31+s3], $0x80, $0x38;
	[tilespmem:$0x1E100] =	vst v63  }
0x3b: {  	_ =	swait.ge [sflag:s12], $0x80  }
0x3c: {  	[sflag:s12] =	ssyncset.done $0x0  }
0x3d: {  	[sflag:s12] =	ssyncadd.s32 $0xFFFFFF80  }
0x3e: {  	[tilespmem:s14], [sflag:$0x1] =	stream.indirect.gather [hbm4b:s4+s13], $0xA0, s3, s13, $0xb8;
	[tilespmem:$0x1E100] =	vst v63  }
0x3f: {  	_ =	swait.ge [sflag:s15], $0x5000  }
0x40: {  	[sflag:s15] =	ssyncset.done $0x0  }
0x41: {  	[sflag:s15] =	ssyncadd.s32 $0xFFFFB000  }
0x42: {  	[spmem:s2] =	stream.indirect.scatter.add.f32 [tilespmem:s14], [sflag:$0x2], $0xA0, s13, s13, $0xb8;
	[tilespmem:$0x1E100] =	vst v63  }
0x43: {  	_ =	swait.ge [sflag:s12], $0x5000  }
0x44: {  	s16 =	sadd.s32 $0x1, s16;
	[sflag:s12] =	ssyncset.done $0x0  }
0x45: {  	p0 =	sne.s32 s16, s8;
	[sflag:s12] =	ssyncadd.s32 $0xFFFFB000  }
.Ltmp1:
0x46: {  	[bflag:$0x0] =	sbarrier.arrive $0xFFFF;
	(pc) =	sbr.rel @p0 .LBB2_1-.Ltmp1, $4  }
0x47: {  	[hbm:s7], [sflag:s6] =	dma.local [spmem:s11], $0x3200  }
0x48: {  	_ =	swait.ge [sflag:s12], $0x3200  }
0x49: {  	[sflag:s12] =	ssyncset.done $0x0  }
0x4a: {  	[sflag:s12] =	ssyncadd.s32 $0xFFFFCE00  }
0x4b: {  	_ =	sfence.sel $0x180000  }
0x4c: {  	[bflag:$0x0] =	sbarrier.arrive $0xFFFF  }
0x4d: {  	p0 =	sne.s32 s1, $0x0;
	_ =	strace $0x90000059  }
0x4e: {  	s0 =	sadd.s32 @!p0 $0x100000, s0;
	[bflag:$0x2] =	sbarrier.arrive $0xFFFF  }
0x4f: {  	[sflag:s0] =	ssyncadd.tile.s32 @!p0 $0x1;
	_ =	shalt  }
.Lfunc_end2:
_tile_overlayer_lowered:
.L_overlay_start_2:
0x50: {  	(tag) =	ssettag $0x2  }
0x51: {  	s0 =	rddreg [dreg:$0x0];
	s2 =	stileid.u32  }
0x52: {  	s1 =	rddreg [dreg:$0x1];
	p0 =	sne.s32 s2, $0x0  }
0x53: {  	s3 =	rddreg [dreg:$0x2];
	[bflag:$0x3] =	sbarrier.arrive $0xFFFF;
	s2 =	simm.s32 @!p0 $0x1C02  }
0x54: {  	[timem:s3], [sflag:s2] =	dma.local @!p0 [hbm:s0], s1  }
0x55: {  	s0 =	simm.s32 @!p0 $0x2  }
0x56: {  	_ =	swait.ge @!p0 [sflag:s0], s1  }
0x57: {  	s1 =	ssub.s32 @!p0 $0x0, s1;
	[sflag:s0] =	ssyncset.done @!p0 $0x0  }
0x58: {  	[sflag:s0] =	ssyncadd.s32 @!p0 s1  }
0x59: {  	[bflag:$0x3] =	sbarrier.arrive $0xFFFF  }
0x5a: {  	_ =	shalt  }

// kernel: kernel.50.cloned.1.call-start
scs
__scs_entry_jumppad:
0x0: {  	(pc) =	sbr.rel $0x88, $3  }
0x1: {  	(tag) =	ssettag $0x0;
	lr =	simm.s32 $0x1  }
0x2: {  	[smem:$0x3F82] =	sst lr;
	_ =	strace $0xD0000000  }
0x3: {  	_ = 	snop  }
0x4: {  	_ = 	snop  }
0x5: {  	_ = 	snop  }
0x6: {  	_ = 	snop  }
0x7: {  	_ = 	snop  }
__scs_overlays_trampoline_lowered:
0x8: {  	[smem:$0x3F91] =	sst s0  }
0x9: {  	[smem:$0x3F92] =	sst s1  }
0xa: {  	[smem:$0x3F93] =	sst s2  }
0xb: {  	[smem:$0x3F94] =	sst s3  }
0xc: {  	[smem:$0x3F95] =	sst s4  }
0xd: {  	[smem:$0x3F96] =	sst s5  }
0xe: {  	[smem:$0x3F97] =	sst s6  }
0xf: {  	[smem:$0x3F98] =	sst s7  }
0x10: {  	[smem:$0x3F99] =	sst s8  }
0x11: {  	[smem:$0x3F9A] =	sst s9;
	s0 =	simm.s32 @!p0 $0x0  }
0x12: {  	s1 =	sld [smem:$0x3F80];
	s0 =	simm.s32 @p0 $0x1  }
0x13: {  	[smem:$0x3F9B] =	sst s0;
	s0 =	simm.s32 @!p1 $0x0  }
0x14: {  	s2 =	sld [smem:$0x3F7F];
	s0 =	simm.s32 @p1 $0x1  }
0x15: {  	[smem:$0x3F9C] =	sst s0;
	s0 =	simm.s32 @!p2 $0x0  }
0x16: {  	s3 =	sld [smem:$0x3FDB];
	s0 =	simm.s32 @p2 $0x1  }
0x17: {  	s4 =	simm.s32 $0x1BF5;
	[smem:$0x3F9E] =	sst s0  }
0x18: {  	s0 =	sld [smem:$0x3F81];
	_ =	swait.ge [sflag:s4], $0x0  }
0x19: {  	s7 =	sld [smem:$0x3F82]  }
0x1a: {  	s8 =	sadd.s32 $0xFFFFE003, lr  }
0x1b: {  	s9 =	sadd.s32 $0xFFFFFEF7, lr;
	s5 =	simm.s32 $0xFFFFFFFF;
	p2 =	slt.u32 s8, $0xFFFFF086  }
0x1c: {  	p1 =	slt.u32 s9, $0xF7A;
	s5 =	simm.s32 @!p2 $0x0  }
0x1d: {  	s5 =	simm.s32 @p1 $0x1;
	p0 =	seq.s32 s7, s2  }
0x1e: {  	s7 =	smul.u32 @!p0 $0xF7A, s2;
	p2 =	seq.s32 @!p0 s5, $0x0  }
0x1f: {  	s9 =	smul.u32 $0xF7A, s1;
	s8 =	simm.s32 @!p0 $0x1BF5;
	p2 =	por !p2, p0  }
0x20: {  	[sflag:s8] =	ssyncset.s32 @!p0 $0xFFFFF086;
	s6 =	sadd.s32 @!p0 s3, s7;
	s7 =	simm.s32 @!p0 $0x108  }
0x21: {  	s3 =	sadd.s32 s3, s9;
	s6 =	sadd.s32 @!p0 $0x88, s6;
	s7 =	simm.s32 @p2 $0x1082  }
0x22: {  	[simem:s7], [sflag:s8] =	dma.local @!p0 [hbm:s6], $0xF7A  }
0x23: {  	s9 =	sor.u32 $0xD0000000, s2;
	s6 =	simm.s32 $0x108;
	_ =	swait.ge @!p0 [sflag:s8], $0x0  }
0x24: {  	s3 =	sadd.s32 $0x88, s3;
	s6 =	simm.s32 @!p1 $0x1082;
	[sflag:s4] =	ssyncset.s32 $0xFFFFF086  }
0x25: {  	[simem:s6], [sflag:s4] =	dma.local [hbm:s3], $0xF7A  }
0x26: {  	[smem:$0x3F82] =	sst s1;
	(tag) =	ssettag s2;
	_ =	strace s9  }
0x27: {  	s1 =	sld [smem:$0x3F92]  }
0x28: {  	s2 =	sld [smem:$0x3F93]  }
0x29: {  	s4 =	sld [smem:$0x3F95]  }
0x2a: {  	p0 =	seq.s32 s5, $0x0;
	s5 =	sld [smem:$0x3F96]  }
0x2b: {  	s6 =	sld [smem:$0x3F97]  }
0x2c: {  	s7 =	sld [smem:$0x3F98]  }
0x2d: {  	s3 =	simm.s32 $0x108;
	s8 =	sld [smem:$0x3F99]  }
0x2e: {  	s3 =	simm.s32 @!p0 $0x1082;
	s9 =	sld [smem:$0x3F9A]  }
0x2f: {  	lr =	sadd.s32 s0, s3;
	s0 =	sld [smem:$0x3F91]  }
0x30: {  	s3 =	sld [smem:$0x3F94]  }
0x31: {  	[smem:$0x3F9D] =	sst s10  }
0x32: {  	s10 =	sld [smem:$0x3F9B];
	_ =	sdelay $0x3  }
0x33: {  	p0 =	seq.s32 s10, $0x1;
	s10 =	sld [smem:$0x3F9D];
	_ =	sdelay $0x3  }
0x34: {  	[smem:$0x3F9D] =	sst s10  }
0x35: {  	s10 =	sld [smem:$0x3F9C];
	_ =	sdelay $0x3  }
0x36: {  	p1 =	seq.s32 s10, $0x1;
	s10 =	sld [smem:$0x3F9D];
	_ =	sdelay $0x3  }
0x37: {  	[smem:$0x3F9D] =	sst s10  }
0x38: {  	s10 =	sld [smem:$0x3F9E]  }
0x39: {  	_ = 	snop;
	(pc) =	sbr.ind lr, $3  }
0x3a: {  	_ = 	snop  }
0x3b: {  	_ = 	snop  }
0x3c: {  	p2 =	seq.s32 s10, $0x1;
	s10 =	sld [smem:$0x3F9D]  }
0x3d: {  	_ =	shalt  }
0x3e: {  	_ =	shalt  }
0x3f: {  	_ =	shalt  }
0x40: {  	_ =	shalt  }
0x41: {  	_ =	shalt  }
0x42: {  	_ =	shalt  }
0x43: {  	_ =	shalt  }
0x44: {  	_ =	shalt  }
0x45: {  	_ =	shalt  }
0x46: {  	_ =	shalt  }
0x47: {  	_ =	shalt  }
0x48: {  	_ =	shalt  }
0x49: {  	_ =	shalt  }
0x4a: {  	_ =	shalt  }
0x4b: {  	_ =	shalt  }
0x4c: {  	_ =	shalt  }
0x4d: {  	_ =	shalt  }
0x4e: {  	_ =	shalt  }
0x4f: {  	_ =	shalt  }
0x50: {  	_ =	shalt  }
0x51: {  	_ =	shalt  }
0x52: {  	_ =	shalt  }
0x53: {  	_ =	shalt  }
0x54: {  	_ =	shalt  }
0x55: {  	_ =	shalt  }
0x56: {  	_ =	shalt  }
0x57: {  	_ =	shalt  }
0x58: {  	_ =	shalt  }
0x59: {  	_ =	shalt  }
0x5a: {  	_ =	shalt  }
0x5b: {  	_ =	shalt  }
0x5c: {  	_ =	shalt  }
0x5d: {  	_ =	shalt  }
0x5e: {  	_ =	shalt  }
0x5f: {  	_ =	shalt  }
0x60: {  	_ =	shalt  }
0x61: {  	_ =	shalt  }
0x62: {  	_ =	shalt  }
0x63: {  	_ =	shalt  }
0x64: {  	_ =	shalt  }
0x65: {  	_ =	shalt  }
0x66: {  	_ =	shalt  }
0x67: {  	_ =	shalt  }
0x68: {  	_ =	shalt  }
0x69: {  	_ =	shalt  }
0x6a: {  	_ =	shalt  }
0x6b: {  	_ =	shalt  }
0x6c: {  	_ =	shalt  }
0x6d: {  	_ =	shalt  }
0x6e: {  	_ =	shalt  }
0x6f: {  	_ =	shalt  }
0x70: {  	_ =	shalt  }
0x71: {  	_ =	shalt  }
0x72: {  	_ =	shalt  }
0x73: {  	_ =	shalt  }
0x74: {  	_ =	shalt  }
0x75: {  	_ =	shalt  }
0x76: {  	_ =	shalt  }
0x77: {  	_ =	shalt  }
0x78: {  	_ =	shalt  }
0x79: {  	_ =	shalt  }
0x7a: {  	_ =	shalt  }
0x7b: {  	_ =	shalt  }
0x7c: {  	_ =	shalt  }
0x7d: {  	_ =	shalt  }
0x7e: {  	_ =	shalt  }
0x7f: {  	_ =	shalt  }
0x80: {  	_ =	shalt  }
0x81: {  	_ =	shalt  }
0x82: {  	_ =	shalt  }
0x83: {  	_ =	shalt  }
0x84: {  	_ =	shalt  }
0x85: {  	_ =	shalt  }
0x86: {  	_ =	shalt  }
0x87: {  	_ =	shalt  }
.Lfunc_end0:
.L_simem_size_0:
called_computation.9_lowered:
.L_overlay_start_0:
0x88: {  	s2 =	sld [smem:$0x3FD9]  }
0x89: {  	s3 =	sld [smem:$0x3FFE];
	_ =	sdelay $0x1  }
0x8a: {  	s1 =	srdreg.scid  }
0x8b: {  	s0 =	sand.u32 $0x1, s1  }
0x8c: {  	s17 =	sshll.u32 s0, $0xA;
	s2 =	sadd.s32 s3, s2  }
0x8d: {  	s2 =	sadd.s32 s2, s17  }
0x8e: {  	[smem:$0x3FA9] =	sst s2  }
0x8f: {  	_ = 	snop  }
0x90: {  	(tm) =	ssettm $0x1  }
0x91: {  	s18 =	sld [smem:$0x3FFB];
	_ =	sdelay $0x3  }
0x92: {  	_ =	strace s18  }
0x93: {  	s2 =	sld [smem:$0x3FFC];
	_ =	sdelay $0x3  }
0x94: {  	_ =	strace s2  }
0x95: {  	s2 =	sld [smem:$0x3FFD];
	_ =	sdelay $0x3  }
0x96: {  	_ =	strace s2  }
0x97: {  	_ =	strace $0x8FFFFFFF  }
0x98: {  	s19 =	sld [smem:$0x3FDB];
	_ =	sdelay $0x1  }
0x99: {  	s20 =	simm.s32 $_scs_section_size  }
0x9a: {  	s4 =	simm.s32 $_size__tile_overlayer_lowered;
	s5 =	simm.s32 $_tile_overlayer_lowered  }
0x9b: {  	s6 =	simm.s32 $0x1BFF;
	s21 =	sshll.u32 s5, $0x1;
	s3 =	sadd.s32 s20, s19  }
0x9c: {  	s22 =	simm.s32 $0x0;
	s4 =	sshll.u32 s4, $0x1;
	s5 =	sadd.s32 s21, s3  }
0x9d: {  	[timem:s22], [sflag:s6] =	dma.local [hbm:s5], s4  }
0x9e: {  	_ =	swait.ge [sflag:s6], s4  }
0x9f: {  	s4 =	ssub.s32 $0x0, s4;
	[sflag:s6] =	ssyncset.done $0x0  }
0xa0: {  	[sflag:s6] =	ssyncadd.s32 s4;
	_ =	sdelay $0x1  }
0xa1: {  	s23 =	simm.s32 $0x1B8B  }
0xa2: {  	_ =	swait.ge [sflag:s23], $0x1  }
0xa3: {  	[sflag:s23] =	ssyncset.done $0x0  }
0xa4: {  	[sflag:s23] =	ssyncadd.s32 $0xFFFFFFFF  }
0xa5: {  	s4 =	sld [smem:$0x0]  }
0xa6: {  	s5 =	sand.u32 $0xFFFFFFFE, s1  }
0xa7: {  	p0 =	sne.s32 s1, s5  }
0xa8: {  	s5 =	sshll.u32 @p0 s5, $0xE  }
0xa9: {  	s5 =	sadd.s32 @p0 $0x11B8D, s5;
	s6 =	sshll.u32 @p0 s4, $0x11  }
0xaa: {  	s5 =	sor.u32 @p0 s6, s5  }
0xab: {  	[sflag:s5] =	ssyncadd.remote.s32 @p0 $0x1;
	_ =	sdelay $0x1  }
0xac: {  	s5 =	simm.s32 @p0 $0x1B8D  }
0xad: {  	_ =	swait.eq @p0 [sflag:s5], $0x1  }
0xae: {  	[sflag:s5] =	ssyncadd.s32 @p0 $0xFFFFFFFF  }
0xaf: {  	s6 =	sshll.u32 @!p0 s1, $0xE  }
0xb0: {  	s6 =	sor.u32 @!p0 $0x4000, s6;
	s5 =	simm.s32 @!p0 $0x1B8D  }
0xb1: {  	s4 =	sshll.u32 @!p0 s4, $0x11;
	s6 =	sadd.s32 @!p0 $0x11B8D, s6;
	_ =	swait.eq @!p0 [sflag:s5], $0x1  }
0xb2: {  	s4 =	sor.u32 @!p0 s4, s6;
	[sflag:s5] =	ssyncadd.s32 @!p0 $0xFFFFFFFF  }
0xb3: {  	s25 =	simm.s32 $0x1B8E;
	s24 =	sld [smem:$0x3FFE];
	[sflag:s4] =	ssyncadd.remote.s32 @!p0 $0x1  }
0xb4: {  	s26 =	simm.s32 $execute0_lowered;
	[smem:$0x3FD2] =	sst s25  }
0xb5: {  	s5 =	sshll.u32 s26, $0x1;
	_ =	strace $0x8000005E;
	[dreg:$0x1] =	wrdreg $0xFFFFFFFF  }
0xb6: {  	s28 =	simm.s32 $_size_execute0_lowered;
	s3 =	sadd.s32 s3, s5;
	[dreg:$0x0] =	wrdreg $0x0  }
0xb7: {  	s5 =	sshll.u32 s28, $0x1;
	[dreg:$0x2] =	wrdreg s3  }
0xb8: {  	[dreg:$0x3] =	wrdreg s5  }
0xb9: {  	[dreg:$0x4] =	wrdreg $0xC0  }
0xba: {  	_ =	task [dreg:s22], $0x5FFFF  }
0xbb: {  	[dreg:$0x1] =	wrdreg $0xFFFFFFFF  }
0xbc: {  	[dreg:$0x0] =	wrdreg $0x60  }
0xbd: {  	[dreg:$0x2] =	wrdreg s24  }
0xbe: {  	[dreg:$0x3] =	wrdreg $0xA  }
0xbf: {  	_ =	task.clear_ibuf [dreg:s22], $0x4FFFF;
	_ =	strace $0x9000005E  }
0xc0: {  	s29 =	simm.s32 $0xA;
	_ =	strace $0x80000060  }
0xc1: {  	_ =	swait.ge [sflag:s29], $0x1  }
0xc2: {  	[sflag:s29] =	ssyncadd.s32 $0xFFFFFFFF  }
0xc3: {  	_ =	strace $0x90000060  }
0xc4: {  	_ =	sfence  }
0xc5: {  	s30 =	sld [smem:$0x0];
	_ =	sdelay $0x2  }
0xc6: {  	s31 =	sshll.u32 s1, $0xD;
	s1 =	sshrl.u32 s1, $0x2  }
0xc7: {  	s4 =	sand.u32 $0x4000, s31;
	s1 =	sadd.s32 s1, s30  }
0xc8: {  	s0 =	sor.u32 s4, s0;
	s1 =	sshll.u32 s1, $0x11  }
0xc9: {  	s0 =	sor.u32 s1, s0  }
0xca: {  	s0 =	sadd.s32 $0x8F2B, s0  }
0xcb: {  	[sflag:s0] =	ssyncadd.remote.s32 $0x1  }
0xcc: {  	_ =	sfence.sel $0xFFFF  }
0xcd: {  	[dreg:$0x0] =	wrdreg $0xFFFFFFFF;
	(pc) =	sbr.abs _section_cstart, $3  }
0xce: {  	[dreg:$0x1] =	wrdreg $0xFFFFFFFF  }
0xcf: {  	_ =	task.clear_ibuf [dreg:s22], $0x2FFFF;
	_ =	strace $0x9FFFFFFF  }
0xd0: {  	(tm) =	ssettm $0x7FFFFFFF  }
0xd1: {  	_ =	shalt  }
tec
execute0_lowered:
.L_overlay_start_1:
0x0: {  	(tag) =	ssettag $0x1  }
0x1: {  	s1 =	srdreg.scid  }
0x2: {  	s0 =	stileid.u32;
	s6 =	sand.u32 $0x1, s1  }
0x3: {  	s8 =	rddreg [dreg:$0x0];
	s30 =	sshll.u32 s0, $0x5;
	s2 =	sshll.u32 s6, $0x4  }
0x4: {  	s1 =	rddreg [dreg:$0x1];
	s5 =	sadd.s32 $0x17F200, s8;
	s7 =	sor.u32 s2, s30  }
0x5: {  	s10 =	ssub.s32 $0x2, s6;
	s2 =	simm.s32 $0x0;
	s3 =	sshrl.u32 s7, $0x3  }
0x6: {  	s6 =	simm.s32 $0x10;
	[smem:$0x7FF] =	sst s2;
	s3 =	sadd.s32 s3, s8  }
0x7: {  	_ =	strace $0x8000005F;
	s4 =	sadd.s32 $0xFA00, s3;
	s3 =	simm.s32 $0x2  }
0x8: {  	[tilespmem:s2], [sflag:$0x2] =	stream.linear.gather [hbm4b:s4+s2], $0x10, $0x38;
	[tilespmem:$0x1410] =	vst v63  }
0x9: {  	s11 =	sshrl.u32 s10, $0x1;
	s9 =	smul.u32 $0x28, s7;
	_ =	swait.ge [sflag:s3], $0x10  }
0xa: {  	s7 =	simm.s32 $0x1;
	s31 =	ssub.s32 s10, s11;
	[sflag:s3] =	ssyncset.done $0x0  }
0xb: {  	s8 =	sadd.s32 s9, s8;
	s9 =	smax.u32 s31, $0x1;
	[sflag:s3] =	ssyncadd.s32 $0xFFFFFFF0  }
0xc: {  	[tilespmem:s6], [sflag:$0x1] =	stream.indirect.gather [hbm4b:s5+s6], $0x140, s2, s6, $0xb8;
	[tilespmem:$0x1410] =	vst v63  }
0xd: {  	p0 =	sne.s32 s9, $0x1;
	_ =	swait.ge [sflag:s7], $0x1400  }
.Ltmp0:
0xe: {  	[sflag:s7] =	ssyncset.done $0x0;
	(pc) =	sbr.rel @!p0 .LBB2_2-.Ltmp0, $4  }
0xf: {  	s8 =	sadd.s32 $0xAA00, s8;
	[sflag:s7] =	ssyncadd.s32 $0xFFFFEC00  }
0x10: {  	[hbm4b:s8+s2] =	stream.linear.scatter [tilespmem:s6], [sflag:$0x2], $0x1400, $0x38;
	[tilespmem:$0x1410] =	vst v63  }
0x11: {  	_ =	swait.ge [sflag:s3], $0x1400  }
0x12: {  	s9 =	sadd.s32 $0xFFFFFFFF, s9;
	[sflag:s3] =	ssyncset.done $0x0  }
.LBB2_1:
0x13: {  	p0 =	sne.s32 s9, $0x1;
	s9 =	sadd.s32 $0xFFFFFFFF, s9;
	[sflag:s3] =	ssyncadd.s32 $0xFFFFEC00  }
0x14: {  	[tilespmem:s2], [sflag:$0x2] =	stream.linear.gather [hbm4b:s4+s2], $0x10, $0x38;
	[tilespmem:$0x1410] =	vst v63  }
0x15: {  	_ =	swait.ge [sflag:s3], $0x10  }
0x16: {  	[sflag:s3] =	ssyncset.done $0x0  }
0x17: {  	[sflag:s3] =	ssyncadd.s32 $0xFFFFFFF0  }
0x18: {  	[tilespmem:s6], [sflag:$0x1] =	stream.indirect.gather [hbm4b:s5+s6], $0x140, s2, s6, $0xb8;
	[tilespmem:$0x1410] =	vst v63  }
0x19: {  	_ =	swait.ge [sflag:s7], $0x1400  }
.Ltmp1:
0x1a: {  	[sflag:s7] =	ssyncset.done $0x0;
	(pc) =	sbr.rel @p0 .LBB2_1-.Ltmp1, $4  }
0x1b: {  	[sflag:s7] =	ssyncadd.s32 $0xFFFFEC00  }
0x1c: {  	[hbm4b:s8+s2] =	stream.linear.scatter [tilespmem:s6], [sflag:$0x2], $0x1400, $0x38;
	[tilespmem:$0x1410] =	vst v63  }
0x1d: {  	_ =	swait.ge [sflag:s3], $0x1400  }
0x1e: {  	[sflag:s3] =	ssyncset.done $0x0  }
.LBB2_2:
0x1f: {  	[sflag:s3] =	ssyncadd.s32 $0xFFFFEC00  }
0x20: {  	_ =	sfence.sel $0x180000  }
0x21: {  	[bflag:$0x0] =	sbarrier.arrive $0xFFFF  }
0x22: {  	p0 =	sne.s32 s0, $0x0;
	_ =	strace $0x9000005F  }
0x23: {  	s0 =	sadd.s32 @!p0 $0x100000, s1;
	[bflag:$0x2] =	sbarrier.arrive $0xFFFF  }
0x24: {  	[sflag:s0] =	ssyncadd.tile.s32 @!p0 $0x1;
	_ =	shalt  }
.Lfunc_end2:
_tile_overlayer_lowered:
.L_overlay_start_2:
0x25: {  	(tag) =	ssettag $0x2  }
0x26: {  	s0 =	rddreg [dreg:$0x0];
	s2 =	stileid.u32  }
0x27: {  	s1 =	rddreg [dreg:$0x1];
	p0 =	sne.s32 s2, $0x0  }
0x28: {  	s3 =	rddreg [dreg:$0x2];
	[bflag:$0x3] =	sbarrier.arrive $0xFFFF;
	s2 =	simm.s32 @!p0 $0x1C02  }
0x29: {  	[timem:s3], [sflag:s2] =	dma.local @!p0 [hbm:s0], s1  }
0x2a: {  	s0 =	simm.s32 @!p0 $0x2  }
0x2b: {  	_ =	swait.ge @!p0 [sflag:s0], s1  }
0x2c: {  	s1 =	ssub.s32 @!p0 $0x0, s1;
	[sflag:s0] =	ssyncset.done @!p0 $0x0  }
0x2d: {  	[sflag:s0] =	ssyncadd.s32 @!p0 s1  }
0x2e: {  	[bflag:$0x3] =	sbarrier.arrive $0xFFFF  }
0x2f: {  	_ =	shalt  }

</sc_bundles>
